<compile_context>
chip_gen: v7x
topology: tpu7x:2x2x1
jax: 0.10.2.dev20260603
libtpu: 0.0.44.dev20260713+nightly
codegen_flags: <defaults>
</compile_context>

<pallas_src>
import functools

import jax
import jax.numpy as jnp
from jax import lax
from jax.experimental import pallas as pl
from jax.experimental.pallas import tpu as pltpu
from jax.experimental.pallas import tpu_sc as plsc

N_NODES = 10000
LATDIM = 128
N_EDGES = 320000

NC = 2
NS = 16
NW = NC * NS

B = 128
EDGES_PER_TILE = -(-N_EDGES // (NW * B)) * B
CHUNKS = EDGES_PER_TILE // B
E_PAD = NW * EDGES_PER_TILE
ROWS_PER_TILE = 632
N_PAD = NS * ROWS_PER_TILE


def _spmm_body(x_hbm, src_hbm, dst_hbm, w_hbm, out_hbm,
               src_v, dst_v, w_v, rows_v, part_sh, sem):
    c = lax.axis_index("c")
    s = lax.axis_index("s")
    wid = c * NS + s

    def zrow(r, _):
        for f in range(LATDIM // 16):
            rows_v[r, pl.ds(f * 16, 16)] = jnp.zeros((16,), jnp.float32)
        return _
    lax.fori_loop(0, B, zrow, None)
    for st, sz in ((0, B), (B, B), (2 * B, B), (3 * B, B), (4 * B, 120)):
        pltpu.sync_copy(rows_v.at[pl.ds(0, sz)],
                        part_sh.at[pl.ds(s * ROWS_PER_TILE + st, sz)])

    pltpu.sync_copy(src_hbm.at[wid], src_v)
    pltpu.sync_copy(dst_hbm.at[wid], dst_v)
    pltpu.sync_copy(w_hbm.at[wid], w_v)

    plsc.subcore_barrier()

    bcast_dnums = lax.GatherDimensionNumbers(
        offset_dims=(), collapsed_slice_dims=(0,), start_index_map=(0,))

    def bcast_lane(vec, l):
        idx = jnp.full((16, 1), l, jnp.int32)
        return lax.gather(vec, idx, bcast_dnums, slice_sizes=(1,),
                          mode=lax.GatherScatterMode.PROMISE_IN_BOUNDS)

    def scale_group(j):
        def body(g, _):
            w16 = w_v[j, pl.ds(g * 16, 16)]
            for l in range(16):
                wl = bcast_lane(w16, l)
                r = g * 16 + l
                for f in range(LATDIM // 16):
                    sl = pl.ds(f * 16, 16)
                    rows_v[r, sl] = rows_v[r, sl] * wl
            return _
        lax.fori_loop(0, B // 16, body, None)

    def edge_chunk(j, _):
        pltpu.async_copy(x_hbm.at[src_v.at[j]], rows_v, sem).wait()
        scale_group(j)
        pltpu.sync_copy(rows_v, part_sh.at[dst_v.at[j]], add=True)
        return _
    lax.fori_loop(0, CHUNKS, edge_chunk, None)

    plsc.subcore_barrier()

    rs = s * ROWS_PER_TILE
    pltpu.sync_copy(part_sh.at[pl.ds(rs, ROWS_PER_TILE)],
                    out_hbm.at[c, pl.ds(rs, ROWS_PER_TILE)])


_spmm = functools.partial(
    pl.kernel,
    out_type=jax.ShapeDtypeStruct((NC, N_PAD, LATDIM), jnp.float32),
    mesh=plsc.VectorSubcoreMesh(core_axis_name="c", subcore_axis_name="s"),
    scratch_types=[
        pltpu.VMEM((CHUNKS, B), jnp.int32),
        pltpu.VMEM((CHUNKS, B), jnp.int32),
        pltpu.VMEM((CHUNKS, B), jnp.float32),
        pltpu.VMEM((B, LATDIM), jnp.float32),
        pltpu.VMEM_SHARED((N_PAD, LATDIM), jnp.float32),
        pltpu.SemaphoreType.DMA,
    ],
)(_spmm_body)


def _merge_body(p_ref, base_ref, x_ref, t_ref):
    x = p_ref[0] + p_ref[1]
    x_ref[...] = x
    t_ref[...] = base_ref[...] + x


_MR = 400


def _merge(parts, base):
    grid = N_NODES // _MR
    return pl.pallas_call(
        _merge_body,
        grid=(grid,),
        in_specs=[
            pl.BlockSpec((NC, _MR, LATDIM), lambda i: (0, i, 0)),
            pl.BlockSpec((_MR, LATDIM), lambda i: (i, 0)),
        ],
        out_specs=[
            pl.BlockSpec((_MR, LATDIM), lambda i: (i, 0)),
            pl.BlockSpec((_MR, LATDIM), lambda i: (i, 0)),
        ],
        out_shape=[
            jax.ShapeDtypeStruct((N_NODES, LATDIM), jnp.float32),
            jax.ShapeDtypeStruct((N_NODES, LATDIM), jnp.float32),
        ],
    )(parts, base)


def kernel(uEmbeds, iEmbeds, edge_index, edge_weight):
    ini = jnp.concatenate([uEmbeds, iEmbeds], axis=0)
    src = edge_index[0].astype(jnp.int32)
    dst = edge_index[1].astype(jnp.int32)
    w = edge_weight.astype(jnp.float32)

    pad = E_PAD - N_EDGES
    pad_idx = (jnp.arange(pad, dtype=jnp.int32) * 37) % N_NODES
    src_p = jnp.concatenate([src, pad_idx]).reshape(NW, CHUNKS, B)
    dst_p = jnp.concatenate([dst, pad_idx]).reshape(NW, CHUNKS, B)
    w_p = jnp.concatenate([w, jnp.zeros((pad,), jnp.float32)]).reshape(
        NW, CHUNKS, B)

    parts1 = _spmm(ini, src_p, dst_p, w_p)
    x1, total1 = _merge(parts1, ini)
    parts2 = _spmm(x1, src_p, dst_p, w_p)
    _, total2 = _merge(parts2, total1)
    return total2

# --- scband reference (transcript-rebuilt; emitter-appended) ---
"""Pipeline reference for scband-model-47785806135331 (READ-ONLY COPY).

The authoritative reference and input builder live on the scoring server;
editing this copy changes nothing except your own understanding.
"""

import jax, jax.numpy as jnp
import numpy as np

USER = 5000
ITEM = 5000
LATDIM = 128
N_LAYERS = 2
N_NODES = USER + ITEM
N_EDGES = 320000


def setup_inputs(seed: int = 0) -> dict:
    key = jax.random.key(seed)
    k1, k2, k3, k4 = jax.random.split(key, 4)
    # learned parameters: user/item embedding tables, init normal std=0.1 (matches nn.init.normal_)
    uEmbeds = jax.random.normal(k1, (USER, LATDIM), dtype=jnp.float32) * 0.1
    iEmbeds = jax.random.normal(k2, (ITEM, LATDIM), dtype=jnp.float32) * 0.1
    # sparse bipartite interaction adjacency in COO form: row 0 = src, row 1 = dst
    edge_index = jax.random.randint(k3, (2, N_EDGES), 0, N_NODES, dtype=jnp.int32)
    edge_weight = jax.random.uniform(k4, (N_EDGES,), dtype=jnp.float32)
    return {"uEmbeds": uEmbeds, "iEmbeds": iEmbeds, "edge_index": edge_index, "edge_weight": edge_weight}


def reference(uEmbeds, iEmbeds, edge_index, edge_weight):
    # Model.forward_graphcl(adj): iniEmbeds = concat(u, i); repeated spmm(adj, x); sum of all layer outputs.
    ini = jnp.concatenate([uEmbeds, iEmbeds], axis=0)
    src = edge_index[0]
    dst = edge_index[1]
    x = ini
    total = ini
    for _ in range(N_LAYERS):
        # torch.spmm(adj, x): out[dst] += w * x[src]  (gather + scatter-add)
        msg = jnp.take(x, src, axis=0) * edge_weight[:, None]
        x = jax.ops.segment_sum(msg, dst, num_segments=N_NODES)
        total = total + x
    return total

if __name__ == "__main__":
    import jax
    _d = setup_inputs()
    print(jax.jit(kernel)(*tuple(_d.values())))

</pallas_src>

<mosaic_0001>
#map = affine_map<(d0, d1) -> (0, 0)>
#map1 = affine_map<(d0, d1) -> (0, 0, 0)>
module attributes {stable_mosaic.version = 14 : i64} {
  func.func @_spmm_body(%arg0: i32, %arg1: i32, %arg2: memref<10000x128xf32, #tpu.memory_space<hbm>>, %arg3: memref<32x79x128xi32, #tpu.memory_space<hbm>>, %arg4: memref<32x79x128xi32, #tpu.memory_space<hbm>>, %arg5: memref<32x79x128xf32, #tpu.memory_space<hbm>>, %arg6: memref<2x10112x128xf32, #tpu.memory_space<hbm>>, %arg7: memref<79x128xi32, #tpu.memory_space<vmem>>, %arg8: memref<79x128xi32, #tpu.memory_space<vmem>>, %arg9: memref<79x128xf32, #tpu.memory_space<vmem>>, %arg10: memref<128x128xf32, #tpu.memory_space<vmem>>, %arg11: memref<10112x128xf32, #tpu.memory_space<vmem_shared>>, %arg12: memref<!tpu.dma_semaphore, #tpu.memory_space<semaphore_mem>>) attributes {dimension_semantics = [#tpu.dimension_semantics<core_parallel>, #tpu.dimension_semantics<subcore_parallel>], iteration_bounds = array<i64: 2, 16>, scalar_prefetch = 0 : i64, scratch_operands = 6 : i64, tpu.core_type = #tpu.core_type<sc_vector_subcore>, window_params = [{transform_indices = #map}, {transform_indices = #map1}, {transform_indices = #map1}, {transform_indices = #map1}, {transform_indices = #map1}]} {
    %mul3A = arith.constant 16 : i32
    %mul3A_0 = arith.muli %arg0, %mul3A : i32
    %add3A = arith.addi %mul3A_0, %arg1 : i32
    %scan3A = arith.constant 0 : i32
    %scan3A_1 = arith.constant 128 : i32
    %scan3A_2 = arith.addi %scan3A, %scan3A_1 : i32
    %scan3A_3 = arith.constant 1 : i32
    scf.for %scan3A_33 = %scan3A to %scan3A_2 step %scan3A_3  : i32 {
      %broadcast_in_dim3A = arith.constant 0.000000e+00 : f32
      %broadcast_in_dim3A_34 = vector.broadcast %broadcast_in_dim3A : f32 to vector<16xf32>
      %swap3A = arith.index_cast %scan3A_33 : i32 to index
      %swap3A_35 = arith.constant 0 : index
      %swap3A_36 = tpu.vector_load %arg10[%swap3A, %swap3A_35] {strides = array<i32>} : memref<128x128xf32, #tpu.memory_space<vmem>>, vector<1x16xf32>,
      %swap3A_37 = vector.shape_cast %swap3A_36 : vector<1x16xf32> to vector<16xf32>
      %swap3A_38 = vector.shape_cast %broadcast_in_dim3A_34 : vector<16xf32> to vector<1x16xf32>
      tpu.vector_store %arg10[%swap3A, %swap3A_35], %swap3A_38 {strides = array<i32>} : memref<128x128xf32, #tpu.memory_space<vmem>>, vector<1x16xf32>,
      %broadcast_in_dim3A_39 = arith.constant 0.000000e+00 : f32
      %broadcast_in_dim3A_40 = vector.broadcast %broadcast_in_dim3A_39 : f32 to vector<16xf32>
      %swap3A_41 = arith.index_cast %scan3A_33 : i32 to index
      %swap3A_42 = arith.constant 16 : index
      %swap3A_43 = tpu.vector_load %arg10[%swap3A_41, %swap3A_42] {strides = array<i32>} : memref<128x128xf32, #tpu.memory_space<vmem>>, vector<1x16xf32>,
      %swap3A_44 = vector.shape_cast %swap3A_43 : vector<1x16xf32> to vector<16xf32>
      %swap3A_45 = vector.shape_cast %broadcast_in_dim3A_40 : vector<16xf32> to vector<1x16xf32>
      tpu.vector_store %arg10[%swap3A_41, %swap3A_42], %swap3A_45 {strides = array<i32>} : memref<128x128xf32, #tpu.memory_space<vmem>>, vector<1x16xf32>,
      %broadcast_in_dim3A_46 = arith.constant 0.000000e+00 : f32
      %broadcast_in_dim3A_47 = vector.broadcast %broadcast_in_dim3A_46 : f32 to vector<16xf32>
      %swap3A_48 = arith.index_cast %scan3A_33 : i32 to index
      %swap3A_49 = arith.constant 32 : index
      %swap3A_50 = tpu.vector_load %arg10[%swap3A_48, %swap3A_49] {strides = array<i32>} : memref<128x128xf32, #tpu.memory_space<vmem>>, vector<1x16xf32>,
      %swap3A_51 = vector.shape_cast %swap3A_50 : vector<1x16xf32> to vector<16xf32>
      %swap3A_52 = vector.shape_cast %broadcast_in_dim3A_47 : vector<16xf32> to vector<1x16xf32>
      tpu.vector_store %arg10[%swap3A_48, %swap3A_49], %swap3A_52 {strides = array<i32>} : memref<128x128xf32, #tpu.memory_space<vmem>>, vector<1x16xf32>,
      %broadcast_in_dim3A_53 = arith.constant 0.000000e+00 : f32
      %broadcast_in_dim3A_54 = vector.broadcast %broadcast_in_dim3A_53 : f32 to vector<16xf32>
      %swap3A_55 = arith.index_cast %scan3A_33 : i32 to index
      %swap3A_56 = arith.constant 48 : index
      %swap3A_57 = tpu.vector_load %arg10[%swap3A_55, %swap3A_56] {strides = array<i32>} : memref<128x128xf32, #tpu.memory_space<vmem>>, vector<1x16xf32>,
      %swap3A_58 = vector.shape_cast %swap3A_57 : vector<1x16xf32> to vector<16xf32>
      %swap3A_59 = vector.shape_cast %broadcast_in_dim3A_54 : vector<16xf32> to vector<1x16xf32>
      tpu.vector_store %arg10[%swap3A_55, %swap3A_56], %swap3A_59 {strides = array<i32>} : memref<128x128xf32, #tpu.memory_space<vmem>>, vector<1x16xf32>,
      %broadcast_in_dim3A_60 = arith.constant 0.000000e+00 : f32
      %broadcast_in_dim3A_61 = vector.broadcast %broadcast_in_dim3A_60 : f32 to vector<16xf32>
      %swap3A_62 = arith.index_cast %scan3A_33 : i32 to index
      %swap3A_63 = arith.constant 64 : index
      %swap3A_64 = tpu.vector_load %arg10[%swap3A_62, %swap3A_63] {strides = array<i32>} : memref<128x128xf32, #tpu.memory_space<vmem>>, vector<1x16xf32>,
      %swap3A_65 = vector.shape_cast %swap3A_64 : vector<1x16xf32> to vector<16xf32>
      %swap3A_66 = vector.shape_cast %broadcast_in_dim3A_61 : vector<16xf32> to vector<1x16xf32>
      tpu.vector_store %arg10[%swap3A_62, %swap3A_63], %swap3A_66 {strides = array<i32>} : memref<128x128xf32, #tpu.memory_space<vmem>>, vector<1x16xf32>,
      %broadcast_in_dim3A_67 = arith.constant 0.000000e+00 : f32
      %broadcast_in_dim3A_68 = vector.broadcast %broadcast_in_dim3A_67 : f32 to vector<16xf32>
      %swap3A_69 = arith.index_cast %scan3A_33 : i32 to index
      %swap3A_70 = arith.constant 80 : index
      %swap3A_71 = tpu.vector_load %arg10[%swap3A_69, %swap3A_70] {strides = array<i32>} : memref<128x128xf32, #tpu.memory_space<vmem>>, vector<1x16xf32>,
      %swap3A_72 = vector.shape_cast %swap3A_71 : vector<1x16xf32> to vector<16xf32>
      %swap3A_73 = vector.shape_cast %broadcast_in_dim3A_68 : vector<16xf32> to vector<1x16xf32>
      tpu.vector_store %arg10[%swap3A_69, %swap3A_70], %swap3A_73 {strides = array<i32>} : memref<128x128xf32, #tpu.memory_space<vmem>>, vector<1x16xf32>,
      %broadcast_in_dim3A_74 = arith.constant 0.000000e+00 : f32
      %broadcast_in_dim3A_75 = vector.broadcast %broadcast_in_dim3A_74 : f32 to vector<16xf32>
      %swap3A_76 = arith.index_cast %scan3A_33 : i32 to index
      %swap3A_77 = arith.constant 96 : index
      %swap3A_78 = tpu.vector_load %arg10[%swap3A_76, %swap3A_77] {strides = array<i32>} : memref<128x128xf32, #tpu.memory_space<vmem>>, vector<1x16xf32>,
      %swap3A_79 = vector.shape_cast %swap3A_78 : vector<1x16xf32> to vector<16xf32>
      %swap3A_80 = vector.shape_cast %broadcast_in_dim3A_75 : vector<16xf32> to vector<1x16xf32>
      tpu.vector_store %arg10[%swap3A_76, %swap3A_77], %swap3A_80 {strides = array<i32>} : memref<128x128xf32, #tpu.memory_space<vmem>>, vector<1x16xf32>,
      %broadcast_in_dim3A_81 = arith.constant 0.000000e+00 : f32
      %broadcast_in_dim3A_82 = vector.broadcast %broadcast_in_dim3A_81 : f32 to vector<16xf32>
      %swap3A_83 = arith.index_cast %scan3A_33 : i32 to index
      %swap3A_84 = arith.constant 112 : index
      %swap3A_85 = tpu.vector_load %arg10[%swap3A_83, %swap3A_84] {strides = array<i32>} : memref<128x128xf32, #tpu.memory_space<vmem>>, vector<1x16xf32>,
      %swap3A_86 = vector.shape_cast %swap3A_85 : vector<1x16xf32> to vector<16xf32>
      %swap3A_87 = vector.shape_cast %broadcast_in_dim3A_82 : vector<16xf32> to vector<1x16xf32>
      tpu.vector_store %arg10[%swap3A_83, %swap3A_84], %swap3A_87 {strides = array<i32>} : memref<128x128xf32, #tpu.memory_space<vmem>>, vector<1x16xf32>,
    }
    %scan3A_4 = arith.constant 128 : i32
    %mul3A_5 = arith.constant 632 : i32
    %mul3A_6 = arith.muli %arg1, %mul3A_5 : i32
    %add3A_7 = arith.constant 0 : i32
    %add3A_8 = arith.addi %mul3A_6, %add3A_7 : i32
    "tpu.region"() ({
      %run_scoped3A = tpu.sem_alloc : memref<!tpu.dma_semaphore, #tpu.memory_space<semaphore_mem>>
      %dma_start3A = arith.constant 0 : i32
      %dma_start3A_33 = arith.constant 0 : i32
      %dma_start3A_34 = tpu.memref_slice %arg10[%dma_start3A, %dma_start3A_33] : memref<128x128xf32, #tpu.memory_space<vmem>> -> memref<128x128xf32, #tpu.memory_space<vmem>>
      %dma_start3A_35 = arith.constant 0 : i32
      %dma_start3A_36 = tpu.memref_slice %arg11[%add3A_8, %dma_start3A_35] : memref<10112x128xf32, #tpu.memory_space<vmem_shared>> -> memref<128x128xf32, #tpu.memory_space<vmem_shared>>
      %dma_start3A_37 = arith.constant 0 : i32
      %dma_start3A_38 = tpu.memref_slice %arg11[%add3A_8, %dma_start3A_37] : memref<10112x128xf32, #tpu.memory_space<vmem_shared>> -> memref<128x128xf32, #tpu.memory_space<vmem_shared>>
      %dma_start3A_39 = arith.constant 0 : i32
      %dma_start3A_40 = arith.constant 0 : i32
      %dma_start3A_41 = tpu.memref_slice %arg10[%dma_start3A_39, %dma_start3A_40] : memref<128x128xf32, #tpu.memory_space<vmem>> -> memref<128x128xf32, #tpu.memory_space<vmem>>
      tpu.enqueue_dma source(%dma_start3A_41 : memref<128x128xf32, #tpu.memory_space<vmem>>) target(%dma_start3A_38 : memref<128x128xf32, #tpu.memory_space<vmem_shared>>) target_semaphore(%run_scoped3A : memref<!tpu.dma_semaphore, #tpu.memory_space<semaphore_mem>>)
      %dma_wait3A = arith.constant 0 : i32
      %dma_wait3A_42 = arith.constant 0 : i32
      %dma_wait3A_43 = tpu.memref_slice %arg10[%dma_wait3A, %dma_wait3A_42] : memref<128x128xf32, #tpu.memory_space<vmem>> -> memref<128x128xf32, #tpu.memory_space<vmem>>
      %dma_wait3A_44 = arith.constant 0 : i32
      %dma_wait3A_45 = tpu.memref_slice %arg11[%add3A_8, %dma_wait3A_44] : memref<10112x128xf32, #tpu.memory_space<vmem_shared>> -> memref<128x128xf32, #tpu.memory_space<vmem_shared>>
      %dma_wait3A_46 = arith.constant 0 : i32
      %dma_wait3A_47 = tpu.memref_slice %arg11[%add3A_8, %dma_wait3A_46] : memref<10112x128xf32, #tpu.memory_space<vmem_shared>> -> memref<128x128xf32, #tpu.memory_space<vmem_shared>>
      %dma_wait3A_48 = arith.constant 0 : i32
      %dma_wait3A_49 = arith.constant 0 : i32
      %dma_wait3A_50 = tpu.memref_slice %arg10[%dma_wait3A_48, %dma_wait3A_49] : memref<128x128xf32, #tpu.memory_space<vmem>> -> memref<128x128xf32, #tpu.memory_space<vmem>>
      tpu.wait_dma2 semaphore(%run_scoped3A : memref<!tpu.dma_semaphore, #tpu.memory_space<semaphore_mem>>) src(%dma_wait3A_50 : memref<128x128xf32, #tpu.memory_space<vmem>>) dst(%dma_wait3A_47 : memref<128x128xf32, #tpu.memory_space<vmem_shared>>)
      tpu.yield
    }) : () -> ()
    %mul3A_9 = arith.constant 632 : i32
    %mul3A_10 = arith.muli %arg1, %mul3A_9 : i32
    %add3A_11 = arith.constant 128 : i32
    %add3A_12 = arith.addi %mul3A_10, %add3A_11 : i32
    "tpu.region"() ({
      %run_scoped3A = tpu.sem_alloc : memref<!tpu.dma_semaphore, #tpu.memory_space<semaphore_mem>>
      %dma_start3A = arith.constant 0 : i32
      %dma_start3A_33 = arith.constant 0 : i32
      %dma_start3A_34 = tpu.memref_slice %arg10[%dma_start3A, %dma_start3A_33] : memref<128x128xf32, #tpu.memory_space<vmem>> -> memref<128x128xf32, #tpu.memory_space<vmem>>
      %dma_start3A_35 = arith.constant 0 : i32
      %dma_start3A_36 = tpu.memref_slice %arg11[%add3A_12, %dma_start3A_35] : memref<10112x128xf32, #tpu.memory_space<vmem_shared>> -> memref<128x128xf32, #tpu.memory_space<vmem_shared>>
      %dma_start3A_37 = arith.constant 0 : i32
      %dma_start3A_38 = tpu.memref_slice %arg11[%add3A_12, %dma_start3A_37] : memref<10112x128xf32, #tpu.memory_space<vmem_shared>> -> memref<128x128xf32, #tpu.memory_space<vmem_shared>>
      %dma_start3A_39 = arith.constant 0 : i32
      %dma_start3A_40 = arith.constant 0 : i32
      %dma_start3A_41 = tpu.memref_slice %arg10[%dma_start3A_39, %dma_start3A_40] : memref<128x128xf32, #tpu.memory_space<vmem>> -> memref<128x128xf32, #tpu.memory_space<vmem>>
      tpu.enqueue_dma source(%dma_start3A_41 : memref<128x128xf32, #tpu.memory_space<vmem>>) target(%dma_start3A_38 : memref<128x128xf32, #tpu.memory_space<vmem_shared>>) target_semaphore(%run_scoped3A : memref<!tpu.dma_semaphore, #tpu.memory_space<semaphore_mem>>)
      %dma_wait3A = arith.constant 0 : i32
      %dma_wait3A_42 = arith.constant 0 : i32
      %dma_wait3A_43 = tpu.memref_slice %arg10[%dma_wait3A, %dma_wait3A_42] : memref<128x128xf32, #tpu.memory_space<vmem>> -> memref<128x128xf32, #tpu.memory_space<vmem>>
      %dma_wait3A_44 = arith.constant 0 : i32
      %dma_wait3A_45 = tpu.memref_slice %arg11[%add3A_12, %dma_wait3A_44] : memref<10112x128xf32, #tpu.memory_space<vmem_shared>> -> memref<128x128xf32, #tpu.memory_space<vmem_shared>>
      %dma_wait3A_46 = arith.constant 0 : i32
      %dma_wait3A_47 = tpu.memref_slice %arg11[%add3A_12, %dma_wait3A_46] : memref<10112x128xf32, #tpu.memory_space<vmem_shared>> -> memref<128x128xf32, #tpu.memory_space<vmem_shared>>
      %dma_wait3A_48 = arith.constant 0 : i32
      %dma_wait3A_49 = arith.constant 0 : i32
      %dma_wait3A_50 = tpu.memref_slice %arg10[%dma_wait3A_48, %dma_wait3A_49] : memref<128x128xf32, #tpu.memory_space<vmem>> -> memref<128x128xf32, #tpu.memory_space<vmem>>
      tpu.wait_dma2 semaphore(%run_scoped3A : memref<!tpu.dma_semaphore, #tpu.memory_space<semaphore_mem>>) src(%dma_wait3A_50 : memref<128x128xf32, #tpu.memory_space<vmem>>) dst(%dma_wait3A_47 : memref<128x128xf32, #tpu.memory_space<vmem_shared>>)
      tpu.yield
    }) : () -> ()
    %mul3A_13 = arith.constant 632 : i32
    %mul3A_14 = arith.muli %arg1, %mul3A_13 : i32
    %add3A_15 = arith.constant 256 : i32
    %add3A_16 = arith.addi %mul3A_14, %add3A_15 : i32
    "tpu.region"() ({
      %run_scoped3A = tpu.sem_alloc : memref<!tpu.dma_semaphore, #tpu.memory_space<semaphore_mem>>
      %dma_start3A = arith.constant 0 : i32
      %dma_start3A_33 = arith.constant 0 : i32
      %dma_start3A_34 = tpu.memref_slice %arg10[%dma_start3A, %dma_start3A_33] : memref<128x128xf32, #tpu.memory_space<vmem>> -> memref<128x128xf32, #tpu.memory_space<vmem>>
      %dma_start3A_35 = arith.constant 0 : i32
      %dma_start3A_36 = tpu.memref_slice %arg11[%add3A_16, %dma_start3A_35] : memref<10112x128xf32, #tpu.memory_space<vmem_shared>> -> memref<128x128xf32, #tpu.memory_space<vmem_shared>>
      %dma_start3A_37 = arith.constant 0 : i32
      %dma_start3A_38 = tpu.memref_slice %arg11[%add3A_16, %dma_start3A_37] : memref<10112x128xf32, #tpu.memory_space<vmem_shared>> -> memref<128x128xf32, #tpu.memory_space<vmem_shared>>
      %dma_start3A_39 = arith.constant 0 : i32
      %dma_start3A_40 = arith.constant 0 : i32
      %dma_start3A_41 = tpu.memref_slice %arg10[%dma_start3A_39, %dma_start3A_40] : memref<128x128xf32, #tpu.memory_space<vmem>> -> memref<128x128xf32, #tpu.memory_space<vmem>>
      tpu.enqueue_dma source(%dma_start3A_41 : memref<128x128xf32, #tpu.memory_space<vmem>>) target(%dma_start3A_38 : memref<128x128xf32, #tpu.memory_space<vmem_shared>>) target_semaphore(%run_scoped3A : memref<!tpu.dma_semaphore, #tpu.memory_space<semaphore_mem>>)
      %dma_wait3A = arith.constant 0 : i32
      %dma_wait3A_42 = arith.constant 0 : i32
      %dma_wait3A_43 = tpu.memref_slice %arg10[%dma_wait3A, %dma_wait3A_42] : memref<128x128xf32, #tpu.memory_space<vmem>> -> memref<128x128xf32, #tpu.memory_space<vmem>>
      %dma_wait3A_44 = arith.constant 0 : i32
      %dma_wait3A_45 = tpu.memref_slice %arg11[%add3A_16, %dma_wait3A_44] : memref<10112x128xf32, #tpu.memory_space<vmem_shared>> -> memref<128x128xf32, #tpu.memory_space<vmem_shared>>
      %dma_wait3A_46 = arith.constant 0 : i32
      %dma_wait3A_47 = tpu.memref_slice %arg11[%add3A_16, %dma_wait3A_46] : memref<10112x128xf32, #tpu.memory_space<vmem_shared>> -> memref<128x128xf32, #tpu.memory_space<vmem_shared>>
      %dma_wait3A_48 = arith.constant 0 : i32
      %dma_wait3A_49 = arith.constant 0 : i32
      %dma_wait3A_50 = tpu.memref_slice %arg10[%dma_wait3A_48, %dma_wait3A_49] : memref<128x128xf32, #tpu.memory_space<vmem>> -> memref<128x128xf32, #tpu.memory_space<vmem>>
      tpu.wait_dma2 semaphore(%run_scoped3A : memref<!tpu.dma_semaphore, #tpu.memory_space<semaphore_mem>>) src(%dma_wait3A_50 : memref<128x128xf32, #tpu.memory_space<vmem>>) dst(%dma_wait3A_47 : memref<128x128xf32, #tpu.memory_space<vmem_shared>>)
      tpu.yield
    }) : () -> ()
    %mul3A_17 = arith.constant 632 : i32
    %mul3A_18 = arith.muli %arg1, %mul3A_17 : i32
    %add3A_19 = arith.constant 384 : i32
    %add3A_20 = arith.addi %mul3A_18, %add3A_19 : i32
    "tpu.region"() ({
      %run_scoped3A = tpu.sem_alloc : memref<!tpu.dma_semaphore, #tpu.memory_space<semaphore_mem>>
      %dma_start3A = arith.constant 0 : i32
      %dma_start3A_33 = arith.constant 0 : i32
      %dma_start3A_34 = tpu.memref_slice %arg10[%dma_start3A, %dma_start3A_33] : memref<128x128xf32, #tpu.memory_space<vmem>> -> memref<128x128xf32, #tpu.memory_space<vmem>>
      %dma_start3A_35 = arith.constant 0 : i32
      %dma_start3A_36 = tpu.memref_slice %arg11[%add3A_20, %dma_start3A_35] : memref<10112x128xf32, #tpu.memory_space<vmem_shared>> -> memref<128x128xf32, #tpu.memory_space<vmem_shared>>
      %dma_start3A_37 = arith.constant 0 : i32
      %dma_start3A_38 = tpu.memref_slice %arg11[%add3A_20, %dma_start3A_37] : memref<10112x128xf32, #tpu.memory_space<vmem_shared>> -> memref<128x128xf32, #tpu.memory_space<vmem_shared>>
      %dma_start3A_39 = arith.constant 0 : i32
      %dma_start3A_40 = arith.constant 0 : i32
      %dma_start3A_41 = tpu.memref_slice %arg10[%dma_start3A_39, %dma_start3A_40] : memref<128x128xf32, #tpu.memory_space<vmem>> -> memref<128x128xf32, #tpu.memory_space<vmem>>
      tpu.enqueue_dma source(%dma_start3A_41 : memref<128x128xf32, #tpu.memory_space<vmem>>) target(%dma_start3A_38 : memref<128x128xf32, #tpu.memory_space<vmem_shared>>) target_semaphore(%run_scoped3A : memref<!tpu.dma_semaphore, #tpu.memory_space<semaphore_mem>>)
      %dma_wait3A = arith.constant 0 : i32
      %dma_wait3A_42 = arith.constant 0 : i32
      %dma_wait3A_43 = tpu.memref_slice %arg10[%dma_wait3A, %dma_wait3A_42] : memref<128x128xf32, #tpu.memory_space<vmem>> -> memref<128x128xf32, #tpu.memory_space<vmem>>
      %dma_wait3A_44 = arith.constant 0 : i32
      %dma_wait3A_45 = tpu.memref_slice %arg11[%add3A_20, %dma_wait3A_44] : memref<10112x128xf32, #tpu.memory_space<vmem_shared>> -> memref<128x128xf32, #tpu.memory_space<vmem_shared>>
      %dma_wait3A_46 = arith.constant 0 : i32
      %dma_wait3A_47 = tpu.memref_slice %arg11[%add3A_20, %dma_wait3A_46] : memref<10112x128xf32, #tpu.memory_space<vmem_shared>> -> memref<128x128xf32, #tpu.memory_space<vmem_shared>>
      %dma_wait3A_48 = arith.constant 0 : i32
      %dma_wait3A_49 = arith.constant 0 : i32
      %dma_wait3A_50 = tpu.memref_slice %arg10[%dma_wait3A_48, %dma_wait3A_49] : memref<128x128xf32, #tpu.memory_space<vmem>> -> memref<128x128xf32, #tpu.memory_space<vmem>>
      tpu.wait_dma2 semaphore(%run_scoped3A : memref<!tpu.dma_semaphore, #tpu.memory_space<semaphore_mem>>) src(%dma_wait3A_50 : memref<128x128xf32, #tpu.memory_space<vmem>>) dst(%dma_wait3A_47 : memref<128x128xf32, #tpu.memory_space<vmem_shared>>)
      tpu.yield
    }) : () -> ()
    %mul3A_21 = arith.constant 632 : i32
    %mul3A_22 = arith.muli %arg1, %mul3A_21 : i32
    %add3A_23 = arith.constant 512 : i32
    %add3A_24 = arith.addi %mul3A_22, %add3A_23 : i32
    "tpu.region"() ({
      %run_scoped3A = tpu.sem_alloc : memref<!tpu.dma_semaphore, #tpu.memory_space<semaphore_mem>>
      %dma_start3A = arith.constant 0 : i32
      %dma_start3A_33 = arith.constant 0 : i32
      %dma_start3A_34 = tpu.memref_slice %arg10[%dma_start3A, %dma_start3A_33] : memref<128x128xf32, #tpu.memory_space<vmem>> -> memref<120x128xf32, #tpu.memory_space<vmem>>
      %dma_start3A_35 = arith.constant 0 : i32
      %dma_start3A_36 = tpu.memref_slice %arg11[%add3A_24, %dma_start3A_35] : memref<10112x128xf32, #tpu.memory_space<vmem_shared>> -> memref<120x128xf32, #tpu.memory_space<vmem_shared>>
      %dma_start3A_37 = arith.constant 0 : i32
      %dma_start3A_38 = tpu.memref_slice %arg11[%add3A_24, %dma_start3A_37] : memref<10112x128xf32, #tpu.memory_space<vmem_shared>> -> memref<120x128xf32, #tpu.memory_space<vmem_shared>>
      %dma_start3A_39 = arith.constant 0 : i32
      %dma_start3A_40 = arith.constant 0 : i32
      %dma_start3A_41 = tpu.memref_slice %arg10[%dma_start3A_39, %dma_start3A_40] : memref<128x128xf32, #tpu.memory_space<vmem>> -> memref<120x128xf32, #tpu.memory_space<vmem>>
      tpu.enqueue_dma source(%dma_start3A_41 : memref<120x128xf32, #tpu.memory_space<vmem>>) target(%dma_start3A_38 : memref<120x128xf32, #tpu.memory_space<vmem_shared>>) target_semaphore(%run_scoped3A : memref<!tpu.dma_semaphore, #tpu.memory_space<semaphore_mem>>)
      %dma_wait3A = arith.constant 0 : i32
      %dma_wait3A_42 = arith.constant 0 : i32
      %dma_wait3A_43 = tpu.memref_slice %arg10[%dma_wait3A, %dma_wait3A_42] : memref<128x128xf32, #tpu.memory_space<vmem>> -> memref<120x128xf32, #tpu.memory_space<vmem>>
      %dma_wait3A_44 = arith.constant 0 : i32
      %dma_wait3A_45 = tpu.memref_slice %arg11[%add3A_24, %dma_wait3A_44] : memref<10112x128xf32, #tpu.memory_space<vmem_shared>> -> memref<120x128xf32, #tpu.memory_space<vmem_shared>>
      %dma_wait3A_46 = arith.constant 0 : i32
      %dma_wait3A_47 = tpu.memref_slice %arg11[%add3A_24, %dma_wait3A_46] : memref<10112x128xf32, #tpu.memory_space<vmem_shared>> -> memref<120x128xf32, #tpu.memory_space<vmem_shared>>
      %dma_wait3A_48 = arith.constant 0 : i32
      %dma_wait3A_49 = arith.constant 0 : i32
      %dma_wait3A_50 = tpu.memref_slice %arg10[%dma_wait3A_48, %dma_wait3A_49] : memref<128x128xf32, #tpu.memory_space<vmem>> -> memref<120x128xf32, #tpu.memory_space<vmem>>
      tpu.wait_dma2 semaphore(%run_scoped3A : memref<!tpu.dma_semaphore, #tpu.memory_space<semaphore_mem>>) src(%dma_wait3A_50 : memref<120x128xf32, #tpu.memory_space<vmem>>) dst(%dma_wait3A_47 : memref<120x128xf32, #tpu.memory_space<vmem_shared>>)
      tpu.yield
    }) : () -> ()
    "tpu.region"() ({
      %run_scoped3A = tpu.sem_alloc : memref<!tpu.dma_semaphore, #tpu.memory_space<semaphore_mem>>
      %dma_start3A = arith.constant 0 : i32
      %dma_start3A_33 = arith.constant 0 : i32
      %dma_start3A_34 = tpu.memref_slice %arg3[%add3A, %dma_start3A, %dma_start3A_33] : memref<32x79x128xi32, #tpu.memory_space<hbm>> -> memref<1x79x128xi32, #tpu.memory_space<hbm>>
      %dma_start3A_35 = tpu.memref_squeeze %dma_start3A_34 : memref<1x79x128xi32, #tpu.memory_space<hbm>> -> memref<79x128xi32, #tpu.memory_space<hbm>>
      %dma_start3A_36 = arith.constant 0 : i32
      %dma_start3A_37 = arith.constant 0 : i32
      %dma_start3A_38 = tpu.memref_slice %arg3[%add3A, %dma_start3A_36, %dma_start3A_37] : memref<32x79x128xi32, #tpu.memory_space<hbm>> -> memref<1x79x128xi32, #tpu.memory_space<hbm>>
      %dma_start3A_39 = tpu.memref_squeeze %dma_start3A_38 : memref<1x79x128xi32, #tpu.memory_space<hbm>> -> memref<79x128xi32, #tpu.memory_space<hbm>>
      tpu.enqueue_dma source(%dma_start3A_39 : memref<79x128xi32, #tpu.memory_space<hbm>>) target(%arg7 : memref<79x128xi32, #tpu.memory_space<vmem>>) target_semaphore(%run_scoped3A : memref<!tpu.dma_semaphore, #tpu.memory_space<semaphore_mem>>)
      %dma_wait3A = arith.constant 0 : i32
      %dma_wait3A_40 = arith.constant 0 : i32
      %dma_wait3A_41 = tpu.memref_slice %arg3[%add3A, %dma_wait3A, %dma_wait3A_40] : memref<32x79x128xi32, #tpu.memory_space<hbm>> -> memref<1x79x128xi32, #tpu.memory_space<hbm>>
      %dma_wait3A_42 = tpu.memref_squeeze %dma_wait3A_41 : memref<1x79x128xi32, #tpu.memory_space<hbm>> -> memref<79x128xi32, #tpu.memory_space<hbm>>
      %dma_wait3A_43 = arith.constant 0 : i32
      %dma_wait3A_44 = arith.constant 0 : i32
      %dma_wait3A_45 = tpu.memref_slice %arg3[%add3A, %dma_wait3A_43, %dma_wait3A_44] : memref<32x79x128xi32, #tpu.memory_space<hbm>> -> memref<1x79x128xi32, #tpu.memory_space<hbm>>
      %dma_wait3A_46 = tpu.memref_squeeze %dma_wait3A_45 : memref<1x79x128xi32, #tpu.memory_space<hbm>> -> memref<79x128xi32, #tpu.memory_space<hbm>>
      tpu.wait_dma2 semaphore(%run_scoped3A : memref<!tpu.dma_semaphore, #tpu.memory_space<semaphore_mem>>) src(%dma_wait3A_46 : memref<79x128xi32, #tpu.memory_space<hbm>>) dst(%arg7 : memref<79x128xi32, #tpu.memory_space<vmem>>)
      tpu.yield
    }) : () -> ()
    "tpu.region"() ({
      %run_scoped3A = tpu.sem_alloc : memref<!tpu.dma_semaphore, #tpu.memory_space<semaphore_mem>>
      %dma_start3A = arith.constant 0 : i32
      %dma_start3A_33 = arith.constant 0 : i32
      %dma_start3A_34 = tpu.memref_slice %arg4[%add3A, %dma_start3A, %dma_start3A_33] : memref<32x79x128xi32, #tpu.memory_space<hbm>> -> memref<1x79x128xi32, #tpu.memory_space<hbm>>
      %dma_start3A_35 = tpu.memref_squeeze %dma_start3A_34 : memref<1x79x128xi32, #tpu.memory_space<hbm>> -> memref<79x128xi32, #tpu.memory_space<hbm>>
      %dma_start3A_36 = arith.constant 0 : i32
      %dma_start3A_37 = arith.constant 0 : i32
      %dma_start3A_38 = tpu.memref_slice %arg4[%add3A, %dma_start3A_36, %dma_start3A_37] : memref<32x79x128xi32, #tpu.memory_space<hbm>> -> memref<1x79x128xi32, #tpu.memory_space<hbm>>
      %dma_start3A_39 = tpu.memref_squeeze %dma_start3A_38 : memref<1x79x128xi32, #tpu.memory_space<hbm>> -> memref<79x128xi32, #tpu.memory_space<hbm>>
      tpu.enqueue_dma source(%dma_start3A_39 : memref<79x128xi32, #tpu.memory_space<hbm>>) target(%arg8 : memref<79x128xi32, #tpu.memory_space<vmem>>) target_semaphore(%run_scoped3A : memref<!tpu.dma_semaphore, #tpu.memory_space<semaphore_mem>>)
      %dma_wait3A = arith.constant 0 : i32
      %dma_wait3A_40 = arith.constant 0 : i32
      %dma_wait3A_41 = tpu.memref_slice %arg4[%add3A, %dma_wait3A, %dma_wait3A_40] : memref<32x79x128xi32, #tpu.memory_space<hbm>> -> memref<1x79x128xi32, #tpu.memory_space<hbm>>
      %dma_wait3A_42 = tpu.memref_squeeze %dma_wait3A_41 : memref<1x79x128xi32, #tpu.memory_space<hbm>> -> memref<79x128xi32, #tpu.memory_space<hbm>>
      %dma_wait3A_43 = arith.constant 0 : i32
      %dma_wait3A_44 = arith.constant 0 : i32
      %dma_wait3A_45 = tpu.memref_slice %arg4[%add3A, %dma_wait3A_43, %dma_wait3A_44] : memref<32x79x128xi32, #tpu.memory_space<hbm>> -> memref<1x79x128xi32, #tpu.memory_space<hbm>>
      %dma_wait3A_46 = tpu.memref_squeeze %dma_wait3A_45 : memref<1x79x128xi32, #tpu.memory_space<hbm>> -> memref<79x128xi32, #tpu.memory_space<hbm>>
      tpu.wait_dma2 semaphore(%run_scoped3A : memref<!tpu.dma_semaphore, #tpu.memory_space<semaphore_mem>>) src(%dma_wait3A_46 : memref<79x128xi32, #tpu.memory_space<hbm>>) dst(%arg8 : memref<79x128xi32, #tpu.memory_space<vmem>>)
      tpu.yield
    }) : () -> ()
    "tpu.region"() ({
      %run_scoped3A = tpu.sem_alloc : memref<!tpu.dma_semaphore, #tpu.memory_space<semaphore_mem>>
      %dma_start3A = arith.constant 0 : i32
      %dma_start3A_33 = arith.constant 0 : i32
      %dma_start3A_34 = tpu.memref_slice %arg5[%add3A, %dma_start3A, %dma_start3A_33] : memref<32x79x128xf32, #tpu.memory_space<hbm>> -> memref<1x79x128xf32, #tpu.memory_space<hbm>>
      %dma_start3A_35 = tpu.memref_squeeze %dma_start3A_34 : memref<1x79x128xf32, #tpu.memory_space<hbm>> -> memref<79x128xf32, #tpu.memory_space<hbm>>
      %dma_start3A_36 = arith.constant 0 : i32
      %dma_start3A_37 = arith.constant 0 : i32
      %dma_start3A_38 = tpu.memref_slice %arg5[%add3A, %dma_start3A_36, %dma_start3A_37] : memref<32x79x128xf32, #tpu.memory_space<hbm>> -> memref<1x79x128xf32, #tpu.memory_space<hbm>>
      %dma_start3A_39 = tpu.memref_squeeze %dma_start3A_38 : memref<1x79x128xf32, #tpu.memory_space<hbm>> -> memref<79x128xf32, #tpu.memory_space<hbm>>
      tpu.enqueue_dma source(%dma_start3A_39 : memref<79x128xf32, #tpu.memory_space<hbm>>) target(%arg9 : memref<79x128xf32, #tpu.memory_space<vmem>>) target_semaphore(%run_scoped3A : memref<!tpu.dma_semaphore, #tpu.memory_space<semaphore_mem>>)
      %dma_wait3A = arith.constant 0 : i32
      %dma_wait3A_40 = arith.constant 0 : i32
      %dma_wait3A_41 = tpu.memref_slice %arg5[%add3A, %dma_wait3A, %dma_wait3A_40] : memref<32x79x128xf32, #tpu.memory_space<hbm>> -> memref<1x79x128xf32, #tpu.memory_space<hbm>>
      %dma_wait3A_42 = tpu.memref_squeeze %dma_wait3A_41 : memref<1x79x128xf32, #tpu.memory_space<hbm>> -> memref<79x128xf32, #tpu.memory_space<hbm>>
      %dma_wait3A_43 = arith.constant 0 : i32
      %dma_wait3A_44 = arith.constant 0 : i32
      %dma_wait3A_45 = tpu.memref_slice %arg5[%add3A, %dma_wait3A_43, %dma_wait3A_44] : memref<32x79x128xf32, #tpu.memory_space<hbm>> -> memref<1x79x128xf32, #tpu.memory_space<hbm>>
      %dma_wait3A_46 = tpu.memref_squeeze %dma_wait3A_45 : memref<1x79x128xf32, #tpu.memory_space<hbm>> -> memref<79x128xf32, #tpu.memory_space<hbm>>
      tpu.wait_dma2 semaphore(%run_scoped3A : memref<!tpu.dma_semaphore, #tpu.memory_space<semaphore_mem>>) src(%dma_wait3A_46 : memref<79x128xf32, #tpu.memory_space<hbm>>) dst(%arg9 : memref<79x128xf32, #tpu.memory_space<vmem>>)
      tpu.yield
    }) : () -> ()
    %barrier3A = arith.constant 0 : index
    tpu.barrier barrier_id(%barrier3A)
    %scan3A_25 = arith.constant 0 : i32
    %scan3A_26 = arith.constant 79 : i32
    %scan3A_27 = arith.addi %scan3A_25, %scan3A_26 : i32
    %scan3A_28 = arith.constant 1 : i32
    scf.for %scan3A_33 = %scan3A_25 to %scan3A_27 step %scan3A_28  : i32 {
      %dma_start3A = arith.constant 0 : i32
      %dma_start3A_34 = tpu.memref_slice %arg7[%scan3A_33, %dma_start3A] : memref<79x128xi32, #tpu.memory_space<vmem>> -> memref<1x128xi32, #tpu.memory_space<vmem>>
      %dma_start3A_35 = tpu.memref_squeeze %dma_start3A_34 : memref<1x128xi32, #tpu.memory_space<vmem>> -> memref<128xi32, #tpu.memory_space<vmem>>
      %dma_start3A_36 = arith.constant 0 : i32
      %dma_start3A_37 = arith.constant 0 : i32
      %dma_start3A_38 = tpu.memref_slice %arg2[%dma_start3A_36, %dma_start3A_37] : memref<10000x128xf32, #tpu.memory_space<hbm>> -> memref<10000x128xf32, #tpu.memory_space<hbm>>
      tpu.enqueue_indirect_dma source(%dma_start3A_38 : memref<10000x128xf32, #tpu.memory_space<hbm>>) target(%arg10 : memref<128x128xf32, #tpu.memory_space<vmem>>) offsets(%dma_start3A_35 : memref<128xi32, #tpu.memory_space<vmem>>) semaphore(%arg12 : memref<!tpu.dma_semaphore, #tpu.memory_space<semaphore_mem>>)
      %dma_wait3A = arith.constant 0 : i32
      %dma_wait3A_39 = tpu.memref_slice %arg7[%scan3A_33, %dma_wait3A] : memref<79x128xi32, #tpu.memory_space<vmem>> -> memref<1x128xi32, #tpu.memory_space<vmem>>
      %dma_wait3A_40 = tpu.memref_squeeze %dma_wait3A_39 : memref<1x128xi32, #tpu.memory_space<vmem>> -> memref<128xi32, #tpu.memory_space<vmem>>
      %dma_wait3A_41 = arith.constant 0 : i32
      %dma_wait3A_42 = arith.constant 0 : i32
      %dma_wait3A_43 = tpu.memref_slice %arg2[%dma_wait3A_41, %dma_wait3A_42] : memref<10000x128xf32, #tpu.memory_space<hbm>> -> memref<10000x128xf32, #tpu.memory_space<hbm>>
      tpu.wait_indirect_dma semaphore(%arg12 : memref<!tpu.dma_semaphore, #tpu.memory_space<semaphore_mem>>) src(%dma_wait3A_43 : memref<10000x128xf32, #tpu.memory_space<hbm>>) dst(%arg10 : memref<128x128xf32, #tpu.memory_space<vmem>>)
      %scan3A_44 = arith.constant 0 : i32
      %scan3A_45 = arith.constant 8 : i32
      %scan3A_46 = arith.addi %scan3A_44, %scan3A_45 : i32
      %scan3A_47 = arith.constant 1 : i32
      scf.for %scan3A_49 = %scan3A_44 to %scan3A_46 step %scan3A_47  : i32 {
        %mul3A_50 = arith.constant 16 : i32
        %mul3A_51 = arith.muli %scan3A_49, %mul3A_50 : i32
        %get3A = arith.index_cast %scan3A_33 : i32 to index
        %get3A_52 = arith.index_cast %mul3A_51 : i32 to index
        %get3A_53 = tpu.vector_load %arg9[%get3A, %get3A_52] {strides = array<i32>} : memref<79x128xf32, #tpu.memory_space<vmem>>, vector<1x16xf32>,
        %get3A_54 = vector.shape_cast %get3A_53 : vector<1x16xf32> to vector<16xf32>
        %broadcast_in_dim3A = arith.constant 0 : i32
        %broadcast_in_dim3A_55 = vector.broadcast %broadcast_in_dim3A : i32 to vector<16x1xi32>
        %gather3A = vector.shape_cast %broadcast_in_dim3A_55 : vector<16x1xi32> to vector<16xi32>
        %gather3A_56 = tpu.dynamic_gather %get3A_54[%gather3A] in [0] : vector<16xf32>, vector<16xi32> -> vector<16xf32>
        %mul3A_57 = arith.constant 16 : i32
        %mul3A_58 = arith.muli %scan3A_49, %mul3A_57 : i32
        %add3A_59 = arith.constant 0 : i32
        %add3A_60 = arith.addi %mul3A_58, %add3A_59 : i32
        %get3A_61 = arith.index_cast %add3A_60 : i32 to index
        %get3A_62 = arith.constant 0 : index
        %get3A_63 = tpu.vector_load %arg10[%get3A_61, %get3A_62] {strides = array<i32>} : memref<128x128xf32, #tpu.memory_space<vmem>>, vector<1x16xf32>,
        %get3A_64 = vector.shape_cast %get3A_63 : vector<1x16xf32> to vector<16xf32>
        %mul3A_65 = arith.mulf %get3A_64, %gather3A_56 : vector<16xf32>
        %swap3A = arith.index_cast %add3A_60 : i32 to index
        %swap3A_66 = arith.constant 0 : index
        %swap3A_67 = tpu.vector_load %arg10[%swap3A, %swap3A_66] {strides = array<i32>} : memref<128x128xf32, #tpu.memory_space<vmem>>, vector<1x16xf32>,
        %swap3A_68 = vector.shape_cast %swap3A_67 : vector<1x16xf32> to vector<16xf32>
        %swap3A_69 = vector.shape_cast %mul3A_65 : vector<16xf32> to vector<1x16xf32>
        tpu.vector_store %arg10[%swap3A, %swap3A_66], %swap3A_69 {strides = array<i32>} : memref<128x128xf32, #tpu.memory_space<vmem>>, vector<1x16xf32>,
        %get3A_70 = arith.index_cast %add3A_60 : i32 to index
        %get3A_71 = arith.constant 16 : index
        %get3A_72 = tpu.vector_load %arg10[%get3A_70, %get3A_71] {strides = array<i32>} : memref<128x128xf32, #tpu.memory_space<vmem>>, vector<1x16xf32>,
        %get3A_73 = vector.shape_cast %get3A_72 : vector<1x16xf32> to vector<16xf32>
        %mul3A_74 = arith.mulf %get3A_73, %gather3A_56 : vector<16xf32>
        %swap3A_75 = arith.index_cast %add3A_60 : i32 to index
        %swap3A_76 = arith.constant 16 : index
        %swap3A_77 = tpu.vector_load %arg10[%swap3A_75, %swap3A_76] {strides = array<i32>} : memref<128x128xf32, #tpu.memory_space<vmem>>, vector<1x16xf32>,
        %swap3A_78 = vector.shape_cast %swap3A_77 : vector<1x16xf32> to vector<16xf32>
        %swap3A_79 = vector.shape_cast %mul3A_74 : vector<16xf32> to vector<1x16xf32>
        tpu.vector_store %arg10[%swap3A_75, %swap3A_76], %swap3A_79 {strides = array<i32>} : memref<128x128xf32, #tpu.memory_space<vmem>>, vector<1x16xf32>,
        %get3A_80 = arith.index_cast %add3A_60 : i32 to index
        %get3A_81 = arith.constant 32 : index
        %get3A_82 = tpu.vector_load %arg10[%get3A_80, %get3A_81] {strides = array<i32>} : memref<128x128xf32, #tpu.memory_space<vmem>>, vector<1x16xf32>,
        %get3A_83 = vector.shape_cast %get3A_82 : vector<1x16xf32> to vector<16xf32>
        %mul3A_84 = arith.mulf %get3A_83, %gather3A_56 : vector<16xf32>
        %swap3A_85 = arith.index_cast %add3A_60 : i32 to index
        %swap3A_86 = arith.constant 32 : index
        %swap3A_87 = tpu.vector_load %arg10[%swap3A_85, %swap3A_86] {strides = array<i32>} : memref<128x128xf32, #tpu.memory_space<vmem>>, vector<1x16xf32>,
        %swap3A_88 = vector.shape_cast %swap3A_87 : vector<1x16xf32> to vector<16xf32>
        %swap3A_89 = vector.shape_cast %mul3A_84 : vector<16xf32> to vector<1x16xf32>
        tpu.vector_store %arg10[%swap3A_85, %swap3A_86], %swap3A_89 {strides = array<i32>} : memref<128x128xf32, #tpu.memory_space<vmem>>, vector<1x16xf32>,
        %get3A_90 = arith.index_cast %add3A_60 : i32 to index
        %get3A_91 = arith.constant 48 : index
        %get3A_92 = tpu.vector_load %arg10[%get3A_90, %get3A_91] {strides = array<i32>} : memref<128x128xf32, #tpu.memory_space<vmem>>, vector<1x16xf32>,
        %get3A_93 = vector.shape_cast %get3A_92 : vector<1x16xf32> to vector<16xf32>
        %mul3A_94 = arith.mulf %get3A_93, %gather3A_56 : vector<16xf32>
        %swap3A_95 = arith.index_cast %add3A_60 : i32 to index
        %swap3A_96 = arith.constant 48 : index
        %swap3A_97 = tpu.vector_load %arg10[%swap3A_95, %swap3A_96] {strides = array<i32>} : memref<128x128xf32, #tpu.memory_space<vmem>>, vector<1x16xf32>,
        %swap3A_98 = vector.shape_cast %swap3A_97 : vector<1x16xf32> to vector<16xf32>
        %swap3A_99 = vector.shape_cast %mul3A_94 : vector<16xf32> to vector<1x16xf32>
        tpu.vector_store %arg10[%swap3A_95, %swap3A_96], %swap3A_99 {strides = array<i32>} : memref<128x128xf32, #tpu.memory_space<vmem>>, vector<1x16xf32>,
        %get3A_100 = arith.index_cast %add3A_60 : i32 to index
        %get3A_101 = arith.constant 64 : index
        %get3A_102 = tpu.vector_load %arg10[%get3A_100, %get3A_101] {strides = array<i32>} : memref<128x128xf32, #tpu.memory_space<vmem>>, vector<1x16xf32>,
        %get3A_103 = vector.shape_cast %get3A_102 : vector<1x16xf32> to vector<16xf32>
        %mul3A_104 = arith.mulf %get3A_103, %gather3A_56 : vector<16xf32>
        %swap3A_105 = arith.index_cast %add3A_60 : i32 to index
        %swap3A_106 = arith.constant 64 : index
        %swap3A_107 = tpu.vector_load %arg10[%swap3A_105, %swap3A_106] {strides = array<i32>} : memref<128x128xf32, #tpu.memory_space<vmem>>, vector<1x16xf32>,
        %swap3A_108 = vector.shape_cast %swap3A_107 : vector<1x16xf32> to vector<16xf32>
        %swap3A_109 = vector.shape_cast %mul3A_104 : vector<16xf32> to vector<1x16xf32>
        tpu.vector_store %arg10[%swap3A_105, %swap3A_106], %swap3A_109 {strides = array<i32>} : memref<128x128xf32, #tpu.memory_space<vmem>>, vector<1x16xf32>,
        %get3A_110 = arith.index_cast %add3A_60 : i32 to index
        %get3A_111 = arith.constant 80 : index
        %get3A_112 = tpu.vector_load %arg10[%get3A_110, %get3A_111] {strides = array<i32>} : memref<128x128xf32, #tpu.memory_space<vmem>>, vector<1x16xf32>,
        %get3A_113 = vector.shape_cast %get3A_112 : vector<1x16xf32> to vector<16xf32>
        %mul3A_114 = arith.mulf %get3A_113, %gather3A_56 : vector<16xf32>
        %swap3A_115 = arith.index_cast %add3A_60 : i32 to index
        %swap3A_116 = arith.constant 80 : index
        %swap3A_117 = tpu.vector_load %arg10[%swap3A_115, %swap3A_116] {strides = array<i32>} : memref<128x128xf32, #tpu.memory_space<vmem>>, vector<1x16xf32>,
        %swap3A_118 = vector.shape_cast %swap3A_117 : vector<1x16xf32> to vector<16xf32>
        %swap3A_119 = vector.shape_cast %mul3A_114 : vector<16xf32> to vector<1x16xf32>
        tpu.vector_store %arg10[%swap3A_115, %swap3A_116], %swap3A_119 {strides = array<i32>} : memref<128x128xf32, #tpu.memory_space<vmem>>, vector<1x16xf32>,
        %get3A_120 = arith.index_cast %add3A_60 : i32 to index
        %get3A_121 = arith.constant 96 : index
        %get3A_122 = tpu.vector_load %arg10[%get3A_120, %get3A_121] {strides = array<i32>} : memref<128x128xf32, #tpu.memory_space<vmem>>, vector<1x16xf32>,
        %get3A_123 = vector.shape_cast %get3A_122 : vector<1x16xf32> to vector<16xf32>
        %mul3A_124 = arith.mulf %get3A_123, %gather3A_56 : vector<16xf32>
        %swap3A_125 = arith.index_cast %add3A_60 : i32 to index
        %swap3A_126 = arith.constant 96 : index
        %swap3A_127 = tpu.vector_load %arg10[%swap3A_125, %swap3A_126] {strides = array<i32>} : memref<128x128xf32, #tpu.memory_space<vmem>>, vector<1x16xf32>,
        %swap3A_128 = vector.shape_cast %swap3A_127 : vector<1x16xf32> to vector<16xf32>
        %swap3A_129 = vector.shape_cast %mul3A_124 : vector<16xf32> to vector<1x16xf32>
        tpu.vector_store %arg10[%swap3A_125, %swap3A_126], %swap3A_129 {strides = array<i32>} : memref<128x128xf32, #tpu.memory_space<vmem>>, vector<1x16xf32>,
        %get3A_130 = arith.index_cast %add3A_60 : i32 to index
        %get3A_131 = arith.constant 112 : index
        %get3A_132 = tpu.vector_load %arg10[%get3A_130, %get3A_131] {strides = array<i32>} : memref<128x128xf32, #tpu.memory_space<vmem>>, vector<1x16xf32>,
        %get3A_133 = vector.shape_cast %get3A_132 : vector<1x16xf32> to vector<16xf32>
        %mul3A_134 = arith.mulf %get3A_133, %gather3A_56 : vector<16xf32>
        %swap3A_135 = arith.index_cast %add3A_60 : i32 to index
        %swap3A_136 = arith.constant 112 : index
        %swap3A_137 = tpu.vector_load %arg10[%swap3A_135, %swap3A_136] {strides = array<i32>} : memref<128x128xf32, #tpu.memory_space<vmem>>, vector<1x16xf32>,
        %swap3A_138 = vector.shape_cast %swap3A_137 : vector<1x16xf32> to vector<16xf32>
        %swap3A_139 = vector.shape_cast %mul3A_134 : vector<16xf32> to vector<1x16xf32>
        tpu.vector_store %arg10[%swap3A_135, %swap3A_136], %swap3A_139 {strides = array<i32>} : memref<128x128xf32, #tpu.memory_space<vmem>>, vector<1x16xf32>,
        %broadcast_in_dim3A_140 = arith.constant 1 : i32
        %broadcast_in_dim3A_141 = vector.broadcast %broadcast_in_dim3A_140 : i32 to vector<16x1xi32>
        %gather3A_142 = vector.shape_cast %broadcast_in_dim3A_141 : vector<16x1xi32> to vector<16xi32>
        %gather3A_143 = tpu.dynamic_gather %get3A_54[%gather3A_142] in [0] : vector<16xf32>, vector<16xi32> -> vector<16xf32>
        %mul3A_144 = arith.constant 16 : i32
        %mul3A_145 = arith.muli %scan3A_49, %mul3A_144 : i32
        %add3A_146 = arith.constant 1 : i32
        %add3A_147 = arith.addi %mul3A_145, %add3A_146 : i32
        %get3A_148 = arith.index_cast %add3A_147 : i32 to index
        %get3A_149 = arith.constant 0 : index
        %get3A_150 = tpu.vector_load %arg10[%get3A_148, %get3A_149] {strides = array<i32>} : memref<128x128xf32, #tpu.memory_space<vmem>>, vector<1x16xf32>,
        %get3A_151 = vector.shape_cast %get3A_150 : vector<1x16xf32> to vector<16xf32>
        %mul3A_152 = arith.mulf %get3A_151, %gather3A_143 : vector<16xf32>
        %swap3A_153 = arith.index_cast %add3A_147 : i32 to index
        %swap3A_154 = arith.constant 0 : index
        %swap3A_155 = tpu.vector_load %arg10[%swap3A_153, %swap3A_154] {strides = array<i32>} : memref<128x128xf32, #tpu.memory_space<vmem>>, vector<1x16xf32>,
        %swap3A_156 = vector.shape_cast %swap3A_155 : vector<1x16xf32> to vector<16xf32>
        %swap3A_157 = vector.shape_cast %mul3A_152 : vector<16xf32> to vector<1x16xf32>
        tpu.vector_store %arg10[%swap3A_153, %swap3A_154], %swap3A_157 {strides = array<i32>} : memref<128x128xf32, #tpu.memory_space<vmem>>, vector<1x16xf32>,
        %get3A_158 = arith.index_cast %add3A_147 : i32 to index
        %get3A_159 = arith.constant 16 : index
        %get3A_160 = tpu.vector_load %arg10[%get3A_158, %get3A_159] {strides = array<i32>} : memref<128x128xf32, #tpu.memory_space<vmem>>, vector<1x16xf32>,
        %get3A_161 = vector.shape_cast %get3A_160 : vector<1x16xf32> to vector<16xf32>
        %mul3A_162 = arith.mulf %get3A_161, %gather3A_143 : vector<16xf32>
        %swap3A_163 = arith.index_cast %add3A_147 : i32 to index
        %swap3A_164 = arith.constant 16 : index
        %swap3A_165 = tpu.vector_load %arg10[%swap3A_163, %swap3A_164] {strides = array<i32>} : memref<128x128xf32, #tpu.memory_space<vmem>>, vector<1x16xf32>,
        %swap3A_166 = vector.shape_cast %swap3A_165 : vector<1x16xf32> to vector<16xf32>
        %swap3A_167 = vector.shape_cast %mul3A_162 : vector<16xf32> to vector<1x16xf32>
        tpu.vector_store %arg10[%swap3A_163, %swap3A_164], %swap3A_167 {strides = array<i32>} : memref<128x128xf32, #tpu.memory_space<vmem>>, vector<1x16xf32>,
        %get3A_168 = arith.index_cast %add3A_147 : i32 to index
        %get3A_169 = arith.constant 32 : index
        %get3A_170 = tpu.vector_load %arg10[%get3A_168, %get3A_169] {strides = array<i32>} : memref<128x128xf32, #tpu.memory_space<vmem>>, vector<1x16xf32>,
        %get3A_171 = vector.shape_cast %get3A_170 : vector<1x16xf32> to vector<16xf32>
        %mul3A_172 = arith.mulf %get3A_171, %gather3A_143 : vector<16xf32>
        %swap3A_173 = arith.index_cast %add3A_147 : i32 to index
        %swap3A_174 = arith.constant 32 : index
        %swap3A_175 = tpu.vector_load %arg10[%swap3A_173, %swap3A_174] {strides = array<i32>} : memref<128x128xf32, #tpu.memory_space<vmem>>, vector<1x16xf32>,
        %swap3A_176 = vector.shape_cast %swap3A_175 : vector<1x16xf32> to vector<16xf32>
        %swap3A_177 = vector.shape_cast %mul3A_172 : vector<16xf32> to vector<1x16xf32>
        tpu.vector_store %arg10[%swap3A_173, %swap3A_174], %swap3A_177 {strides = array<i32>} : memref<128x128xf32, #tpu.memory_space<vmem>>, vector<1x16xf32>,
        %get3A_178 = arith.index_cast %add3A_147 : i32 to index
        %get3A_179 = arith.constant 48 : index
        %get3A_180 = tpu.vector_load %arg10[%get3A_178, %get3A_179] {strides = array<i32>} : memref<128x128xf32, #tpu.memory_space<vmem>>, vector<1x16xf32>,
        %get3A_181 = vector.shape_cast %get3A_180 : vector<1x16xf32> to vector<16xf32>
        %mul3A_182 = arith.mulf %get3A_181, %gather3A_143 : vector<16xf32>
        %swap3A_183 = arith.index_cast %add3A_147 : i32 to index
        %swap3A_184 = arith.constant 48 : index
        %swap3A_185 = tpu.vector_load %arg10[%swap3A_183, %swap3A_184] {strides = array<i32>} : memref<128x128xf32, #tpu.memory_space<vmem>>, vector<1x16xf32>,
        %swap3A_186 = vector.shape_cast %swap3A_185 : vector<1x16xf32> to vector<16xf32>
        %swap3A_187 = vector.shape_cast %mul3A_182 : vector<16xf32> to vector<1x16xf32>
        tpu.vector_store %arg10[%swap3A_183, %swap3A_184], %swap3A_187 {strides = array<i32>} : memref<128x128xf32, #tpu.memory_space<vmem>>, vector<1x16xf32>,
        %get3A_188 = arith.index_cast %add3A_147 : i32 to index
        %get3A_189 = arith.constant 64 : index
        %get3A_190 = tpu.vector_load %arg10[%get3A_188, %get3A_189] {strides = array<i32>} : memref<128x128xf32, #tpu.memory_space<vmem>>, vector<1x16xf32>,
        %get3A_191 = vector.shape_cast %get3A_190 : vector<1x16xf32> to vector<16xf32>
        %mul3A_192 = arith.mulf %get3A_191, %gather3A_143 : vector<16xf32>
        %swap3A_193 = arith.index_cast %add3A_147 : i32 to index
        %swap3A_194 = arith.constant 64 : index
        %swap3A_195 = tpu.vector_load %arg10[%swap3A_193, %swap3A_194] {strides = array<i32>} : memref<128x128xf32, #tpu.memory_space<vmem>>, vector<1x16xf32>,
        %swap3A_196 = vector.shape_cast %swap3A_195 : vector<1x16xf32> to vector<16xf32>
        %swap3A_197 = vector.shape_cast %mul3A_192 : vector<16xf32> to vector<1x16xf32>
        tpu.vector_store %arg10[%swap3A_193, %swap3A_194], %swap3A_197 {strides = array<i32>} : memref<128x128xf32, #tpu.memory_space<vmem>>, vector<1x16xf32>,
        %get3A_198 = arith.index_cast %add3A_147 : i32 to index
        %get3A_199 = arith.constant 80 : index
        %get3A_200 = tpu.vector_load %arg10[%get3A_198, %get3A_199] {strides = array<i32>} : memref<128x128xf32, #tpu.memory_space<vmem>>, vector<1x16xf32>,
        %get3A_201 = vector.shape_cast %get3A_200 : vector<1x16xf32> to vector<16xf32>
        %mul3A_202 = arith.mulf %get3A_201, %gather3A_143 : vector<16xf32>
        %swap3A_203 = arith.index_cast %add3A_147 : i32 to index
        %swap3A_204 = arith.constant 80 : index
        %swap3A_205 = tpu.vector_load %arg10[%swap3A_203, %swap3A_204] {strides = array<i32>} : memref<128x128xf32, #tpu.memory_space<vmem>>, vector<1x16xf32>,
        %swap3A_206 = vector.shape_cast %swap3A_205 : vector<1x16xf32> to vector<16xf32>
        %swap3A_207 = vector.shape_cast %mul3A_202 : vector<16xf32> to vector<1x16xf32>
        tpu.vector_store %arg10[%swap3A_203, %swap3A_204], %swap3A_207 {strides = array<i32>} : memref<128x128xf32, #tpu.memory_space<vmem>>, vector<1x16xf32>,
        %get3A_208 = arith.index_cast %add3A_147 : i32 to index
        %get3A_209 = arith.constant 96 : index
        %get3A_210 = tpu.vector_load %arg10[%get3A_208, %get3A_209] {strides = array<i32>} : memref<128x128xf32, #tpu.memory_space<vmem>>, vector<1x16xf32>,
        %get3A_211 = vector.shape_cast %get3A_210 : vector<1x16xf32> to vector<16xf32>
        %mul3A_212 = arith.mulf %get3A_211, %gather3A_143 : vector<16xf32>
        %swap3A_213 = arith.index_cast %add3A_147 : i32 to index
        %swap3A_214 = arith.constant 96 : index
        %swap3A_215 = tpu.vector_load %arg10[%swap3A_213, %swap3A_214] {strides = array<i32>} : memref<128x128xf32, #tpu.memory_space<vmem>>, vector<1x16xf32>,
        %swap3A_216 = vector.shape_cast %swap3A_215 : vector<1x16xf32> to vector<16xf32>
        %swap3A_217 = vector.shape_cast %mul3A_212 : vector<16xf32> to vector<1x16xf32>
        tpu.vector_store %arg10[%swap3A_213, %swap3A_214], %swap3A_217 {strides = array<i32>} : memref<128x128xf32, #tpu.memory_space<vmem>>, vector<1x16xf32>,
        %get3A_218 = arith.index_cast %add3A_147 : i32 to index
        %get3A_219 = arith.constant 112 : index
        %get3A_220 = tpu.vector_load %arg10[%get3A_218, %get3A_219] {strides = array<i32>} : memref<128x128xf32, #tpu.memory_space<vmem>>, vector<1x16xf32>,
        %get3A_221 = vector.shape_cast %get3A_220 : vector<1x16xf32> to vector<16xf32>
        %mul3A_222 = arith.mulf %get3A_221, %gather3A_143 : vector<16xf32>
        %swap3A_223 = arith.index_cast %add3A_147 : i32 to index
        %swap3A_224 = arith.constant 112 : index
        %swap3A_225 = tpu.vector_load %arg10[%swap3A_223, %swap3A_224] {strides = array<i32>} : memref<128x128xf32, #tpu.memory_space<vmem>>, vector<1x16xf32>,
        %swap3A_226 = vector.shape_cast %swap3A_225 : vector<1x16xf32> to vector<16xf32>
        %swap3A_227 = vector.shape_cast %mul3A_222 : vector<16xf32> to vector<1x16xf32>
        tpu.vector_store %arg10[%swap3A_223, %swap3A_224], %swap3A_227 {strides = array<i32>} : memref<128x128xf32, #tpu.memory_space<vmem>>, vector<1x16xf32>,
        %broadcast_in_dim3A_228 = arith.constant 2 : i32
        %broadcast_in_dim3A_229 = vector.broadcast %broadcast_in_dim3A_228 : i32 to vector<16x1xi32>
        %gather3A_230 = vector.shape_cast %broadcast_in_dim3A_229 : vector<16x1xi32> to vector<16xi32>
        %gather3A_231 = tpu.dynamic_gather %get3A_54[%gather3A_230] in [0] : vector<16xf32>, vector<16xi32> -> vector<16xf32>
        %mul3A_232 = arith.constant 16 : i32
        %mul3A_233 = arith.muli %scan3A_49, %mul3A_232 : i32
        %add3A_234 = arith.constant 2 : i32
        %add3A_235 = arith.addi %mul3A_233, %add3A_234 : i32
        %get3A_236 = arith.index_cast %add3A_235 : i32 to index
        %get3A_237 = arith.constant 0 : index
        %get3A_238 = tpu.vector_load %arg10[%get3A_236, %get3A_237] {strides = array<i32>} : memref<128x128xf32, #tpu.memory_space<vmem>>, vector<1x16xf32>,
        %get3A_239 = vector.shape_cast %get3A_238 : vector<1x16xf32> to vector<16xf32>
        %mul3A_240 = arith.mulf %get3A_239, %gather3A_231 : vector<16xf32>
        %swap3A_241 = arith.index_cast %add3A_235 : i32 to index
        %swap3A_242 = arith.constant 0 : index
        %swap3A_243 = tpu.vector_load %arg10[%swap3A_241, %swap3A_242] {strides = array<i32>} : memref<128x128xf32, #tpu.memory_space<vmem>>, vector<1x16xf32>,
        %swap3A_244 = vector.shape_cast %swap3A_243 : vector<1x16xf32> to vector<16xf32>
        %swap3A_245 = vector.shape_cast %mul3A_240 : vector<16xf32> to vector<1x16xf32>
        tpu.vector_store %arg10[%swap3A_241, %swap3A_242], %swap3A_245 {strides = array<i32>} : memref<128x128xf32, #tpu.memory_space<vmem>>, vector<1x16xf32>,
        %get3A_246 = arith.index_cast %add3A_235 : i32 to index
        %get3A_247 = arith.constant 16 : index
        %get3A_248 = tpu.vector_load %arg10[%get3A_246, %get3A_247] {strides = array<i32>} : memref<128x128xf32, #tpu.memory_space<vmem>>, vector<1x16xf32>,
        %get3A_249 = vector.shape_cast %get3A_248 : vector<1x16xf32> to vector<16xf32>
        %mul3A_250 = arith.mulf %get3A_249, %gather3A_231 : vector<16xf32>
        %swap3A_251 = arith.index_cast %add3A_235 : i32 to index
        %swap3A_252 = arith.constant 16 : index
        %swap3A_253 = tpu.vector_load %arg10[%swap3A_251, %swap3A_252] {strides = array<i32>} : memref<128x128xf32, #tpu.memory_space<vmem>>, vector<1x16xf32>,
        %swap3A_254 = vector.shape_cast %swap3A_253 : vector<1x16xf32> to vector<16xf32>
        %swap3A_255 = vector.shape_cast %mul3A_250 : vector<16xf32> to vector<1x16xf32>
        tpu.vector_store %arg10[%swap3A_251, %swap3A_252], %swap3A_255 {strides = array<i32>} : memref<128x128xf32, #tpu.memory_space<vmem>>, vector<1x16xf32>,
        %get3A_256 = arith.index_cast %add3A_235 : i32 to index
        %get3A_257 = arith.constant 32 : index
        %get3A_258 = tpu.vector_load %arg10[%get3A_256, %get3A_257] {strides = array<i32>} : memref<128x128xf32, #tpu.memory_space<vmem>>, vector<1x16xf32>,
        %get3A_259 = vector.shape_cast %get3A_258 : vector<1x16xf32> to vector<16xf32>
        %mul3A_260 = arith.mulf %get3A_259, %gather3A_231 : vector<16xf32>
        %swap3A_261 = arith.index_cast %add3A_235 : i32 to index
        %swap3A_262 = arith.constant 32 : index
        %swap3A_263 = tpu.vector_load %arg10[%swap3A_261, %swap3A_262] {strides = array<i32>} : memref<128x128xf32, #tpu.memory_space<vmem>>, vector<1x16xf32>,
        %swap3A_264 = vector.shape_cast %swap3A_263 : vector<1x16xf32> to vector<16xf32>
        %swap3A_265 = vector.shape_cast %mul3A_260 : vector<16xf32> to vector<1x16xf32>
        tpu.vector_store %arg10[%swap3A_261, %swap3A_262], %swap3A_265 {strides = array<i32>} : memref<128x128xf32, #tpu.memory_space<vmem>>, vector<1x16xf32>,
        %get3A_266 = arith.index_cast %add3A_235 : i32 to index
        %get3A_267 = arith.constant 48 : index
        %get3A_268 = tpu.vector_load %arg10[%get3A_266, %get3A_267] {strides = array<i32>} : memref<128x128xf32, #tpu.memory_space<vmem>>, vector<1x16xf32>,
        %get3A_269 = vector.shape_cast %get3A_268 : vector<1x16xf32> to vector<16xf32>
        %mul3A_270 = arith.mulf %get3A_269, %gather3A_231 : vector<16xf32>
        %swap3A_271 = arith.index_cast %add3A_235 : i32 to index
        %swap3A_272 = arith.constant 48 : index
        %swap3A_273 = tpu.vector_load %arg10[%swap3A_271, %swap3A_272] {strides = array<i32>} : memref<128x128xf32, #tpu.memory_space<vmem>>, vector<1x16xf32>,
        %swap3A_274 = vector.shape_cast %swap3A_273 : vector<1x16xf32> to vector<16xf32>
        %swap3A_275 = vector.shape_cast %mul3A_270 : vector<16xf32> to vector<1x16xf32>
        tpu.vector_store %arg10[%swap3A_271, %swap3A_272], %swap3A_275 {strides = array<i32>} : memref<128x128xf32, #tpu.memory_space<vmem>>, vector<1x16xf32>,
        %get3A_276 = arith.index_cast %add3A_235 : i32 to index
        %get3A_277 = arith.constant 64 : index
        %get3A_278 = tpu.vector_load %arg10[%get3A_276, %get3A_277] {strides = array<i32>} : memref<128x128xf32, #tpu.memory_space<vmem>>, vector<1x16xf32>,
        %get3A_279 = vector.shape_cast %get3A_278 : vector<1x16xf32> to vector<16xf32>
        %mul3A_280 = arith.mulf %get3A_279, %gather3A_231 : vector<16xf32>
        %swap3A_281 = arith.index_cast %add3A_235 : i32 to index
        %swap3A_282 = arith.constant 64 : index
        %swap3A_283 = tpu.vector_load %arg10[%swap3A_281, %swap3A_282] {strides = array<i32>} : memref<128x128xf32, #tpu.memory_space<vmem>>, vector<1x16xf32>,
        %swap3A_284 = vector.shape_cast %swap3A_283 : vector<1x16xf32> to vector<16xf32>
        %swap3A_285 = vector.shape_cast %mul3A_280 : vector<16xf32> to vector<1x16xf32>
        tpu.vector_store %arg10[%swap3A_281, %swap3A_282], %swap3A_285 {strides = array<i32>} : memref<128x128xf32, #tpu.memory_space<vmem>>, vector<1x16xf32>,
        %get3A_286 = arith.index_cast %add3A_235 : i32 to index
        %get3A_287 = arith.constant 80 : index
        %get3A_288 = tpu.vector_load %arg10[%get3A_286, %get3A_287] {strides = array<i32>} : memref<128x128xf32, #tpu.memory_space<vmem>>, vector<1x16xf32>,
        %get3A_289 = vector.shape_cast %get3A_288 : vector<1x16xf32> to vector<16xf32>
        %mul3A_290 = arith.mulf %get3A_289, %gather3A_231 : vector<16xf32>
        %swap3A_291 = arith.index_cast %add3A_235 : i32 to index
        %swap3A_292 = arith.constant 80 : index
        %swap3A_293 = tpu.vector_load %arg10[%swap3A_291, %swap3A_292] {strides = array<i32>} : memref<128x128xf32, #tpu.memory_space<vmem>>, vector<1x16xf32>,
        %swap3A_294 = vector.shape_cast %swap3A_293 : vector<1x16xf32> to vector<16xf32>
        %swap3A_295 = vector.shape_cast %mul3A_290 : vector<16xf32> to vector<1x16xf32>
        tpu.vector_store %arg10[%swap3A_291, %swap3A_292], %swap3A_295 {strides = array<i32>} : memref<128x128xf32, #tpu.memory_space<vmem>>, vector<1x16xf32>,
        %get3A_296 = arith.index_cast %add3A_235 : i32 to index
        %get3A_297 = arith.constant 96 : index
        %get3A_298 = tpu.vector_load %arg10[%get3A_296, %get3A_297] {strides = array<i32>} : memref<128x128xf32, #tpu.memory_space<vmem>>, vector<1x16xf32>,
        %get3A_299 = vector.shape_cast %get3A_298 : vector<1x16xf32> to vector<16xf32>
        %mul3A_300 = arith.mulf %get3A_299, %gather3A_231 : vector<16xf32>
        %swap3A_301 = arith.index_cast %add3A_235 : i32 to index
        %swap3A_302 = arith.constant 96 : index
        %swap3A_303 = tpu.vector_load %arg10[%swap3A_301, %swap3A_302] {strides = array<i32>} : memref<128x128xf32, #tpu.memory_space<vmem>>, vector<1x16xf32>,
        %swap3A_304 = vector.shape_cast %swap3A_303 : vector<1x16xf32> to vector<16xf32>
        %swap3A_305 = vector.shape_cast %mul3A_300 : vector<16xf32> to vector<1x16xf32>
        tpu.vector_store %arg10[%swap3A_301, %swap3A_302], %swap3A_305 {strides = array<i32>} : memref<128x128xf32, #tpu.memory_space<vmem>>, vector<1x16xf32>,
        %get3A_306 = arith.index_cast %add3A_235 : i32 to index
        %get3A_307 = arith.constant 112 : index
        %get3A_308 = tpu.vector_load %arg10[%get3A_306, %get3A_307] {strides = array<i32>} : memref<128x128xf32, #tpu.memory_space<vmem>>, vector<1x16xf32>,
        %get3A_309 = vector.shape_cast %get3A_308 : vector<1x16xf32> to vector<16xf32>
        %mul3A_310 = arith.mulf %get3A_309, %gather3A_231 : vector<16xf32>
        %swap3A_311 = arith.index_cast %add3A_235 : i32 to index
        %swap3A_312 = arith.constant 112 : index
        %swap3A_313 = tpu.vector_load %arg10[%swap3A_311, %swap3A_312] {strides = array<i32>} : memref<128x128xf32, #tpu.memory_space<vmem>>, vector<1x16xf32>,
        %swap3A_314 = vector.shape_cast %swap3A_313 : vector<1x16xf32> to vector<16xf32>
        %swap3A_315 = vector.shape_cast %mul3A_310 : vector<16xf32> to vector<1x16xf32>
        tpu.vector_store %arg10[%swap3A_311, %swap3A_312], %swap3A_315 {strides = array<i32>} : memref<128x128xf32, #tpu.memory_space<vmem>>, vector<1x16xf32>,
        %broadcast_in_dim3A_316 = arith.constant 3 : i32
        %broadcast_in_dim3A_317 = vector.broadcast %broadcast_in_dim3A_316 : i32 to vector<16x1xi32>
        %gather3A_318 = vector.shape_cast %broadcast_in_dim3A_317 : vector<16x1xi32> to vector<16xi32>
        %gather3A_319 = tpu.dynamic_gather %get3A_54[%gather3A_318] in [0] : vector<16xf32>, vector<16xi32> -> vector<16xf32>
        %mul3A_320 = arith.constant 16 : i32
        %mul3A_321 = arith.muli %scan3A_49, %mul3A_320 : i32
        %add3A_322 = arith.constant 3 : i32
        %add3A_323 = arith.addi %mul3A_321, %add3A_322 : i32
        %get3A_324 = arith.index_cast %add3A_323 : i32 to index
        %get3A_325 = arith.constant 0 : index
        %get3A_326 = tpu.vector_load %arg10[%get3A_324, %get3A_325] {strides = array<i32>} : memref<128x128xf32, #tpu.memory_space<vmem>>, vector<1x16xf32>,
        %get3A_327 = vector.shape_cast %get3A_326 : vector<1x16xf32> to vector<16xf32>
        %mul3A_328 = arith.mulf %get3A_327, %gather3A_319 : vector<16xf32>
        %swap3A_329 = arith.index_cast %add3A_323 : i32 to index
        %swap3A_330 = arith.constant 0 : index
        %swap3A_331 = tpu.vector_load %arg10[%swap3A_329, %swap3A_330] {strides = array<i32>} : memref<128x128xf32, #tpu.memory_space<vmem>>, vector<1x16xf32>,
        %swap3A_332 = vector.shape_cast %swap3A_331 : vector<1x16xf32> to vector<16xf32>
        %swap3A_333 = vector.shape_cast %mul3A_328 : vector<16xf32> to vector<1x16xf32>
        tpu.vector_store %arg10[%swap3A_329, %swap3A_330], %swap3A_333 {strides = array<i32>} : memref<128x128xf32, #tpu.memory_space<vmem>>, vector<1x16xf32>,
        %get3A_334 = arith.index_cast %add3A_323 : i32 to index
        %get3A_335 = arith.constant 16 : index
        %get3A_336 = tpu.vector_load %arg10[%get3A_334, %get3A_335] {strides = array<i32>} : memref<128x128xf32, #tpu.memory_space<vmem>>, vector<1x16xf32>,
        %get3A_337 = vector.shape_cast %get3A_336 : vector<1x16xf32> to vector<16xf32>
        %mul3A_338 = arith.mulf %get3A_337, %gather3A_319 : vector<16xf32>
        %swap3A_339 = arith.index_cast %add3A_323 : i32 to index
        %swap3A_340 = arith.constant 16 : index
        %swap3A_341 = tpu.vector_load %arg10[%swap3A_339, %swap3A_340] {strides = array<i32>} : memref<128x128xf32, #tpu.memory_space<vmem>>, vector<1x16xf32>,
        %swap3A_342 = vector.shape_cast %swap3A_341 : vector<1x16xf32> to vector<16xf32>
        %swap3A_343 = vector.shape_cast %mul3A_338 : vector<16xf32> to vector<1x16xf32>
        tpu.vector_store %arg10[%swap3A_339, %swap3A_340], %swap3A_343 {strides = array<i32>} : memref<128x128xf32, #tpu.memory_space<vmem>>, vector<1x16xf32>,
        %get3A_344 = arith.index_cast %add3A_323 : i32 to index
        %get3A_345 = arith.constant 32 : index
        %get3A_346 = tpu.vector_load %arg10[%get3A_344, %get3A_345] {strides = array<i32>} : memref<128x128xf32, #tpu.memory_space<vmem>>, vector<1x16xf32>,
        %get3A_347 = vector.shape_cast %get3A_346 : vector<1x16xf32> to vector<16xf32>
        %mul3A_348 = arith.mulf %get3A_347, %gather3A_319 : vector<16xf32>
        %swap3A_349 = arith.index_cast %add3A_323 : i32 to index
        %swap3A_350 = arith.constant 32 : index
        %swap3A_351 = tpu.vector_load %arg10[%swap3A_349, %swap3A_350] {strides = array<i32>} : memref<128x128xf32, #tpu.memory_space<vmem>>, vector<1x16xf32>,
        %swap3A_352 = vector.shape_cast %swap3A_351 : vector<1x16xf32> to vector<16xf32>
        %swap3A_353 = vector.shape_cast %mul3A_348 : vector<16xf32> to vector<1x16xf32>
        tpu.vector_store %arg10[%swap3A_349, %swap3A_350], %swap3A_353 {strides = array<i32>} : memref<128x128xf32, #tpu.memory_space<vmem>>, vector<1x16xf32>,
        %get3A_354 = arith.index_cast %add3A_323 : i32 to index
        %get3A_355 = arith.constant 48 : index
        %get3A_356 = tpu.vector_load %arg10[%get3A_354, %get3A_355] {strides = array<i32>} : memref<128x128xf32, #tpu.memory_space<vmem>>, vector<1x16xf32>,
        %get3A_357 = vector.shape_cast %get3A_356 : vector<1x16xf32> to vector<16xf32>
        %mul3A_358 = arith.mulf %get3A_357, %gather3A_319 : vector<16xf32>
        %swap3A_359 = arith.index_cast %add3A_323 : i32 to index
        %swap3A_360 = arith.constant 48 : index
        %swap3A_361 = tpu.vector_load %arg10[%swap3A_359, %swap3A_360] {strides = array<i32>} : memref<128x128xf32, #tpu.memory_space<vmem>>, vector<1x16xf32>,
        %swap3A_362 = vector.shape_cast %swap3A_361 : vector<1x16xf32> to vector<16xf32>
        %swap3A_363 = vector.shape_cast %mul3A_358 : vector<16xf32> to vector<1x16xf32>
        tpu.vector_store %arg10[%swap3A_359, %swap3A_360], %swap3A_363 {strides = array<i32>} : memref<128x128xf32, #tpu.memory_space<vmem>>, vector<1x16xf32>,
        %get3A_364 = arith.index_cast %add3A_323 : i32 to index
        %get3A_365 = arith.constant 64 : index
        %get3A_366 = tpu.vector_load %arg10[%get3A_364, %get3A_365] {strides = array<i32>} : memref<128x128xf32, #tpu.memory_space<vmem>>, vector<1x16xf32>,
        %get3A_367 = vector.shape_cast %get3A_366 : vector<1x16xf32> to vector<16xf32>
        %mul3A_368 = arith.mulf %get3A_367, %gather3A_319 : vector<16xf32>
        %swap3A_369 = arith.index_cast %add3A_323 : i32 to index
        %swap3A_370 = arith.constant 64 : index
        %swap3A_371 = tpu.vector_load %arg10[%swap3A_369, %swap3A_370] {strides = array<i32>} : memref<128x128xf32, #tpu.memory_space<vmem>>, vector<1x16xf32>,
        %swap3A_372 = vector.shape_cast %swap3A_371 : vector<1x16xf32> to vector<16xf32>
        %swap3A_373 = vector.shape_cast %mul3A_368 : vector<16xf32> to vector<1x16xf32>
        tpu.vector_store %arg10[%swap3A_369, %swap3A_370], %swap3A_373 {strides = array<i32>} : memref<128x128xf32, #tpu.memory_space<vmem>>, vector<1x16xf32>,
        %get3A_374 = arith.index_cast %add3A_323 : i32 to index
        %get3A_375 = arith.constant 80 : index
        %get3A_376 = tpu.vector_load %arg10[%get3A_374, %get3A_375] {strides = array<i32>} : memref<128x128xf32, #tpu.memory_space<vmem>>, vector<1x16xf32>,
        %get3A_377 = vector.shape_cast %get3A_376 : vector<1x16xf32> to vector<16xf32>
        %mul3A_378 = arith.mulf %get3A_377, %gather3A_319 : vector<16xf32>
        %swap3A_379 = arith.index_cast %add3A_323 : i32 to index
        %swap3A_380 = arith.constant 80 : index
        %swap3A_381 = tpu.vector_load %arg10[%swap3A_379, %swap3A_380] {strides = array<i32>} : memref<128x128xf32, #tpu.memory_space<vmem>>, vector<1x16xf32>,
        %swap3A_382 = vector.shape_cast %swap3A_381 : vector<1x16xf32> to vector<16xf32>
        %swap3A_383 = vector.shape_cast %mul3A_378 : vector<16xf32> to vector<1x16xf32>
        tpu.vector_store %arg10[%swap3A_379, %swap3A_380], %swap3A_383 {strides = array<i32>} : memref<128x128xf32, #tpu.memory_space<vmem>>, vector<1x16xf32>,
        %get3A_384 = arith.index_cast %add3A_323 : i32 to index
        %get3A_385 = arith.constant 96 : index
        %get3A_386 = tpu.vector_load %arg10[%get3A_384, %get3A_385] {strides = array<i32>} : memref<128x128xf32, #tpu.memory_space<vmem>>, vector<1x16xf32>,
        %get3A_387 = vector.shape_cast %get3A_386 : vector<1x16xf32> to vector<16xf32>
        %mul3A_388 = arith.mulf %get3A_387, %gather3A_319 : vector<16xf32>
        %swap3A_389 = arith.index_cast %add3A_323 : i32 to index
        %swap3A_390 = arith.constant 96 : index
        %swap3A_391 = tpu.vector_load %arg10[%swap3A_389, %swap3A_390] {strides = array<i32>} : memref<128x128xf32, #tpu.memory_space<vmem>>, vector<1x16xf32>,
        %swap3A_392 = vector.shape_cast %swap3A_391 : vector<1x16xf32> to vector<16xf32>
        %swap3A_393 = vector.shape_cast %mul3A_388 : vector<16xf32> to vector<1x16xf32>
        tpu.vector_store %arg10[%swap3A_389, %swap3A_390], %swap3A_393 {strides = array<i32>} : memref<128x128xf32, #tpu.memory_space<vmem>>, vector<1x16xf32>,
        %get3A_394 = arith.index_cast %add3A_323 : i32 to index
        %get3A_395 = arith.constant 112 : index
        %get3A_396 = tpu.vector_load %arg10[%get3A_394, %get3A_395] {strides = array<i32>} : memref<128x128xf32, #tpu.memory_space<vmem>>, vector<1x16xf32>,
        %get3A_397 = vector.shape_cast %get3A_396 : vector<1x16xf32> to vector<16xf32>
        %mul3A_398 = arith.mulf %get3A_397, %gather3A_319 : vector<16xf32>
        %swap3A_399 = arith.index_cast %add3A_323 : i32 to index
        %swap3A_400 = arith.constant 112 : index
        %swap3A_401 = tpu.vector_load %arg10[%swap3A_399, %swap3A_400] {strides = array<i32>} : memref<128x128xf32, #tpu.memory_space<vmem>>, vector<1x16xf32>,
        %swap3A_402 = vector.shape_cast %swap3A_401 : vector<1x16xf32> to vector<16xf32>
        %swap3A_403 = vector.shape_cast %mul3A_398 : vector<16xf32> to vector<1x16xf32>
        tpu.vector_store %arg10[%swap3A_399, %swap3A_400], %swap3A_403 {strides = array<i32>} : memref<128x128xf32, #tpu.memory_space<vmem>>, vector<1x16xf32>,
        %broadcast_in_dim3A_404 = arith.constant 4 : i32
        %broadcast_in_dim3A_405 = vector.broadcast %broadcast_in_dim3A_404 : i32 to vector<16x1xi32>
        %gather3A_406 = vector.shape_cast %broadcast_in_dim3A_405 : vector<16x1xi32> to vector<16xi32>
        %gather3A_407 = tpu.dynamic_gather %get3A_54[%gather3A_406] in [0] : vector<16xf32>, vector<16xi32> -> vector<16xf32>
        %mul3A_408 = arith.constant 16 : i32
        %mul3A_409 = arith.muli %scan3A_49, %mul3A_408 : i32
        %add3A_410 = arith.constant 4 : i32
        %add3A_411 = arith.addi %mul3A_409, %add3A_410 : i32
        %get3A_412 = arith.index_cast %add3A_411 : i32 to index
        %get3A_413 = arith.constant 0 : index
        %get3A_414 = tpu.vector_load %arg10[%get3A_412, %get3A_413] {strides = array<i32>} : memref<128x128xf32, #tpu.memory_space<vmem>>, vector<1x16xf32>,
        %get3A_415 = vector.shape_cast %get3A_414 : vector<1x16xf32> to vector<16xf32>
        %mul3A_416 = arith.mulf %get3A_415, %gather3A_407 : vector<16xf32>
        %swap3A_417 = arith.index_cast %add3A_411 : i32 to index
        %swap3A_418 = arith.constant 0 : index
        %swap3A_419 = tpu.vector_load %arg10[%swap3A_417, %swap3A_418] {strides = array<i32>} : memref<128x128xf32, #tpu.memory_space<vmem>>, vector<1x16xf32>,
        %swap3A_420 = vector.shape_cast %swap3A_419 : vector<1x16xf32> to vector<16xf32>
        %swap3A_421 = vector.shape_cast %mul3A_416 : vector<16xf32> to vector<1x16xf32>
        tpu.vector_store %arg10[%swap3A_417, %swap3A_418], %swap3A_421 {strides = array<i32>} : memref<128x128xf32, #tpu.memory_space<vmem>>, vector<1x16xf32>,
        %get3A_422 = arith.index_cast %add3A_411 : i32 to index
        %get3A_423 = arith.constant 16 : index
        %get3A_424 = tpu.vector_load %arg10[%get3A_422, %get3A_423] {strides = array<i32>} : memref<128x128xf32, #tpu.memory_space<vmem>>, vector<1x16xf32>,
        %get3A_425 = vector.shape_cast %get3A_424 : vector<1x16xf32> to vector<16xf32>
        %mul3A_426 = arith.mulf %get3A_425, %gather3A_407 : vector<16xf32>
        %swap3A_427 = arith.index_cast %add3A_411 : i32 to index
        %swap3A_428 = arith.constant 16 : index
        %swap3A_429 = tpu.vector_load %arg10[%swap3A_427, %swap3A_428] {strides = array<i32>} : memref<128x128xf32, #tpu.memory_space<vmem>>, vector<1x16xf32>,
        %swap3A_430 = vector.shape_cast %swap3A_429 : vector<1x16xf32> to vector<16xf32>
        %swap3A_431 = vector.shape_cast %mul3A_426 : vector<16xf32> to vector<1x16xf32>
        tpu.vector_store %arg10[%swap3A_427, %swap3A_428], %swap3A_431 {strides = array<i32>} : memref<128x128xf32, #tpu.memory_space<vmem>>, vector<1x16xf32>,
        %get3A_432 = arith.index_cast %add3A_411 : i32 to index
        %get3A_433 = arith.constant 32 : index
        %get3A_434 = tpu.vector_load %arg10[%get3A_432, %get3A_433] {strides = array<i32>} : memref<128x128xf32, #tpu.memory_space<vmem>>, vector<1x16xf32>,
        %get3A_435 = vector.shape_cast %get3A_434 : vector<1x16xf32> to vector<16xf32>
        %mul3A_436 = arith.mulf %get3A_435, %gather3A_407 : vector<16xf32>
        %swap3A_437 = arith.index_cast %add3A_411 : i32 to index
        %swap3A_438 = arith.constant 32 : index
        %swap3A_439 = tpu.vector_load %arg10[%swap3A_437, %swap3A_438] {strides = array<i32>} : memref<128x128xf32, #tpu.memory_space<vmem>>, vector<1x16xf32>,
        %swap3A_440 = vector.shape_cast %swap3A_439 : vector<1x16xf32> to vector<16xf32>
        %swap3A_441 = vector.shape_cast %mul3A_436 : vector<16xf32> to vector<1x16xf32>
        tpu.vector_store %arg10[%swap3A_437, %swap3A_438], %swap3A_441 {strides = array<i32>} : memref<128x128xf32, #tpu.memory_space<vmem>>, vector<1x16xf32>,
        %get3A_442 = arith.index_cast %add3A_411 : i32 to index
        %get3A_443 = arith.constant 48 : index
        %get3A_444 = tpu.vector_load %arg10[%get3A_442, %get3A_443] {strides = array<i32>} : memref<128x128xf32, #tpu.memory_space<vmem>>, vector<1x16xf32>,
        %get3A_445 = vector.shape_cast %get3A_444 : vector<1x16xf32> to vector<16xf32>
        %mul3A_446 = arith.mulf %get3A_445, %gather3A_407 : vector<16xf32>
        %swap3A_447 = arith.index_cast %add3A_411 : i32 to index
        %swap3A_448 = arith.constant 48 : index
        %swap3A_449 = tpu.vector_load %arg10[%swap3A_447, %swap3A_448] {strides = array<i32>} : memref<128x128xf32, #tpu.memory_space<vmem>>, vector<1x16xf32>,
        %swap3A_450 = vector.shape_cast %swap3A_449 : vector<1x16xf32> to vector<16xf32>
        %swap3A_451 = vector.shape_cast %mul3A_446 : vector<16xf32> to vector<1x16xf32>
        tpu.vector_store %arg10[%swap3A_447, %swap3A_448], %swap3A_451 {strides = array<i32>} : memref<128x128xf32, #tpu.memory_space<vmem>>, vector<1x16xf32>,
        %get3A_452 = arith.index_cast %add3A_411 : i32 to index
        %get3A_453 = arith.constant 64 : index
        %get3A_454 = tpu.vector_load %arg10[%get3A_452, %get3A_453] {strides = array<i32>} : memref<128x128xf32, #tpu.memory_space<vmem>>, vector<1x16xf32>,
        %get3A_455 = vector.shape_cast %get3A_454 : vector<1x16xf32> to vector<16xf32>
        %mul3A_456 = arith.mulf %get3A_455, %gather3A_407 : vector<16xf32>
        %swap3A_457 = arith.index_cast %add3A_411 : i32 to index
        %swap3A_458 = arith.constant 64 : index
        %swap3A_459 = tpu.vector_load %arg10[%swap3A_457, %swap3A_458] {strides = array<i32>} : memref<128x128xf32, #tpu.memory_space<vmem>>, vector<1x16xf32>,
        %swap3A_460 = vector.shape_cast %swap3A_459 : vector<1x16xf32> to vector<16xf32>
        %swap3A_461 = vector.shape_cast %mul3A_456 : vector<16xf32> to vector<1x16xf32>
        tpu.vector_store %arg10[%swap3A_457, %swap3A_458], %swap3A_461 {strides = array<i32>} : memref<128x128xf32, #tpu.memory_space<vmem>>, vector<1x16xf32>,
        %get3A_462 = arith.index_cast %add3A_411 : i32 to index
        %get3A_463 = arith.constant 80 : index
        %get3A_464 = tpu.vector_load %arg10[%get3A_462, %get3A_463] {strides = array<i32>} : memref<128x128xf32, #tpu.memory_space<vmem>>, vector<1x16xf32>,
        %get3A_465 = vector.shape_cast %get3A_464 : vector<1x16xf32> to vector<16xf32>
        %mul3A_466 = arith.mulf %get3A_465, %gather3A_407 : vector<16xf32>
        %swap3A_467 = arith.index_cast %add3A_411 : i32 to index
        %swap3A_468 = arith.constant 80 : index
        %swap3A_469 = tpu.vector_load %arg10[%swap3A_467, %swap3A_468] {strides = array<i32>} : memref<128x128xf32, #tpu.memory_space<vmem>>, vector<1x16xf32>,
        %swap3A_470 = vector.shape_cast %swap3A_469 : vector<1x16xf32> to vector<16xf32>
        %swap3A_471 = vector.shape_cast %mul3A_466 : vector<16xf32> to vector<1x16xf32>
        tpu.vector_store %arg10[%swap3A_467, %swap3A_468], %swap3A_471 {strides = array<i32>} : memref<128x128xf32, #tpu.memory_space<vmem>>, vector<1x16xf32>,
        %get3A_472 = arith.index_cast %add3A_411 : i32 to index
        %get3A_473 = arith.constant 96 : index
        %get3A_474 = tpu.vector_load %arg10[%get3A_472, %get3A_473] {strides = array<i32>} : memref<128x128xf32, #tpu.memory_space<vmem>>, vector<1x16xf32>,
        %get3A_475 = vector.shape_cast %get3A_474 : vector<1x16xf32> to vector<16xf32>
        %mul3A_476 = arith.mulf %get3A_475, %gather3A_407 : vector<16xf32>
        %swap3A_477 = arith.index_cast %add3A_411 : i32 to index
        %swap3A_478 = arith.constant 96 : index
        %swap3A_479 = tpu.vector_load %arg10[%swap3A_477, %swap3A_478] {strides = array<i32>} : memref<128x128xf32, #tpu.memory_space<vmem>>, vector<1x16xf32>,
        %swap3A_480 = vector.shape_cast %swap3A_479 : vector<1x16xf32> to vector<16xf32>
        %swap3A_481 = vector.shape_cast %mul3A_476 : vector<16xf32> to vector<1x16xf32>
        tpu.vector_store %arg10[%swap3A_477, %swap3A_478], %swap3A_481 {strides = array<i32>} : memref<128x128xf32, #tpu.memory_space<vmem>>, vector<1x16xf32>,
        %get3A_482 = arith.index_cast %add3A_411 : i32 to index
        %get3A_483 = arith.constant 112 : index
        %get3A_484 = tpu.vector_load %arg10[%get3A_482, %get3A_483] {strides = array<i32>} : memref<128x128xf32, #tpu.memory_space<vmem>>, vector<1x16xf32>,
        %get3A_485 = vector.shape_cast %get3A_484 : vector<1x16xf32> to vector<16xf32>
        %mul3A_486 = arith.mulf %get3A_485, %gather3A_407 : vector<16xf32>
        %swap3A_487 = arith.index_cast %add3A_411 : i32 to index
        %swap3A_488 = arith.constant 112 : index
        %swap3A_489 = tpu.vector_load %arg10[%swap3A_487, %swap3A_488] {strides = array<i32>} : memref<128x128xf32, #tpu.memory_space<vmem>>, vector<1x16xf32>,
        %swap3A_490 = vector.shape_cast %swap3A_489 : vector<1x16xf32> to vector<16xf32>
        %swap3A_491 = vector.shape_cast %mul3A_486 : vector<16xf32> to vector<1x16xf32>
        tpu.vector_store %arg10[%swap3A_487, %swap3A_488], %swap3A_491 {strides = array<i32>} : memref<128x128xf32, #tpu.memory_space<vmem>>, vector<1x16xf32>,
        %broadcast_in_dim3A_492 = arith.constant 5 : i32
        %broadcast_in_dim3A_493 = vector.broadcast %broadcast_in_dim3A_492 : i32 to vector<16x1xi32>
        %gather3A_494 = vector.shape_cast %broadcast_in_dim3A_493 : vector<16x1xi32> to vector<16xi32>
        %gather3A_495 = tpu.dynamic_gather %get3A_54[%gather3A_494] in [0] : vector<16xf32>, vector<16xi32> -> vector<16xf32>
        %mul3A_496 = arith.constant 16 : i32
        %mul3A_497 = arith.muli %scan3A_49, %mul3A_496 : i32
        %add3A_498 = arith.constant 5 : i32
        %add3A_499 = arith.addi %mul3A_497, %add3A_498 : i32
        %get3A_500 = arith.index_cast %add3A_499 : i32 to index
        %get3A_501 = arith.constant 0 : index
        %get3A_502 = tpu.vector_load %arg10[%get3A_500, %get3A_501] {strides = array<i32>} : memref<128x128xf32, #tpu.memory_space<vmem>>, vector<1x16xf32>,
        %get3A_503 = vector.shape_cast %get3A_502 : vector<1x16xf32> to vector<16xf32>
        %mul3A_504 = arith.mulf %get3A_503, %gather3A_495 : vector<16xf32>
        %swap3A_505 = arith.index_cast %add3A_499 : i32 to index
        %swap3A_506 = arith.constant 0 : index
        %swap3A_507 = tpu.vector_load %arg10[%swap3A_505, %swap3A_506] {strides = array<i32>} : memref<128x128xf32, #tpu.memory_space<vmem>>, vector<1x16xf32>,
        %swap3A_508 = vector.shape_cast %swap3A_507 : vector<1x16xf32> to vector<16xf32>
        %swap3A_509 = vector.shape_cast %mul3A_504 : vector<16xf32> to vector<1x16xf32>
        tpu.vector_store %arg10[%swap3A_505, %swap3A_506], %swap3A_509 {strides = array<i32>} : memref<128x128xf32, #tpu.memory_space<vmem>>, vector<1x16xf32>,
        %get3A_510 = arith.index_cast %add3A_499 : i32 to index
        %get3A_511 = arith.constant 16 : index
        %get3A_512 = tpu.vector_load %arg10[%get3A_510, %get3A_511] {strides = array<i32>} : memref<128x128xf32, #tpu.memory_space<vmem>>, vector<1x16xf32>,
        %get3A_513 = vector.shape_cast %get3A_512 : vector<1x16xf32> to vector<16xf32>
        %mul3A_514 = arith.mulf %get3A_513, %gather3A_495 : vector<16xf32>
        %swap3A_515 = arith.index_cast %add3A_499 : i32 to index
        %swap3A_516 = arith.constant 16 : index
        %swap3A_517 = tpu.vector_load %arg10[%swap3A_515, %swap3A_516] {strides = array<i32>} : memref<128x128xf32, #tpu.memory_space<vmem>>, vector<1x16xf32>,
        %swap3A_518 = vector.shape_cast %swap3A_517 : vector<1x16xf32> to vector<16xf32>
        %swap3A_519 = vector.shape_cast %mul3A_514 : vector<16xf32> to vector<1x16xf32>
        tpu.vector_store %arg10[%swap3A_515, %swap3A_516], %swap3A_519 {strides = array<i32>} : memref<128x128xf32, #tpu.memory_space<vmem>>, vector<1x16xf32>,
        %get3A_520 = arith.index_cast %add3A_499 : i32 to index
        %get3A_521 = arith.constant 32 : index
        %get3A_522 = tpu.vector_load %arg10[%get3A_520, %get3A_521] {strides = array<i32>} : memref<128x128xf32, #tpu.memory_space<vmem>>, vector<1x16xf32>,
        %get3A_523 = vector.shape_cast %get3A_522 : vector<1x16xf32> to vector<16xf32>
        %mul3A_524 = arith.mulf %get3A_523, %gather3A_495 : vector<16xf32>
        %swap3A_525 = arith.index_cast %add3A_499 : i32 to index
        %swap3A_526 = arith.constant 32 : index
        %swap3A_527 = tpu.vector_load %arg10[%swap3A_525, %swap3A_526] {strides = array<i32>} : memref<128x128xf32, #tpu.memory_space<vmem>>, vector<1x16xf32>,
        %swap3A_528 = vector.shape_cast %swap3A_527 : vector<1x16xf32> to vector<16xf32>
        %swap3A_529 = vector.shape_cast %mul3A_524 : vector<16xf32> to vector<1x16xf32>
        tpu.vector_store %arg10[%swap3A_525, %swap3A_526], %swap3A_529 {strides = array<i32>} : memref<128x128xf32, #tpu.memory_space<vmem>>, vector<1x16xf32>,
        %get3A_530 = arith.index_cast %add3A_499 : i32 to index
        %get3A_531 = arith.constant 48 : index
        %get3A_532 = tpu.vector_load %arg10[%get3A_530, %get3A_531] {strides = array<i32>} : memref<128x128xf32, #tpu.memory_space<vmem>>, vector<1x16xf32>,
        %get3A_533 = vector.shape_cast %get3A_532 : vector<1x16xf32> to vector<16xf32>
        %mul3A_534 = arith.mulf %get3A_533, %gather3A_495 : vector<16xf32>
        %swap3A_535 = arith.index_cast %add3A_499 : i32 to index
        %swap3A_536 = arith.constant 48 : index
        %swap3A_537 = tpu.vector_load %arg10[%swap3A_535, %swap3A_536] {strides = array<i32>} : memref<128x128xf32, #tpu.memory_space<vmem>>, vector<1x16xf32>,
        %swap3A_538 = vector.shape_cast %swap3A_537 : vector<1x16xf32> to vector<16xf32>
        %swap3A_539 = vector.shape_cast %mul3A_534 : vector<16xf32> to vector<1x16xf32>
        tpu.vector_store %arg10[%swap3A_535, %swap3A_536], %swap3A_539 {strides = array<i32>} : memref<128x128xf32, #tpu.memory_space<vmem>>, vector<1x16xf32>,
        %get3A_540 = arith.index_cast %add3A_499 : i32 to index
        %get3A_541 = arith.constant 64 : index
        %get3A_542 = tpu.vector_load %arg10[%get3A_540, %get3A_541] {strides = array<i32>} : memref<128x128xf32, #tpu.memory_space<vmem>>, vector<1x16xf32>,
        %get3A_543 = vector.shape_cast %get3A_542 : vector<1x16xf32> to vector<16xf32>
        %mul3A_544 = arith.mulf %get3A_543, %gather3A_495 : vector<16xf32>
        %swap3A_545 = arith.index_cast %add3A_499 : i32 to index
        %swap3A_546 = arith.constant 64 : index
        %swap3A_547 = tpu.vector_load %arg10[%swap3A_545, %swap3A_546] {strides = array<i32>} : memref<128x128xf32, #tpu.memory_space<vmem>>, vector<1x16xf32>,
        %swap3A_548 = vector.shape_cast %swap3A_547 : vector<1x16xf32> to vector<16xf32>
        %swap3A_549 = vector.shape_cast %mul3A_544 : vector<16xf32> to vector<1x16xf32>
        tpu.vector_store %arg10[%swap3A_545, %swap3A_546], %swap3A_549 {strides = array<i32>} : memref<128x128xf32, #tpu.memory_space<vmem>>, vector<1x16xf32>,
        %get3A_550 = arith.index_cast %add3A_499 : i32 to index
        %get3A_551 = arith.constant 80 : index
        %get3A_552 = tpu.vector_load %arg10[%get3A_550, %get3A_551] {strides = array<i32>} : memref<128x128xf32, #tpu.memory_space<vmem>>, vector<1x16xf32>,
        %get3A_553 = vector.shape_cast %get3A_552 : vector<1x16xf32> to vector<16xf32>
        %mul3A_554 = arith.mulf %get3A_553, %gather3A_495 : vector<16xf32>
        %swap3A_555 = arith.index_cast %add3A_499 : i32 to index
        %swap3A_556 = arith.constant 80 : index
        %swap3A_557 = tpu.vector_load %arg10[%swap3A_555, %swap3A_556] {strides = array<i32>} : memref<128x128xf32, #tpu.memory_space<vmem>>, vector<1x16xf32>,
        %swap3A_558 = vector.shape_cast %swap3A_557 : vector<1x16xf32> to vector<16xf32>
        %swap3A_559 = vector.shape_cast %mul3A_554 : vector<16xf32> to vector<1x16xf32>
        tpu.vector_store %arg10[%swap3A_555, %swap3A_556], %swap3A_559 {strides = array<i32>} : memref<128x128xf32, #tpu.memory_space<vmem>>, vector<1x16xf32>,
        %get3A_560 = arith.index_cast %add3A_499 : i32 to index
        %get3A_561 = arith.constant 96 : index
        %get3A_562 = tpu.vector_load %arg10[%get3A_560, %get3A_561] {strides = array<i32>} : memref<128x128xf32, #tpu.memory_space<vmem>>, vector<1x16xf32>,
        %get3A_563 = vector.shape_cast %get3A_562 : vector<1x16xf32> to vector<16xf32>
        %mul3A_564 = arith.mulf %get3A_563, %gather3A_495 : vector<16xf32>
        %swap3A_565 = arith.index_cast %add3A_499 : i32 to index
        %swap3A_566 = arith.constant 96 : index
        %swap3A_567 = tpu.vector_load %arg10[%swap3A_565, %swap3A_566] {strides = array<i32>} : memref<128x128xf32, #tpu.memory_space<vmem>>, vector<1x16xf32>,
        %swap3A_568 = vector.shape_cast %swap3A_567 : vector<1x16xf32> to vector<16xf32>
        %swap3A_569 = vector.shape_cast %mul3A_564 : vector<16xf32> to vector<1x16xf32>
        tpu.vector_store %arg10[%swap3A_565, %swap3A_566], %swap3A_569 {strides = array<i32>} : memref<128x128xf32, #tpu.memory_space<vmem>>, vector<1x16xf32>,
        %get3A_570 = arith.index_cast %add3A_499 : i32 to index
        %get3A_571 = arith.constant 112 : index
        %get3A_572 = tpu.vector_load %arg10[%get3A_570, %get3A_571] {strides = array<i32>} : memref<128x128xf32, #tpu.memory_space<vmem>>, vector<1x16xf32>,
        %get3A_573 = vector.shape_cast %get3A_572 : vector<1x16xf32> to vector<16xf32>
        %mul3A_574 = arith.mulf %get3A_573, %gather3A_495 : vector<16xf32>
        %swap3A_575 = arith.index_cast %add3A_499 : i32 to index
        %swap3A_576 = arith.constant 112 : index
        %swap3A_577 = tpu.vector_load %arg10[%swap3A_575, %swap3A_576] {strides = array<i32>} : memref<128x128xf32, #tpu.memory_space<vmem>>, vector<1x16xf32>,
        %swap3A_578 = vector.shape_cast %swap3A_577 : vector<1x16xf32> to vector<16xf32>
        %swap3A_579 = vector.shape_cast %mul3A_574 : vector<16xf32> to vector<1x16xf32>
        tpu.vector_store %arg10[%swap3A_575, %swap3A_576], %swap3A_579 {strides = array<i32>} : memref<128x128xf32, #tpu.memory_space<vmem>>, vector<1x16xf32>,
        %broadcast_in_dim3A_580 = arith.constant 6 : i32
        %broadcast_in_dim3A_581 = vector.broadcast %broadcast_in_dim3A_580 : i32 to vector<16x1xi32>
        %gather3A_582 = vector.shape_cast %broadcast_in_dim3A_581 : vector<16x1xi32> to vector<16xi32>
        %gather3A_583 = tpu.dynamic_gather %get3A_54[%gather3A_582] in [0] : vector<16xf32>, vector<16xi32> -> vector<16xf32>
        %mul3A_584 = arith.constant 16 : i32
        %mul3A_585 = arith.muli %scan3A_49, %mul3A_584 : i32
        %add3A_586 = arith.constant 6 : i32
        %add3A_587 = arith.addi %mul3A_585, %add3A_586 : i32
        %get3A_588 = arith.index_cast %add3A_587 : i32 to index
        %get3A_589 = arith.constant 0 : index
        %get3A_590 = tpu.vector_load %arg10[%get3A_588, %get3A_589] {strides = array<i32>} : memref<128x128xf32, #tpu.memory_space<vmem>>, vector<1x16xf32>,
        %get3A_591 = vector.shape_cast %get3A_590 : vector<1x16xf32> to vector<16xf32>
        %mul3A_592 = arith.mulf %get3A_591, %gather3A_583 : vector<16xf32>
        %swap3A_593 = arith.index_cast %add3A_587 : i32 to index
        %swap3A_594 = arith.constant 0 : index
        %swap3A_595 = tpu.vector_load %arg10[%swap3A_593, %swap3A_594] {strides = array<i32>} : memref<128x128xf32, #tpu.memory_space<vmem>>, vector<1x16xf32>,
        %swap3A_596 = vector.shape_cast %swap3A_595 : vector<1x16xf32> to vector<16xf32>
        %swap3A_597 = vector.shape_cast %mul3A_592 : vector<16xf32> to vector<1x16xf32>
        tpu.vector_store %arg10[%swap3A_593, %swap3A_594], %swap3A_597 {strides = array<i32>} : memref<128x128xf32, #tpu.memory_space<vmem>>, vector<1x16xf32>,
        %get3A_598 = arith.index_cast %add3A_587 : i32 to index
        %get3A_599 = arith.constant 16 : index
        %get3A_600 = tpu.vector_load %arg10[%get3A_598, %get3A_599] {strides = array<i32>} : memref<128x128xf32, #tpu.memory_space<vmem>>, vector<1x16xf32>,
        %get3A_601 = vector.shape_cast %get3A_600 : vector<1x16xf32> to vector<16xf32>
        %mul3A_602 = arith.mulf %get3A_601, %gather3A_583 : vector<16xf32>
        %swap3A_603 = arith.index_cast %add3A_587 : i32 to index
        %swap3A_604 = arith.constant 16 : index
        %swap3A_605 = tpu.vector_load %arg10[%swap3A_603, %swap3A_604] {strides = array<i32>} : memref<128x128xf32, #tpu.memory_space<vmem>>, vector<1x16xf32>,
        %swap3A_606 = vector.shape_cast %swap3A_605 : vector<1x16xf32> to vector<16xf32>
        %swap3A_607 = vector.shape_cast %mul3A_602 : vector<16xf32> to vector<1x16xf32>
        tpu.vector_store %arg10[%swap3A_603, %swap3A_604], %swap3A_607 {strides = array<i32>} : memref<128x128xf32, #tpu.memory_space<vmem>>, vector<1x16xf32>,
        %get3A_608 = arith.index_cast %add3A_587 : i32 to index
        %get3A_609 = arith.constant 32 : index
        %get3A_610 = tpu.vector_load %arg10[%get3A_608, %get3A_609] {strides = array<i32>} : memref<128x128xf32, #tpu.memory_space<vmem>>, vector<1x16xf32>,
        %get3A_611 = vector.shape_cast %get3A_610 : vector<1x16xf32> to vector<16xf32>
        %mul3A_612 = arith.mulf %get3A_611, %gather3A_583 : vector<16xf32>
        %swap3A_613 = arith.index_cast %add3A_587 : i32 to index
        %swap3A_614 = arith.constant 32 : index
        %swap3A_615 = tpu.vector_load %arg10[%swap3A_613, %swap3A_614] {strides = array<i32>} : memref<128x128xf32, #tpu.memory_space<vmem>>, vector<1x16xf32>,
        %swap3A_616 = vector.shape_cast %swap3A_615 : vector<1x16xf32> to vector<16xf32>
        %swap3A_617 = vector.shape_cast %mul3A_612 : vector<16xf32> to vector<1x16xf32>
        tpu.vector_store %arg10[%swap3A_613, %swap3A_614], %swap3A_617 {strides = array<i32>} : memref<128x128xf32, #tpu.memory_space<vmem>>, vector<1x16xf32>,
        %get3A_618 = arith.index_cast %add3A_587 : i32 to index
        %get3A_619 = arith.constant 48 : index
        %get3A_620 = tpu.vector_load %arg10[%get3A_618, %get3A_619] {strides = array<i32>} : memref<128x128xf32, #tpu.memory_space<vmem>>, vector<1x16xf32>,
        %get3A_621 = vector.shape_cast %get3A_620 : vector<1x16xf32> to vector<16xf32>
        %mul3A_622 = arith.mulf %get3A_621, %gather3A_583 : vector<16xf32>
        %swap3A_623 = arith.index_cast %add3A_587 : i32 to index
        %swap3A_624 = arith.constant 48 : index
        %swap3A_625 = tpu.vector_load %arg10[%swap3A_623, %swap3A_624] {strides = array<i32>} : memref<128x128xf32, #tpu.memory_space<vmem>>, vector<1x16xf32>,
        %swap3A_626 = vector.shape_cast %swap3A_625 : vector<1x16xf32> to vector<16xf32>
        %swap3A_627 = vector.shape_cast %mul3A_622 : vector<16xf32> to vector<1x16xf32>
        tpu.vector_store %arg10[%swap3A_623, %swap3A_624], %swap3A_627 {strides = array<i32>} : memref<128x128xf32, #tpu.memory_space<vmem>>, vector<1x16xf32>,
        %get3A_628 = arith.index_cast %add3A_587 : i32 to index
        %get3A_629 = arith.constant 64 : index
        %get3A_630 = tpu.vector_load %arg10[%get3A_628, %get3A_629] {strides = array<i32>} : memref<128x128xf32, #tpu.memory_space<vmem>>, vector<1x16xf32>,
        %get3A_631 = vector.shape_cast %get3A_630 : vector<1x16xf32> to vector<16xf32>
        %mul3A_632 = arith.mulf %get3A_631, %gather3A_583 : vector<16xf32>
        %swap3A_633 = arith.index_cast %add3A_587 : i32 to index
        %swap3A_634 = arith.constant 64 : index
        %swap3A_635 = tpu.vector_load %arg10[%swap3A_633, %swap3A_634] {strides = array<i32>} : memref<128x128xf32, #tpu.memory_space<vmem>>, vector<1x16xf32>,
        %swap3A_636 = vector.shape_cast %swap3A_635 : vector<1x16xf32> to vector<16xf32>
        %swap3A_637 = vector.shape_cast %mul3A_632 : vector<16xf32> to vector<1x16xf32>
        tpu.vector_store %arg10[%swap3A_633, %swap3A_634], %swap3A_637 {strides = array<i32>} : memref<128x128xf32, #tpu.memory_space<vmem>>, vector<1x16xf32>,
        %get3A_638 = arith.index_cast %add3A_587 : i32 to index
        %get3A_639 = arith.constant 80 : index
        %get3A_640 = tpu.vector_load %arg10[%get3A_638, %get3A_639] {strides = array<i32>} : memref<128x128xf32, #tpu.memory_space<vmem>>, vector<1x16xf32>,
        %get3A_641 = vector.shape_cast %get3A_640 : vector<1x16xf32> to vector<16xf32>
        %mul3A_642 = arith.mulf %get3A_641, %gather3A_583 : vector<16xf32>
        %swap3A_643 = arith.index_cast %add3A_587 : i32 to index
        %swap3A_644 = arith.constant 80 : index
        %swap3A_645 = tpu.vector_load %arg10[%swap3A_643, %swap3A_644] {strides = array<i32>} : memref<128x128xf32, #tpu.memory_space<vmem>>, vector<1x16xf32>,
        %swap3A_646 = vector.shape_cast %swap3A_645 : vector<1x16xf32> to vector<16xf32>
        %swap3A_647 = vector.shape_cast %mul3A_642 : vector<16xf32> to vector<1x16xf32>
        tpu.vector_store %arg10[%swap3A_643, %swap3A_644], %swap3A_647 {strides = array<i32>} : memref<128x128xf32, #tpu.memory_space<vmem>>, vector<1x16xf32>,
        %get3A_648 = arith.index_cast %add3A_587 : i32 to index
        %get3A_649 = arith.constant 96 : index
        %get3A_650 = tpu.vector_load %arg10[%get3A_648, %get3A_649] {strides = array<i32>} : memref<128x128xf32, #tpu.memory_space<vmem>>, vector<1x16xf32>,
        %get3A_651 = vector.shape_cast %get3A_650 : vector<1x16xf32> to vector<16xf32>
        %mul3A_652 = arith.mulf %get3A_651, %gather3A_583 : vector<16xf32>
        %swap3A_653 = arith.index_cast %add3A_587 : i32 to index
        %swap3A_654 = arith.constant 96 : index
        %swap3A_655 = tpu.vector_load %arg10[%swap3A_653, %swap3A_654] {strides = array<i32>} : memref<128x128xf32, #tpu.memory_space<vmem>>, vector<1x16xf32>,
        %swap3A_656 = vector.shape_cast %swap3A_655 : vector<1x16xf32> to vector<16xf32>
        %swap3A_657 = vector.shape_cast %mul3A_652 : vector<16xf32> to vector<1x16xf32>
        tpu.vector_store %arg10[%swap3A_653, %swap3A_654], %swap3A_657 {strides = array<i32>} : memref<128x128xf32, #tpu.memory_space<vmem>>, vector<1x16xf32>,
        %get3A_658 = arith.index_cast %add3A_587 : i32 to index
        %get3A_659 = arith.constant 112 : index
        %get3A_660 = tpu.vector_load %arg10[%get3A_658, %get3A_659] {strides = array<i32>} : memref<128x128xf32, #tpu.memory_space<vmem>>, vector<1x16xf32>,
        %get3A_661 = vector.shape_cast %get3A_660 : vector<1x16xf32> to vector<16xf32>
        %mul3A_662 = arith.mulf %get3A_661, %gather3A_583 : vector<16xf32>
        %swap3A_663 = arith.index_cast %add3A_587 : i32 to index
        %swap3A_664 = arith.constant 112 : index
        %swap3A_665 = tpu.vector_load %arg10[%swap3A_663, %swap3A_664] {strides = array<i32>} : memref<128x128xf32, #tpu.memory_space<vmem>>, vector<1x16xf32>,
        %swap3A_666 = vector.shape_cast %swap3A_665 : vector<1x16xf32> to vector<16xf32>
        %swap3A_667 = vector.shape_cast %mul3A_662 : vector<16xf32> to vector<1x16xf32>
        tpu.vector_store %arg10[%swap3A_663, %swap3A_664], %swap3A_667 {strides = array<i32>} : memref<128x128xf32, #tpu.memory_space<vmem>>, vector<1x16xf32>,
        %broadcast_in_dim3A_668 = arith.constant 7 : i32
        %broadcast_in_dim3A_669 = vector.broadcast %broadcast_in_dim3A_668 : i32 to vector<16x1xi32>
        %gather3A_670 = vector.shape_cast %broadcast_in_dim3A_669 : vector<16x1xi32> to vector<16xi32>
        %gather3A_671 = tpu.dynamic_gather %get3A_54[%gather3A_670] in [0] : vector<16xf32>, vector<16xi32> -> vector<16xf32>
        %mul3A_672 = arith.constant 16 : i32
        %mul3A_673 = arith.muli %scan3A_49, %mul3A_672 : i32
        %add3A_674 = arith.constant 7 : i32
        %add3A_675 = arith.addi %mul3A_673, %add3A_674 : i32
        %get3A_676 = arith.index_cast %add3A_675 : i32 to index
        %get3A_677 = arith.constant 0 : index
        %get3A_678 = tpu.vector_load %arg10[%get3A_676, %get3A_677] {strides = array<i32>} : memref<128x128xf32, #tpu.memory_space<vmem>>, vector<1x16xf32>,
        %get3A_679 = vector.shape_cast %get3A_678 : vector<1x16xf32> to vector<16xf32>
        %mul3A_680 = arith.mulf %get3A_679, %gather3A_671 : vector<16xf32>
        %swap3A_681 = arith.index_cast %add3A_675 : i32 to index
        %swap3A_682 = arith.constant 0 : index
        %swap3A_683 = tpu.vector_load %arg10[%swap3A_681, %swap3A_682] {strides = array<i32>} : memref<128x128xf32, #tpu.memory_space<vmem>>, vector<1x16xf32>,
        %swap3A_684 = vector.shape_cast %swap3A_683 : vector<1x16xf32> to vector<16xf32>
        %swap3A_685 = vector.shape_cast %mul3A_680 : vector<16xf32> to vector<1x16xf32>
        tpu.vector_store %arg10[%swap3A_681, %swap3A_682], %swap3A_685 {strides = array<i32>} : memref<128x128xf32, #tpu.memory_space<vmem>>, vector<1x16xf32>,
        %get3A_686 = arith.index_cast %add3A_675 : i32 to index
        %get3A_687 = arith.constant 16 : index
        %get3A_688 = tpu.vector_load %arg10[%get3A_686, %get3A_687] {strides = array<i32>} : memref<128x128xf32, #tpu.memory_space<vmem>>, vector<1x16xf32>,
        %get3A_689 = vector.shape_cast %get3A_688 : vector<1x16xf32> to vector<16xf32>
        %mul3A_690 = arith.mulf %get3A_689, %gather3A_671 : vector<16xf32>
        %swap3A_691 = arith.index_cast %add3A_675 : i32 to index
        %swap3A_692 = arith.constant 16 : index
        %swap3A_693 = tpu.vector_load %arg10[%swap3A_691, %swap3A_692] {strides = array<i32>} : memref<128x128xf32, #tpu.memory_space<vmem>>, vector<1x16xf32>,
        %swap3A_694 = vector.shape_cast %swap3A_693 : vector<1x16xf32> to vector<16xf32>
        %swap3A_695 = vector.shape_cast %mul3A_690 : vector<16xf32> to vector<1x16xf32>
        tpu.vector_store %arg10[%swap3A_691, %swap3A_692], %swap3A_695 {strides = array<i32>} : memref<128x128xf32, #tpu.memory_space<vmem>>, vector<1x16xf32>,
        %get3A_696 = arith.index_cast %add3A_675 : i32 to index
        %get3A_697 = arith.constant 32 : index
        %get3A_698 = tpu.vector_load %arg10[%get3A_696, %get3A_697] {strides = array<i32>} : memref<128x128xf32, #tpu.memory_space<vmem>>, vector<1x16xf32>,
        %get3A_699 = vector.shape_cast %get3A_698 : vector<1x16xf32> to vector<16xf32>
        %mul3A_700 = arith.mulf %get3A_699, %gather3A_671 : vector<16xf32>
        %swap3A_701 = arith.index_cast %add3A_675 : i32 to index
        %swap3A_702 = arith.constant 32 : index
        %swap3A_703 = tpu.vector_load %arg10[%swap3A_701, %swap3A_702] {strides = array<i32>} : memref<128x128xf32, #tpu.memory_space<vmem>>, vector<1x16xf32>,
        %swap3A_704 = vector.shape_cast %swap3A_703 : vector<1x16xf32> to vector<16xf32>
        %swap3A_705 = vector.shape_cast %mul3A_700 : vector<16xf32> to vector<1x16xf32>
        tpu.vector_store %arg10[%swap3A_701, %swap3A_702], %swap3A_705 {strides = array<i32>} : memref<128x128xf32, #tpu.memory_space<vmem>>, vector<1x16xf32>,
        %get3A_706 = arith.index_cast %add3A_675 : i32 to index
        %get3A_707 = arith.constant 48 : index
        %get3A_708 = tpu.vector_load %arg10[%get3A_706, %get3A_707] {strides = array<i32>} : memref<128x128xf32, #tpu.memory_space<vmem>>, vector<1x16xf32>,
        %get3A_709 = vector.shape_cast %get3A_708 : vector<1x16xf32> to vector<16xf32>
        %mul3A_710 = arith.mulf %get3A_709, %gather3A_671 : vector<16xf32>
        %swap3A_711 = arith.index_cast %add3A_675 : i32 to index
        %swap3A_712 = arith.constant 48 : index
        %swap3A_713 = tpu.vector_load %arg10[%swap3A_711, %swap3A_712] {strides = array<i32>} : memref<128x128xf32, #tpu.memory_space<vmem>>, vector<1x16xf32>,
        %swap3A_714 = vector.shape_cast %swap3A_713 : vector<1x16xf32> to vector<16xf32>
        %swap3A_715 = vector.shape_cast %mul3A_710 : vector<16xf32> to vector<1x16xf32>
        tpu.vector_store %arg10[%swap3A_711, %swap3A_712], %swap3A_715 {strides = array<i32>} : memref<128x128xf32, #tpu.memory_space<vmem>>, vector<1x16xf32>,
        %get3A_716 = arith.index_cast %add3A_675 : i32 to index
        %get3A_717 = arith.constant 64 : index
        %get3A_718 = tpu.vector_load %arg10[%get3A_716, %get3A_717] {strides = array<i32>} : memref<128x128xf32, #tpu.memory_space<vmem>>, vector<1x16xf32>,
        %get3A_719 = vector.shape_cast %get3A_718 : vector<1x16xf32> to vector<16xf32>
        %mul3A_720 = arith.mulf %get3A_719, %gather3A_671 : vector<16xf32>
        %swap3A_721 = arith.index_cast %add3A_675 : i32 to index
        %swap3A_722 = arith.constant 64 : index
        %swap3A_723 = tpu.vector_load %arg10[%swap3A_721, %swap3A_722] {strides = array<i32>} : memref<128x128xf32, #tpu.memory_space<vmem>>, vector<1x16xf32>,
        %swap3A_724 = vector.shape_cast %swap3A_723 : vector<1x16xf32> to vector<16xf32>
        %swap3A_725 = vector.shape_cast %mul3A_720 : vector<16xf32> to vector<1x16xf32>
        tpu.vector_store %arg10[%swap3A_721, %swap3A_722], %swap3A_725 {strides = array<i32>} : memref<128x128xf32, #tpu.memory_space<vmem>>, vector<1x16xf32>,
        %get3A_726 = arith.index_cast %add3A_675 : i32 to index
        %get3A_727 = arith.constant 80 : index
        %get3A_728 = tpu.vector_load %arg10[%get3A_726, %get3A_727] {strides = array<i32>} : memref<128x128xf32, #tpu.memory_space<vmem>>, vector<1x16xf32>,
        %get3A_729 = vector.shape_cast %get3A_728 : vector<1x16xf32> to vector<16xf32>
        %mul3A_730 = arith.mulf %get3A_729, %gather3A_671 : vector<16xf32>
        %swap3A_731 = arith.index_cast %add3A_675 : i32 to index
        %swap3A_732 = arith.constant 80 : index
        %swap3A_733 = tpu.vector_load %arg10[%swap3A_731, %swap3A_732] {strides = array<i32>} : memref<128x128xf32, #tpu.memory_space<vmem>>, vector<1x16xf32>,
        %swap3A_734 = vector.shape_cast %swap3A_733 : vector<1x16xf32> to vector<16xf32>
        %swap3A_735 = vector.shape_cast %mul3A_730 : vector<16xf32> to vector<1x16xf32>
        tpu.vector_store %arg10[%swap3A_731, %swap3A_732], %swap3A_735 {strides = array<i32>} : memref<128x128xf32, #tpu.memory_space<vmem>>, vector<1x16xf32>,
        %get3A_736 = arith.index_cast %add3A_675 : i32 to index
        %get3A_737 = arith.constant 96 : index
        %get3A_738 = tpu.vector_load %arg10[%get3A_736, %get3A_737] {strides = array<i32>} : memref<128x128xf32, #tpu.memory_space<vmem>>, vector<1x16xf32>,
        %get3A_739 = vector.shape_cast %get3A_738 : vector<1x16xf32> to vector<16xf32>
        %mul3A_740 = arith.mulf %get3A_739, %gather3A_671 : vector<16xf32>
        %swap3A_741 = arith.index_cast %add3A_675 : i32 to index
        %swap3A_742 = arith.constant 96 : index
        %swap3A_743 = tpu.vector_load %arg10[%swap3A_741, %swap3A_742] {strides = array<i32>} : memref<128x128xf32, #tpu.memory_space<vmem>>, vector<1x16xf32>,
        %swap3A_744 = vector.shape_cast %swap3A_743 : vector<1x16xf32> to vector<16xf32>
        %swap3A_745 = vector.shape_cast %mul3A_740 : vector<16xf32> to vector<1x16xf32>
        tpu.vector_store %arg10[%swap3A_741, %swap3A_742], %swap3A_745 {strides = array<i32>} : memref<128x128xf32, #tpu.memory_space<vmem>>, vector<1x16xf32>,
        %get3A_746 = arith.index_cast %add3A_675 : i32 to index
        %get3A_747 = arith.constant 112 : index
        %get3A_748 = tpu.vector_load %arg10[%get3A_746, %get3A_747] {strides = array<i32>} : memref<128x128xf32, #tpu.memory_space<vmem>>, vector<1x16xf32>,
        %get3A_749 = vector.shape_cast %get3A_748 : vector<1x16xf32> to vector<16xf32>
        %mul3A_750 = arith.mulf %get3A_749, %gather3A_671 : vector<16xf32>
        %swap3A_751 = arith.index_cast %add3A_675 : i32 to index
        %swap3A_752 = arith.constant 112 : index
        %swap3A_753 = tpu.vector_load %arg10[%swap3A_751, %swap3A_752] {strides = array<i32>} : memref<128x128xf32, #tpu.memory_space<vmem>>, vector<1x16xf32>,
        %swap3A_754 = vector.shape_cast %swap3A_753 : vector<1x16xf32> to vector<16xf32>
        %swap3A_755 = vector.shape_cast %mul3A_750 : vector<16xf32> to vector<1x16xf32>
        tpu.vector_store %arg10[%swap3A_751, %swap3A_752], %swap3A_755 {strides = array<i32>} : memref<128x128xf32, #tpu.memory_space<vmem>>, vector<1x16xf32>,
        %broadcast_in_dim3A_756 = arith.constant 8 : i32
        %broadcast_in_dim3A_757 = vector.broadcast %broadcast_in_dim3A_756 : i32 to vector<16x1xi32>
        %gather3A_758 = vector.shape_cast %broadcast_in_dim3A_757 : vector<16x1xi32> to vector<16xi32>
        %gather3A_759 = tpu.dynamic_gather %get3A_54[%gather3A_758] in [0] : vector<16xf32>, vector<16xi32> -> vector<16xf32>
        %mul3A_760 = arith.constant 16 : i32
        %mul3A_761 = arith.muli %scan3A_49, %mul3A_760 : i32
        %add3A_762 = arith.constant 8 : i32
        %add3A_763 = arith.addi %mul3A_761, %add3A_762 : i32
        %get3A_764 = arith.index_cast %add3A_763 : i32 to index
        %get3A_765 = arith.constant 0 : index
        %get3A_766 = tpu.vector_load %arg10[%get3A_764, %get3A_765] {strides = array<i32>} : memref<128x128xf32, #tpu.memory_space<vmem>>, vector<1x16xf32>,
        %get3A_767 = vector.shape_cast %get3A_766 : vector<1x16xf32> to vector<16xf32>
        %mul3A_768 = arith.mulf %get3A_767, %gather3A_759 : vector<16xf32>
        %swap3A_769 = arith.index_cast %add3A_763 : i32 to index
        %swap3A_770 = arith.constant 0 : index
        %swap3A_771 = tpu.vector_load %arg10[%swap3A_769, %swap3A_770] {strides = array<i32>} : memref<128x128xf32, #tpu.memory_space<vmem>>, vector<1x16xf32>,
        %swap3A_772 = vector.shape_cast %swap3A_771 : vector<1x16xf32> to vector<16xf32>
        %swap3A_773 = vector.shape_cast %mul3A_768 : vector<16xf32> to vector<1x16xf32>
        tpu.vector_store %arg10[%swap3A_769, %swap3A_770], %swap3A_773 {strides = array<i32>} : memref<128x128xf32, #tpu.memory_space<vmem>>, vector<1x16xf32>,
        %get3A_774 = arith.index_cast %add3A_763 : i32 to index
        %get3A_775 = arith.constant 16 : index
        %get3A_776 = tpu.vector_load %arg10[%get3A_774, %get3A_775] {strides = array<i32>} : memref<128x128xf32, #tpu.memory_space<vmem>>, vector<1x16xf32>,
        %get3A_777 = vector.shape_cast %get3A_776 : vector<1x16xf32> to vector<16xf32>
        %mul3A_778 = arith.mulf %get3A_777, %gather3A_759 : vector<16xf32>
        %swap3A_779 = arith.index_cast %add3A_763 : i32 to index
        %swap3A_780 = arith.constant 16 : index
        %swap3A_781 = tpu.vector_load %arg10[%swap3A_779, %swap3A_780] {strides = array<i32>} : memref<128x128xf32, #tpu.memory_space<vmem>>, vector<1x16xf32>,
        %swap3A_782 = vector.shape_cast %swap3A_781 : vector<1x16xf32> to vector<16xf32>
        %swap3A_783 = vector.shape_cast %mul3A_778 : vector<16xf32> to vector<1x16xf32>
        tpu.vector_store %arg10[%swap3A_779, %swap3A_780], %swap3A_783 {strides = array<i32>} : memref<128x128xf32, #tpu.memory_space<vmem>>, vector<1x16xf32>,
        %get3A_784 = arith.index_cast %add3A_763 : i32 to index
        %get3A_785 = arith.constant 32 : index
        %get3A_786 = tpu.vector_load %arg10[%get3A_784, %get3A_785] {strides = array<i32>} : memref<128x128xf32, #tpu.memory_space<vmem>>, vector<1x16xf32>,
        %get3A_787 = vector.shape_cast %get3A_786 : vector<1x16xf32> to vector<16xf32>
        %mul3A_788 = arith.mulf %get3A_787, %gather3A_759 : vector<16xf32>
        %swap3A_789 = arith.index_cast %add3A_763 : i32 to index
        %swap3A_790 = arith.constant 32 : index
        %swap3A_791 = tpu.vector_load %arg10[%swap3A_789, %swap3A_790] {strides = array<i32>} : memref<128x128xf32, #tpu.memory_space<vmem>>, vector<1x16xf32>,
        %swap3A_792 = vector.shape_cast %swap3A_791 : vector<1x16xf32> to vector<16xf32>
        %swap3A_793 = vector.shape_cast %mul3A_788 : vector<16xf32> to vector<1x16xf32>
        tpu.vector_store %arg10[%swap3A_789, %swap3A_790], %swap3A_793 {strides = array<i32>} : memref<128x128xf32, #tpu.memory_space<vmem>>, vector<1x16xf32>,
        %get3A_794 = arith.index_cast %add3A_763 : i32 to index
        %get3A_795 = arith.constant 48 : index
        %get3A_796 = tpu.vector_load %arg10[%get3A_794, %get3A_795] {strides = array<i32>} : memref<128x128xf32, #tpu.memory_space<vmem>>, vector<1x16xf32>,
        %get3A_797 = vector.shape_cast %get3A_796 : vector<1x16xf32> to vector<16xf32>
        %mul3A_798 = arith.mulf %get3A_797, %gather3A_759 : vector<16xf32>
        %swap3A_799 = arith.index_cast %add3A_763 : i32 to index
        %swap3A_800 = arith.constant 48 : index
        %swap3A_801 = tpu.vector_load %arg10[%swap3A_799, %swap3A_800] {strides = array<i32>} : memref<128x128xf32, #tpu.memory_space<vmem>>, vector<1x16xf32>,
        %swap3A_802 = vector.shape_cast %swap3A_801 : vector<1x16xf32> to vector<16xf32>
        %swap3A_803 = vector.shape_cast %mul3A_798 : vector<16xf32> to vector<1x16xf32>
        tpu.vector_store %arg10[%swap3A_799, %swap3A_800], %swap3A_803 {strides = array<i32>} : memref<128x128xf32, #tpu.memory_space<vmem>>, vector<1x16xf32>,
        %get3A_804 = arith.index_cast %add3A_763 : i32 to index
        %get3A_805 = arith.constant 64 : index
        %get3A_806 = tpu.vector_load %arg10[%get3A_804, %get3A_805] {strides = array<i32>} : memref<128x128xf32, #tpu.memory_space<vmem>>, vector<1x16xf32>,
        %get3A_807 = vector.shape_cast %get3A_806 : vector<1x16xf32> to vector<16xf32>
        %mul3A_808 = arith.mulf %get3A_807, %gather3A_759 : vector<16xf32>
        %swap3A_809 = arith.index_cast %add3A_763 : i32 to index
        %swap3A_810 = arith.constant 64 : index
        %swap3A_811 = tpu.vector_load %arg10[%swap3A_809, %swap3A_810] {strides = array<i32>} : memref<128x128xf32, #tpu.memory_space<vmem>>, vector<1x16xf32>,
        %swap3A_812 = vector.shape_cast %swap3A_811 : vector<1x16xf32> to vector<16xf32>
        %swap3A_813 = vector.shape_cast %mul3A_808 : vector<16xf32> to vector<1x16xf32>
        tpu.vector_store %arg10[%swap3A_809, %swap3A_810], %swap3A_813 {strides = array<i32>} : memref<128x128xf32, #tpu.memory_space<vmem>>, vector<1x16xf32>,
        %get3A_814 = arith.index_cast %add3A_763 : i32 to index
        %get3A_815 = arith.constant 80 : index
        %get3A_816 = tpu.vector_load %arg10[%get3A_814, %get3A_815] {strides = array<i32>} : memref<128x128xf32, #tpu.memory_space<vmem>>, vector<1x16xf32>,
        %get3A_817 = vector.shape_cast %get3A_816 : vector<1x16xf32> to vector<16xf32>
        %mul3A_818 = arith.mulf %get3A_817, %gather3A_759 : vector<16xf32>
        %swap3A_819 = arith.index_cast %add3A_763 : i32 to index
        %swap3A_820 = arith.constant 80 : index
        %swap3A_821 = tpu.vector_load %arg10[%swap3A_819, %swap3A_820] {strides = array<i32>} : memref<128x128xf32, #tpu.memory_space<vmem>>, vector<1x16xf32>,
        %swap3A_822 = vector.shape_cast %swap3A_821 : vector<1x16xf32> to vector<16xf32>
        %swap3A_823 = vector.shape_cast %mul3A_818 : vector<16xf32> to vector<1x16xf32>
        tpu.vector_store %arg10[%swap3A_819, %swap3A_820], %swap3A_823 {strides = array<i32>} : memref<128x128xf32, #tpu.memory_space<vmem>>, vector<1x16xf32>,
        %get3A_824 = arith.index_cast %add3A_763 : i32 to index
        %get3A_825 = arith.constant 96 : index
        %get3A_826 = tpu.vector_load %arg10[%get3A_824, %get3A_825] {strides = array<i32>} : memref<128x128xf32, #tpu.memory_space<vmem>>, vector<1x16xf32>,
        %get3A_827 = vector.shape_cast %get3A_826 : vector<1x16xf32> to vector<16xf32>
        %mul3A_828 = arith.mulf %get3A_827, %gather3A_759 : vector<16xf32>
        %swap3A_829 = arith.index_cast %add3A_763 : i32 to index
        %swap3A_830 = arith.constant 96 : index
        %swap3A_831 = tpu.vector_load %arg10[%swap3A_829, %swap3A_830] {strides = array<i32>} : memref<128x128xf32, #tpu.memory_space<vmem>>, vector<1x16xf32>,
        %swap3A_832 = vector.shape_cast %swap3A_831 : vector<1x16xf32> to vector<16xf32>
        %swap3A_833 = vector.shape_cast %mul3A_828 : vector<16xf32> to vector<1x16xf32>
        tpu.vector_store %arg10[%swap3A_829, %swap3A_830], %swap3A_833 {strides = array<i32>} : memref<128x128xf32, #tpu.memory_space<vmem>>, vector<1x16xf32>,
        %get3A_834 = arith.index_cast %add3A_763 : i32 to index
        %get3A_835 = arith.constant 112 : index
        %get3A_836 = tpu.vector_load %arg10[%get3A_834, %get3A_835] {strides = array<i32>} : memref<128x128xf32, #tpu.memory_space<vmem>>, vector<1x16xf32>,
        %get3A_837 = vector.shape_cast %get3A_836 : vector<1x16xf32> to vector<16xf32>
        %mul3A_838 = arith.mulf %get3A_837, %gather3A_759 : vector<16xf32>
        %swap3A_839 = arith.index_cast %add3A_763 : i32 to index
        %swap3A_840 = arith.constant 112 : index
        %swap3A_841 = tpu.vector_load %arg10[%swap3A_839, %swap3A_840] {strides = array<i32>} : memref<128x128xf32, #tpu.memory_space<vmem>>, vector<1x16xf32>,
        %swap3A_842 = vector.shape_cast %swap3A_841 : vector<1x16xf32> to vector<16xf32>
        %swap3A_843 = vector.shape_cast %mul3A_838 : vector<16xf32> to vector<1x16xf32>
        tpu.vector_store %arg10[%swap3A_839, %swap3A_840], %swap3A_843 {strides = array<i32>} : memref<128x128xf32, #tpu.memory_space<vmem>>, vector<1x16xf32>,
        %broadcast_in_dim3A_844 = arith.constant 9 : i32
        %broadcast_in_dim3A_845 = vector.broadcast %broadcast_in_dim3A_844 : i32 to vector<16x1xi32>
        %gather3A_846 = vector.shape_cast %broadcast_in_dim3A_845 : vector<16x1xi32> to vector<16xi32>
        %gather3A_847 = tpu.dynamic_gather %get3A_54[%gather3A_846] in [0] : vector<16xf32>, vector<16xi32> -> vector<16xf32>
        %mul3A_848 = arith.constant 16 : i32
        %mul3A_849 = arith.muli %scan3A_49, %mul3A_848 : i32
        %add3A_850 = arith.constant 9 : i32
        %add3A_851 = arith.addi %mul3A_849, %add3A_850 : i32
        %get3A_852 = arith.index_cast %add3A_851 : i32 to index
        %get3A_853 = arith.constant 0 : index
        %get3A_854 = tpu.vector_load %arg10[%get3A_852, %get3A_853] {strides = array<i32>} : memref<128x128xf32, #tpu.memory_space<vmem>>, vector<1x16xf32>,
        %get3A_855 = vector.shape_cast %get3A_854 : vector<1x16xf32> to vector<16xf32>
        %mul3A_856 = arith.mulf %get3A_855, %gather3A_847 : vector<16xf32>
        %swap3A_857 = arith.index_cast %add3A_851 : i32 to index
        %swap3A_858 = arith.constant 0 : index
        %swap3A_859 = tpu.vector_load %arg10[%swap3A_857, %swap3A_858] {strides = array<i32>} : memref<128x128xf32, #tpu.memory_space<vmem>>, vector<1x16xf32>,
        %swap3A_860 = vector.shape_cast %swap3A_859 : vector<1x16xf32> to vector<16xf32>
        %swap3A_861 = vector.shape_cast %mul3A_856 : vector<16xf32> to vector<1x16xf32>
        tpu.vector_store %arg10[%swap3A_857, %swap3A_858], %swap3A_861 {strides = array<i32>} : memref<128x128xf32, #tpu.memory_space<vmem>>, vector<1x16xf32>,
        %get3A_862 = arith.index_cast %add3A_851 : i32 to index
        %get3A_863 = arith.constant 16 : index
        %get3A_864 = tpu.vector_load %arg10[%get3A_862, %get3A_863] {strides = array<i32>} : memref<128x128xf32, #tpu.memory_space<vmem>>, vector<1x16xf32>,
        %get3A_865 = vector.shape_cast %get3A_864 : vector<1x16xf32> to vector<16xf32>
        %mul3A_866 = arith.mulf %get3A_865, %gather3A_847 : vector<16xf32>
        %swap3A_867 = arith.index_cast %add3A_851 : i32 to index
        %swap3A_868 = arith.constant 16 : index
        %swap3A_869 = tpu.vector_load %arg10[%swap3A_867, %swap3A_868] {strides = array<i32>} : memref<128x128xf32, #tpu.memory_space<vmem>>, vector<1x16xf32>,
        %swap3A_870 = vector.shape_cast %swap3A_869 : vector<1x16xf32> to vector<16xf32>
        %swap3A_871 = vector.shape_cast %mul3A_866 : vector<16xf32> to vector<1x16xf32>
        tpu.vector_store %arg10[%swap3A_867, %swap3A_868], %swap3A_871 {strides = array<i32>} : memref<128x128xf32, #tpu.memory_space<vmem>>, vector<1x16xf32>,
        %get3A_872 = arith.index_cast %add3A_851 : i32 to index
        %get3A_873 = arith.constant 32 : index
        %get3A_874 = tpu.vector_load %arg10[%get3A_872, %get3A_873] {strides = array<i32>} : memref<128x128xf32, #tpu.memory_space<vmem>>, vector<1x16xf32>,
        %get3A_875 = vector.shape_cast %get3A_874 : vector<1x16xf32> to vector<16xf32>
        %mul3A_876 = arith.mulf %get3A_875, %gather3A_847 : vector<16xf32>
        %swap3A_877 = arith.index_cast %add3A_851 : i32 to index
        %swap3A_878 = arith.constant 32 : index
        %swap3A_879 = tpu.vector_load %arg10[%swap3A_877, %swap3A_878] {strides = array<i32>} : memref<128x128xf32, #tpu.memory_space<vmem>>, vector<1x16xf32>,
        %swap3A_880 = vector.shape_cast %swap3A_879 : vector<1x16xf32> to vector<16xf32>
        %swap3A_881 = vector.shape_cast %mul3A_876 : vector<16xf32> to vector<1x16xf32>
        tpu.vector_store %arg10[%swap3A_877, %swap3A_878], %swap3A_881 {strides = array<i32>} : memref<128x128xf32, #tpu.memory_space<vmem>>, vector<1x16xf32>,
        %get3A_882 = arith.index_cast %add3A_851 : i32 to index
        %get3A_883 = arith.constant 48 : index
        %get3A_884 = tpu.vector_load %arg10[%get3A_882, %get3A_883] {strides = array<i32>} : memref<128x128xf32, #tpu.memory_space<vmem>>, vector<1x16xf32>,
        %get3A_885 = vector.shape_cast %get3A_884 : vector<1x16xf32> to vector<16xf32>
        %mul3A_886 = arith.mulf %get3A_885, %gather3A_847 : vector<16xf32>
        %swap3A_887 = arith.index_cast %add3A_851 : i32 to index
        %swap3A_888 = arith.constant 48 : index
        %swap3A_889 = tpu.vector_load %arg10[%swap3A_887, %swap3A_888] {strides = array<i32>} : memref<128x128xf32, #tpu.memory_space<vmem>>, vector<1x16xf32>,
        %swap3A_890 = vector.shape_cast %swap3A_889 : vector<1x16xf32> to vector<16xf32>
        %swap3A_891 = vector.shape_cast %mul3A_886 : vector<16xf32> to vector<1x16xf32>
        tpu.vector_store %arg10[%swap3A_887, %swap3A_888], %swap3A_891 {strides = array<i32>} : memref<128x128xf32, #tpu.memory_space<vmem>>, vector<1x16xf32>,
        %get3A_892 = arith.index_cast %add3A_851 : i32 to index
        %get3A_893 = arith.constant 64 : index
        %get3A_894 = tpu.vector_load %arg10[%get3A_892, %get3A_893] {strides = array<i32>} : memref<128x128xf32, #tpu.memory_space<vmem>>, vector<1x16xf32>,
        %get3A_895 = vector.shape_cast %get3A_894 : vector<1x16xf32> to vector<16xf32>
        %mul3A_896 = arith.mulf %get3A_895, %gather3A_847 : vector<16xf32>
        %swap3A_897 = arith.index_cast %add3A_851 : i32 to index
        %swap3A_898 = arith.constant 64 : index
        %swap3A_899 = tpu.vector_load %arg10[%swap3A_897, %swap3A_898] {strides = array<i32>} : memref<128x128xf32, #tpu.memory_space<vmem>>, vector<1x16xf32>,
        %swap3A_900 = vector.shape_cast %swap3A_899 : vector<1x16xf32> to vector<16xf32>
        %swap3A_901 = vector.shape_cast %mul3A_896 : vector<16xf32> to vector<1x16xf32>
        tpu.vector_store %arg10[%swap3A_897, %swap3A_898], %swap3A_901 {strides = array<i32>} : memref<128x128xf32, #tpu.memory_space<vmem>>, vector<1x16xf32>,
        %get3A_902 = arith.index_cast %add3A_851 : i32 to index
        %get3A_903 = arith.constant 80 : index
        %get3A_904 = tpu.vector_load %arg10[%get3A_902, %get3A_903] {strides = array<i32>} : memref<128x128xf32, #tpu.memory_space<vmem>>, vector<1x16xf32>,
        %get3A_905 = vector.shape_cast %get3A_904 : vector<1x16xf32> to vector<16xf32>
        %mul3A_906 = arith.mulf %get3A_905, %gather3A_847 : vector<16xf32>
        %swap3A_907 = arith.index_cast %add3A_851 : i32 to index
        %swap3A_908 = arith.constant 80 : index
        %swap3A_909 = tpu.vector_load %arg10[%swap3A_907, %swap3A_908] {strides = array<i32>} : memref<128x128xf32, #tpu.memory_space<vmem>>, vector<1x16xf32>,
        %swap3A_910 = vector.shape_cast %swap3A_909 : vector<1x16xf32> to vector<16xf32>
        %swap3A_911 = vector.shape_cast %mul3A_906 : vector<16xf32> to vector<1x16xf32>
        tpu.vector_store %arg10[%swap3A_907, %swap3A_908], %swap3A_911 {strides = array<i32>} : memref<128x128xf32, #tpu.memory_space<vmem>>, vector<1x16xf32>,
        %get3A_912 = arith.index_cast %add3A_851 : i32 to index
        %get3A_913 = arith.constant 96 : index
        %get3A_914 = tpu.vector_load %arg10[%get3A_912, %get3A_913] {strides = array<i32>} : memref<128x128xf32, #tpu.memory_space<vmem>>, vector<1x16xf32>,
        %get3A_915 = vector.shape_cast %get3A_914 : vector<1x16xf32> to vector<16xf32>
        %mul3A_916 = arith.mulf %get3A_915, %gather3A_847 : vector<16xf32>
        %swap3A_917 = arith.index_cast %add3A_851 : i32 to index
        %swap3A_918 = arith.constant 96 : index
        %swap3A_919 = tpu.vector_load %arg10[%swap3A_917, %swap3A_918] {strides = array<i32>} : memref<128x128xf32, #tpu.memory_space<vmem>>, vector<1x16xf32>,
        %swap3A_920 = vector.shape_cast %swap3A_919 : vector<1x16xf32> to vector<16xf32>
        %swap3A_921 = vector.shape_cast %mul3A_916 : vector<16xf32> to vector<1x16xf32>
        tpu.vector_store %arg10[%swap3A_917, %swap3A_918], %swap3A_921 {strides = array<i32>} : memref<128x128xf32, #tpu.memory_space<vmem>>, vector<1x16xf32>,
        %get3A_922 = arith.index_cast %add3A_851 : i32 to index
        %get3A_923 = arith.constant 112 : index
        %get3A_924 = tpu.vector_load %arg10[%get3A_922, %get3A_923] {strides = array<i32>} : memref<128x128xf32, #tpu.memory_space<vmem>>, vector<1x16xf32>,
        %get3A_925 = vector.shape_cast %get3A_924 : vector<1x16xf32> to vector<16xf32>
        %mul3A_926 = arith.mulf %get3A_925, %gather3A_847 : vector<16xf32>
        %swap3A_927 = arith.index_cast %add3A_851 : i32 to index
        %swap3A_928 = arith.constant 112 : index
        %swap3A_929 = tpu.vector_load %arg10[%swap3A_927, %swap3A_928] {strides = array<i32>} : memref<128x128xf32, #tpu.memory_space<vmem>>, vector<1x16xf32>,
        %swap3A_930 = vector.shape_cast %swap3A_929 : vector<1x16xf32> to vector<16xf32>
        %swap3A_931 = vector.shape_cast %mul3A_926 : vector<16xf32> to vector<1x16xf32>
        tpu.vector_store %arg10[%swap3A_927, %swap3A_928], %swap3A_931 {strides = array<i32>} : memref<128x128xf32, #tpu.memory_space<vmem>>, vector<1x16xf32>,
        %broadcast_in_dim3A_932 = arith.constant 10 : i32
        %broadcast_in_dim3A_933 = vector.broadcast %broadcast_in_dim3A_932 : i32 to vector<16x1xi32>
        %gather3A_934 = vector.shape_cast %broadcast_in_dim3A_933 : vector<16x1xi32> to vector<16xi32>
        %gather3A_935 = tpu.dynamic_gather %get3A_54[%gather3A_934] in [0] : vector<16xf32>, vector<16xi32> -> vector<16xf32>
        %mul3A_936 = arith.constant 16 : i32
        %mul3A_937 = arith.muli %scan3A_49, %mul3A_936 : i32
        %add3A_938 = arith.constant 10 : i32
        %add3A_939 = arith.addi %mul3A_937, %add3A_938 : i32
        %get3A_940 = arith.index_cast %add3A_939 : i32 to index
        %get3A_941 = arith.constant 0 : index
        %get3A_942 = tpu.vector_load %arg10[%get3A_940, %get3A_941] {strides = array<i32>} : memref<128x128xf32, #tpu.memory_space<vmem>>, vector<1x16xf32>,
        %get3A_943 = vector.shape_cast %get3A_942 : vector<1x16xf32> to vector<16xf32>
        %mul3A_944 = arith.mulf %get3A_943, %gather3A_935 : vector<16xf32>
        %swap3A_945 = arith.index_cast %add3A_939 : i32 to index
        %swap3A_946 = arith.constant 0 : index
        %swap3A_947 = tpu.vector_load %arg10[%swap3A_945, %swap3A_946] {strides = array<i32>} : memref<128x128xf32, #tpu.memory_space<vmem>>, vector<1x16xf32>,
        %swap3A_948 = vector.shape_cast %swap3A_947 : vector<1x16xf32> to vector<16xf32>
        %swap3A_949 = vector.shape_cast %mul3A_944 : vector<16xf32> to vector<1x16xf32>
        tpu.vector_store %arg10[%swap3A_945, %swap3A_946], %swap3A_949 {strides = array<i32>} : memref<128x128xf32, #tpu.memory_space<vmem>>, vector<1x16xf32>,
        %get3A_950 = arith.index_cast %add3A_939 : i32 to index
        %get3A_951 = arith.constant 16 : index
        %get3A_952 = tpu.vector_load %arg10[%get3A_950, %get3A_951] {strides = array<i32>} : memref<128x128xf32, #tpu.memory_space<vmem>>, vector<1x16xf32>,
        %get3A_953 = vector.shape_cast %get3A_952 : vector<1x16xf32> to vector<16xf32>
        %mul3A_954 = arith.mulf %get3A_953, %gather3A_935 : vector<16xf32>
        %swap3A_955 = arith.index_cast %add3A_939 : i32 to index
        %swap3A_956 = arith.constant 16 : index
        %swap3A_957 = tpu.vector_load %arg10[%swap3A_955, %swap3A_956] {strides = array<i32>} : memref<128x128xf32, #tpu.memory_space<vmem>>, vector<1x16xf32>,
        %swap3A_958 = vector.shape_cast %swap3A_957 : vector<1x16xf32> to vector<16xf32>
        %swap3A_959 = vector.shape_cast %mul3A_954 : vector<16xf32> to vector<1x16xf32>
        tpu.vector_store %arg10[%swap3A_955, %swap3A_956], %swap3A_959 {strides = array<i32>} : memref<128x128xf32, #tpu.memory_space<vmem>>, vector<1x16xf32>,
        %get3A_960 = arith.index_cast %add3A_939 : i32 to index
        %get3A_961 = arith.constant 32 : index
        %get3A_962 = tpu.vector_load %arg10[%get3A_960, %get3A_961] {strides = array<i32>} : memref<128x128xf32, #tpu.memory_space<vmem>>, vector<1x16xf32>,
        %get3A_963 = vector.shape_cast %get3A_962 : vector<1x16xf32> to vector<16xf32>
        %mul3A_964 = arith.mulf %get3A_963, %gather3A_935 : vector<16xf32>
        %swap3A_965 = arith.index_cast %add3A_939 : i32 to index
        %swap3A_966 = arith.constant 32 : index
        %swap3A_967 = tpu.vector_load %arg10[%swap3A_965, %swap3A_966] {strides = array<i32>} : memref<128x128xf32, #tpu.memory_space<vmem>>, vector<1x16xf32>,
        %swap3A_968 = vector.shape_cast %swap3A_967 : vector<1x16xf32> to vector<16xf32>
        %swap3A_969 = vector.shape_cast %mul3A_964 : vector<16xf32> to vector<1x16xf32>
        tpu.vector_store %arg10[%swap3A_965, %swap3A_966], %swap3A_969 {strides = array<i32>} : memref<128x128xf32, #tpu.memory_space<vmem>>, vector<1x16xf32>,
        %get3A_970 = arith.index_cast %add3A_939 : i32 to index
        %get3A_971 = arith.constant 48 : index
        %get3A_972 = tpu.vector_load %arg10[%get3A_970, %get3A_971] {strides = array<i32>} : memref<128x128xf32, #tpu.memory_space<vmem>>, vector<1x16xf32>,
        %get3A_973 = vector.shape_cast %get3A_972 : vector<1x16xf32> to vector<16xf32>
        %mul3A_974 = arith.mulf %get3A_973, %gather3A_935 : vector<16xf32>
        %swap3A_975 = arith.index_cast %add3A_939 : i32 to index
        %swap3A_976 = arith.constant 48 : index
        %swap3A_977 = tpu.vector_load %arg10[%swap3A_975, %swap3A_976] {strides = array<i32>} : memref<128x128xf32, #tpu.memory_space<vmem>>, vector<1x16xf32>,
        %swap3A_978 = vector.shape_cast %swap3A_977 : vector<1x16xf32> to vector<16xf32>
        %swap3A_979 = vector.shape_cast %mul3A_974 : vector<16xf32> to vector<1x16xf32>
        tpu.vector_store %arg10[%swap3A_975, %swap3A_976], %swap3A_979 {strides = array<i32>} : memref<128x128xf32, #tpu.memory_space<vmem>>, vector<1x16xf32>,
        %get3A_980 = arith.index_cast %add3A_939 : i32 to index
        %get3A_981 = arith.constant 64 : index
        %get3A_982 = tpu.vector_load %arg10[%get3A_980, %get3A_981] {strides = array<i32>} : memref<128x128xf32, #tpu.memory_space<vmem>>, vector<1x16xf32>,
        %get3A_983 = vector.shape_cast %get3A_982 : vector<1x16xf32> to vector<16xf32>
        %mul3A_984 = arith.mulf %get3A_983, %gather3A_935 : vector<16xf32>
        %swap3A_985 = arith.index_cast %add3A_939 : i32 to index
        %swap3A_986 = arith.constant 64 : index
        %swap3A_987 = tpu.vector_load %arg10[%swap3A_985, %swap3A_986] {strides = array<i32>} : memref<128x128xf32, #tpu.memory_space<vmem>>, vector<1x16xf32>,
        %swap3A_988 = vector.shape_cast %swap3A_987 : vector<1x16xf32> to vector<16xf32>
        %swap3A_989 = vector.shape_cast %mul3A_984 : vector<16xf32> to vector<1x16xf32>
        tpu.vector_store %arg10[%swap3A_985, %swap3A_986], %swap3A_989 {strides = array<i32>} : memref<128x128xf32, #tpu.memory_space<vmem>>, vector<1x16xf32>,
        %get3A_990 = arith.index_cast %add3A_939 : i32 to index
        %get3A_991 = arith.constant 80 : index
        %get3A_992 = tpu.vector_load %arg10[%get3A_990, %get3A_991] {strides = array<i32>} : memref<128x128xf32, #tpu.memory_space<vmem>>, vector<1x16xf32>,
        %get3A_993 = vector.shape_cast %get3A_992 : vector<1x16xf32> to vector<16xf32>
        %mul3A_994 = arith.mulf %get3A_993, %gather3A_935 : vector<16xf32>
        %swap3A_995 = arith.index_cast %add3A_939 : i32 to index
        %swap3A_996 = arith.constant 80 : index
        %swap3A_997 = tpu.vector_load %arg10[%swap3A_995, %swap3A_996] {strides = array<i32>} : memref<128x128xf32, #tpu.memory_space<vmem>>, vector<1x16xf32>,
        %swap3A_998 = vector.shape_cast %swap3A_997 : vector<1x16xf32> to vector<16xf32>
        %swap3A_999 = vector.shape_cast %mul3A_994 : vector<16xf32> to vector<1x16xf32>
        tpu.vector_store %arg10[%swap3A_995, %swap3A_996], %swap3A_999 {strides = array<i32>} : memref<128x128xf32, #tpu.memory_space<vmem>>, vector<1x16xf32>,
        %get3A_1000 = arith.index_cast %add3A_939 : i32 to index
        %get3A_1001 = arith.constant 96 : index
        %get3A_1002 = tpu.vector_load %arg10[%get3A_1000, %get3A_1001] {strides = array<i32>} : memref<128x128xf32, #tpu.memory_space<vmem>>, vector<1x16xf32>,
        %get3A_1003 = vector.shape_cast %get3A_1002 : vector<1x16xf32> to vector<16xf32>
        %mul3A_1004 = arith.mulf %get3A_1003, %gather3A_935 : vector<16xf32>
        %swap3A_1005 = arith.index_cast %add3A_939 : i32 to index
        %swap3A_1006 = arith.constant 96 : index
        %swap3A_1007 = tpu.vector_load %arg10[%swap3A_1005, %swap3A_1006] {strides = array<i32>} : memref<128x128xf32, #tpu.memory_space<vmem>>, vector<1x16xf32>,
        %swap3A_1008 = vector.shape_cast %swap3A_1007 : vector<1x16xf32> to vector<16xf32>
        %swap3A_1009 = vector.shape_cast %mul3A_1004 : vector<16xf32> to vector<1x16xf32>
        tpu.vector_store %arg10[%swap3A_1005, %swap3A_1006], %swap3A_1009 {strides = array<i32>} : memref<128x128xf32, #tpu.memory_space<vmem>>, vector<1x16xf32>,
        %get3A_1010 = arith.index_cast %add3A_939 : i32 to index
        %get3A_1011 = arith.constant 112 : index
        %get3A_1012 = tpu.vector_load %arg10[%get3A_1010, %get3A_1011] {strides = array<i32>} : memref<128x128xf32, #tpu.memory_space<vmem>>, vector<1x16xf32>,
        %get3A_1013 = vector.shape_cast %get3A_1012 : vector<1x16xf32> to vector<16xf32>
        %mul3A_1014 = arith.mulf %get3A_1013, %gather3A_935 : vector<16xf32>
        %swap3A_1015 = arith.index_cast %add3A_939 : i32 to index
        %swap3A_1016 = arith.constant 112 : index
        %swap3A_1017 = tpu.vector_load %arg10[%swap3A_1015, %swap3A_1016] {strides = array<i32>} : memref<128x128xf32, #tpu.memory_space<vmem>>, vector<1x16xf32>,
        %swap3A_1018 = vector.shape_cast %swap3A_1017 : vector<1x16xf32> to vector<16xf32>
        %swap3A_1019 = vector.shape_cast %mul3A_1014 : vector<16xf32> to vector<1x16xf32>
        tpu.vector_store %arg10[%swap3A_1015, %swap3A_1016], %swap3A_1019 {strides = array<i32>} : memref<128x128xf32, #tpu.memory_space<vmem>>, vector<1x16xf32>,
        %broadcast_in_dim3A_1020 = arith.constant 11 : i32
        %broadcast_in_dim3A_1021 = vector.broadcast %broadcast_in_dim3A_1020 : i32 to vector<16x1xi32>
        %gather3A_1022 = vector.shape_cast %broadcast_in_dim3A_1021 : vector<16x1xi32> to vector<16xi32>
        %gather3A_1023 = tpu.dynamic_gather %get3A_54[%gather3A_1022] in [0] : vector<16xf32>, vector<16xi32> -> vector<16xf32>
        %mul3A_1024 = arith.constant 16 : i32
        %mul3A_1025 = arith.muli %scan3A_49, %mul3A_1024 : i32
        %add3A_1026 = arith.constant 11 : i32
        %add3A_1027 = arith.addi %mul3A_1025, %add3A_1026 : i32
        %get3A_1028 = arith.index_cast %add3A_1027 : i32 to index
        %get3A_1029 = arith.constant 0 : index
        %get3A_1030 = tpu.vector_load %arg10[%get3A_1028, %get3A_1029] {strides = array<i32>} : memref<128x128xf32, #tpu.memory_space<vmem>>, vector<1x16xf32>,
        %get3A_1031 = vector.shape_cast %get3A_1030 : vector<1x16xf32> to vector<16xf32>
        %mul3A_1032 = arith.mulf %get3A_1031, %gather3A_1023 : vector<16xf32>
        %swap3A_1033 = arith.index_cast %add3A_1027 : i32 to index
        %swap3A_1034 = arith.constant 0 : index
        %swap3A_1035 = tpu.vector_load %arg10[%swap3A_1033, %swap3A_1034] {strides = array<i32>} : memref<128x128xf32, #tpu.memory_space<vmem>>, vector<1x16xf32>,
        %swap3A_1036 = vector.shape_cast %swap3A_1035 : vector<1x16xf32> to vector<16xf32>
        %swap3A_1037 = vector.shape_cast %mul3A_1032 : vector<16xf32> to vector<1x16xf32>
        tpu.vector_store %arg10[%swap3A_1033, %swap3A_1034], %swap3A_1037 {strides = array<i32>} : memref<128x128xf32, #tpu.memory_space<vmem>>, vector<1x16xf32>,
        %get3A_1038 = arith.index_cast %add3A_1027 : i32 to index
        %get3A_1039 = arith.constant 16 : index
        %get3A_1040 = tpu.vector_load %arg10[%get3A_1038, %get3A_1039] {strides = array<i32>} : memref<128x128xf32, #tpu.memory_space<vmem>>, vector<1x16xf32>,
        %get3A_1041 = vector.shape_cast %get3A_1040 : vector<1x16xf32> to vector<16xf32>
        %mul3A_1042 = arith.mulf %get3A_1041, %gather3A_1023 : vector<16xf32>
        %swap3A_1043 = arith.index_cast %add3A_1027 : i32 to index
        %swap3A_1044 = arith.constant 16 : index
        %swap3A_1045 = tpu.vector_load %arg10[%swap3A_1043, %swap3A_1044] {strides = array<i32>} : memref<128x128xf32, #tpu.memory_space<vmem>>, vector<1x16xf32>,
        %swap3A_1046 = vector.shape_cast %swap3A_1045 : vector<1x16xf32> to vector<16xf32>
        %swap3A_1047 = vector.shape_cast %mul3A_1042 : vector<16xf32> to vector<1x16xf32>
        tpu.vector_store %arg10[%swap3A_1043, %swap3A_1044], %swap3A_1047 {strides = array<i32>} : memref<128x128xf32, #tpu.memory_space<vmem>>, vector<1x16xf32>,
        %get3A_1048 = arith.index_cast %add3A_1027 : i32 to index
        %get3A_1049 = arith.constant 32 : index
        %get3A_1050 = tpu.vector_load %arg10[%get3A_1048, %get3A_1049] {strides = array<i32>} : memref<128x128xf32, #tpu.memory_space<vmem>>, vector<1x16xf32>,
        %get3A_1051 = vector.shape_cast %get3A_1050 : vector<1x16xf32> to vector<16xf32>
        %mul3A_1052 = arith.mulf %get3A_1051, %gather3A_1023 : vector<16xf32>
        %swap3A_1053 = arith.index_cast %add3A_1027 : i32 to index
        %swap3A_1054 = arith.constant 32 : index
        %swap3A_1055 = tpu.vector_load %arg10[%swap3A_1053, %swap3A_1054] {strides = array<i32>} : memref<128x128xf32, #tpu.memory_space<vmem>>, vector<1x16xf32>,
        %swap3A_1056 = vector.shape_cast %swap3A_1055 : vector<1x16xf32> to vector<16xf32>
        %swap3A_1057 = vector.shape_cast %mul3A_1052 : vector<16xf32> to vector<1x16xf32>
        tpu.vector_store %arg10[%swap3A_1053, %swap3A_1054], %swap3A_1057 {strides = array<i32>} : memref<128x128xf32, #tpu.memory_space<vmem>>, vector<1x16xf32>,
        %get3A_1058 = arith.index_cast %add3A_1027 : i32 to index
        %get3A_1059 = arith.constant 48 : index
        %get3A_1060 = tpu.vector_load %arg10[%get3A_1058, %get3A_1059] {strides = array<i32>} : memref<128x128xf32, #tpu.memory_space<vmem>>, vector<1x16xf32>,
        %get3A_1061 = vector.shape_cast %get3A_1060 : vector<1x16xf32> to vector<16xf32>
        %mul3A_1062 = arith.mulf %get3A_1061, %gather3A_1023 : vector<16xf32>
        %swap3A_1063 = arith.index_cast %add3A_1027 : i32 to index
        %swap3A_1064 = arith.constant 48 : index
        %swap3A_1065 = tpu.vector_load %arg10[%swap3A_1063, %swap3A_1064] {strides = array<i32>} : memref<128x128xf32, #tpu.memory_space<vmem>>, vector<1x16xf32>,
        %swap3A_1066 = vector.shape_cast %swap3A_1065 : vector<1x16xf32> to vector<16xf32>
        %swap3A_1067 = vector.shape_cast %mul3A_1062 : vector<16xf32> to vector<1x16xf32>
        tpu.vector_store %arg10[%swap3A_1063, %swap3A_1064], %swap3A_1067 {strides = array<i32>} : memref<128x128xf32, #tpu.memory_space<vmem>>, vector<1x16xf32>,
        %get3A_1068 = arith.index_cast %add3A_1027 : i32 to index
        %get3A_1069 = arith.constant 64 : index
        %get3A_1070 = tpu.vector_load %arg10[%get3A_1068, %get3A_1069] {strides = array<i32>} : memref<128x128xf32, #tpu.memory_space<vmem>>, vector<1x16xf32>,
        %get3A_1071 = vector.shape_cast %get3A_1070 : vector<1x16xf32> to vector<16xf32>
        %mul3A_1072 = arith.mulf %get3A_1071, %gather3A_1023 : vector<16xf32>
        %swap3A_1073 = arith.index_cast %add3A_1027 : i32 to index
        %swap3A_1074 = arith.constant 64 : index
        %swap3A_1075 = tpu.vector_load %arg10[%swap3A_1073, %swap3A_1074] {strides = array<i32>} : memref<128x128xf32, #tpu.memory_space<vmem>>, vector<1x16xf32>,
        %swap3A_1076 = vector.shape_cast %swap3A_1075 : vector<1x16xf32> to vector<16xf32>
        %swap3A_1077 = vector.shape_cast %mul3A_1072 : vector<16xf32> to vector<1x16xf32>
        tpu.vector_store %arg10[%swap3A_1073, %swap3A_1074], %swap3A_1077 {strides = array<i32>} : memref<128x128xf32, #tpu.memory_space<vmem>>, vector<1x16xf32>,
        %get3A_1078 = arith.index_cast %add3A_1027 : i32 to index
        %get3A_1079 = arith.constant 80 : index
        %get3A_1080 = tpu.vector_load %arg10[%get3A_1078, %get3A_1079] {strides = array<i32>} : memref<128x128xf32, #tpu.memory_space<vmem>>, vector<1x16xf32>,
        %get3A_1081 = vector.shape_cast %get3A_1080 : vector<1x16xf32> to vector<16xf32>
        %mul3A_1082 = arith.mulf %get3A_1081, %gather3A_1023 : vector<16xf32>
        %swap3A_1083 = arith.index_cast %add3A_1027 : i32 to index
        %swap3A_1084 = arith.constant 80 : index
        %swap3A_1085 = tpu.vector_load %arg10[%swap3A_1083, %swap3A_1084] {strides = array<i32>} : memref<128x128xf32, #tpu.memory_space<vmem>>, vector<1x16xf32>,
        %swap3A_1086 = vector.shape_cast %swap3A_1085 : vector<1x16xf32> to vector<16xf32>
        %swap3A_1087 = vector.shape_cast %mul3A_1082 : vector<16xf32> to vector<1x16xf32>
        tpu.vector_store %arg10[%swap3A_1083, %swap3A_1084], %swap3A_1087 {strides = array<i32>} : memref<128x128xf32, #tpu.memory_space<vmem>>, vector<1x16xf32>,
        %get3A_1088 = arith.index_cast %add3A_1027 : i32 to index
        %get3A_1089 = arith.constant 96 : index
        %get3A_1090 = tpu.vector_load %arg10[%get3A_1088, %get3A_1089] {strides = array<i32>} : memref<128x128xf32, #tpu.memory_space<vmem>>, vector<1x16xf32>,
        %get3A_1091 = vector.shape_cast %get3A_1090 : vector<1x16xf32> to vector<16xf32>
        %mul3A_1092 = arith.mulf %get3A_1091, %gather3A_1023 : vector<16xf32>
        %swap3A_1093 = arith.index_cast %add3A_1027 : i32 to index
        %swap3A_1094 = arith.constant 96 : index
        %swap3A_1095 = tpu.vector_load %arg10[%swap3A_1093, %swap3A_1094] {strides = array<i32>} : memref<128x128xf32, #tpu.memory_space<vmem>>, vector<1x16xf32>,
        %swap3A_1096 = vector.shape_cast %swap3A_1095 : vector<1x16xf32> to vector<16xf32>
        %swap3A_1097 = vector.shape_cast %mul3A_1092 : vector<16xf32> to vector<1x16xf32>
        tpu.vector_store %arg10[%swap3A_1093, %swap3A_1094], %swap3A_1097 {strides = array<i32>} : memref<128x128xf32, #tpu.memory_space<vmem>>, vector<1x16xf32>,
        %get3A_1098 = arith.index_cast %add3A_1027 : i32 to index
        %get3A_1099 = arith.constant 112 : index
        %get3A_1100 = tpu.vector_load %arg10[%get3A_1098, %get3A_1099] {strides = array<i32>} : memref<128x128xf32, #tpu.memory_space<vmem>>, vector<1x16xf32>,
        %get3A_1101 = vector.shape_cast %get3A_1100 : vector<1x16xf32> to vector<16xf32>
        %mul3A_1102 = arith.mulf %get3A_1101, %gather3A_1023 : vector<16xf32>
        %swap3A_1103 = arith.index_cast %add3A_1027 : i32 to index
        %swap3A_1104 = arith.constant 112 : index
        %swap3A_1105 = tpu.vector_load %arg10[%swap3A_1103, %swap3A_1104] {strides = array<i32>} : memref<128x128xf32, #tpu.memory_space<vmem>>, vector<1x16xf32>,
        %swap3A_1106 = vector.shape_cast %swap3A_1105 : vector<1x16xf32> to vector<16xf32>
        %swap3A_1107 = vector.shape_cast %mul3A_1102 : vector<16xf32> to vector<1x16xf32>
        tpu.vector_store %arg10[%swap3A_1103, %swap3A_1104], %swap3A_1107 {strides = array<i32>} : memref<128x128xf32, #tpu.memory_space<vmem>>, vector<1x16xf32>,
        %broadcast_in_dim3A_1108 = arith.constant 12 : i32
        %broadcast_in_dim3A_1109 = vector.broadcast %broadcast_in_dim3A_1108 : i32 to vector<16x1xi32>
        %gather3A_1110 = vector.shape_cast %broadcast_in_dim3A_1109 : vector<16x1xi32> to vector<16xi32>
        %gather3A_1111 = tpu.dynamic_gather %get3A_54[%gather3A_1110] in [0] : vector<16xf32>, vector<16xi32> -> vector<16xf32>
        %mul3A_1112 = arith.constant 16 : i32
        %mul3A_1113 = arith.muli %scan3A_49, %mul3A_1112 : i32
        %add3A_1114 = arith.constant 12 : i32
        %add3A_1115 = arith.addi %mul3A_1113, %add3A_1114 : i32
        %get3A_1116 = arith.index_cast %add3A_1115 : i32 to index
        %get3A_1117 = arith.constant 0 : index
        %get3A_1118 = tpu.vector_load %arg10[%get3A_1116, %get3A_1117] {strides = array<i32>} : memref<128x128xf32, #tpu.memory_space<vmem>>, vector<1x16xf32>,
        %get3A_1119 = vector.shape_cast %get3A_1118 : vector<1x16xf32> to vector<16xf32>
        %mul3A_1120 = arith.mulf %get3A_1119, %gather3A_1111 : vector<16xf32>
        %swap3A_1121 = arith.index_cast %add3A_1115 : i32 to index
        %swap3A_1122 = arith.constant 0 : index
        %swap3A_1123 = tpu.vector_load %arg10[%swap3A_1121, %swap3A_1122] {strides = array<i32>} : memref<128x128xf32, #tpu.memory_space<vmem>>, vector<1x16xf32>,
        %swap3A_1124 = vector.shape_cast %swap3A_1123 : vector<1x16xf32> to vector<16xf32>
        %swap3A_1125 = vector.shape_cast %mul3A_1120 : vector<16xf32> to vector<1x16xf32>
        tpu.vector_store %arg10[%swap3A_1121, %swap3A_1122], %swap3A_1125 {strides = array<i32>} : memref<128x128xf32, #tpu.memory_space<vmem>>, vector<1x16xf32>,
        %get3A_1126 = arith.index_cast %add3A_1115 : i32 to index
        %get3A_1127 = arith.constant 16 : index
        %get3A_1128 = tpu.vector_load %arg10[%get3A_1126, %get3A_1127] {strides = array<i32>} : memref<128x128xf32, #tpu.memory_space<vmem>>, vector<1x16xf32>,
        %get3A_1129 = vector.shape_cast %get3A_1128 : vector<1x16xf32> to vector<16xf32>
        %mul3A_1130 = arith.mulf %get3A_1129, %gather3A_1111 : vector<16xf32>
        %swap3A_1131 = arith.index_cast %add3A_1115 : i32 to index
        %swap3A_1132 = arith.constant 16 : index
        %swap3A_1133 = tpu.vector_load %arg10[%swap3A_1131, %swap3A_1132] {strides = array<i32>} : memref<128x128xf32, #tpu.memory_space<vmem>>, vector<1x16xf32>,
        %swap3A_1134 = vector.shape_cast %swap3A_1133 : vector<1x16xf32> to vector<16xf32>
        %swap3A_1135 = vector.shape_cast %mul3A_1130 : vector<16xf32> to vector<1x16xf32>
        tpu.vector_store %arg10[%swap3A_1131, %swap3A_1132], %swap3A_1135 {strides = array<i32>} : memref<128x128xf32, #tpu.memory_space<vmem>>, vector<1x16xf32>,
        %get3A_1136 = arith.index_cast %add3A_1115 : i32 to index
        %get3A_1137 = arith.constant 32 : index
        %get3A_1138 = tpu.vector_load %arg10[%get3A_1136, %get3A_1137] {strides = array<i32>} : memref<128x128xf32, #tpu.memory_space<vmem>>, vector<1x16xf32>,
        %get3A_1139 = vector.shape_cast %get3A_1138 : vector<1x16xf32> to vector<16xf32>
        %mul3A_1140 = arith.mulf %get3A_1139, %gather3A_1111 : vector<16xf32>
        %swap3A_1141 = arith.index_cast %add3A_1115 : i32 to index
        %swap3A_1142 = arith.constant 32 : index
        %swap3A_1143 = tpu.vector_load %arg10[%swap3A_1141, %swap3A_1142] {strides = array<i32>} : memref<128x128xf32, #tpu.memory_space<vmem>>, vector<1x16xf32>,
        %swap3A_1144 = vector.shape_cast %swap3A_1143 : vector<1x16xf32> to vector<16xf32>
        %swap3A_1145 = vector.shape_cast %mul3A_1140 : vector<16xf32> to vector<1x16xf32>
        tpu.vector_store %arg10[%swap3A_1141, %swap3A_1142], %swap3A_1145 {strides = array<i32>} : memref<128x128xf32, #tpu.memory_space<vmem>>, vector<1x16xf32>,
        %get3A_1146 = arith.index_cast %add3A_1115 : i32 to index
        %get3A_1147 = arith.constant 48 : index
        %get3A_1148 = tpu.vector_load %arg10[%get3A_1146, %get3A_1147] {strides = array<i32>} : memref<128x128xf32, #tpu.memory_space<vmem>>, vector<1x16xf32>,
        %get3A_1149 = vector.shape_cast %get3A_1148 : vector<1x16xf32> to vector<16xf32>
        %mul3A_1150 = arith.mulf %get3A_1149, %gather3A_1111 : vector<16xf32>
        %swap3A_1151 = arith.index_cast %add3A_1115 : i32 to index
        %swap3A_1152 = arith.constant 48 : index
        %swap3A_1153 = tpu.vector_load %arg10[%swap3A_1151, %swap3A_1152] {strides = array<i32>} : memref<128x128xf32, #tpu.memory_space<vmem>>, vector<1x16xf32>,
        %swap3A_1154 = vector.shape_cast %swap3A_1153 : vector<1x16xf32> to vector<16xf32>
        %swap3A_1155 = vector.shape_cast %mul3A_1150 : vector<16xf32> to vector<1x16xf32>
        tpu.vector_store %arg10[%swap3A_1151, %swap3A_1152], %swap3A_1155 {strides = array<i32>} : memref<128x128xf32, #tpu.memory_space<vmem>>, vector<1x16xf32>,
        %get3A_1156 = arith.index_cast %add3A_1115 : i32 to index
        %get3A_1157 = arith.constant 64 : index
        %get3A_1158 = tpu.vector_load %arg10[%get3A_1156, %get3A_1157] {strides = array<i32>} : memref<128x128xf32, #tpu.memory_space<vmem>>, vector<1x16xf32>,
        %get3A_1159 = vector.shape_cast %get3A_1158 : vector<1x16xf32> to vector<16xf32>
        %mul3A_1160 = arith.mulf %get3A_1159, %gather3A_1111 : vector<16xf32>
        %swap3A_1161 = arith.index_cast %add3A_1115 : i32 to index
        %swap3A_1162 = arith.constant 64 : index
        %swap3A_1163 = tpu.vector_load %arg10[%swap3A_1161, %swap3A_1162] {strides = array<i32>} : memref<128x128xf32, #tpu.memory_space<vmem>>, vector<1x16xf32>,
        %swap3A_1164 = vector.shape_cast %swap3A_1163 : vector<1x16xf32> to vector<16xf32>
        %swap3A_1165 = vector.shape_cast %mul3A_1160 : vector<16xf32> to vector<1x16xf32>
        tpu.vector_store %arg10[%swap3A_1161, %swap3A_1162], %swap3A_1165 {strides = array<i32>} : memref<128x128xf32, #tpu.memory_space<vmem>>, vector<1x16xf32>,
        %get3A_1166 = arith.index_cast %add3A_1115 : i32 to index
        %get3A_1167 = arith.constant 80 : index
        %get3A_1168 = tpu.vector_load %arg10[%get3A_1166, %get3A_1167] {strides = array<i32>} : memref<128x128xf32, #tpu.memory_space<vmem>>, vector<1x16xf32>,
        %get3A_1169 = vector.shape_cast %get3A_1168 : vector<1x16xf32> to vector<16xf32>
        %mul3A_1170 = arith.mulf %get3A_1169, %gather3A_1111 : vector<16xf32>
        %swap3A_1171 = arith.index_cast %add3A_1115 : i32 to index
        %swap3A_1172 = arith.constant 80 : index
        %swap3A_1173 = tpu.vector_load %arg10[%swap3A_1171, %swap3A_1172] {strides = array<i32>} : memref<128x128xf32, #tpu.memory_space<vmem>>, vector<1x16xf32>,
        %swap3A_1174 = vector.shape_cast %swap3A_1173 : vector<1x16xf32> to vector<16xf32>
        %swap3A_1175 = vector.shape_cast %mul3A_1170 : vector<16xf32> to vector<1x16xf32>
        tpu.vector_store %arg10[%swap3A_1171, %swap3A_1172], %swap3A_1175 {strides = array<i32>} : memref<128x128xf32, #tpu.memory_space<vmem>>, vector<1x16xf32>,
        %get3A_1176 = arith.index_cast %add3A_1115 : i32 to index
        %get3A_1177 = arith.constant 96 : index
        %get3A_1178 = tpu.vector_load %arg10[%get3A_1176, %get3A_1177] {strides = array<i32>} : memref<128x128xf32, #tpu.memory_space<vmem>>, vector<1x16xf32>,
        %get3A_1179 = vector.shape_cast %get3A_1178 : vector<1x16xf32> to vector<16xf32>
        %mul3A_1180 = arith.mulf %get3A_1179, %gather3A_1111 : vector<16xf32>
        %swap3A_1181 = arith.index_cast %add3A_1115 : i32 to index
        %swap3A_1182 = arith.constant 96 : index
        %swap3A_1183 = tpu.vector_load %arg10[%swap3A_1181, %swap3A_1182] {strides = array<i32>} : memref<128x128xf32, #tpu.memory_space<vmem>>, vector<1x16xf32>,
        %swap3A_1184 = vector.shape_cast %swap3A_1183 : vector<1x16xf32> to vector<16xf32>
        %swap3A_1185 = vector.shape_cast %mul3A_1180 : vector<16xf32> to vector<1x16xf32>
        tpu.vector_store %arg10[%swap3A_1181, %swap3A_1182], %swap3A_1185 {strides = array<i32>} : memref<128x128xf32, #tpu.memory_space<vmem>>, vector<1x16xf32>,
        %get3A_1186 = arith.index_cast %add3A_1115 : i32 to index
        %get3A_1187 = arith.constant 112 : index
        %get3A_1188 = tpu.vector_load %arg10[%get3A_1186, %get3A_1187] {strides = array<i32>} : memref<128x128xf32, #tpu.memory_space<vmem>>, vector<1x16xf32>,
        %get3A_1189 = vector.shape_cast %get3A_1188 : vector<1x16xf32> to vector<16xf32>
        %mul3A_1190 = arith.mulf %get3A_1189, %gather3A_1111 : vector<16xf32>
        %swap3A_1191 = arith.index_cast %add3A_1115 : i32 to index
        %swap3A_1192 = arith.constant 112 : index
        %swap3A_1193 = tpu.vector_load %arg10[%swap3A_1191, %swap3A_1192] {strides = array<i32>} : memref<128x128xf32, #tpu.memory_space<vmem>>, vector<1x16xf32>,
        %swap3A_1194 = vector.shape_cast %swap3A_1193 : vector<1x16xf32> to vector<16xf32>
        %swap3A_1195 = vector.shape_cast %mul3A_1190 : vector<16xf32> to vector<1x16xf32>
        tpu.vector_store %arg10[%swap3A_1191, %swap3A_1192], %swap3A_1195 {strides = array<i32>} : memref<128x128xf32, #tpu.memory_space<vmem>>, vector<1x16xf32>,
        %broadcast_in_dim3A_1196 = arith.constant 13 : i32
        %broadcast_in_dim3A_1197 = vector.broadcast %broadcast_in_dim3A_1196 : i32 to vector<16x1xi32>
        %gather3A_1198 = vector.shape_cast %broadcast_in_dim3A_1197 : vector<16x1xi32> to vector<16xi32>
        %gather3A_1199 = tpu.dynamic_gather %get3A_54[%gather3A_1198] in [0] : vector<16xf32>, vector<16xi32> -> vector<16xf32>
        %mul3A_1200 = arith.constant 16 : i32
        %mul3A_1201 = arith.muli %scan3A_49, %mul3A_1200 : i32
        %add3A_1202 = arith.constant 13 : i32
        %add3A_1203 = arith.addi %mul3A_1201, %add3A_1202 : i32
        %get3A_1204 = arith.index_cast %add3A_1203 : i32 to index
        %get3A_1205 = arith.constant 0 : index
        %get3A_1206 = tpu.vector_load %arg10[%get3A_1204, %get3A_1205] {strides = array<i32>} : memref<128x128xf32, #tpu.memory_space<vmem>>, vector<1x16xf32>,
        %get3A_1207 = vector.shape_cast %get3A_1206 : vector<1x16xf32> to vector<16xf32>
        %mul3A_1208 = arith.mulf %get3A_1207, %gather3A_1199 : vector<16xf32>
        %swap3A_1209 = arith.index_cast %add3A_1203 : i32 to index
        %swap3A_1210 = arith.constant 0 : index
        %swap3A_1211 = tpu.vector_load %arg10[%swap3A_1209, %swap3A_1210] {strides = array<i32>} : memref<128x128xf32, #tpu.memory_space<vmem>>, vector<1x16xf32>,
        %swap3A_1212 = vector.shape_cast %swap3A_1211 : vector<1x16xf32> to vector<16xf32>
        %swap3A_1213 = vector.shape_cast %mul3A_1208 : vector<16xf32> to vector<1x16xf32>
        tpu.vector_store %arg10[%swap3A_1209, %swap3A_1210], %swap3A_1213 {strides = array<i32>} : memref<128x128xf32, #tpu.memory_space<vmem>>, vector<1x16xf32>,
        %get3A_1214 = arith.index_cast %add3A_1203 : i32 to index
        %get3A_1215 = arith.constant 16 : index
        %get3A_1216 = tpu.vector_load %arg10[%get3A_1214, %get3A_1215] {strides = array<i32>} : memref<128x128xf32, #tpu.memory_space<vmem>>, vector<1x16xf32>,
        %get3A_1217 = vector.shape_cast %get3A_1216 : vector<1x16xf32> to vector<16xf32>
        %mul3A_1218 = arith.mulf %get3A_1217, %gather3A_1199 : vector<16xf32>
        %swap3A_1219 = arith.index_cast %add3A_1203 : i32 to index
        %swap3A_1220 = arith.constant 16 : index
        %swap3A_1221 = tpu.vector_load %arg10[%swap3A_1219, %swap3A_1220] {strides = array<i32>} : memref<128x128xf32, #tpu.memory_space<vmem>>, vector<1x16xf32>,
        %swap3A_1222 = vector.shape_cast %swap3A_1221 : vector<1x16xf32> to vector<16xf32>
        %swap3A_1223 = vector.shape_cast %mul3A_1218 : vector<16xf32> to vector<1x16xf32>
        tpu.vector_store %arg10[%swap3A_1219, %swap3A_1220], %swap3A_1223 {strides = array<i32>} : memref<128x128xf32, #tpu.memory_space<vmem>>, vector<1x16xf32>,
        %get3A_1224 = arith.index_cast %add3A_1203 : i32 to index
        %get3A_1225 = arith.constant 32 : index
        %get3A_1226 = tpu.vector_load %arg10[%get3A_1224, %get3A_1225] {strides = array<i32>} : memref<128x128xf32, #tpu.memory_space<vmem>>, vector<1x16xf32>,
        %get3A_1227 = vector.shape_cast %get3A_1226 : vector<1x16xf32> to vector<16xf32>
        %mul3A_1228 = arith.mulf %get3A_1227, %gather3A_1199 : vector<16xf32>
        %swap3A_1229 = arith.index_cast %add3A_1203 : i32 to index
        %swap3A_1230 = arith.constant 32 : index
        %swap3A_1231 = tpu.vector_load %arg10[%swap3A_1229, %swap3A_1230] {strides = array<i32>} : memref<128x128xf32, #tpu.memory_space<vmem>>, vector<1x16xf32>,
        %swap3A_1232 = vector.shape_cast %swap3A_1231 : vector<1x16xf32> to vector<16xf32>
        %swap3A_1233 = vector.shape_cast %mul3A_1228 : vector<16xf32> to vector<1x16xf32>
        tpu.vector_store %arg10[%swap3A_1229, %swap3A_1230], %swap3A_1233 {strides = array<i32>} : memref<128x128xf32, #tpu.memory_space<vmem>>, vector<1x16xf32>,
        %get3A_1234 = arith.index_cast %add3A_1203 : i32 to index
        %get3A_1235 = arith.constant 48 : index
        %get3A_1236 = tpu.vector_load %arg10[%get3A_1234, %get3A_1235] {strides = array<i32>} : memref<128x128xf32, #tpu.memory_space<vmem>>, vector<1x16xf32>,
        %get3A_1237 = vector.shape_cast %get3A_1236 : vector<1x16xf32> to vector<16xf32>
        %mul3A_1238 = arith.mulf %get3A_1237, %gather3A_1199 : vector<16xf32>
        %swap3A_1239 = arith.index_cast %add3A_1203 : i32 to index
        %swap3A_1240 = arith.constant 48 : index
        %swap3A_1241 = tpu.vector_load %arg10[%swap3A_1239, %swap3A_1240] {strides = array<i32>} : memref<128x128xf32, #tpu.memory_space<vmem>>, vector<1x16xf32>,
        %swap3A_1242 = vector.shape_cast %swap3A_1241 : vector<1x16xf32> to vector<16xf32>
        %swap3A_1243 = vector.shape_cast %mul3A_1238 : vector<16xf32> to vector<1x16xf32>
        tpu.vector_store %arg10[%swap3A_1239, %swap3A_1240], %swap3A_1243 {strides = array<i32>} : memref<128x128xf32, #tpu.memory_space<vmem>>, vector<1x16xf32>,
        %get3A_1244 = arith.index_cast %add3A_1203 : i32 to index
        %get3A_1245 = arith.constant 64 : index
        %get3A_1246 = tpu.vector_load %arg10[%get3A_1244, %get3A_1245] {strides = array<i32>} : memref<128x128xf32, #tpu.memory_space<vmem>>, vector<1x16xf32>,
        %get3A_1247 = vector.shape_cast %get3A_1246 : vector<1x16xf32> to vector<16xf32>
        %mul3A_1248 = arith.mulf %get3A_1247, %gather3A_1199 : vector<16xf32>
        %swap3A_1249 = arith.index_cast %add3A_1203 : i32 to index
        %swap3A_1250 = arith.constant 64 : index
        %swap3A_1251 = tpu.vector_load %arg10[%swap3A_1249, %swap3A_1250] {strides = array<i32>} : memref<128x128xf32, #tpu.memory_space<vmem>>, vector<1x16xf32>,
        %swap3A_1252 = vector.shape_cast %swap3A_1251 : vector<1x16xf32> to vector<16xf32>
        %swap3A_1253 = vector.shape_cast %mul3A_1248 : vector<16xf32> to vector<1x16xf32>
        tpu.vector_store %arg10[%swap3A_1249, %swap3A_1250], %swap3A_1253 {strides = array<i32>} : memref<128x128xf32, #tpu.memory_space<vmem>>, vector<1x16xf32>,
        %get3A_1254 = arith.index_cast %add3A_1203 : i32 to index
        %get3A_1255 = arith.constant 80 : index
        %get3A_1256 = tpu.vector_load %arg10[%get3A_1254, %get3A_1255] {strides = array<i32>} : memref<128x128xf32, #tpu.memory_space<vmem>>, vector<1x16xf32>,
        %get3A_1257 = vector.shape_cast %get3A_1256 : vector<1x16xf32> to vector<16xf32>
        %mul3A_1258 = arith.mulf %get3A_1257, %gather3A_1199 : vector<16xf32>
        %swap3A_1259 = arith.index_cast %add3A_1203 : i32 to index
        %swap3A_1260 = arith.constant 80 : index
        %swap3A_1261 = tpu.vector_load %arg10[%swap3A_1259, %swap3A_1260] {strides = array<i32>} : memref<128x128xf32, #tpu.memory_space<vmem>>, vector<1x16xf32>,
        %swap3A_1262 = vector.shape_cast %swap3A_1261 : vector<1x16xf32> to vector<16xf32>
        %swap3A_1263 = vector.shape_cast %mul3A_1258 : vector<16xf32> to vector<1x16xf32>
        tpu.vector_store %arg10[%swap3A_1259, %swap3A_1260], %swap3A_1263 {strides = array<i32>} : memref<128x128xf32, #tpu.memory_space<vmem>>, vector<1x16xf32>,
        %get3A_1264 = arith.index_cast %add3A_1203 : i32 to index
        %get3A_1265 = arith.constant 96 : index
        %get3A_1266 = tpu.vector_load %arg10[%get3A_1264, %get3A_1265] {strides = array<i32>} : memref<128x128xf32, #tpu.memory_space<vmem>>, vector<1x16xf32>,
        %get3A_1267 = vector.shape_cast %get3A_1266 : vector<1x16xf32> to vector<16xf32>
        %mul3A_1268 = arith.mulf %get3A_1267, %gather3A_1199 : vector<16xf32>
        %swap3A_1269 = arith.index_cast %add3A_1203 : i32 to index
        %swap3A_1270 = arith.constant 96 : index
        %swap3A_1271 = tpu.vector_load %arg10[%swap3A_1269, %swap3A_1270] {strides = array<i32>} : memref<128x128xf32, #tpu.memory_space<vmem>>, vector<1x16xf32>,
        %swap3A_1272 = vector.shape_cast %swap3A_1271 : vector<1x16xf32> to vector<16xf32>
        %swap3A_1273 = vector.shape_cast %mul3A_1268 : vector<16xf32> to vector<1x16xf32>
        tpu.vector_store %arg10[%swap3A_1269, %swap3A_1270], %swap3A_1273 {strides = array<i32>} : memref<128x128xf32, #tpu.memory_space<vmem>>, vector<1x16xf32>,
        %get3A_1274 = arith.index_cast %add3A_1203 : i32 to index
        %get3A_1275 = arith.constant 112 : index
        %get3A_1276 = tpu.vector_load %arg10[%get3A_1274, %get3A_1275] {strides = array<i32>} : memref<128x128xf32, #tpu.memory_space<vmem>>, vector<1x16xf32>,
        %get3A_1277 = vector.shape_cast %get3A_1276 : vector<1x16xf32> to vector<16xf32>
        %mul3A_1278 = arith.mulf %get3A_1277, %gather3A_1199 : vector<16xf32>
        %swap3A_1279 = arith.index_cast %add3A_1203 : i32 to index
        %swap3A_1280 = arith.constant 112 : index
        %swap3A_1281 = tpu.vector_load %arg10[%swap3A_1279, %swap3A_1280] {strides = array<i32>} : memref<128x128xf32, #tpu.memory_space<vmem>>, vector<1x16xf32>,
        %swap3A_1282 = vector.shape_cast %swap3A_1281 : vector<1x16xf32> to vector<16xf32>
        %swap3A_1283 = vector.shape_cast %mul3A_1278 : vector<16xf32> to vector<1x16xf32>
        tpu.vector_store %arg10[%swap3A_1279, %swap3A_1280], %swap3A_1283 {strides = array<i32>} : memref<128x128xf32, #tpu.memory_space<vmem>>, vector<1x16xf32>,
        %broadcast_in_dim3A_1284 = arith.constant 14 : i32
        %broadcast_in_dim3A_1285 = vector.broadcast %broadcast_in_dim3A_1284 : i32 to vector<16x1xi32>
        %gather3A_1286 = vector.shape_cast %broadcast_in_dim3A_1285 : vector<16x1xi32> to vector<16xi32>
        %gather3A_1287 = tpu.dynamic_gather %get3A_54[%gather3A_1286] in [0] : vector<16xf32>, vector<16xi32> -> vector<16xf32>
        %mul3A_1288 = arith.constant 16 : i32
        %mul3A_1289 = arith.muli %scan3A_49, %mul3A_1288 : i32
        %add3A_1290 = arith.constant 14 : i32
        %add3A_1291 = arith.addi %mul3A_1289, %add3A_1290 : i32
        %get3A_1292 = arith.index_cast %add3A_1291 : i32 to index
        %get3A_1293 = arith.constant 0 : index
        %get3A_1294 = tpu.vector_load %arg10[%get3A_1292, %get3A_1293] {strides = array<i32>} : memref<128x128xf32, #tpu.memory_space<vmem>>, vector<1x16xf32>,
        %get3A_1295 = vector.shape_cast %get3A_1294 : vector<1x16xf32> to vector<16xf32>
        %mul3A_1296 = arith.mulf %get3A_1295, %gather3A_1287 : vector<16xf32>
        %swap3A_1297 = arith.index_cast %add3A_1291 : i32 to index
        %swap3A_1298 = arith.constant 0 : index
        %swap3A_1299 = tpu.vector_load %arg10[%swap3A_1297, %swap3A_1298] {strides = array<i32>} : memref<128x128xf32, #tpu.memory_space<vmem>>, vector<1x16xf32>,
        %swap3A_1300 = vector.shape_cast %swap3A_1299 : vector<1x16xf32> to vector<16xf32>
        %swap3A_1301 = vector.shape_cast %mul3A_1296 : vector<16xf32> to vector<1x16xf32>
        tpu.vector_store %arg10[%swap3A_1297, %swap3A_1298], %swap3A_1301 {strides = array<i32>} : memref<128x128xf32, #tpu.memory_space<vmem>>, vector<1x16xf32>,
        %get3A_1302 = arith.index_cast %add3A_1291 : i32 to index
        %get3A_1303 = arith.constant 16 : index
        %get3A_1304 = tpu.vector_load %arg10[%get3A_1302, %get3A_1303] {strides = array<i32>} : memref<128x128xf32, #tpu.memory_space<vmem>>, vector<1x16xf32>,
        %get3A_1305 = vector.shape_cast %get3A_1304 : vector<1x16xf32> to vector<16xf32>
        %mul3A_1306 = arith.mulf %get3A_1305, %gather3A_1287 : vector<16xf32>
        %swap3A_1307 = arith.index_cast %add3A_1291 : i32 to index
        %swap3A_1308 = arith.constant 16 : index
        %swap3A_1309 = tpu.vector_load %arg10[%swap3A_1307, %swap3A_1308] {strides = array<i32>} : memref<128x128xf32, #tpu.memory_space<vmem>>, vector<1x16xf32>,
        %swap3A_1310 = vector.shape_cast %swap3A_1309 : vector<1x16xf32> to vector<16xf32>
        %swap3A_1311 = vector.shape_cast %mul3A_1306 : vector<16xf32> to vector<1x16xf32>
        tpu.vector_store %arg10[%swap3A_1307, %swap3A_1308], %swap3A_1311 {strides = array<i32>} : memref<128x128xf32, #tpu.memory_space<vmem>>, vector<1x16xf32>,
        %get3A_1312 = arith.index_cast %add3A_1291 : i32 to index
        %get3A_1313 = arith.constant 32 : index
        %get3A_1314 = tpu.vector_load %arg10[%get3A_1312, %get3A_1313] {strides = array<i32>} : memref<128x128xf32, #tpu.memory_space<vmem>>, vector<1x16xf32>,
        %get3A_1315 = vector.shape_cast %get3A_1314 : vector<1x16xf32> to vector<16xf32>
        %mul3A_1316 = arith.mulf %get3A_1315, %gather3A_1287 : vector<16xf32>
        %swap3A_1317 = arith.index_cast %add3A_1291 : i32 to index
        %swap3A_1318 = arith.constant 32 : index
        %swap3A_1319 = tpu.vector_load %arg10[%swap3A_1317, %swap3A_1318] {strides = array<i32>} : memref<128x128xf32, #tpu.memory_space<vmem>>, vector<1x16xf32>,
        %swap3A_1320 = vector.shape_cast %swap3A_1319 : vector<1x16xf32> to vector<16xf32>
        %swap3A_1321 = vector.shape_cast %mul3A_1316 : vector<16xf32> to vector<1x16xf32>
        tpu.vector_store %arg10[%swap3A_1317, %swap3A_1318], %swap3A_1321 {strides = array<i32>} : memref<128x128xf32, #tpu.memory_space<vmem>>, vector<1x16xf32>,
        %get3A_1322 = arith.index_cast %add3A_1291 : i32 to index
        %get3A_1323 = arith.constant 48 : index
        %get3A_1324 = tpu.vector_load %arg10[%get3A_1322, %get3A_1323] {strides = array<i32>} : memref<128x128xf32, #tpu.memory_space<vmem>>, vector<1x16xf32>,
        %get3A_1325 = vector.shape_cast %get3A_1324 : vector<1x16xf32> to vector<16xf32>
        %mul3A_1326 = arith.mulf %get3A_1325, %gather3A_1287 : vector<16xf32>
        %swap3A_1327 = arith.index_cast %add3A_1291 : i32 to index
        %swap3A_1328 = arith.constant 48 : index
        %swap3A_1329 = tpu.vector_load %arg10[%swap3A_1327, %swap3A_1328] {strides = array<i32>} : memref<128x128xf32, #tpu.memory_space<vmem>>, vector<1x16xf32>,
        %swap3A_1330 = vector.shape_cast %swap3A_1329 : vector<1x16xf32> to vector<16xf32>
        %swap3A_1331 = vector.shape_cast %mul3A_1326 : vector<16xf32> to vector<1x16xf32>
        tpu.vector_store %arg10[%swap3A_1327, %swap3A_1328], %swap3A_1331 {strides = array<i32>} : memref<128x128xf32, #tpu.memory_space<vmem>>, vector<1x16xf32>,
        %get3A_1332 = arith.index_cast %add3A_1291 : i32 to index
        %get3A_1333 = arith.constant 64 : index
        %get3A_1334 = tpu.vector_load %arg10[%get3A_1332, %get3A_1333] {strides = array<i32>} : memref<128x128xf32, #tpu.memory_space<vmem>>, vector<1x16xf32>,
        %get3A_1335 = vector.shape_cast %get3A_1334 : vector<1x16xf32> to vector<16xf32>
        %mul3A_1336 = arith.mulf %get3A_1335, %gather3A_1287 : vector<16xf32>
        %swap3A_1337 = arith.index_cast %add3A_1291 : i32 to index
        %swap3A_1338 = arith.constant 64 : index
        %swap3A_1339 = tpu.vector_load %arg10[%swap3A_1337, %swap3A_1338] {strides = array<i32>} : memref<128x128xf32, #tpu.memory_space<vmem>>, vector<1x16xf32>,
        %swap3A_1340 = vector.shape_cast %swap3A_1339 : vector<1x16xf32> to vector<16xf32>
        %swap3A_1341 = vector.shape_cast %mul3A_1336 : vector<16xf32> to vector<1x16xf32>
        tpu.vector_store %arg10[%swap3A_1337, %swap3A_1338], %swap3A_1341 {strides = array<i32>} : memref<128x128xf32, #tpu.memory_space<vmem>>, vector<1x16xf32>,
        %get3A_1342 = arith.index_cast %add3A_1291 : i32 to index
        %get3A_1343 = arith.constant 80 : index
        %get3A_1344 = tpu.vector_load %arg10[%get3A_1342, %get3A_1343] {strides = array<i32>} : memref<128x128xf32, #tpu.memory_space<vmem>>, vector<1x16xf32>,
        %get3A_1345 = vector.shape_cast %get3A_1344 : vector<1x16xf32> to vector<16xf32>
        %mul3A_1346 = arith.mulf %get3A_1345, %gather3A_1287 : vector<16xf32>
        %swap3A_1347 = arith.index_cast %add3A_1291 : i32 to index
        %swap3A_1348 = arith.constant 80 : index
        %swap3A_1349 = tpu.vector_load %arg10[%swap3A_1347, %swap3A_1348] {strides = array<i32>} : memref<128x128xf32, #tpu.memory_space<vmem>>, vector<1x16xf32>,
        %swap3A_1350 = vector.shape_cast %swap3A_1349 : vector<1x16xf32> to vector<16xf32>
        %swap3A_1351 = vector.shape_cast %mul3A_1346 : vector<16xf32> to vector<1x16xf32>
        tpu.vector_store %arg10[%swap3A_1347, %swap3A_1348], %swap3A_1351 {strides = array<i32>} : memref<128x128xf32, #tpu.memory_space<vmem>>, vector<1x16xf32>,
        %get3A_1352 = arith.index_cast %add3A_1291 : i32 to index
        %get3A_1353 = arith.constant 96 : index
        %get3A_1354 = tpu.vector_load %arg10[%get3A_1352, %get3A_1353] {strides = array<i32>} : memref<128x128xf32, #tpu.memory_space<vmem>>, vector<1x16xf32>,
        %get3A_1355 = vector.shape_cast %get3A_1354 : vector<1x16xf32> to vector<16xf32>
        %mul3A_1356 = arith.mulf %get3A_1355, %gather3A_1287 : vector<16xf32>
        %swap3A_1357 = arith.index_cast %add3A_1291 : i32 to index
        %swap3A_1358 = arith.constant 96 : index
        %swap3A_1359 = tpu.vector_load %arg10[%swap3A_1357, %swap3A_1358] {strides = array<i32>} : memref<128x128xf32, #tpu.memory_space<vmem>>, vector<1x16xf32>,
        %swap3A_1360 = vector.shape_cast %swap3A_1359 : vector<1x16xf32> to vector<16xf32>
        %swap3A_1361 = vector.shape_cast %mul3A_1356 : vector<16xf32> to vector<1x16xf32>
        tpu.vector_store %arg10[%swap3A_1357, %swap3A_1358], %swap3A_1361 {strides = array<i32>} : memref<128x128xf32, #tpu.memory_space<vmem>>, vector<1x16xf32>,
        %get3A_1362 = arith.index_cast %add3A_1291 : i32 to index
        %get3A_1363 = arith.constant 112 : index
        %get3A_1364 = tpu.vector_load %arg10[%get3A_1362, %get3A_1363] {strides = array<i32>} : memref<128x128xf32, #tpu.memory_space<vmem>>, vector<1x16xf32>,
        %get3A_1365 = vector.shape_cast %get3A_1364 : vector<1x16xf32> to vector<16xf32>
        %mul3A_1366 = arith.mulf %get3A_1365, %gather3A_1287 : vector<16xf32>
        %swap3A_1367 = arith.index_cast %add3A_1291 : i32 to index
        %swap3A_1368 = arith.constant 112 : index
        %swap3A_1369 = tpu.vector_load %arg10[%swap3A_1367, %swap3A_1368] {strides = array<i32>} : memref<128x128xf32, #tpu.memory_space<vmem>>, vector<1x16xf32>,
        %swap3A_1370 = vector.shape_cast %swap3A_1369 : vector<1x16xf32> to vector<16xf32>
        %swap3A_1371 = vector.shape_cast %mul3A_1366 : vector<16xf32> to vector<1x16xf32>
        tpu.vector_store %arg10[%swap3A_1367, %swap3A_1368], %swap3A_1371 {strides = array<i32>} : memref<128x128xf32, #tpu.memory_space<vmem>>, vector<1x16xf32>,
        %broadcast_in_dim3A_1372 = arith.constant 15 : i32
        %broadcast_in_dim3A_1373 = vector.broadcast %broadcast_in_dim3A_1372 : i32 to vector<16x1xi32>
        %gather3A_1374 = vector.shape_cast %broadcast_in_dim3A_1373 : vector<16x1xi32> to vector<16xi32>
        %gather3A_1375 = tpu.dynamic_gather %get3A_54[%gather3A_1374] in [0] : vector<16xf32>, vector<16xi32> -> vector<16xf32>
        %mul3A_1376 = arith.constant 16 : i32
        %mul3A_1377 = arith.muli %scan3A_49, %mul3A_1376 : i32
        %add3A_1378 = arith.constant 15 : i32
        %add3A_1379 = arith.addi %mul3A_1377, %add3A_1378 : i32
        %get3A_1380 = arith.index_cast %add3A_1379 : i32 to index
        %get3A_1381 = arith.constant 0 : index
        %get3A_1382 = tpu.vector_load %arg10[%get3A_1380, %get3A_1381] {strides = array<i32>} : memref<128x128xf32, #tpu.memory_space<vmem>>, vector<1x16xf32>,
        %get3A_1383 = vector.shape_cast %get3A_1382 : vector<1x16xf32> to vector<16xf32>
        %mul3A_1384 = arith.mulf %get3A_1383, %gather3A_1375 : vector<16xf32>
        %swap3A_1385 = arith.index_cast %add3A_1379 : i32 to index
        %swap3A_1386 = arith.constant 0 : index
        %swap3A_1387 = tpu.vector_load %arg10[%swap3A_1385, %swap3A_1386] {strides = array<i32>} : memref<128x128xf32, #tpu.memory_space<vmem>>, vector<1x16xf32>,
        %swap3A_1388 = vector.shape_cast %swap3A_1387 : vector<1x16xf32> to vector<16xf32>
        %swap3A_1389 = vector.shape_cast %mul3A_1384 : vector<16xf32> to vector<1x16xf32>
        tpu.vector_store %arg10[%swap3A_1385, %swap3A_1386], %swap3A_1389 {strides = array<i32>} : memref<128x128xf32, #tpu.memory_space<vmem>>, vector<1x16xf32>,
        %get3A_1390 = arith.index_cast %add3A_1379 : i32 to index
        %get3A_1391 = arith.constant 16 : index
        %get3A_1392 = tpu.vector_load %arg10[%get3A_1390, %get3A_1391] {strides = array<i32>} : memref<128x128xf32, #tpu.memory_space<vmem>>, vector<1x16xf32>,
        %get3A_1393 = vector.shape_cast %get3A_1392 : vector<1x16xf32> to vector<16xf32>
        %mul3A_1394 = arith.mulf %get3A_1393, %gather3A_1375 : vector<16xf32>
        %swap3A_1395 = arith.index_cast %add3A_1379 : i32 to index
        %swap3A_1396 = arith.constant 16 : index
        %swap3A_1397 = tpu.vector_load %arg10[%swap3A_1395, %swap3A_1396] {strides = array<i32>} : memref<128x128xf32, #tpu.memory_space<vmem>>, vector<1x16xf32>,
        %swap3A_1398 = vector.shape_cast %swap3A_1397 : vector<1x16xf32> to vector<16xf32>
        %swap3A_1399 = vector.shape_cast %mul3A_1394 : vector<16xf32> to vector<1x16xf32>
        tpu.vector_store %arg10[%swap3A_1395, %swap3A_1396], %swap3A_1399 {strides = array<i32>} : memref<128x128xf32, #tpu.memory_space<vmem>>, vector<1x16xf32>,
        %get3A_1400 = arith.index_cast %add3A_1379 : i32 to index
        %get3A_1401 = arith.constant 32 : index
        %get3A_1402 = tpu.vector_load %arg10[%get3A_1400, %get3A_1401] {strides = array<i32>} : memref<128x128xf32, #tpu.memory_space<vmem>>, vector<1x16xf32>,
        %get3A_1403 = vector.shape_cast %get3A_1402 : vector<1x16xf32> to vector<16xf32>
        %mul3A_1404 = arith.mulf %get3A_1403, %gather3A_1375 : vector<16xf32>
        %swap3A_1405 = arith.index_cast %add3A_1379 : i32 to index
        %swap3A_1406 = arith.constant 32 : index
        %swap3A_1407 = tpu.vector_load %arg10[%swap3A_1405, %swap3A_1406] {strides = array<i32>} : memref<128x128xf32, #tpu.memory_space<vmem>>, vector<1x16xf32>,
        %swap3A_1408 = vector.shape_cast %swap3A_1407 : vector<1x16xf32> to vector<16xf32>
        %swap3A_1409 = vector.shape_cast %mul3A_1404 : vector<16xf32> to vector<1x16xf32>
        tpu.vector_store %arg10[%swap3A_1405, %swap3A_1406], %swap3A_1409 {strides = array<i32>} : memref<128x128xf32, #tpu.memory_space<vmem>>, vector<1x16xf32>,
        %get3A_1410 = arith.index_cast %add3A_1379 : i32 to index
        %get3A_1411 = arith.constant 48 : index
        %get3A_1412 = tpu.vector_load %arg10[%get3A_1410, %get3A_1411] {strides = array<i32>} : memref<128x128xf32, #tpu.memory_space<vmem>>, vector<1x16xf32>,
        %get3A_1413 = vector.shape_cast %get3A_1412 : vector<1x16xf32> to vector<16xf32>
        %mul3A_1414 = arith.mulf %get3A_1413, %gather3A_1375 : vector<16xf32>
        %swap3A_1415 = arith.index_cast %add3A_1379 : i32 to index
        %swap3A_1416 = arith.constant 48 : index
        %swap3A_1417 = tpu.vector_load %arg10[%swap3A_1415, %swap3A_1416] {strides = array<i32>} : memref<128x128xf32, #tpu.memory_space<vmem>>, vector<1x16xf32>,
        %swap3A_1418 = vector.shape_cast %swap3A_1417 : vector<1x16xf32> to vector<16xf32>
        %swap3A_1419 = vector.shape_cast %mul3A_1414 : vector<16xf32> to vector<1x16xf32>
        tpu.vector_store %arg10[%swap3A_1415, %swap3A_1416], %swap3A_1419 {strides = array<i32>} : memref<128x128xf32, #tpu.memory_space<vmem>>, vector<1x16xf32>,
        %get3A_1420 = arith.index_cast %add3A_1379 : i32 to index
        %get3A_1421 = arith.constant 64 : index
        %get3A_1422 = tpu.vector_load %arg10[%get3A_1420, %get3A_1421] {strides = array<i32>} : memref<128x128xf32, #tpu.memory_space<vmem>>, vector<1x16xf32>,
        %get3A_1423 = vector.shape_cast %get3A_1422 : vector<1x16xf32> to vector<16xf32>
        %mul3A_1424 = arith.mulf %get3A_1423, %gather3A_1375 : vector<16xf32>
        %swap3A_1425 = arith.index_cast %add3A_1379 : i32 to index
        %swap3A_1426 = arith.constant 64 : index
        %swap3A_1427 = tpu.vector_load %arg10[%swap3A_1425, %swap3A_1426] {strides = array<i32>} : memref<128x128xf32, #tpu.memory_space<vmem>>, vector<1x16xf32>,
        %swap3A_1428 = vector.shape_cast %swap3A_1427 : vector<1x16xf32> to vector<16xf32>
        %swap3A_1429 = vector.shape_cast %mul3A_1424 : vector<16xf32> to vector<1x16xf32>
        tpu.vector_store %arg10[%swap3A_1425, %swap3A_1426], %swap3A_1429 {strides = array<i32>} : memref<128x128xf32, #tpu.memory_space<vmem>>, vector<1x16xf32>,
        %get3A_1430 = arith.index_cast %add3A_1379 : i32 to index
        %get3A_1431 = arith.constant 80 : index
        %get3A_1432 = tpu.vector_load %arg10[%get3A_1430, %get3A_1431] {strides = array<i32>} : memref<128x128xf32, #tpu.memory_space<vmem>>, vector<1x16xf32>,
        %get3A_1433 = vector.shape_cast %get3A_1432 : vector<1x16xf32> to vector<16xf32>
        %mul3A_1434 = arith.mulf %get3A_1433, %gather3A_1375 : vector<16xf32>
        %swap3A_1435 = arith.index_cast %add3A_1379 : i32 to index
        %swap3A_1436 = arith.constant 80 : index
        %swap3A_1437 = tpu.vector_load %arg10[%swap3A_1435, %swap3A_1436] {strides = array<i32>} : memref<128x128xf32, #tpu.memory_space<vmem>>, vector<1x16xf32>,
        %swap3A_1438 = vector.shape_cast %swap3A_1437 : vector<1x16xf32> to vector<16xf32>
        %swap3A_1439 = vector.shape_cast %mul3A_1434 : vector<16xf32> to vector<1x16xf32>
        tpu.vector_store %arg10[%swap3A_1435, %swap3A_1436], %swap3A_1439 {strides = array<i32>} : memref<128x128xf32, #tpu.memory_space<vmem>>, vector<1x16xf32>,
        %get3A_1440 = arith.index_cast %add3A_1379 : i32 to index
        %get3A_1441 = arith.constant 96 : index
        %get3A_1442 = tpu.vector_load %arg10[%get3A_1440, %get3A_1441] {strides = array<i32>} : memref<128x128xf32, #tpu.memory_space<vmem>>, vector<1x16xf32>,
        %get3A_1443 = vector.shape_cast %get3A_1442 : vector<1x16xf32> to vector<16xf32>
        %mul3A_1444 = arith.mulf %get3A_1443, %gather3A_1375 : vector<16xf32>
        %swap3A_1445 = arith.index_cast %add3A_1379 : i32 to index
        %swap3A_1446 = arith.constant 96 : index
        %swap3A_1447 = tpu.vector_load %arg10[%swap3A_1445, %swap3A_1446] {strides = array<i32>} : memref<128x128xf32, #tpu.memory_space<vmem>>, vector<1x16xf32>,
        %swap3A_1448 = vector.shape_cast %swap3A_1447 : vector<1x16xf32> to vector<16xf32>
        %swap3A_1449 = vector.shape_cast %mul3A_1444 : vector<16xf32> to vector<1x16xf32>
        tpu.vector_store %arg10[%swap3A_1445, %swap3A_1446], %swap3A_1449 {strides = array<i32>} : memref<128x128xf32, #tpu.memory_space<vmem>>, vector<1x16xf32>,
        %get3A_1450 = arith.index_cast %add3A_1379 : i32 to index
        %get3A_1451 = arith.constant 112 : index
        %get3A_1452 = tpu.vector_load %arg10[%get3A_1450, %get3A_1451] {strides = array<i32>} : memref<128x128xf32, #tpu.memory_space<vmem>>, vector<1x16xf32>,
        %get3A_1453 = vector.shape_cast %get3A_1452 : vector<1x16xf32> to vector<16xf32>
        %mul3A_1454 = arith.mulf %get3A_1453, %gather3A_1375 : vector<16xf32>
        %swap3A_1455 = arith.index_cast %add3A_1379 : i32 to index
        %swap3A_1456 = arith.constant 112 : index
        %swap3A_1457 = tpu.vector_load %arg10[%swap3A_1455, %swap3A_1456] {strides = array<i32>} : memref<128x128xf32, #tpu.memory_space<vmem>>, vector<1x16xf32>,
        %swap3A_1458 = vector.shape_cast %swap3A_1457 : vector<1x16xf32> to vector<16xf32>
        %swap3A_1459 = vector.shape_cast %mul3A_1454 : vector<16xf32> to vector<1x16xf32>
        tpu.vector_store %arg10[%swap3A_1455, %swap3A_1456], %swap3A_1459 {strides = array<i32>} : memref<128x128xf32, #tpu.memory_space<vmem>>, vector<1x16xf32>,
      }
      %scan3A_48 = arith.constant 8 : i32
      "tpu.region"() ({
        %run_scoped3A = tpu.sem_alloc : memref<!tpu.dma_semaphore, #tpu.memory_space<semaphore_mem>>
        %dma_start3A_49 = arith.constant 0 : i32
        %dma_start3A_50 = tpu.memref_slice %arg8[%scan3A_33, %dma_start3A_49] : memref<79x128xi32, #tpu.memory_space<vmem>> -> memref<1x128xi32, #tpu.memory_space<vmem>>
        %dma_start3A_51 = tpu.memref_squeeze %dma_start3A_50 : memref<1x128xi32, #tpu.memory_space<vmem>> -> memref<128xi32, #tpu.memory_space<vmem>>
        %dma_start3A_52 = arith.constant 0 : i32
        %dma_start3A_53 = arith.constant 0 : i32
        %dma_start3A_54 = tpu.memref_slice %arg11[%dma_start3A_52, %dma_start3A_53] : memref<10112x128xf32, #tpu.memory_space<vmem_shared>> -> memref<10112x128xf32, #tpu.memory_space<vmem_shared>>
        tpu.enqueue_indirect_dma source(%arg10 : memref<128x128xf32, #tpu.memory_space<vmem>>) target(%dma_start3A_54 : memref<10112x128xf32, #tpu.memory_space<vmem_shared>>) offsets(%dma_start3A_51 : memref<128xi32, #tpu.memory_space<vmem>>) semaphore(%run_scoped3A : memref<!tpu.dma_semaphore, #tpu.memory_space<semaphore_mem>>) {add = true}
        %dma_wait3A_55 = arith.constant 0 : i32
        %dma_wait3A_56 = tpu.memref_slice %arg8[%scan3A_33, %dma_wait3A_55] : memref<79x128xi32, #tpu.memory_space<vmem>> -> memref<1x128xi32, #tpu.memory_space<vmem>>
        %dma_wait3A_57 = tpu.memref_squeeze %dma_wait3A_56 : memref<1x128xi32, #tpu.memory_space<vmem>> -> memref<128xi32, #tpu.memory_space<vmem>>
        %dma_wait3A_58 = arith.constant 0 : i32
        %dma_wait3A_59 = arith.constant 0 : i32
        %dma_wait3A_60 = tpu.memref_slice %arg11[%dma_wait3A_58, %dma_wait3A_59] : memref<10112x128xf32, #tpu.memory_space<vmem_shared>> -> memref<10112x128xf32, #tpu.memory_space<vmem_shared>>
        tpu.wait_indirect_dma semaphore(%run_scoped3A : memref<!tpu.dma_semaphore, #tpu.memory_space<semaphore_mem>>) src(%arg10 : memref<128x128xf32, #tpu.memory_space<vmem>>) dst(%dma_wait3A_60 : memref<10112x128xf32, #tpu.memory_space<vmem_shared>>)
        tpu.yield
      }) : () -> ()
    }
    %scan3A_29 = arith.constant 79 : i32
    %barrier3A_30 = arith.constant 0 : index
    tpu.barrier barrier_id(%barrier3A_30)
    %mul3A_31 = arith.constant 632 : i32
    %mul3A_32 = arith.muli %arg1, %mul3A_31 : i32
    "tpu.region"() ({
      %run_scoped3A = tpu.sem_alloc : memref<!tpu.dma_semaphore, #tpu.memory_space<semaphore_mem>>
      %dma_start3A = arith.constant 0 : i32
      %dma_start3A_33 = tpu.memref_slice %arg6[%arg0, %mul3A_32, %dma_start3A] : memref<2x10112x128xf32, #tpu.memory_space<hbm>> -> memref<1x632x128xf32, #tpu.memory_space<hbm>>
      %dma_start3A_34 = tpu.memref_squeeze %dma_start3A_33 : memref<1x632x128xf32, #tpu.memory_space<hbm>> -> memref<632x128xf32, #tpu.memory_space<hbm>>
      %dma_start3A_35 = arith.constant 0 : i32
      %dma_start3A_36 = tpu.memref_slice %arg11[%mul3A_32, %dma_start3A_35] : memref<10112x128xf32, #tpu.memory_space<vmem_shared>> -> memref<632x128xf32, #tpu.memory_space<vmem_shared>>
      tpu.enqueue_dma source(%dma_start3A_36 : memref<632x128xf32, #tpu.memory_space<vmem_shared>>) target(%dma_start3A_34 : memref<632x128xf32, #tpu.memory_space<hbm>>) target_semaphore(%run_scoped3A : memref<!tpu.dma_semaphore, #tpu.memory_space<semaphore_mem>>)
      %dma_wait3A = arith.constant 0 : i32
      %dma_wait3A_37 = tpu.memref_slice %arg6[%arg0, %mul3A_32, %dma_wait3A] : memref<2x10112x128xf32, #tpu.memory_space<hbm>> -> memref<1x632x128xf32, #tpu.memory_space<hbm>>
      %dma_wait3A_38 = tpu.memref_squeeze %dma_wait3A_37 : memref<1x632x128xf32, #tpu.memory_space<hbm>> -> memref<632x128xf32, #tpu.memory_space<hbm>>
      %dma_wait3A_39 = arith.constant 0 : i32
      %dma_wait3A_40 = tpu.memref_slice %arg11[%mul3A_32, %dma_wait3A_39] : memref<10112x128xf32, #tpu.memory_space<vmem_shared>> -> memref<632x128xf32, #tpu.memory_space<vmem_shared>>
      tpu.wait_dma2 semaphore(%run_scoped3A : memref<!tpu.dma_semaphore, #tpu.memory_space<semaphore_mem>>) src(%dma_wait3A_40 : memref<632x128xf32, #tpu.memory_space<vmem_shared>>) dst(%dma_wait3A_38 : memref<632x128xf32, #tpu.memory_space<hbm>>)
      tpu.yield
    }) : () -> ()
    return
  }
}

#map = affine_map<(d0, d1) -> (0, 0)>
#map1 = affine_map<(d0, d1) -> (0, 0, 0)>
module attributes {stable_mosaic.version = 14 : i64} {
  func.func @_spmm_body(%arg0: i32, %arg1: i32, %arg2: memref<10000x128xf32, #tpu.memory_space<hbm>>, %arg3: memref<32x79x128xi32, #tpu.memory_space<hbm>>, %arg4: memref<32x79x128xi32, #tpu.memory_space<hbm>>, %arg5: memref<32x79x128xf32, #tpu.memory_space<hbm>>, %arg6: memref<2x10112x128xf32, #tpu.memory_space<hbm>>, %arg7: memref<79x128xi32, #tpu.memory_space<vmem>>, %arg8: memref<79x128xi32, #tpu.memory_space<vmem>>, %arg9: memref<79x128xf32, #tpu.memory_space<vmem>>, %arg10: memref<128x128xf32, #tpu.memory_space<vmem>>, %arg11: memref<10112x128xf32, #tpu.memory_space<vmem_shared>>, %arg12: memref<!tpu.dma_semaphore, #tpu.memory_space<semaphore_mem>>) attributes {dimension_semantics = [#tpu.dimension_semantics<core_parallel>, #tpu.dimension_semantics<subcore_parallel>], iteration_bounds = array<i64: 2, 16>, scalar_prefetch = 0 : i64, scratch_operands = 6 : i64, tpu.core_type = #tpu.core_type<sc_vector_subcore>, window_params = [{transform_indices = #map}, {transform_indices = #map1}, {transform_indices = #map1}, {transform_indices = #map1}, {transform_indices = #map1}]} {
    %mul3A = arith.constant 16 : i32
    %mul3A_0 = arith.muli %arg0, %mul3A : i32
    %add3A = arith.addi %mul3A_0, %arg1 : i32
    %scan3A = arith.constant 0 : i32
    %scan3A_1 = arith.constant 128 : i32
    %scan3A_2 = arith.addi %scan3A, %scan3A_1 : i32
    %scan3A_3 = arith.constant 1 : i32
    scf.for %scan3A_33 = %scan3A to %scan3A_2 step %scan3A_3  : i32 {
      %broadcast_in_dim3A = arith.constant 0.000000e+00 : f32
      %broadcast_in_dim3A_34 = vector.broadcast %broadcast_in_dim3A : f32 to vector<16xf32>
      %swap3A = arith.index_cast %scan3A_33 : i32 to index
      %swap3A_35 = arith.constant 0 : index
      %swap3A_36 = tpu.vector_load %arg10[%swap3A, %swap3A_35] {strides = array<i32>} : memref<128x128xf32, #tpu.memory_space<vmem>>, vector<1x16xf32>,
      %swap3A_37 = vector.shape_cast %swap3A_36 : vector<1x16xf32> to vector<16xf32>
      %swap3A_38 = vector.shape_cast %broadcast_in_dim3A_34 : vector<16xf32> to vector<1x16xf32>
      tpu.vector_store %arg10[%swap3A, %swap3A_35], %swap3A_38 {strides = array<i32>} : memref<128x128xf32, #tpu.memory_space<vmem>>, vector<1x16xf32>,
      %broadcast_in_dim3A_39 = arith.constant 0.000000e+00 : f32
      %broadcast_in_dim3A_40 = vector.broadcast %broadcast_in_dim3A_39 : f32 to vector<16xf32>
      %swap3A_41 = arith.index_cast %scan3A_33 : i32 to index
      %swap3A_42 = arith.constant 16 : index
      %swap3A_43 = tpu.vector_load %arg10[%swap3A_41, %swap3A_42] {strides = array<i32>} : memref<128x128xf32, #tpu.memory_space<vmem>>, vector<1x16xf32>,
      %swap3A_44 = vector.shape_cast %swap3A_43 : vector<1x16xf32> to vector<16xf32>
      %swap3A_45 = vector.shape_cast %broadcast_in_dim3A_40 : vector<16xf32> to vector<1x16xf32>
      tpu.vector_store %arg10[%swap3A_41, %swap3A_42], %swap3A_45 {strides = array<i32>} : memref<128x128xf32, #tpu.memory_space<vmem>>, vector<1x16xf32>,
      %broadcast_in_dim3A_46 = arith.constant 0.000000e+00 : f32
      %broadcast_in_dim3A_47 = vector.broadcast %broadcast_in_dim3A_46 : f32 to vector<16xf32>
      %swap3A_48 = arith.index_cast %scan3A_33 : i32 to index
      %swap3A_49 = arith.constant 32 : index
      %swap3A_50 = tpu.vector_load %arg10[%swap3A_48, %swap3A_49] {strides = array<i32>} : memref<128x128xf32, #tpu.memory_space<vmem>>, vector<1x16xf32>,
      %swap3A_51 = vector.shape_cast %swap3A_50 : vector<1x16xf32> to vector<16xf32>
      %swap3A_52 = vector.shape_cast %broadcast_in_dim3A_47 : vector<16xf32> to vector<1x16xf32>
      tpu.vector_store %arg10[%swap3A_48, %swap3A_49], %swap3A_52 {strides = array<i32>} : memref<128x128xf32, #tpu.memory_space<vmem>>, vector<1x16xf32>,
      %broadcast_in_dim3A_53 = arith.constant 0.000000e+00 : f32
      %broadcast_in_dim3A_54 = vector.broadcast %broadcast_in_dim3A_53 : f32 to vector<16xf32>
      %swap3A_55 = arith.index_cast %scan3A_33 : i32 to index
      %swap3A_56 = arith.constant 48 : index
      %swap3A_57 = tpu.vector_load %arg10[%swap3A_55, %swap3A_56] {strides = array<i32>} : memref<128x128xf32, #tpu.memory_space<vmem>>, vector<1x16xf32>,
      %swap3A_58 = vector.shape_cast %swap3A_57 : vector<1x16xf32> to vector<16xf32>
      %swap3A_59 = vector.shape_cast %broadcast_in_dim3A_54 : vector<16xf32> to vector<1x16xf32>
      tpu.vector_store %arg10[%swap3A_55, %swap3A_56], %swap3A_59 {strides = array<i32>} : memref<128x128xf32, #tpu.memory_space<vmem>>, vector<1x16xf32>,
      %broadcast_in_dim3A_60 = arith.constant 0.000000e+00 : f32
      %broadcast_in_dim3A_61 = vector.broadcast %broadcast_in_dim3A_60 : f32 to vector<16xf32>
      %swap3A_62 = arith.index_cast %scan3A_33 : i32 to index
      %swap3A_63 = arith.constant 64 : index
      %swap3A_64 = tpu.vector_load %arg10[%swap3A_62, %swap3A_63] {strides = array<i32>} : memref<128x128xf32, #tpu.memory_space<vmem>>, vector<1x16xf32>,
      %swap3A_65 = vector.shape_cast %swap3A_64 : vector<1x16xf32> to vector<16xf32>
      %swap3A_66 = vector.shape_cast %broadcast_in_dim3A_61 : vector<16xf32> to vector<1x16xf32>
      tpu.vector_store %arg10[%swap3A_62, %swap3A_63], %swap3A_66 {strides = array<i32>} : memref<128x128xf32, #tpu.memory_space<vmem>>, vector<1x16xf32>,
      %broadcast_in_dim3A_67 = arith.constant 0.000000e+00 : f32
      %broadcast_in_dim3A_68 = vector.broadcast %broadcast_in_dim3A_67 : f32 to vector<16xf32>
      %swap3A_69 = arith.index_cast %scan3A_33 : i32 to index
      %swap3A_70 = arith.constant 80 : index
      %swap3A_71 = tpu.vector_load %arg10[%swap3A_69, %swap3A_70] {strides = array<i32>} : memref<128x128xf32, #tpu.memory_space<vmem>>, vector<1x16xf32>,
      %swap3A_72 = vector.shape_cast %swap3A_71 : vector<1x16xf32> to vector<16xf32>
      %swap3A_73 = vector.shape_cast %broadcast_in_dim3A_68 : vector<16xf32> to vector<1x16xf32>
      tpu.vector_store %arg10[%swap3A_69, %swap3A_70], %swap3A_73 {strides = array<i32>} : memref<128x128xf32, #tpu.memory_space<vmem>>, vector<1x16xf32>,
      %broadcast_in_dim3A_74 = arith.constant 0.000000e+00 : f32
      %broadcast_in_dim3A_75 = vector.broadcast %broadcast_in_dim3A_74 : f32 to vector<16xf32>
      %swap3A_76 = arith.index_cast %scan3A_33 : i32 to index
      %swap3A_77 = arith.constant 96 : index
      %swap3A_78 = tpu.vector_load %arg10[%swap3A_76, %swap3A_77] {strides = array<i32>} : memref<128x128xf32, #tpu.memory_space<vmem>>, vector<1x16xf32>,
      %swap3A_79 = vector.shape_cast %swap3A_78 : vector<1x16xf32> to vector<16xf32>
      %swap3A_80 = vector.shape_cast %broadcast_in_dim3A_75 : vector<16xf32> to vector<1x16xf32>
      tpu.vector_store %arg10[%swap3A_76, %swap3A_77], %swap3A_80 {strides = array<i32>} : memref<128x128xf32, #tpu.memory_space<vmem>>, vector<1x16xf32>,
      %broadcast_in_dim3A_81 = arith.constant 0.000000e+00 : f32
      %broadcast_in_dim3A_82 = vector.broadcast %broadcast_in_dim3A_81 : f32 to vector<16xf32>
      %swap3A_83 = arith.index_cast %scan3A_33 : i32 to index
      %swap3A_84 = arith.constant 112 : index
      %swap3A_85 = tpu.vector_load %arg10[%swap3A_83, %swap3A_84] {strides = array<i32>} : memref<128x128xf32, #tpu.memory_space<vmem>>, vector<1x16xf32>,
      %swap3A_86 = vector.shape_cast %swap3A_85 : vector<1x16xf32> to vector<16xf32>
      %swap3A_87 = vector.shape_cast %broadcast_in_dim3A_82 : vector<16xf32> to vector<1x16xf32>
      tpu.vector_store %arg10[%swap3A_83, %swap3A_84], %swap3A_87 {strides = array<i32>} : memref<128x128xf32, #tpu.memory_space<vmem>>, vector<1x16xf32>,
    }
    %scan3A_4 = arith.constant 128 : i32
    %mul3A_5 = arith.constant 632 : i32
    %mul3A_6 = arith.muli %arg1, %mul3A_5 : i32
    %add3A_7 = arith.constant 0 : i32
    %add3A_8 = arith.addi %mul3A_6, %add3A_7 : i32
    "tpu.region"() ({
      %run_scoped3A = tpu.sem_alloc : memref<!tpu.dma_semaphore, #tpu.memory_space<semaphore_mem>>
      %dma_start3A = arith.constant 0 : i32
      %dma_start3A_33 = arith.constant 0 : i32
      %dma_start3A_34 = tpu.memref_slice %arg10[%dma_start3A, %dma_start3A_33] : memref<128x128xf32, #tpu.memory_space<vmem>> -> memref<128x128xf32, #tpu.memory_space<vmem>>
      %dma_start3A_35 = arith.constant 0 : i32
      %dma_start3A_36 = tpu.memref_slice %arg11[%add3A_8, %dma_start3A_35] : memref<10112x128xf32, #tpu.memory_space<vmem_shared>> -> memref<128x128xf32, #tpu.memory_space<vmem_shared>>
      %dma_start3A_37 = arith.constant 0 : i32
      %dma_start3A_38 = tpu.memref_slice %arg11[%add3A_8, %dma_start3A_37] : memref<10112x128xf32, #tpu.memory_space<vmem_shared>> -> memref<128x128xf32, #tpu.memory_space<vmem_shared>>
      %dma_start3A_39 = arith.constant 0 : i32
      %dma_start3A_40 = arith.constant 0 : i32
      %dma_start3A_41 = tpu.memref_slice %arg10[%dma_start3A_39, %dma_start3A_40] : memref<128x128xf32, #tpu.memory_space<vmem>> -> memref<128x128xf32, #tpu.memory_space<vmem>>
      tpu.enqueue_dma source(%dma_start3A_41 : memref<128x128xf32, #tpu.memory_space<vmem>>) target(%dma_start3A_38 : memref<128x128xf32, #tpu.memory_space<vmem_shared>>) target_semaphore(%run_scoped3A : memref<!tpu.dma_semaphore, #tpu.memory_space<semaphore_mem>>)
      %dma_wait3A = arith.constant 0 : i32
      %dma_wait3A_42 = arith.constant 0 : i32
      %dma_wait3A_43 = tpu.memref_slice %arg10[%dma_wait3A, %dma_wait3A_42] : memref<128x128xf32, #tpu.memory_space<vmem>> -> memref<128x128xf32, #tpu.memory_space<vmem>>
      %dma_wait3A_44 = arith.constant 0 : i32
      %dma_wait3A_45 = tpu.memref_slice %arg11[%add3A_8, %dma_wait3A_44] : memref<10112x128xf32, #tpu.memory_space<vmem_shared>> -> memref<128x128xf32, #tpu.memory_space<vmem_shared>>
      %dma_wait3A_46 = arith.constant 0 : i32
      %dma_wait3A_47 = tpu.memref_slice %arg11[%add3A_8, %dma_wait3A_46] : memref<10112x128xf32, #tpu.memory_space<vmem_shared>> -> memref<128x128xf32, #tpu.memory_space<vmem_shared>>
      %dma_wait3A_48 = arith.constant 0 : i32
      %dma_wait3A_49 = arith.constant 0 : i32
      %dma_wait3A_50 = tpu.memref_slice %arg10[%dma_wait3A_48, %dma_wait3A_49] : memref<128x128xf32, #tpu.memory_space<vmem>> -> memref<128x128xf32, #tpu.memory_space<vmem>>
      tpu.wait_dma2 semaphore(%run_scoped3A : memref<!tpu.dma_semaphore, #tpu.memory_space<semaphore_mem>>) src(%dma_wait3A_50 : memref<128x128xf32, #tpu.memory_space<vmem>>) dst(%dma_wait3A_47 : memref<128x128xf32, #tpu.memory_space<vmem_shared>>)
      tpu.yield
    }) : () -> ()
    %mul3A_9 = arith.constant 632 : i32
    %mul3A_10 = arith.muli %arg1, %mul3A_9 : i32
    %add3A_11 = arith.constant 128 : i32
    %add3A_12 = arith.addi %mul3A_10, %add3A_11 : i32
    "tpu.region"() ({
      %run_scoped3A = tpu.sem_alloc : memref<!tpu.dma_semaphore, #tpu.memory_space<semaphore_mem>>
      %dma_start3A = arith.constant 0 : i32
      %dma_start3A_33 = arith.constant 0 : i32
      %dma_start3A_34 = tpu.memref_slice %arg10[%dma_start3A, %dma_start3A_33] : memref<128x128xf32, #tpu.memory_space<vmem>> -> memref<128x128xf32, #tpu.memory_space<vmem>>
      %dma_start3A_35 = arith.constant 0 : i32
      %dma_start3A_36 = tpu.memref_slice %arg11[%add3A_12, %dma_start3A_35] : memref<10112x128xf32, #tpu.memory_space<vmem_shared>> -> memref<128x128xf32, #tpu.memory_space<vmem_shared>>
      %dma_start3A_37 = arith.constant 0 : i32
      %dma_start3A_38 = tpu.memref_slice %arg11[%add3A_12, %dma_start3A_37] : memref<10112x128xf32, #tpu.memory_space<vmem_shared>> -> memref<128x128xf32, #tpu.memory_space<vmem_shared>>
      %dma_start3A_39 = arith.constant 0 : i32
      %dma_start3A_40 = arith.constant 0 : i32
      %dma_start3A_41 = tpu.memref_slice %arg10[%dma_start3A_39, %dma_start3A_40] : memref<128x128xf32, #tpu.memory_space<vmem>> -> memref<128x128xf32, #tpu.memory_space<vmem>>
      tpu.enqueue_dma source(%dma_start3A_41 : memref<128x128xf32, #tpu.memory_space<vmem>>) target(%dma_start3A_38 : memref<128x128xf32, #tpu.memory_space<vmem_shared>>) target_semaphore(%run_scoped3A : memref<!tpu.dma_semaphore, #tpu.memory_space<semaphore_mem>>)
      %dma_wait3A = arith.constant 0 : i32
      %dma_wait3A_42 = arith.constant 0 : i32
      %dma_wait3A_43 = tpu.memref_slice %arg10[%dma_wait3A, %dma_wait3A_42] : memref<128x128xf32, #tpu.memory_space<vmem>> -> memref<128x128xf32, #tpu.memory_space<vmem>>
      %dma_wait3A_44 = arith.constant 0 : i32
      %dma_wait3A_45 = tpu.memref_slice %arg11[%add3A_12, %dma_wait3A_44] : memref<10112x128xf32, #tpu.memory_space<vmem_shared>> -> memref<128x128xf32, #tpu.memory_space<vmem_shared>>
      %dma_wait3A_46 = arith.constant 0 : i32
      %dma_wait3A_47 = tpu.memref_slice %arg11[%add3A_12, %dma_wait3A_46] : memref<10112x128xf32, #tpu.memory_space<vmem_shared>> -> memref<128x128xf32, #tpu.memory_space<vmem_shared>>
      %dma_wait3A_48 = arith.constant 0 : i32
      %dma_wait3A_49 = arith.constant 0 : i32
      %dma_wait3A_50 = tpu.memref_slice %arg10[%dma_wait3A_48, %dma_wait3A_49] : memref<128x128xf32, #tpu.memory_space<vmem>> -> memref<128x128xf32, #tpu.memory_space<vmem>>
      tpu.wait_dma2 semaphore(%run_scoped3A : memref<!tpu.dma_semaphore, #tpu.memory_space<semaphore_mem>>) src(%dma_wait3A_50 : memref<128x128xf32, #tpu.memory_space<vmem>>) dst(%dma_wait3A_47 : memref<128x128xf32, #tpu.memory_space<vmem_shared>>)
      tpu.yield
    }) : () -> ()
    %mul3A_13 = arith.constant 632 : i32
    %mul3A_14 = arith.muli %arg1, %mul3A_13 : i32
    %add3A_15 = arith.constant 256 : i32
    %add3A_16 = arith.addi %mul3A_14, %add3A_15 : i32
    "tpu.region"() ({
      %run_scoped3A = tpu.sem_alloc : memref<!tpu.dma_semaphore, #tpu.memory_space<semaphore_mem>>
      %dma_start3A = arith.constant 0 : i32
      %dma_start3A_33 = arith.constant 0 : i32
      %dma_start3A_34 = tpu.memref_slice %arg10[%dma_start3A, %dma_start3A_33] : memref<128x128xf32, #tpu.memory_space<vmem>> -> memref<128x128xf32, #tpu.memory_space<vmem>>
      %dma_start3A_35 = arith.constant 0 : i32
      %dma_start3A_36 = tpu.memref_slice %arg11[%add3A_16, %dma_start3A_35] : memref<10112x128xf32, #tpu.memory_space<vmem_shared>> -> memref<128x128xf32, #tpu.memory_space<vmem_shared>>
      %dma_start3A_37 = arith.constant 0 : i32
      %dma_start3A_38 = tpu.memref_slice %arg11[%add3A_16, %dma_start3A_37] : memref<10112x128xf32, #tpu.memory_space<vmem_shared>> -> memref<128x128xf32, #tpu.memory_space<vmem_shared>>
      %dma_start3A_39 = arith.constant 0 : i32
      %dma_start3A_40 = arith.constant 0 : i32
      %dma_start3A_41 = tpu.memref_slice %arg10[%dma_start3A_39, %dma_start3A_40] : memref<128x128xf32, #tpu.memory_space<vmem>> -> memref<128x128xf32, #tpu.memory_space<vmem>>
      tpu.enqueue_dma source(%dma_start3A_41 : memref<128x128xf32, #tpu.memory_space<vmem>>) target(%dma_start3A_38 : memref<128x128xf32, #tpu.memory_space<vmem_shared>>) target_semaphore(%run_scoped3A : memref<!tpu.dma_semaphore, #tpu.memory_space<semaphore_mem>>)
      %dma_wait3A = arith.constant 0 : i32
      %dma_wait3A_42 = arith.constant 0 : i32
      %dma_wait3A_43 = tpu.memref_slice %arg10[%dma_wait3A, %dma_wait3A_42] : memref<128x128xf32, #tpu.memory_space<vmem>> -> memref<128x128xf32, #tpu.memory_space<vmem>>
      %dma_wait3A_44 = arith.constant 0 : i32
      %dma_wait3A_45 = tpu.memref_slice %arg11[%add3A_16, %dma_wait3A_44] : memref<10112x128xf32, #tpu.memory_space<vmem_shared>> -> memref<128x128xf32, #tpu.memory_space<vmem_shared>>
      %dma_wait3A_46 = arith.constant 0 : i32
      %dma_wait3A_47 = tpu.memref_slice %arg11[%add3A_16, %dma_wait3A_46] : memref<10112x128xf32, #tpu.memory_space<vmem_shared>> -> memref<128x128xf32, #tpu.memory_space<vmem_shared>>
      %dma_wait3A_48 = arith.constant 0 : i32
      %dma_wait3A_49 = arith.constant 0 : i32
      %dma_wait3A_50 = tpu.memref_slice %arg10[%dma_wait3A_48, %dma_wait3A_49] : memref<128x128xf32, #tpu.memory_space<vmem>> -> memref<128x128xf32, #tpu.memory_space<vmem>>
      tpu.wait_dma2 semaphore(%run_scoped3A : memref<!tpu.dma_semaphore, #tpu.memory_space<semaphore_mem>>) src(%dma_wait3A_50 : memref<128x128xf32, #tpu.memory_space<vmem>>) dst(%dma_wait3A_47 : memref<128x128xf32, #tpu.memory_space<vmem_shared>>)
      tpu.yield
    }) : () -> ()
    %mul3A_17 = arith.constant 632 : i32
    %mul3A_18 = arith.muli %arg1, %mul3A_17 : i32
    %add3A_19 = arith.constant 384 : i32
    %add3A_20 = arith.addi %mul3A_18, %add3A_19 : i32
    "tpu.region"() ({
      %run_scoped3A = tpu.sem_alloc : memref<!tpu.dma_semaphore, #tpu.memory_space<semaphore_mem>>
      %dma_start3A = arith.constant 0 : i32
      %dma_start3A_33 = arith.constant 0 : i32
      %dma_start3A_34 = tpu.memref_slice %arg10[%dma_start3A, %dma_start3A_33] : memref<128x128xf32, #tpu.memory_space<vmem>> -> memref<128x128xf32, #tpu.memory_space<vmem>>
      %dma_start3A_35 = arith.constant 0 : i32
      %dma_start3A_36 = tpu.memref_slice %arg11[%add3A_20, %dma_start3A_35] : memref<10112x128xf32, #tpu.memory_space<vmem_shared>> -> memref<128x128xf32, #tpu.memory_space<vmem_shared>>
      %dma_start3A_37 = arith.constant 0 : i32
      %dma_start3A_38 = tpu.memref_slice %arg11[%add3A_20, %dma_start3A_37] : memref<10112x128xf32, #tpu.memory_space<vmem_shared>> -> memref<128x128xf32, #tpu.memory_space<vmem_shared>>
      %dma_start3A_39 = arith.constant 0 : i32
      %dma_start3A_40 = arith.constant 0 : i32
      %dma_start3A_41 = tpu.memref_slice %arg10[%dma_start3A_39, %dma_start3A_40] : memref<128x128xf32, #tpu.memory_space<vmem>> -> memref<128x128xf32, #tpu.memory_space<vmem>>
      tpu.enqueue_dma source(%dma_start3A_41 : memref<128x128xf32, #tpu.memory_space<vmem>>) target(%dma_start3A_38 : memref<128x128xf32, #tpu.memory_space<vmem_shared>>) target_semaphore(%run_scoped3A : memref<!tpu.dma_semaphore, #tpu.memory_space<semaphore_mem>>)
      %dma_wait3A = arith.constant 0 : i32
      %dma_wait3A_42 = arith.constant 0 : i32
      %dma_wait3A_43 = tpu.memref_slice %arg10[%dma_wait3A, %dma_wait3A_42] : memref<128x128xf32, #tpu.memory_space<vmem>> -> memref<128x128xf32, #tpu.memory_space<vmem>>
      %dma_wait3A_44 = arith.constant 0 : i32
      %dma_wait3A_45 = tpu.memref_slice %arg11[%add3A_20, %dma_wait3A_44] : memref<10112x128xf32, #tpu.memory_space<vmem_shared>> -> memref<128x128xf32, #tpu.memory_space<vmem_shared>>
      %dma_wait3A_46 = arith.constant 0 : i32
      %dma_wait3A_47 = tpu.memref_slice %arg11[%add3A_20, %dma_wait3A_46] : memref<10112x128xf32, #tpu.memory_space<vmem_shared>> -> memref<128x128xf32, #tpu.memory_space<vmem_shared>>
      %dma_wait3A_48 = arith.constant 0 : i32
      %dma_wait3A_49 = arith.constant 0 : i32
      %dma_wait3A_50 = tpu.memref_slice %arg10[%dma_wait3A_48, %dma_wait3A_49] : memref<128x128xf32, #tpu.memory_space<vmem>> -> memref<128x128xf32, #tpu.memory_space<vmem>>
      tpu.wait_dma2 semaphore(%run_scoped3A : memref<!tpu.dma_semaphore, #tpu.memory_space<semaphore_mem>>) src(%dma_wait3A_50 : memref<128x128xf32, #tpu.memory_space<vmem>>) dst(%dma_wait3A_47 : memref<128x128xf32, #tpu.memory_space<vmem_shared>>)
      tpu.yield
    }) : () -> ()
    %mul3A_21 = arith.constant 632 : i32
    %mul3A_22 = arith.muli %arg1, %mul3A_21 : i32
    %add3A_23 = arith.constant 512 : i32
    %add3A_24 = arith.addi %mul3A_22, %add3A_23 : i32
    "tpu.region"() ({
      %run_scoped3A = tpu.sem_alloc : memref<!tpu.dma_semaphore, #tpu.memory_space<semaphore_mem>>
      %dma_start3A = arith.constant 0 : i32
      %dma_start3A_33 = arith.constant 0 : i32
      %dma_start3A_34 = tpu.memref_slice %arg10[%dma_start3A, %dma_start3A_33] : memref<128x128xf32, #tpu.memory_space<vmem>> -> memref<120x128xf32, #tpu.memory_space<vmem>>
      %dma_start3A_35 = arith.constant 0 : i32
      %dma_start3A_36 = tpu.memref_slice %arg11[%add3A_24, %dma_start3A_35] : memref<10112x128xf32, #tpu.memory_space<vmem_shared>> -> memref<120x128xf32, #tpu.memory_space<vmem_shared>>
      %dma_start3A_37 = arith.constant 0 : i32
      %dma_start3A_38 = tpu.memref_slice %arg11[%add3A_24, %dma_start3A_37] : memref<10112x128xf32, #tpu.memory_space<vmem_shared>> -> memref<120x128xf32, #tpu.memory_space<vmem_shared>>
      %dma_start3A_39 = arith.constant 0 : i32
      %dma_start3A_40 = arith.constant 0 : i32
      %dma_start3A_41 = tpu.memref_slice %arg10[%dma_start3A_39, %dma_start3A_40] : memref<128x128xf32, #tpu.memory_space<vmem>> -> memref<120x128xf32, #tpu.memory_space<vmem>>
      tpu.enqueue_dma source(%dma_start3A_41 : memref<120x128xf32, #tpu.memory_space<vmem>>) target(%dma_start3A_38 : memref<120x128xf32, #tpu.memory_space<vmem_shared>>) target_semaphore(%run_scoped3A : memref<!tpu.dma_semaphore, #tpu.memory_space<semaphore_mem>>)
      %dma_wait3A = arith.constant 0 : i32
      %dma_wait3A_42 = arith.constant 0 : i32
      %dma_wait3A_43 = tpu.memref_slice %arg10[%dma_wait3A, %dma_wait3A_42] : memref<128x128xf32, #tpu.memory_space<vmem>> -> memref<120x128xf32, #tpu.memory_space<vmem>>
      %dma_wait3A_44 = arith.constant 0 : i32
      %dma_wait3A_45 = tpu.memref_slice %arg11[%add3A_24, %dma_wait3A_44] : memref<10112x128xf32, #tpu.memory_space<vmem_shared>> -> memref<120x128xf32, #tpu.memory_space<vmem_shared>>
      %dma_wait3A_46 = arith.constant 0 : i32
      %dma_wait3A_47 = tpu.memref_slice %arg11[%add3A_24, %dma_wait3A_46] : memref<10112x128xf32, #tpu.memory_space<vmem_shared>> -> memref<120x128xf32, #tpu.memory_space<vmem_shared>>
      %dma_wait3A_48 = arith.constant 0 : i32
      %dma_wait3A_49 = arith.constant 0 : i32
      %dma_wait3A_50 = tpu.memref_slice %arg10[%dma_wait3A_48, %dma_wait3A_49] : memref<128x128xf32, #tpu.memory_space<vmem>> -> memref<120x128xf32, #tpu.memory_space<vmem>>
      tpu.wait_dma2 semaphore(%run_scoped3A : memref<!tpu.dma_semaphore, #tpu.memory_space<semaphore_mem>>) src(%dma_wait3A_50 : memref<120x128xf32, #tpu.memory_space<vmem>>) dst(%dma_wait3A_47 : memref<120x128xf32, #tpu.memory_space<vmem_shared>>)
      tpu.yield
    }) : () -> ()
    "tpu.region"() ({
      %run_scoped3A = tpu.sem_alloc : memref<!tpu.dma_semaphore, #tpu.memory_space<semaphore_mem>>
      %dma_start3A = arith.constant 0 : i32
      %dma_start3A_33 = arith.constant 0 : i32
      %dma_start3A_34 = tpu.memref_slice %arg3[%add3A, %dma_start3A, %dma_start3A_33] : memref<32x79x128xi32, #tpu.memory_space<hbm>> -> memref<1x79x128xi32, #tpu.memory_space<hbm>>
      %dma_start3A_35 = tpu.memref_squeeze %dma_start3A_34 : memref<1x79x128xi32, #tpu.memory_space<hbm>> -> memref<79x128xi32, #tpu.memory_space<hbm>>
      %dma_start3A_36 = arith.constant 0 : i32
      %dma_start3A_37 = arith.constant 0 : i32
      %dma_start3A_38 = tpu.memref_slice %arg3[%add3A, %dma_start3A_36, %dma_start3A_37] : memref<32x79x128xi32, #tpu.memory_space<hbm>> -> memref<1x79x128xi32, #tpu.memory_space<hbm>>
      %dma_start3A_39 = tpu.memref_squeeze %dma_start3A_38 : memref<1x79x128xi32, #tpu.memory_space<hbm>> -> memref<79x128xi32, #tpu.memory_space<hbm>>
      tpu.enqueue_dma source(%dma_start3A_39 : memref<79x128xi32, #tpu.memory_space<hbm>>) target(%arg7 : memref<79x128xi32, #tpu.memory_space<vmem>>) target_semaphore(%run_scoped3A : memref<!tpu.dma_semaphore, #tpu.memory_space<semaphore_mem>>)
      %dma_wait3A = arith.constant 0 : i32
      %dma_wait3A_40 = arith.constant 0 : i32
      %dma_wait3A_41 = tpu.memref_slice %arg3[%add3A, %dma_wait3A, %dma_wait3A_40] : memref<32x79x128xi32, #tpu.memory_space<hbm>> -> memref<1x79x128xi32, #tpu.memory_space<hbm>>
      %dma_wait3A_42 = tpu.memref_squeeze %dma_wait3A_41 : memref<1x79x128xi32, #tpu.memory_space<hbm>> -> memref<79x128xi32, #tpu.memory_space<hbm>>
      %dma_wait3A_43 = arith.constant 0 : i32
      %dma_wait3A_44 = arith.constant 0 : i32
      %dma_wait3A_45 = tpu.memref_slice %arg3[%add3A, %dma_wait3A_43, %dma_wait3A_44] : memref<32x79x128xi32, #tpu.memory_space<hbm>> -> memref<1x79x128xi32, #tpu.memory_space<hbm>>
      %dma_wait3A_46 = tpu.memref_squeeze %dma_wait3A_45 : memref<1x79x128xi32, #tpu.memory_space<hbm>> -> memref<79x128xi32, #tpu.memory_space<hbm>>
      tpu.wait_dma2 semaphore(%run_scoped3A : memref<!tpu.dma_semaphore, #tpu.memory_space<semaphore_mem>>) src(%dma_wait3A_46 : memref<79x128xi32, #tpu.memory_space<hbm>>) dst(%arg7 : memref<79x128xi32, #tpu.memory_space<vmem>>)
      tpu.yield
    }) : () -> ()
    "tpu.region"() ({
      %run_scoped3A = tpu.sem_alloc : memref<!tpu.dma_semaphore, #tpu.memory_space<semaphore_mem>>
      %dma_start3A = arith.constant 0 : i32
      %dma_start3A_33 = arith.constant 0 : i32
      %dma_start3A_34 = tpu.memref_slice %arg4[%add3A, %dma_start3A, %dma_start3A_33] : memref<32x79x128xi32, #tpu.memory_space<hbm>> -> memref<1x79x128xi32, #tpu.memory_space<hbm>>
      %dma_start3A_35 = tpu.memref_squeeze %dma_start3A_34 : memref<1x79x128xi32, #tpu.memory_space<hbm>> -> memref<79x128xi32, #tpu.memory_space<hbm>>
      %dma_start3A_36 = arith.constant 0 : i32
      %dma_start3A_37 = arith.constant 0 : i32
      %dma_start3A_38 = tpu.memref_slice %arg4[%add3A, %dma_start3A_36, %dma_start3A_37] : memref<32x79x128xi32, #tpu.memory_space<hbm>> -> memref<1x79x128xi32, #tpu.memory_space<hbm>>
      %dma_start3A_39 = tpu.memref_squeeze %dma_start3A_38 : memref<1x79x128xi32, #tpu.memory_space<hbm>> -> memref<79x128xi32, #tpu.memory_space<hbm>>
      tpu.enqueue_dma source(%dma_start3A_39 : memref<79x128xi32, #tpu.memory_space<hbm>>) target(%arg8 : memref<79x128xi32, #tpu.memory_space<vmem>>) target_semaphore(%run_scoped3A : memref<!tpu.dma_semaphore, #tpu.memory_space<semaphore_mem>>)
      %dma_wait3A = arith.constant 0 : i32
      %dma_wait3A_40 = arith.constant 0 : i32
      %dma_wait3A_41 = tpu.memref_slice %arg4[%add3A, %dma_wait3A, %dma_wait3A_40] : memref<32x79x128xi32, #tpu.memory_space<hbm>> -> memref<1x79x128xi32, #tpu.memory_space<hbm>>
      %dma_wait3A_42 = tpu.memref_squeeze %dma_wait3A_41 : memref<1x79x128xi32, #tpu.memory_space<hbm>> -> memref<79x128xi32, #tpu.memory_space<hbm>>
      %dma_wait3A_43 = arith.constant 0 : i32
      %dma_wait3A_44 = arith.constant 0 : i32
      %dma_wait3A_45 = tpu.memref_slice %arg4[%add3A, %dma_wait3A_43, %dma_wait3A_44] : memref<32x79x128xi32, #tpu.memory_space<hbm>> -> memref<1x79x128xi32, #tpu.memory_space<hbm>>
      %dma_wait3A_46 = tpu.memref_squeeze %dma_wait3A_45 : memref<1x79x128xi32, #tpu.memory_space<hbm>> -> memref<79x128xi32, #tpu.memory_space<hbm>>
      tpu.wait_dma2 semaphore(%run_scoped3A : memref<!tpu.dma_semaphore, #tpu.memory_space<semaphore_mem>>) src(%dma_wait3A_46 : memref<79x128xi32, #tpu.memory_space<hbm>>) dst(%arg8 : memref<79x128xi32, #tpu.memory_space<vmem>>)
      tpu.yield
    }) : () -> ()
    "tpu.region"() ({
      %run_scoped3A = tpu.sem_alloc : memref<!tpu.dma_semaphore, #tpu.memory_space<semaphore_mem>>
      %dma_start3A = arith.constant 0 : i32
      %dma_start3A_33 = arith.constant 0 : i32
      %dma_start3A_34 = tpu.memref_slice %arg5[%add3A, %dma_start3A, %dma_start3A_33] : memref<32x79x128xf32, #tpu.memory_space<hbm>> -> memref<1x79x128xf32, #tpu.memory_space<hbm>>
      %dma_start3A_35 = tpu.memref_squeeze %dma_start3A_34 : memref<1x79x128xf32, #tpu.memory_space<hbm>> -> memref<79x128xf32, #tpu.memory_space<hbm>>
      %dma_start3A_36 = arith.constant 0 : i32
      %dma_start3A_37 = arith.constant 0 : i32
      %dma_start3A_38 = tpu.memref_slice %arg5[%add3A, %dma_start3A_36, %dma_start3A_37] : memref<32x79x128xf32, #tpu.memory_space<hbm>> -> memref<1x79x128xf32, #tpu.memory_space<hbm>>
      %dma_start3A_39 = tpu.memref_squeeze %dma_start3A_38 : memref<1x79x128xf32, #tpu.memory_space<hbm>> -> memref<79x128xf32, #tpu.memory_space<hbm>>
      tpu.enqueue_dma source(%dma_start3A_39 : memref<79x128xf32, #tpu.memory_space<hbm>>) target(%arg9 : memref<79x128xf32, #tpu.memory_space<vmem>>) target_semaphore(%run_scoped3A : memref<!tpu.dma_semaphore, #tpu.memory_space<semaphore_mem>>)
      %dma_wait3A = arith.constant 0 : i32
      %dma_wait3A_40 = arith.constant 0 : i32
      %dma_wait3A_41 = tpu.memref_slice %arg5[%add3A, %dma_wait3A, %dma_wait3A_40] : memref<32x79x128xf32, #tpu.memory_space<hbm>> -> memref<1x79x128xf32, #tpu.memory_space<hbm>>
      %dma_wait3A_42 = tpu.memref_squeeze %dma_wait3A_41 : memref<1x79x128xf32, #tpu.memory_space<hbm>> -> memref<79x128xf32, #tpu.memory_space<hbm>>
      %dma_wait3A_43 = arith.constant 0 : i32
      %dma_wait3A_44 = arith.constant 0 : i32
      %dma_wait3A_45 = tpu.memref_slice %arg5[%add3A, %dma_wait3A_43, %dma_wait3A_44] : memref<32x79x128xf32, #tpu.memory_space<hbm>> -> memref<1x79x128xf32, #tpu.memory_space<hbm>>
      %dma_wait3A_46 = tpu.memref_squeeze %dma_wait3A_45 : memref<1x79x128xf32, #tpu.memory_space<hbm>> -> memref<79x128xf32, #tpu.memory_space<hbm>>
      tpu.wait_dma2 semaphore(%run_scoped3A : memref<!tpu.dma_semaphore, #tpu.memory_space<semaphore_mem>>) src(%dma_wait3A_46 : memref<79x128xf32, #tpu.memory_space<hbm>>) dst(%arg9 : memref<79x128xf32, #tpu.memory_space<vmem>>)
      tpu.yield
    }) : () -> ()
    %barrier3A = arith.constant 0 : index
    tpu.barrier barrier_id(%barrier3A)
    %scan3A_25 = arith.constant 0 : i32
    %scan3A_26 = arith.constant 79 : i32
    %scan3A_27 = arith.addi %scan3A_25, %scan3A_26 : i32
    %scan3A_28 = arith.constant 1 : i32
    scf.for %scan3A_33 = %scan3A_25 to %scan3A_27 step %scan3A_28  : i32 {
      %dma_start3A = arith.constant 0 : i32
      %dma_start3A_34 = tpu.memref_slice %arg7[%scan3A_33, %dma_start3A] : memref<79x128xi32, #tpu.memory_space<vmem>> -> memref<1x128xi32, #tpu.memory_space<vmem>>
      %dma_start3A_35 = tpu.memref_squeeze %dma_start3A_34 : memref<1x128xi32, #tpu.memory_space<vmem>> -> memref<128xi32, #tpu.memory_space<vmem>>
      %dma_start3A_36 = arith.constant 0 : i32
      %dma_start3A_37 = arith.constant 0 : i32
      %dma_start3A_38 = tpu.memref_slice %arg2[%dma_start3A_36, %dma_start3A_37] : memref<10000x128xf32, #tpu.memory_space<hbm>> -> memref<10000x128xf32, #tpu.memory_space<hbm>>
      tpu.enqueue_indirect_dma source(%dma_start3A_38 : memref<10000x128xf32, #tpu.memory_space<hbm>>) target(%arg10 : memref<128x128xf32, #tpu.memory_space<vmem>>) offsets(%dma_start3A_35 : memref<128xi32, #tpu.memory_space<vmem>>) semaphore(%arg12 : memref<!tpu.dma_semaphore, #tpu.memory_space<semaphore_mem>>)
      %dma_wait3A = arith.constant 0 : i32
      %dma_wait3A_39 = tpu.memref_slice %arg7[%scan3A_33, %dma_wait3A] : memref<79x128xi32, #tpu.memory_space<vmem>> -> memref<1x128xi32, #tpu.memory_space<vmem>>
      %dma_wait3A_40 = tpu.memref_squeeze %dma_wait3A_39 : memref<1x128xi32, #tpu.memory_space<vmem>> -> memref<128xi32, #tpu.memory_space<vmem>>
      %dma_wait3A_41 = arith.constant 0 : i32
      %dma_wait3A_42 = arith.constant 0 : i32
      %dma_wait3A_43 = tpu.memref_slice %arg2[%dma_wait3A_41, %dma_wait3A_42] : memref<10000x128xf32, #tpu.memory_space<hbm>> -> memref<10000x128xf32, #tpu.memory_space<hbm>>
      tpu.wait_indirect_dma semaphore(%arg12 : memref<!tpu.dma_semaphore, #tpu.memory_space<semaphore_mem>>) src(%dma_wait3A_43 : memref<10000x128xf32, #tpu.memory_space<hbm>>) dst(%arg10 : memref<128x128xf32, #tpu.memory_space<vmem>>)
      %scan3A_44 = arith.constant 0 : i32
      %scan3A_45 = arith.constant 8 : i32
      %scan3A_46 = arith.addi %scan3A_44, %scan3A_45 : i32
      %scan3A_47 = arith.constant 1 : i32
      scf.for %scan3A_49 = %scan3A_44 to %scan3A_46 step %scan3A_47  : i32 {
        %mul3A_50 = arith.constant 16 : i32
        %mul3A_51 = arith.muli %scan3A_49, %mul3A_50 : i32
        %get3A = arith.index_cast %scan3A_33 : i32 to index
        %get3A_52 = arith.index_cast %mul3A_51 : i32 to index
        %get3A_53 = tpu.vector_load %arg9[%get3A, %get3A_52] {strides = array<i32>} : memref<79x128xf32, #tpu.memory_space<vmem>>, vector<1x16xf32>,
        %get3A_54 = vector.shape_cast %get3A_53 : vector<1x16xf32> to vector<16xf32>
        %broadcast_in_dim3A = arith.constant 0 : i32
        %broadcast_in_dim3A_55 = vector.broadcast %broadcast_in_dim3A : i32 to vector<16x1xi32>
        %gather3A = vector.shape_cast %broadcast_in_dim3A_55 : vector<16x1xi32> to vector<16xi32>
        %gather3A_56 = tpu.dynamic_gather %get3A_54[%gather3A] in [0] : vector<16xf32>, vector<16xi32> -> vector<16xf32>
        %mul3A_57 = arith.constant 16 : i32
        %mul3A_58 = arith.muli %scan3A_49, %mul3A_57 : i32
        %add3A_59 = arith.constant 0 : i32
        %add3A_60 = arith.addi %mul3A_58, %add3A_59 : i32
        %get3A_61 = arith.index_cast %add3A_60 : i32 to index
        %get3A_62 = arith.constant 0 : index
        %get3A_63 = tpu.vector_load %arg10[%get3A_61, %get3A_62] {strides = array<i32>} : memref<128x128xf32, #tpu.memory_space<vmem>>, vector<1x16xf32>,
        %get3A_64 = vector.shape_cast %get3A_63 : vector<1x16xf32> to vector<16xf32>
        %mul3A_65 = arith.mulf %get3A_64, %gather3A_56 : vector<16xf32>
        %swap3A = arith.index_cast %add3A_60 : i32 to index
        %swap3A_66 = arith.constant 0 : index
        %swap3A_67 = tpu.vector_load %arg10[%swap3A, %swap3A_66] {strides = array<i32>} : memref<128x128xf32, #tpu.memory_space<vmem>>, vector<1x16xf32>,
        %swap3A_68 = vector.shape_cast %swap3A_67 : vector<1x16xf32> to vector<16xf32>
        %swap3A_69 = vector.shape_cast %mul3A_65 : vector<16xf32> to vector<1x16xf32>
        tpu.vector_store %arg10[%swap3A, %swap3A_66], %swap3A_69 {strides = array<i32>} : memref<128x128xf32, #tpu.memory_space<vmem>>, vector<1x16xf32>,
        %get3A_70 = arith.index_cast %add3A_60 : i32 to index
        %get3A_71 = arith.constant 16 : index
        %get3A_72 = tpu.vector_load %arg10[%get3A_70, %get3A_71] {strides = array<i32>} : memref<128x128xf32, #tpu.memory_space<vmem>>, vector<1x16xf32>,
        %get3A_73 = vector.shape_cast %get3A_72 : vector<1x16xf32> to vector<16xf32>
        %mul3A_74 = arith.mulf %get3A_73, %gather3A_56 : vector<16xf32>
        %swap3A_75 = arith.index_cast %add3A_60 : i32 to index
        %swap3A_76 = arith.constant 16 : index
        %swap3A_77 = tpu.vector_load %arg10[%swap3A_75, %swap3A_76] {strides = array<i32>} : memref<128x128xf32, #tpu.memory_space<vmem>>, vector<1x16xf32>,
        %swap3A_78 = vector.shape_cast %swap3A_77 : vector<1x16xf32> to vector<16xf32>
        %swap3A_79 = vector.shape_cast %mul3A_74 : vector<16xf32> to vector<1x16xf32>
        tpu.vector_store %arg10[%swap3A_75, %swap3A_76], %swap3A_79 {strides = array<i32>} : memref<128x128xf32, #tpu.memory_space<vmem>>, vector<1x16xf32>,
        %get3A_80 = arith.index_cast %add3A_60 : i32 to index
        %get3A_81 = arith.constant 32 : index
        %get3A_82 = tpu.vector_load %arg10[%get3A_80, %get3A_81] {strides = array<i32>} : memref<128x128xf32, #tpu.memory_space<vmem>>, vector<1x16xf32>,
        %get3A_83 = vector.shape_cast %get3A_82 : vector<1x16xf32> to vector<16xf32>
        %mul3A_84 = arith.mulf %get3A_83, %gather3A_56 : vector<16xf32>
        %swap3A_85 = arith.index_cast %add3A_60 : i32 to index
        %swap3A_86 = arith.constant 32 : index
        %swap3A_87 = tpu.vector_load %arg10[%swap3A_85, %swap3A_86] {strides = array<i32>} : memref<128x128xf32, #tpu.memory_space<vmem>>, vector<1x16xf32>,
        %swap3A_88 = vector.shape_cast %swap3A_87 : vector<1x16xf32> to vector<16xf32>
        %swap3A_89 = vector.shape_cast %mul3A_84 : vector<16xf32> to vector<1x16xf32>
        tpu.vector_store %arg10[%swap3A_85, %swap3A_86], %swap3A_89 {strides = array<i32>} : memref<128x128xf32, #tpu.memory_space<vmem>>, vector<1x16xf32>,
        %get3A_90 = arith.index_cast %add3A_60 : i32 to index
        %get3A_91 = arith.constant 48 : index
        %get3A_92 = tpu.vector_load %arg10[%get3A_90, %get3A_91] {strides = array<i32>} : memref<128x128xf32, #tpu.memory_space<vmem>>, vector<1x16xf32>,
        %get3A_93 = vector.shape_cast %get3A_92 : vector<1x16xf32> to vector<16xf32>
        %mul3A_94 = arith.mulf %get3A_93, %gather3A_56 : vector<16xf32>
        %swap3A_95 = arith.index_cast %add3A_60 : i32 to index
        %swap3A_96 = arith.constant 48 : index
        %swap3A_97 = tpu.vector_load %arg10[%swap3A_95, %swap3A_96] {strides = array<i32>} : memref<128x128xf32, #tpu.memory_space<vmem>>, vector<1x16xf32>,
        %swap3A_98 = vector.shape_cast %swap3A_97 : vector<1x16xf32> to vector<16xf32>
        %swap3A_99 = vector.shape_cast %mul3A_94 : vector<16xf32> to vector<1x16xf32>
        tpu.vector_store %arg10[%swap3A_95, %swap3A_96], %swap3A_99 {strides = array<i32>} : memref<128x128xf32, #tpu.memory_space<vmem>>, vector<1x16xf32>,
        %get3A_100 = arith.index_cast %add3A_60 : i32 to index
        %get3A_101 = arith.constant 64 : index
        %get3A_102 = tpu.vector_load %arg10[%get3A_100, %get3A_101] {strides = array<i32>} : memref<128x128xf32, #tpu.memory_space<vmem>>, vector<1x16xf32>,
        %get3A_103 = vector.shape_cast %get3A_102 : vector<1x16xf32> to vector<16xf32>
        %mul3A_104 = arith.mulf %get3A_103, %gather3A_56 : vector<16xf32>
        %swap3A_105 = arith.index_cast %add3A_60 : i32 to index
        %swap3A_106 = arith.constant 64 : index
        %swap3A_107 = tpu.vector_load %arg10[%swap3A_105, %swap3A_106] {strides = array<i32>} : memref<128x128xf32, #tpu.memory_space<vmem>>, vector<1x16xf32>,
        %swap3A_108 = vector.shape_cast %swap3A_107 : vector<1x16xf32> to vector<16xf32>
        %swap3A_109 = vector.shape_cast %mul3A_104 : vector<16xf32> to vector<1x16xf32>
        tpu.vector_store %arg10[%swap3A_105, %swap3A_106], %swap3A_109 {strides = array<i32>} : memref<128x128xf32, #tpu.memory_space<vmem>>, vector<1x16xf32>,
        %get3A_110 = arith.index_cast %add3A_60 : i32 to index
        %get3A_111 = arith.constant 80 : index
        %get3A_112 = tpu.vector_load %arg10[%get3A_110, %get3A_111] {strides = array<i32>} : memref<128x128xf32, #tpu.memory_space<vmem>>, vector<1x16xf32>,
        %get3A_113 = vector.shape_cast %get3A_112 : vector<1x16xf32> to vector<16xf32>
        %mul3A_114 = arith.mulf %get3A_113, %gather3A_56 : vector<16xf32>
        %swap3A_115 = arith.index_cast %add3A_60 : i32 to index
        %swap3A_116 = arith.constant 80 : index
        %swap3A_117 = tpu.vector_load %arg10[%swap3A_115, %swap3A_116] {strides = array<i32>} : memref<128x128xf32, #tpu.memory_space<vmem>>, vector<1x16xf32>,
        %swap3A_118 = vector.shape_cast %swap3A_117 : vector<1x16xf32> to vector<16xf32>
        %swap3A_119 = vector.shape_cast %mul3A_114 : vector<16xf32> to vector<1x16xf32>
        tpu.vector_store %arg10[%swap3A_115, %swap3A_116], %swap3A_119 {strides = array<i32>} : memref<128x128xf32, #tpu.memory_space<vmem>>, vector<1x16xf32>,
        %get3A_120 = arith.index_cast %add3A_60 : i32 to index
        %get3A_121 = arith.constant 96 : index
        %get3A_122 = tpu.vector_load %arg10[%get3A_120, %get3A_121] {strides = array<i32>} : memref<128x128xf32, #tpu.memory_space<vmem>>, vector<1x16xf32>,
        %get3A_123 = vector.shape_cast %get3A_122 : vector<1x16xf32> to vector<16xf32>
        %mul3A_124 = arith.mulf %get3A_123, %gather3A_56 : vector<16xf32>
        %swap3A_125 = arith.index_cast %add3A_60 : i32 to index
        %swap3A_126 = arith.constant 96 : index
        %swap3A_127 = tpu.vector_load %arg10[%swap3A_125, %swap3A_126] {strides = array<i32>} : memref<128x128xf32, #tpu.memory_space<vmem>>, vector<1x16xf32>,
        %swap3A_128 = vector.shape_cast %swap3A_127 : vector<1x16xf32> to vector<16xf32>
        %swap3A_129 = vector.shape_cast %mul3A_124 : vector<16xf32> to vector<1x16xf32>
        tpu.vector_store %arg10[%swap3A_125, %swap3A_126], %swap3A_129 {strides = array<i32>} : memref<128x128xf32, #tpu.memory_space<vmem>>, vector<1x16xf32>,
        %get3A_130 = arith.index_cast %add3A_60 : i32 to index
        %get3A_131 = arith.constant 112 : index
        %get3A_132 = tpu.vector_load %arg10[%get3A_130, %get3A_131] {strides = array<i32>} : memref<128x128xf32, #tpu.memory_space<vmem>>, vector<1x16xf32>,
        %get3A_133 = vector.shape_cast %get3A_132 : vector<1x16xf32> to vector<16xf32>
        %mul3A_134 = arith.mulf %get3A_133, %gather3A_56 : vector<16xf32>
        %swap3A_135 = arith.index_cast %add3A_60 : i32 to index
        %swap3A_136 = arith.constant 112 : index
        %swap3A_137 = tpu.vector_load %arg10[%swap3A_135, %swap3A_136] {strides = array<i32>} : memref<128x128xf32, #tpu.memory_space<vmem>>, vector<1x16xf32>,
        %swap3A_138 = vector.shape_cast %swap3A_137 : vector<1x16xf32> to vector<16xf32>
        %swap3A_139 = vector.shape_cast %mul3A_134 : vector<16xf32> to vector<1x16xf32>
        tpu.vector_store %arg10[%swap3A_135, %swap3A_136], %swap3A_139 {strides = array<i32>} : memref<128x128xf32, #tpu.memory_space<vmem>>, vector<1x16xf32>,
        %broadcast_in_dim3A_140 = arith.constant 1 : i32
        %broadcast_in_dim3A_141 = vector.broadcast %broadcast_in_dim3A_140 : i32 to vector<16x1xi32>
        %gather3A_142 = vector.shape_cast %broadcast_in_dim3A_141 : vector<16x1xi32> to vector<16xi32>
        %gather3A_143 = tpu.dynamic_gather %get3A_54[%gather3A_142] in [0] : vector<16xf32>, vector<16xi32> -> vector<16xf32>
        %mul3A_144 = arith.constant 16 : i32
        %mul3A_145 = arith.muli %scan3A_49, %mul3A_144 : i32
        %add3A_146 = arith.constant 1 : i32
        %add3A_147 = arith.addi %mul3A_145, %add3A_146 : i32
        %get3A_148 = arith.index_cast %add3A_147 : i32 to index
        %get3A_149 = arith.constant 0 : index
        %get3A_150 = tpu.vector_load %arg10[%get3A_148, %get3A_149] {strides = array<i32>} : memref<128x128xf32, #tpu.memory_space<vmem>>, vector<1x16xf32>,
        %get3A_151 = vector.shape_cast %get3A_150 : vector<1x16xf32> to vector<16xf32>
        %mul3A_152 = arith.mulf %get3A_151, %gather3A_143 : vector<16xf32>
        %swap3A_153 = arith.index_cast %add3A_147 : i32 to index
        %swap3A_154 = arith.constant 0 : index
        %swap3A_155 = tpu.vector_load %arg10[%swap3A_153, %swap3A_154] {strides = array<i32>} : memref<128x128xf32, #tpu.memory_space<vmem>>, vector<1x16xf32>,
        %swap3A_156 = vector.shape_cast %swap3A_155 : vector<1x16xf32> to vector<16xf32>
        %swap3A_157 = vector.shape_cast %mul3A_152 : vector<16xf32> to vector<1x16xf32>
        tpu.vector_store %arg10[%swap3A_153, %swap3A_154], %swap3A_157 {strides = array<i32>} : memref<128x128xf32, #tpu.memory_space<vmem>>, vector<1x16xf32>,
        %get3A_158 = arith.index_cast %add3A_147 : i32 to index
        %get3A_159 = arith.constant 16 : index
        %get3A_160 = tpu.vector_load %arg10[%get3A_158, %get3A_159] {strides = array<i32>} : memref<128x128xf32, #tpu.memory_space<vmem>>, vector<1x16xf32>,
        %get3A_161 = vector.shape_cast %get3A_160 : vector<1x16xf32> to vector<16xf32>
        %mul3A_162 = arith.mulf %get3A_161, %gather3A_143 : vector<16xf32>
        %swap3A_163 = arith.index_cast %add3A_147 : i32 to index
        %swap3A_164 = arith.constant 16 : index
        %swap3A_165 = tpu.vector_load %arg10[%swap3A_163, %swap3A_164] {strides = array<i32>} : memref<128x128xf32, #tpu.memory_space<vmem>>, vector<1x16xf32>,
        %swap3A_166 = vector.shape_cast %swap3A_165 : vector<1x16xf32> to vector<16xf32>
        %swap3A_167 = vector.shape_cast %mul3A_162 : vector<16xf32> to vector<1x16xf32>
        tpu.vector_store %arg10[%swap3A_163, %swap3A_164], %swap3A_167 {strides = array<i32>} : memref<128x128xf32, #tpu.memory_space<vmem>>, vector<1x16xf32>,
        %get3A_168 = arith.index_cast %add3A_147 : i32 to index
        %get3A_169 = arith.constant 32 : index
        %get3A_170 = tpu.vector_load %arg10[%get3A_168, %get3A_169] {strides = array<i32>} : memref<128x128xf32, #tpu.memory_space<vmem>>, vector<1x16xf32>,
        %get3A_171 = vector.shape_cast %get3A_170 : vector<1x16xf32> to vector<16xf32>
        %mul3A_172 = arith.mulf %get3A_171, %gather3A_143 : vector<16xf32>
        %swap3A_173 = arith.index_cast %add3A_147 : i32 to index
        %swap3A_174 = arith.constant 32 : index
        %swap3A_175 = tpu.vector_load %arg10[%swap3A_173, %swap3A_174] {strides = array<i32>} : memref<128x128xf32, #tpu.memory_space<vmem>>, vector<1x16xf32>,
        %swap3A_176 = vector.shape_cast %swap3A_175 : vector<1x16xf32> to vector<16xf32>
        %swap3A_177 = vector.shape_cast %mul3A_172 : vector<16xf32> to vector<1x16xf32>
        tpu.vector_store %arg10[%swap3A_173, %swap3A_174], %swap3A_177 {strides = array<i32>} : memref<128x128xf32, #tpu.memory_space<vmem>>, vector<1x16xf32>,
        %get3A_178 = arith.index_cast %add3A_147 : i32 to index
        %get3A_179 = arith.constant 48 : index
        %get3A_180 = tpu.vector_load %arg10[%get3A_178, %get3A_179] {strides = array<i32>} : memref<128x128xf32, #tpu.memory_space<vmem>>, vector<1x16xf32>,
        %get3A_181 = vector.shape_cast %get3A_180 : vector<1x16xf32> to vector<16xf32>
        %mul3A_182 = arith.mulf %get3A_181, %gather3A_143 : vector<16xf32>
        %swap3A_183 = arith.index_cast %add3A_147 : i32 to index
        %swap3A_184 = arith.constant 48 : index
        %swap3A_185 = tpu.vector_load %arg10[%swap3A_183, %swap3A_184] {strides = array<i32>} : memref<128x128xf32, #tpu.memory_space<vmem>>, vector<1x16xf32>,
        %swap3A_186 = vector.shape_cast %swap3A_185 : vector<1x16xf32> to vector<16xf32>
        %swap3A_187 = vector.shape_cast %mul3A_182 : vector<16xf32> to vector<1x16xf32>
        tpu.vector_store %arg10[%swap3A_183, %swap3A_184], %swap3A_187 {strides = array<i32>} : memref<128x128xf32, #tpu.memory_space<vmem>>, vector<1x16xf32>,
        %get3A_188 = arith.index_cast %add3A_147 : i32 to index
        %get3A_189 = arith.constant 64 : index
        %get3A_190 = tpu.vector_load %arg10[%get3A_188, %get3A_189] {strides = array<i32>} : memref<128x128xf32, #tpu.memory_space<vmem>>, vector<1x16xf32>,
        %get3A_191 = vector.shape_cast %get3A_190 : vector<1x16xf32> to vector<16xf32>
        %mul3A_192 = arith.mulf %get3A_191, %gather3A_143 : vector<16xf32>
        %swap3A_193 = arith.index_cast %add3A_147 : i32 to index
        %swap3A_194 = arith.constant 64 : index
        %swap3A_195 = tpu.vector_load %arg10[%swap3A_193, %swap3A_194] {strides = array<i32>} : memref<128x128xf32, #tpu.memory_space<vmem>>, vector<1x16xf32>,
        %swap3A_196 = vector.shape_cast %swap3A_195 : vector<1x16xf32> to vector<16xf32>
        %swap3A_197 = vector.shape_cast %mul3A_192 : vector<16xf32> to vector<1x16xf32>
        tpu.vector_store %arg10[%swap3A_193, %swap3A_194], %swap3A_197 {strides = array<i32>} : memref<128x128xf32, #tpu.memory_space<vmem>>, vector<1x16xf32>,
        %get3A_198 = arith.index_cast %add3A_147 : i32 to index
        %get3A_199 = arith.constant 80 : index
        %get3A_200 = tpu.vector_load %arg10[%get3A_198, %get3A_199] {strides = array<i32>} : memref<128x128xf32, #tpu.memory_space<vmem>>, vector<1x16xf32>,
        %get3A_201 = vector.shape_cast %get3A_200 : vector<1x16xf32> to vector<16xf32>
        %mul3A_202 = arith.mulf %get3A_201, %gather3A_143 : vector<16xf32>
        %swap3A_203 = arith.index_cast %add3A_147 : i32 to index
        %swap3A_204 = arith.constant 80 : index
        %swap3A_205 = tpu.vector_load %arg10[%swap3A_203, %swap3A_204] {strides = array<i32>} : memref<128x128xf32, #tpu.memory_space<vmem>>, vector<1x16xf32>,
        %swap3A_206 = vector.shape_cast %swap3A_205 : vector<1x16xf32> to vector<16xf32>
        %swap3A_207 = vector.shape_cast %mul3A_202 : vector<16xf32> to vector<1x16xf32>
        tpu.vector_store %arg10[%swap3A_203, %swap3A_204], %swap3A_207 {strides = array<i32>} : memref<128x128xf32, #tpu.memory_space<vmem>>, vector<1x16xf32>,
        %get3A_208 = arith.index_cast %add3A_147 : i32 to index
        %get3A_209 = arith.constant 96 : index
        %get3A_210 = tpu.vector_load %arg10[%get3A_208, %get3A_209] {strides = array<i32>} : memref<128x128xf32, #tpu.memory_space<vmem>>, vector<1x16xf32>,
        %get3A_211 = vector.shape_cast %get3A_210 : vector<1x16xf32> to vector<16xf32>
        %mul3A_212 = arith.mulf %get3A_211, %gather3A_143 : vector<16xf32>
        %swap3A_213 = arith.index_cast %add3A_147 : i32 to index
        %swap3A_214 = arith.constant 96 : index
        %swap3A_215 = tpu.vector_load %arg10[%swap3A_213, %swap3A_214] {strides = array<i32>} : memref<128x128xf32, #tpu.memory_space<vmem>>, vector<1x16xf32>,
        %swap3A_216 = vector.shape_cast %swap3A_215 : vector<1x16xf32> to vector<16xf32>
        %swap3A_217 = vector.shape_cast %mul3A_212 : vector<16xf32> to vector<1x16xf32>
        tpu.vector_store %arg10[%swap3A_213, %swap3A_214], %swap3A_217 {strides = array<i32>} : memref<128x128xf32, #tpu.memory_space<vmem>>, vector<1x16xf32>,
        %get3A_218 = arith.index_cast %add3A_147 : i32 to index
        %get3A_219 = arith.constant 112 : index
        %get3A_220 = tpu.vector_load %arg10[%get3A_218, %get3A_219] {strides = array<i32>} : memref<128x128xf32, #tpu.memory_space<vmem>>, vector<1x16xf32>,
        %get3A_221 = vector.shape_cast %get3A_220 : vector<1x16xf32> to vector<16xf32>
        %mul3A_222 = arith.mulf %get3A_221, %gather3A_143 : vector<16xf32>
        %swap3A_223 = arith.index_cast %add3A_147 : i32 to index
        %swap3A_224 = arith.constant 112 : index
        %swap3A_225 = tpu.vector_load %arg10[%swap3A_223, %swap3A_224] {strides = array<i32>} : memref<128x128xf32, #tpu.memory_space<vmem>>, vector<1x16xf32>,
        %swap3A_226 = vector.shape_cast %swap3A_225 : vector<1x16xf32> to vector<16xf32>
        %swap3A_227 = vector.shape_cast %mul3A_222 : vector<16xf32> to vector<1x16xf32>
        tpu.vector_store %arg10[%swap3A_223, %swap3A_224], %swap3A_227 {strides = array<i32>} : memref<128x128xf32, #tpu.memory_space<vmem>>, vector<1x16xf32>,
        %broadcast_in_dim3A_228 = arith.constant 2 : i32
        %broadcast_in_dim3A_229 = vector.broadcast %broadcast_in_dim3A_228 : i32 to vector<16x1xi32>
        %gather3A_230 = vector.shape_cast %broadcast_in_dim3A_229 : vector<16x1xi32> to vector<16xi32>
        %gather3A_231 = tpu.dynamic_gather %get3A_54[%gather3A_230] in [0] : vector<16xf32>, vector<16xi32> -> vector<16xf32>
        %mul3A_232 = arith.constant 16 : i32
        %mul3A_233 = arith.muli %scan3A_49, %mul3A_232 : i32
        %add3A_234 = arith.constant 2 : i32
        %add3A_235 = arith.addi %mul3A_233, %add3A_234 : i32
        %get3A_236 = arith.index_cast %add3A_235 : i32 to index
        %get3A_237 = arith.constant 0 : index
        %get3A_238 = tpu.vector_load %arg10[%get3A_236, %get3A_237] {strides = array<i32>} : memref<128x128xf32, #tpu.memory_space<vmem>>, vector<1x16xf32>,
        %get3A_239 = vector.shape_cast %get3A_238 : vector<1x16xf32> to vector<16xf32>
        %mul3A_240 = arith.mulf %get3A_239, %gather3A_231 : vector<16xf32>
        %swap3A_241 = arith.index_cast %add3A_235 : i32 to index
        %swap3A_242 = arith.constant 0 : index
        %swap3A_243 = tpu.vector_load %arg10[%swap3A_241, %swap3A_242] {strides = array<i32>} : memref<128x128xf32, #tpu.memory_space<vmem>>, vector<1x16xf32>,
        %swap3A_244 = vector.shape_cast %swap3A_243 : vector<1x16xf32> to vector<16xf32>
        %swap3A_245 = vector.shape_cast %mul3A_240 : vector<16xf32> to vector<1x16xf32>
        tpu.vector_store %arg10[%swap3A_241, %swap3A_242], %swap3A_245 {strides = array<i32>} : memref<128x128xf32, #tpu.memory_space<vmem>>, vector<1x16xf32>,
        %get3A_246 = arith.index_cast %add3A_235 : i32 to index
        %get3A_247 = arith.constant 16 : index
        %get3A_248 = tpu.vector_load %arg10[%get3A_246, %get3A_247] {strides = array<i32>} : memref<128x128xf32, #tpu.memory_space<vmem>>, vector<1x16xf32>,
        %get3A_249 = vector.shape_cast %get3A_248 : vector<1x16xf32> to vector<16xf32>
        %mul3A_250 = arith.mulf %get3A_249, %gather3A_231 : vector<16xf32>
        %swap3A_251 = arith.index_cast %add3A_235 : i32 to index
        %swap3A_252 = arith.constant 16 : index
        %swap3A_253 = tpu.vector_load %arg10[%swap3A_251, %swap3A_252] {strides = array<i32>} : memref<128x128xf32, #tpu.memory_space<vmem>>, vector<1x16xf32>,
        %swap3A_254 = vector.shape_cast %swap3A_253 : vector<1x16xf32> to vector<16xf32>
        %swap3A_255 = vector.shape_cast %mul3A_250 : vector<16xf32> to vector<1x16xf32>
        tpu.vector_store %arg10[%swap3A_251, %swap3A_252], %swap3A_255 {strides = array<i32>} : memref<128x128xf32, #tpu.memory_space<vmem>>, vector<1x16xf32>,
        %get3A_256 = arith.index_cast %add3A_235 : i32 to index
        %get3A_257 = arith.constant 32 : index
        %get3A_258 = tpu.vector_load %arg10[%get3A_256, %get3A_257] {strides = array<i32>} : memref<128x128xf32, #tpu.memory_space<vmem>>, vector<1x16xf32>,
        %get3A_259 = vector.shape_cast %get3A_258 : vector<1x16xf32> to vector<16xf32>
        %mul3A_260 = arith.mulf %get3A_259, %gather3A_231 : vector<16xf32>
        %swap3A_261 = arith.index_cast %add3A_235 : i32 to index
        %swap3A_262 = arith.constant 32 : index
        %swap3A_263 = tpu.vector_load %arg10[%swap3A_261, %swap3A_262] {strides = array<i32>} : memref<128x128xf32, #tpu.memory_space<vmem>>, vector<1x16xf32>,
        %swap3A_264 = vector.shape_cast %swap3A_263 : vector<1x16xf32> to vector<16xf32>
        %swap3A_265 = vector.shape_cast %mul3A_260 : vector<16xf32> to vector<1x16xf32>
        tpu.vector_store %arg10[%swap3A_261, %swap3A_262], %swap3A_265 {strides = array<i32>} : memref<128x128xf32, #tpu.memory_space<vmem>>, vector<1x16xf32>,
        %get3A_266 = arith.index_cast %add3A_235 : i32 to index
        %get3A_267 = arith.constant 48 : index
        %get3A_268 = tpu.vector_load %arg10[%get3A_266, %get3A_267] {strides = array<i32>} : memref<128x128xf32, #tpu.memory_space<vmem>>, vector<1x16xf32>,
        %get3A_269 = vector.shape_cast %get3A_268 : vector<1x16xf32> to vector<16xf32>
        %mul3A_270 = arith.mulf %get3A_269, %gather3A_231 : vector<16xf32>
        %swap3A_271 = arith.index_cast %add3A_235 : i32 to index
        %swap3A_272 = arith.constant 48 : index
        %swap3A_273 = tpu.vector_load %arg10[%swap3A_271, %swap3A_272] {strides = array<i32>} : memref<128x128xf32, #tpu.memory_space<vmem>>, vector<1x16xf32>,
        %swap3A_274 = vector.shape_cast %swap3A_273 : vector<1x16xf32> to vector<16xf32>
        %swap3A_275 = vector.shape_cast %mul3A_270 : vector<16xf32> to vector<1x16xf32>
        tpu.vector_store %arg10[%swap3A_271, %swap3A_272], %swap3A_275 {strides = array<i32>} : memref<128x128xf32, #tpu.memory_space<vmem>>, vector<1x16xf32>,
        %get3A_276 = arith.index_cast %add3A_235 : i32 to index
        %get3A_277 = arith.constant 64 : index
        %get3A_278 = tpu.vector_load %arg10[%get3A_276, %get3A_277] {strides = array<i32>} : memref<128x128xf32, #tpu.memory_space<vmem>>, vector<1x16xf32>,
        %get3A_279 = vector.shape_cast %get3A_278 : vector<1x16xf32> to vector<16xf32>
        %mul3A_280 = arith.mulf %get3A_279, %gather3A_231 : vector<16xf32>
        %swap3A_281 = arith.index_cast %add3A_235 : i32 to index
        %swap3A_282 = arith.constant 64 : index
        %swap3A_283 = tpu.vector_load %arg10[%swap3A_281, %swap3A_282] {strides = array<i32>} : memref<128x128xf32, #tpu.memory_space<vmem>>, vector<1x16xf32>,
        %swap3A_284 = vector.shape_cast %swap3A_283 : vector<1x16xf32> to vector<16xf32>
        %swap3A_285 = vector.shape_cast %mul3A_280 : vector<16xf32> to vector<1x16xf32>
        tpu.vector_store %arg10[%swap3A_281, %swap3A_282], %swap3A_285 {strides = array<i32>} : memref<128x128xf32, #tpu.memory_space<vmem>>, vector<1x16xf32>,
        %get3A_286 = arith.index_cast %add3A_235 : i32 to index
        %get3A_287 = arith.constant 80 : index
        %get3A_288 = tpu.vector_load %arg10[%get3A_286, %get3A_287] {strides = array<i32>} : memref<128x128xf32, #tpu.memory_space<vmem>>, vector<1x16xf32>,
        %get3A_289 = vector.shape_cast %get3A_288 : vector<1x16xf32> to vector<16xf32>
        %mul3A_290 = arith.mulf %get3A_289, %gather3A_231 : vector<16xf32>
        %swap3A_291 = arith.index_cast %add3A_235 : i32 to index
        %swap3A_292 = arith.constant 80 : index
        %swap3A_293 = tpu.vector_load %arg10[%swap3A_291, %swap3A_292] {strides = array<i32>} : memref<128x128xf32, #tpu.memory_space<vmem>>, vector<1x16xf32>,
        %swap3A_294 = vector.shape_cast %swap3A_293 : vector<1x16xf32> to vector<16xf32>
        %swap3A_295 = vector.shape_cast %mul3A_290 : vector<16xf32> to vector<1x16xf32>
        tpu.vector_store %arg10[%swap3A_291, %swap3A_292], %swap3A_295 {strides = array<i32>} : memref<128x128xf32, #tpu.memory_space<vmem>>, vector<1x16xf32>,
        %get3A_296 = arith.index_cast %add3A_235 : i32 to index
        %get3A_297 = arith.constant 96 : index
        %get3A_298 = tpu.vector_load %arg10[%get3A_296, %get3A_297] {strides = array<i32>} : memref<128x128xf32, #tpu.memory_space<vmem>>, vector<1x16xf32>,
        %get3A_299 = vector.shape_cast %get3A_298 : vector<1x16xf32> to vector<16xf32>
        %mul3A_300 = arith.mulf %get3A_299, %gather3A_231 : vector<16xf32>
        %swap3A_301 = arith.index_cast %add3A_235 : i32 to index
        %swap3A_302 = arith.constant 96 : index
        %swap3A_303 = tpu.vector_load %arg10[%swap3A_301, %swap3A_302] {strides = array<i32>} : memref<128x128xf32, #tpu.memory_space<vmem>>, vector<1x16xf32>,
        %swap3A_304 = vector.shape_cast %swap3A_303 : vector<1x16xf32> to vector<16xf32>
        %swap3A_305 = vector.shape_cast %mul3A_300 : vector<16xf32> to vector<1x16xf32>
        tpu.vector_store %arg10[%swap3A_301, %swap3A_302], %swap3A_305 {strides = array<i32>} : memref<128x128xf32, #tpu.memory_space<vmem>>, vector<1x16xf32>,
        %get3A_306 = arith.index_cast %add3A_235 : i32 to index
        %get3A_307 = arith.constant 112 : index
        %get3A_308 = tpu.vector_load %arg10[%get3A_306, %get3A_307] {strides = array<i32>} : memref<128x128xf32, #tpu.memory_space<vmem>>, vector<1x16xf32>,
        %get3A_309 = vector.shape_cast %get3A_308 : vector<1x16xf32> to vector<16xf32>
        %mul3A_310 = arith.mulf %get3A_309, %gather3A_231 : vector<16xf32>
        %swap3A_311 = arith.index_cast %add3A_235 : i32 to index
        %swap3A_312 = arith.constant 112 : index
        %swap3A_313 = tpu.vector_load %arg10[%swap3A_311, %swap3A_312] {strides = array<i32>} : memref<128x128xf32, #tpu.memory_space<vmem>>, vector<1x16xf32>,
        %swap3A_314 = vector.shape_cast %swap3A_313 : vector<1x16xf32> to vector<16xf32>
        %swap3A_315 = vector.shape_cast %mul3A_310 : vector<16xf32> to vector<1x16xf32>
        tpu.vector_store %arg10[%swap3A_311, %swap3A_312], %swap3A_315 {strides = array<i32>} : memref<128x128xf32, #tpu.memory_space<vmem>>, vector<1x16xf32>,
        %broadcast_in_dim3A_316 = arith.constant 3 : i32
        %broadcast_in_dim3A_317 = vector.broadcast %broadcast_in_dim3A_316 : i32 to vector<16x1xi32>
        %gather3A_318 = vector.shape_cast %broadcast_in_dim3A_317 : vector<16x1xi32> to vector<16xi32>
        %gather3A_319 = tpu.dynamic_gather %get3A_54[%gather3A_318] in [0] : vector<16xf32>, vector<16xi32> -> vector<16xf32>
        %mul3A_320 = arith.constant 16 : i32
        %mul3A_321 = arith.muli %scan3A_49, %mul3A_320 : i32
        %add3A_322 = arith.constant 3 : i32
        %add3A_323 = arith.addi %mul3A_321, %add3A_322 : i32
        %get3A_324 = arith.index_cast %add3A_323 : i32 to index
        %get3A_325 = arith.constant 0 : index
        %get3A_326 = tpu.vector_load %arg10[%get3A_324, %get3A_325] {strides = array<i32>} : memref<128x128xf32, #tpu.memory_space<vmem>>, vector<1x16xf32>,
        %get3A_327 = vector.shape_cast %get3A_326 : vector<1x16xf32> to vector<16xf32>
        %mul3A_328 = arith.mulf %get3A_327, %gather3A_319 : vector<16xf32>
        %swap3A_329 = arith.index_cast %add3A_323 : i32 to index
        %swap3A_330 = arith.constant 0 : index
        %swap3A_331 = tpu.vector_load %arg10[%swap3A_329, %swap3A_330] {strides = array<i32>} : memref<128x128xf32, #tpu.memory_space<vmem>>, vector<1x16xf32>,
        %swap3A_332 = vector.shape_cast %swap3A_331 : vector<1x16xf32> to vector<16xf32>
        %swap3A_333 = vector.shape_cast %mul3A_328 : vector<16xf32> to vector<1x16xf32>
        tpu.vector_store %arg10[%swap3A_329, %swap3A_330], %swap3A_333 {strides = array<i32>} : memref<128x128xf32, #tpu.memory_space<vmem>>, vector<1x16xf32>,
        %get3A_334 = arith.index_cast %add3A_323 : i32 to index
        %get3A_335 = arith.constant 16 : index
        %get3A_336 = tpu.vector_load %arg10[%get3A_334, %get3A_335] {strides = array<i32>} : memref<128x128xf32, #tpu.memory_space<vmem>>, vector<1x16xf32>,
        %get3A_337 = vector.shape_cast %get3A_336 : vector<1x16xf32> to vector<16xf32>
        %mul3A_338 = arith.mulf %get3A_337, %gather3A_319 : vector<16xf32>
        %swap3A_339 = arith.index_cast %add3A_323 : i32 to index
        %swap3A_340 = arith.constant 16 : index
        %swap3A_341 = tpu.vector_load %arg10[%swap3A_339, %swap3A_340] {strides = array<i32>} : memref<128x128xf32, #tpu.memory_space<vmem>>, vector<1x16xf32>,
        %swap3A_342 = vector.shape_cast %swap3A_341 : vector<1x16xf32> to vector<16xf32>
        %swap3A_343 = vector.shape_cast %mul3A_338 : vector<16xf32> to vector<1x16xf32>
        tpu.vector_store %arg10[%swap3A_339, %swap3A_340], %swap3A_343 {strides = array<i32>} : memref<128x128xf32, #tpu.memory_space<vmem>>, vector<1x16xf32>,
        %get3A_344 = arith.index_cast %add3A_323 : i32 to index
        %get3A_345 = arith.constant 32 : index
        %get3A_346 = tpu.vector_load %arg10[%get3A_344, %get3A_345] {strides = array<i32>} : memref<128x128xf32, #tpu.memory_space<vmem>>, vector<1x16xf32>,
        %get3A_347 = vector.shape_cast %get3A_346 : vector<1x16xf32> to vector<16xf32>
        %mul3A_348 = arith.mulf %get3A_347, %gather3A_319 : vector<16xf32>
        %swap3A_349 = arith.index_cast %add3A_323 : i32 to index
        %swap3A_350 = arith.constant 32 : index
        %swap3A_351 = tpu.vector_load %arg10[%swap3A_349, %swap3A_350] {strides = array<i32>} : memref<128x128xf32, #tpu.memory_space<vmem>>, vector<1x16xf32>,
        %swap3A_352 = vector.shape_cast %swap3A_351 : vector<1x16xf32> to vector<16xf32>
        %swap3A_353 = vector.shape_cast %mul3A_348 : vector<16xf32> to vector<1x16xf32>
        tpu.vector_store %arg10[%swap3A_349, %swap3A_350], %swap3A_353 {strides = array<i32>} : memref<128x128xf32, #tpu.memory_space<vmem>>, vector<1x16xf32>,
        %get3A_354 = arith.index_cast %add3A_323 : i32 to index
        %get3A_355 = arith.constant 48 : index
        %get3A_356 = tpu.vector_load %arg10[%get3A_354, %get3A_355] {strides = array<i32>} : memref<128x128xf32, #tpu.memory_space<vmem>>, vector<1x16xf32>,
        %get3A_357 = vector.shape_cast %get3A_356 : vector<1x16xf32> to vector<16xf32>
        %mul3A_358 = arith.mulf %get3A_357, %gather3A_319 : vector<16xf32>
        %swap3A_359 = arith.index_cast %add3A_323 : i32 to index
        %swap3A_360 = arith.constant 48 : index
        %swap3A_361 = tpu.vector_load %arg10[%swap3A_359, %swap3A_360] {strides = array<i32>} : memref<128x128xf32, #tpu.memory_space<vmem>>, vector<1x16xf32>,
        %swap3A_362 = vector.shape_cast %swap3A_361 : vector<1x16xf32> to vector<16xf32>
        %swap3A_363 = vector.shape_cast %mul3A_358 : vector<16xf32> to vector<1x16xf32>
        tpu.vector_store %arg10[%swap3A_359, %swap3A_360], %swap3A_363 {strides = array<i32>} : memref<128x128xf32, #tpu.memory_space<vmem>>, vector<1x16xf32>,
        %get3A_364 = arith.index_cast %add3A_323 : i32 to index
        %get3A_365 = arith.constant 64 : index
        %get3A_366 = tpu.vector_load %arg10[%get3A_364, %get3A_365] {strides = array<i32>} : memref<128x128xf32, #tpu.memory_space<vmem>>, vector<1x16xf32>,
        %get3A_367 = vector.shape_cast %get3A_366 : vector<1x16xf32> to vector<16xf32>
        %mul3A_368 = arith.mulf %get3A_367, %gather3A_319 : vector<16xf32>
        %swap3A_369 = arith.index_cast %add3A_323 : i32 to index
        %swap3A_370 = arith.constant 64 : index
        %swap3A_371 = tpu.vector_load %arg10[%swap3A_369, %swap3A_370] {strides = array<i32>} : memref<128x128xf32, #tpu.memory_space<vmem>>, vector<1x16xf32>,
        %swap3A_372 = vector.shape_cast %swap3A_371 : vector<1x16xf32> to vector<16xf32>
        %swap3A_373 = vector.shape_cast %mul3A_368 : vector<16xf32> to vector<1x16xf32>
        tpu.vector_store %arg10[%swap3A_369, %swap3A_370], %swap3A_373 {strides = array<i32>} : memref<128x128xf32, #tpu.memory_space<vmem>>, vector<1x16xf32>,
        %get3A_374 = arith.index_cast %add3A_323 : i32 to index
        %get3A_375 = arith.constant 80 : index
        %get3A_376 = tpu.vector_load %arg10[%get3A_374, %get3A_375] {strides = array<i32>} : memref<128x128xf32, #tpu.memory_space<vmem>>, vector<1x16xf32>,
        %get3A_377 = vector.shape_cast %get3A_376 : vector<1x16xf32> to vector<16xf32>
        %mul3A_378 = arith.mulf %get3A_377, %gather3A_319 : vector<16xf32>
        %swap3A_379 = arith.index_cast %add3A_323 : i32 to index
        %swap3A_380 = arith.constant 80 : index
        %swap3A_381 = tpu.vector_load %arg10[%swap3A_379, %swap3A_380] {strides = array<i32>} : memref<128x128xf32, #tpu.memory_space<vmem>>, vector<1x16xf32>,
        %swap3A_382 = vector.shape_cast %swap3A_381 : vector<1x16xf32> to vector<16xf32>
        %swap3A_383 = vector.shape_cast %mul3A_378 : vector<16xf32> to vector<1x16xf32>
        tpu.vector_store %arg10[%swap3A_379, %swap3A_380], %swap3A_383 {strides = array<i32>} : memref<128x128xf32, #tpu.memory_space<vmem>>, vector<1x16xf32>,
        %get3A_384 = arith.index_cast %add3A_323 : i32 to index
        %get3A_385 = arith.constant 96 : index
        %get3A_386 = tpu.vector_load %arg10[%get3A_384, %get3A_385] {strides = array<i32>} : memref<128x128xf32, #tpu.memory_space<vmem>>, vector<1x16xf32>,
        %get3A_387 = vector.shape_cast %get3A_386 : vector<1x16xf32> to vector<16xf32>
        %mul3A_388 = arith.mulf %get3A_387, %gather3A_319 : vector<16xf32>
        %swap3A_389 = arith.index_cast %add3A_323 : i32 to index
        %swap3A_390 = arith.constant 96 : index
        %swap3A_391 = tpu.vector_load %arg10[%swap3A_389, %swap3A_390] {strides = array<i32>} : memref<128x128xf32, #tpu.memory_space<vmem>>, vector<1x16xf32>,
        %swap3A_392 = vector.shape_cast %swap3A_391 : vector<1x16xf32> to vector<16xf32>
        %swap3A_393 = vector.shape_cast %mul3A_388 : vector<16xf32> to vector<1x16xf32>
        tpu.vector_store %arg10[%swap3A_389, %swap3A_390], %swap3A_393 {strides = array<i32>} : memref<128x128xf32, #tpu.memory_space<vmem>>, vector<1x16xf32>,
        %get3A_394 = arith.index_cast %add3A_323 : i32 to index
        %get3A_395 = arith.constant 112 : index
        %get3A_396 = tpu.vector_load %arg10[%get3A_394, %get3A_395] {strides = array<i32>} : memref<128x128xf32, #tpu.memory_space<vmem>>, vector<1x16xf32>,
        %get3A_397 = vector.shape_cast %get3A_396 : vector<1x16xf32> to vector<16xf32>
        %mul3A_398 = arith.mulf %get3A_397, %gather3A_319 : vector<16xf32>
        %swap3A_399 = arith.index_cast %add3A_323 : i32 to index
        %swap3A_400 = arith.constant 112 : index
        %swap3A_401 = tpu.vector_load %arg10[%swap3A_399, %swap3A_400] {strides = array<i32>} : memref<128x128xf32, #tpu.memory_space<vmem>>, vector<1x16xf32>,
        %swap3A_402 = vector.shape_cast %swap3A_401 : vector<1x16xf32> to vector<16xf32>
        %swap3A_403 = vector.shape_cast %mul3A_398 : vector<16xf32> to vector<1x16xf32>
        tpu.vector_store %arg10[%swap3A_399, %swap3A_400], %swap3A_403 {strides = array<i32>} : memref<128x128xf32, #tpu.memory_space<vmem>>, vector<1x16xf32>,
        %broadcast_in_dim3A_404 = arith.constant 4 : i32
        %broadcast_in_dim3A_405 = vector.broadcast %broadcast_in_dim3A_404 : i32 to vector<16x1xi32>
        %gather3A_406 = vector.shape_cast %broadcast_in_dim3A_405 : vector<16x1xi32> to vector<16xi32>
        %gather3A_407 = tpu.dynamic_gather %get3A_54[%gather3A_406] in [0] : vector<16xf32>, vector<16xi32> -> vector<16xf32>
        %mul3A_408 = arith.constant 16 : i32
        %mul3A_409 = arith.muli %scan3A_49, %mul3A_408 : i32
        %add3A_410 = arith.constant 4 : i32
        %add3A_411 = arith.addi %mul3A_409, %add3A_410 : i32
        %get3A_412 = arith.index_cast %add3A_411 : i32 to index
        %get3A_413 = arith.constant 0 : index
        %get3A_414 = tpu.vector_load %arg10[%get3A_412, %get3A_413] {strides = array<i32>} : memref<128x128xf32, #tpu.memory_space<vmem>>, vector<1x16xf32>,
        %get3A_415 = vector.shape_cast %get3A_414 : vector<1x16xf32> to vector<16xf32>
        %mul3A_416 = arith.mulf %get3A_415, %gather3A_407 : vector<16xf32>
        %swap3A_417 = arith.index_cast %add3A_411 : i32 to index
        %swap3A_418 = arith.constant 0 : index
        %swap3A_419 = tpu.vector_load %arg10[%swap3A_417, %swap3A_418] {strides = array<i32>} : memref<128x128xf32, #tpu.memory_space<vmem>>, vector<1x16xf32>,
        %swap3A_420 = vector.shape_cast %swap3A_419 : vector<1x16xf32> to vector<16xf32>
        %swap3A_421 = vector.shape_cast %mul3A_416 : vector<16xf32> to vector<1x16xf32>
        tpu.vector_store %arg10[%swap3A_417, %swap3A_418], %swap3A_421 {strides = array<i32>} : memref<128x128xf32, #tpu.memory_space<vmem>>, vector<1x16xf32>,
        %get3A_422 = arith.index_cast %add3A_411 : i32 to index
        %get3A_423 = arith.constant 16 : index
        %get3A_424 = tpu.vector_load %arg10[%get3A_422, %get3A_423] {strides = array<i32>} : memref<128x128xf32, #tpu.memory_space<vmem>>, vector<1x16xf32>,
        %get3A_425 = vector.shape_cast %get3A_424 : vector<1x16xf32> to vector<16xf32>
        %mul3A_426 = arith.mulf %get3A_425, %gather3A_407 : vector<16xf32>
        %swap3A_427 = arith.index_cast %add3A_411 : i32 to index
        %swap3A_428 = arith.constant 16 : index
        %swap3A_429 = tpu.vector_load %arg10[%swap3A_427, %swap3A_428] {strides = array<i32>} : memref<128x128xf32, #tpu.memory_space<vmem>>, vector<1x16xf32>,
        %swap3A_430 = vector.shape_cast %swap3A_429 : vector<1x16xf32> to vector<16xf32>
        %swap3A_431 = vector.shape_cast %mul3A_426 : vector<16xf32> to vector<1x16xf32>
        tpu.vector_store %arg10[%swap3A_427, %swap3A_428], %swap3A_431 {strides = array<i32>} : memref<128x128xf32, #tpu.memory_space<vmem>>, vector<1x16xf32>,
        %get3A_432 = arith.index_cast %add3A_411 : i32 to index
        %get3A_433 = arith.constant 32 : index
        %get3A_434 = tpu.vector_load %arg10[%get3A_432, %get3A_433] {strides = array<i32>} : memref<128x128xf32, #tpu.memory_space<vmem>>, vector<1x16xf32>,
        %get3A_435 = vector.shape_cast %get3A_434 : vector<1x16xf32> to vector<16xf32>
        %mul3A_436 = arith.mulf %get3A_435, %gather3A_407 : vector<16xf32>
        %swap3A_437 = arith.index_cast %add3A_411 : i32 to index
        %swap3A_438 = arith.constant 32 : index
        %swap3A_439 = tpu.vector_load %arg10[%swap3A_437, %swap3A_438] {strides = array<i32>} : memref<128x128xf32, #tpu.memory_space<vmem>>, vector<1x16xf32>,
        %swap3A_440 = vector.shape_cast %swap3A_439 : vector<1x16xf32> to vector<16xf32>
        %swap3A_441 = vector.shape_cast %mul3A_436 : vector<16xf32> to vector<1x16xf32>
        tpu.vector_store %arg10[%swap3A_437, %swap3A_438], %swap3A_441 {strides = array<i32>} : memref<128x128xf32, #tpu.memory_space<vmem>>, vector<1x16xf32>,
        %get3A_442 = arith.index_cast %add3A_411 : i32 to index
        %get3A_443 = arith.constant 48 : index
        %get3A_444 = tpu.vector_load %arg10[%get3A_442, %get3A_443] {strides = array<i32>} : memref<128x128xf32, #tpu.memory_space<vmem>>, vector<1x16xf32>,
        %get3A_445 = vector.shape_cast %get3A_444 : vector<1x16xf32> to vector<16xf32>
        %mul3A_446 = arith.mulf %get3A_445, %gather3A_407 : vector<16xf32>
        %swap3A_447 = arith.index_cast %add3A_411 : i32 to index
        %swap3A_448 = arith.constant 48 : index
        %swap3A_449 = tpu.vector_load %arg10[%swap3A_447, %swap3A_448] {strides = array<i32>} : memref<128x128xf32, #tpu.memory_space<vmem>>, vector<1x16xf32>,
        %swap3A_450 = vector.shape_cast %swap3A_449 : vector<1x16xf32> to vector<16xf32>
        %swap3A_451 = vector.shape_cast %mul3A_446 : vector<16xf32> to vector<1x16xf32>
        tpu.vector_store %arg10[%swap3A_447, %swap3A_448], %swap3A_451 {strides = array<i32>} : memref<128x128xf32, #tpu.memory_space<vmem>>, vector<1x16xf32>,
        %get3A_452 = arith.index_cast %add3A_411 : i32 to index
        %get3A_453 = arith.constant 64 : index
        %get3A_454 = tpu.vector_load %arg10[%get3A_452, %get3A_453] {strides = array<i32>} : memref<128x128xf32, #tpu.memory_space<vmem>>, vector<1x16xf32>,
        %get3A_455 = vector.shape_cast %get3A_454 : vector<1x16xf32> to vector<16xf32>
        %mul3A_456 = arith.mulf %get3A_455, %gather3A_407 : vector<16xf32>
        %swap3A_457 = arith.index_cast %add3A_411 : i32 to index
        %swap3A_458 = arith.constant 64 : index
        %swap3A_459 = tpu.vector_load %arg10[%swap3A_457, %swap3A_458] {strides = array<i32>} : memref<128x128xf32, #tpu.memory_space<vmem>>, vector<1x16xf32>,
        %swap3A_460 = vector.shape_cast %swap3A_459 : vector<1x16xf32> to vector<16xf32>
        %swap3A_461 = vector.shape_cast %mul3A_456 : vector<16xf32> to vector<1x16xf32>
        tpu.vector_store %arg10[%swap3A_457, %swap3A_458], %swap3A_461 {strides = array<i32>} : memref<128x128xf32, #tpu.memory_space<vmem>>, vector<1x16xf32>,
        %get3A_462 = arith.index_cast %add3A_411 : i32 to index
        %get3A_463 = arith.constant 80 : index
        %get3A_464 = tpu.vector_load %arg10[%get3A_462, %get3A_463] {strides = array<i32>} : memref<128x128xf32, #tpu.memory_space<vmem>>, vector<1x16xf32>,
        %get3A_465 = vector.shape_cast %get3A_464 : vector<1x16xf32> to vector<16xf32>
        %mul3A_466 = arith.mulf %get3A_465, %gather3A_407 : vector<16xf32>
        %swap3A_467 = arith.index_cast %add3A_411 : i32 to index
        %swap3A_468 = arith.constant 80 : index
        %swap3A_469 = tpu.vector_load %arg10[%swap3A_467, %swap3A_468] {strides = array<i32>} : memref<128x128xf32, #tpu.memory_space<vmem>>, vector<1x16xf32>,
        %swap3A_470 = vector.shape_cast %swap3A_469 : vector<1x16xf32> to vector<16xf32>
        %swap3A_471 = vector.shape_cast %mul3A_466 : vector<16xf32> to vector<1x16xf32>
        tpu.vector_store %arg10[%swap3A_467, %swap3A_468], %swap3A_471 {strides = array<i32>} : memref<128x128xf32, #tpu.memory_space<vmem>>, vector<1x16xf32>,
        %get3A_472 = arith.index_cast %add3A_411 : i32 to index
        %get3A_473 = arith.constant 96 : index
        %get3A_474 = tpu.vector_load %arg10[%get3A_472, %get3A_473] {strides = array<i32>} : memref<128x128xf32, #tpu.memory_space<vmem>>, vector<1x16xf32>,
        %get3A_475 = vector.shape_cast %get3A_474 : vector<1x16xf32> to vector<16xf32>
        %mul3A_476 = arith.mulf %get3A_475, %gather3A_407 : vector<16xf32>
        %swap3A_477 = arith.index_cast %add3A_411 : i32 to index
        %swap3A_478 = arith.constant 96 : index
        %swap3A_479 = tpu.vector_load %arg10[%swap3A_477, %swap3A_478] {strides = array<i32>} : memref<128x128xf32, #tpu.memory_space<vmem>>, vector<1x16xf32>,
        %swap3A_480 = vector.shape_cast %swap3A_479 : vector<1x16xf32> to vector<16xf32>
        %swap3A_481 = vector.shape_cast %mul3A_476 : vector<16xf32> to vector<1x16xf32>
        tpu.vector_store %arg10[%swap3A_477, %swap3A_478], %swap3A_481 {strides = array<i32>} : memref<128x128xf32, #tpu.memory_space<vmem>>, vector<1x16xf32>,
        %get3A_482 = arith.index_cast %add3A_411 : i32 to index
        %get3A_483 = arith.constant 112 : index
        %get3A_484 = tpu.vector_load %arg10[%get3A_482, %get3A_483] {strides = array<i32>} : memref<128x128xf32, #tpu.memory_space<vmem>>, vector<1x16xf32>,
        %get3A_485 = vector.shape_cast %get3A_484 : vector<1x16xf32> to vector<16xf32>
        %mul3A_486 = arith.mulf %get3A_485, %gather3A_407 : vector<16xf32>
        %swap3A_487 = arith.index_cast %add3A_411 : i32 to index
        %swap3A_488 = arith.constant 112 : index
        %swap3A_489 = tpu.vector_load %arg10[%swap3A_487, %swap3A_488] {strides = array<i32>} : memref<128x128xf32, #tpu.memory_space<vmem>>, vector<1x16xf32>,
        %swap3A_490 = vector.shape_cast %swap3A_489 : vector<1x16xf32> to vector<16xf32>
        %swap3A_491 = vector.shape_cast %mul3A_486 : vector<16xf32> to vector<1x16xf32>
        tpu.vector_store %arg10[%swap3A_487, %swap3A_488], %swap3A_491 {strides = array<i32>} : memref<128x128xf32, #tpu.memory_space<vmem>>, vector<1x16xf32>,
        %broadcast_in_dim3A_492 = arith.constant 5 : i32
        %broadcast_in_dim3A_493 = vector.broadcast %broadcast_in_dim3A_492 : i32 to vector<16x1xi32>
        %gather3A_494 = vector.shape_cast %broadcast_in_dim3A_493 : vector<16x1xi32> to vector<16xi32>
        %gather3A_495 = tpu.dynamic_gather %get3A_54[%gather3A_494] in [0] : vector<16xf32>, vector<16xi32> -> vector<16xf32>
        %mul3A_496 = arith.constant 16 : i32
        %mul3A_497 = arith.muli %scan3A_49, %mul3A_496 : i32
        %add3A_498 = arith.constant 5 : i32
        %add3A_499 = arith.addi %mul3A_497, %add3A_498 : i32
        %get3A_500 = arith.index_cast %add3A_499 : i32 to index
        %get3A_501 = arith.constant 0 : index
        %get3A_502 = tpu.vector_load %arg10[%get3A_500, %get3A_501] {strides = array<i32>} : memref<128x128xf32, #tpu.memory_space<vmem>>, vector<1x16xf32>,
        %get3A_503 = vector.shape_cast %get3A_502 : vector<1x16xf32> to vector<16xf32>
        %mul3A_504 = arith.mulf %get3A_503, %gather3A_495 : vector<16xf32>
        %swap3A_505 = arith.index_cast %add3A_499 : i32 to index
        %swap3A_506 = arith.constant 0 : index
        %swap3A_507 = tpu.vector_load %arg10[%swap3A_505, %swap3A_506] {strides = array<i32>} : memref<128x128xf32, #tpu.memory_space<vmem>>, vector<1x16xf32>,
        %swap3A_508 = vector.shape_cast %swap3A_507 : vector<1x16xf32> to vector<16xf32>
        %swap3A_509 = vector.shape_cast %mul3A_504 : vector<16xf32> to vector<1x16xf32>
        tpu.vector_store %arg10[%swap3A_505, %swap3A_506], %swap3A_509 {strides = array<i32>} : memref<128x128xf32, #tpu.memory_space<vmem>>, vector<1x16xf32>,
        %get3A_510 = arith.index_cast %add3A_499 : i32 to index
        %get3A_511 = arith.constant 16 : index
        %get3A_512 = tpu.vector_load %arg10[%get3A_510, %get3A_511] {strides = array<i32>} : memref<128x128xf32, #tpu.memory_space<vmem>>, vector<1x16xf32>,
        %get3A_513 = vector.shape_cast %get3A_512 : vector<1x16xf32> to vector<16xf32>
        %mul3A_514 = arith.mulf %get3A_513, %gather3A_495 : vector<16xf32>
        %swap3A_515 = arith.index_cast %add3A_499 : i32 to index
        %swap3A_516 = arith.constant 16 : index
        %swap3A_517 = tpu.vector_load %arg10[%swap3A_515, %swap3A_516] {strides = array<i32>} : memref<128x128xf32, #tpu.memory_space<vmem>>, vector<1x16xf32>,
        %swap3A_518 = vector.shape_cast %swap3A_517 : vector<1x16xf32> to vector<16xf32>
        %swap3A_519 = vector.shape_cast %mul3A_514 : vector<16xf32> to vector<1x16xf32>
        tpu.vector_store %arg10[%swap3A_515, %swap3A_516], %swap3A_519 {strides = array<i32>} : memref<128x128xf32, #tpu.memory_space<vmem>>, vector<1x16xf32>,
        %get3A_520 = arith.index_cast %add3A_499 : i32 to index
        %get3A_521 = arith.constant 32 : index
        %get3A_522 = tpu.vector_load %arg10[%get3A_520, %get3A_521] {strides = array<i32>} : memref<128x128xf32, #tpu.memory_space<vmem>>, vector<1x16xf32>,
        %get3A_523 = vector.shape_cast %get3A_522 : vector<1x16xf32> to vector<16xf32>
        %mul3A_524 = arith.mulf %get3A_523, %gather3A_495 : vector<16xf32>
        %swap3A_525 = arith.index_cast %add3A_499 : i32 to index
        %swap3A_526 = arith.constant 32 : index
        %swap3A_527 = tpu.vector_load %arg10[%swap3A_525, %swap3A_526] {strides = array<i32>} : memref<128x128xf32, #tpu.memory_space<vmem>>, vector<1x16xf32>,
        %swap3A_528 = vector.shape_cast %swap3A_527 : vector<1x16xf32> to vector<16xf32>
        %swap3A_529 = vector.shape_cast %mul3A_524 : vector<16xf32> to vector<1x16xf32>
        tpu.vector_store %arg10[%swap3A_525, %swap3A_526], %swap3A_529 {strides = array<i32>} : memref<128x128xf32, #tpu.memory_space<vmem>>, vector<1x16xf32>,
        %get3A_530 = arith.index_cast %add3A_499 : i32 to index
        %get3A_531 = arith.constant 48 : index
        %get3A_532 = tpu.vector_load %arg10[%get3A_530, %get3A_531] {strides = array<i32>} : memref<128x128xf32, #tpu.memory_space<vmem>>, vector<1x16xf32>,
        %get3A_533 = vector.shape_cast %get3A_532 : vector<1x16xf32> to vector<16xf32>
        %mul3A_534 = arith.mulf %get3A_533, %gather3A_495 : vector<16xf32>
        %swap3A_535 = arith.index_cast %add3A_499 : i32 to index
        %swap3A_536 = arith.constant 48 : index
        %swap3A_537 = tpu.vector_load %arg10[%swap3A_535, %swap3A_536] {strides = array<i32>} : memref<128x128xf32, #tpu.memory_space<vmem>>, vector<1x16xf32>,
        %swap3A_538 = vector.shape_cast %swap3A_537 : vector<1x16xf32> to vector<16xf32>
        %swap3A_539 = vector.shape_cast %mul3A_534 : vector<16xf32> to vector<1x16xf32>
        tpu.vector_store %arg10[%swap3A_535, %swap3A_536], %swap3A_539 {strides = array<i32>} : memref<128x128xf32, #tpu.memory_space<vmem>>, vector<1x16xf32>,
        %get3A_540 = arith.index_cast %add3A_499 : i32 to index
        %get3A_541 = arith.constant 64 : index
        %get3A_542 = tpu.vector_load %arg10[%get3A_540, %get3A_541] {strides = array<i32>} : memref<128x128xf32, #tpu.memory_space<vmem>>, vector<1x16xf32>,
        %get3A_543 = vector.shape_cast %get3A_542 : vector<1x16xf32> to vector<16xf32>
        %mul3A_544 = arith.mulf %get3A_543, %gather3A_495 : vector<16xf32>
        %swap3A_545 = arith.index_cast %add3A_499 : i32 to index
        %swap3A_546 = arith.constant 64 : index
        %swap3A_547 = tpu.vector_load %arg10[%swap3A_545, %swap3A_546] {strides = array<i32>} : memref<128x128xf32, #tpu.memory_space<vmem>>, vector<1x16xf32>,
        %swap3A_548 = vector.shape_cast %swap3A_547 : vector<1x16xf32> to vector<16xf32>
        %swap3A_549 = vector.shape_cast %mul3A_544 : vector<16xf32> to vector<1x16xf32>
        tpu.vector_store %arg10[%swap3A_545, %swap3A_546], %swap3A_549 {strides = array<i32>} : memref<128x128xf32, #tpu.memory_space<vmem>>, vector<1x16xf32>,
        %get3A_550 = arith.index_cast %add3A_499 : i32 to index
        %get3A_551 = arith.constant 80 : index
        %get3A_552 = tpu.vector_load %arg10[%get3A_550, %get3A_551] {strides = array<i32>} : memref<128x128xf32, #tpu.memory_space<vmem>>, vector<1x16xf32>,
        %get3A_553 = vector.shape_cast %get3A_552 : vector<1x16xf32> to vector<16xf32>
        %mul3A_554 = arith.mulf %get3A_553, %gather3A_495 : vector<16xf32>
        %swap3A_555 = arith.index_cast %add3A_499 : i32 to index
        %swap3A_556 = arith.constant 80 : index
        %swap3A_557 = tpu.vector_load %arg10[%swap3A_555, %swap3A_556] {strides = array<i32>} : memref<128x128xf32, #tpu.memory_space<vmem>>, vector<1x16xf32>,
        %swap3A_558 = vector.shape_cast %swap3A_557 : vector<1x16xf32> to vector<16xf32>
        %swap3A_559 = vector.shape_cast %mul3A_554 : vector<16xf32> to vector<1x16xf32>
        tpu.vector_store %arg10[%swap3A_555, %swap3A_556], %swap3A_559 {strides = array<i32>} : memref<128x128xf32, #tpu.memory_space<vmem>>, vector<1x16xf32>,
        %get3A_560 = arith.index_cast %add3A_499 : i32 to index
        %get3A_561 = arith.constant 96 : index
        %get3A_562 = tpu.vector_load %arg10[%get3A_560, %get3A_561] {strides = array<i32>} : memref<128x128xf32, #tpu.memory_space<vmem>>, vector<1x16xf32>,
        %get3A_563 = vector.shape_cast %get3A_562 : vector<1x16xf32> to vector<16xf32>
        %mul3A_564 = arith.mulf %get3A_563, %gather3A_495 : vector<16xf32>
        %swap3A_565 = arith.index_cast %add3A_499 : i32 to index
        %swap3A_566 = arith.constant 96 : index
        %swap3A_567 = tpu.vector_load %arg10[%swap3A_565, %swap3A_566] {strides = array<i32>} : memref<128x128xf32, #tpu.memory_space<vmem>>, vector<1x16xf32>,
        %swap3A_568 = vector.shape_cast %swap3A_567 : vector<1x16xf32> to vector<16xf32>
        %swap3A_569 = vector.shape_cast %mul3A_564 : vector<16xf32> to vector<1x16xf32>
        tpu.vector_store %arg10[%swap3A_565, %swap3A_566], %swap3A_569 {strides = array<i32>} : memref<128x128xf32, #tpu.memory_space<vmem>>, vector<1x16xf32>,
        %get3A_570 = arith.index_cast %add3A_499 : i32 to index
        %get3A_571 = arith.constant 112 : index
        %get3A_572 = tpu.vector_load %arg10[%get3A_570, %get3A_571] {strides = array<i32>} : memref<128x128xf32, #tpu.memory_space<vmem>>, vector<1x16xf32>,
        %get3A_573 = vector.shape_cast %get3A_572 : vector<1x16xf32> to vector<16xf32>
        %mul3A_574 = arith.mulf %get3A_573, %gather3A_495 : vector<16xf32>
        %swap3A_575 = arith.index_cast %add3A_499 : i32 to index
        %swap3A_576 = arith.constant 112 : index
        %swap3A_577 = tpu.vector_load %arg10[%swap3A_575, %swap3A_576] {strides = array<i32>} : memref<128x128xf32, #tpu.memory_space<vmem>>, vector<1x16xf32>,
        %swap3A_578 = vector.shape_cast %swap3A_577 : vector<1x16xf32> to vector<16xf32>
        %swap3A_579 = vector.shape_cast %mul3A_574 : vector<16xf32> to vector<1x16xf32>
        tpu.vector_store %arg10[%swap3A_575, %swap3A_576], %swap3A_579 {strides = array<i32>} : memref<128x128xf32, #tpu.memory_space<vmem>>, vector<1x16xf32>,
        %broadcast_in_dim3A_580 = arith.constant 6 : i32
        %broadcast_in_dim3A_581 = vector.broadcast %broadcast_in_dim3A_580 : i32 to vector<16x1xi32>
        %gather3A_582 = vector.shape_cast %broadcast_in_dim3A_581 : vector<16x1xi32> to vector<16xi32>
        %gather3A_583 = tpu.dynamic_gather %get3A_54[%gather3A_582] in [0] : vector<16xf32>, vector<16xi32> -> vector<16xf32>
        %mul3A_584 = arith.constant 16 : i32
        %mul3A_585 = arith.muli %scan3A_49, %mul3A_584 : i32
        %add3A_586 = arith.constant 6 : i32
        %add3A_587 = arith.addi %mul3A_585, %add3A_586 : i32
        %get3A_588 = arith.index_cast %add3A_587 : i32 to index
        %get3A_589 = arith.constant 0 : index
        %get3A_590 = tpu.vector_load %arg10[%get3A_588, %get3A_589] {strides = array<i32>} : memref<128x128xf32, #tpu.memory_space<vmem>>, vector<1x16xf32>,
        %get3A_591 = vector.shape_cast %get3A_590 : vector<1x16xf32> to vector<16xf32>
        %mul3A_592 = arith.mulf %get3A_591, %gather3A_583 : vector<16xf32>
        %swap3A_593 = arith.index_cast %add3A_587 : i32 to index
        %swap3A_594 = arith.constant 0 : index
        %swap3A_595 = tpu.vector_load %arg10[%swap3A_593, %swap3A_594] {strides = array<i32>} : memref<128x128xf32, #tpu.memory_space<vmem>>, vector<1x16xf32>,
        %swap3A_596 = vector.shape_cast %swap3A_595 : vector<1x16xf32> to vector<16xf32>
        %swap3A_597 = vector.shape_cast %mul3A_592 : vector<16xf32> to vector<1x16xf32>
        tpu.vector_store %arg10[%swap3A_593, %swap3A_594], %swap3A_597 {strides = array<i32>} : memref<128x128xf32, #tpu.memory_space<vmem>>, vector<1x16xf32>,
        %get3A_598 = arith.index_cast %add3A_587 : i32 to index
        %get3A_599 = arith.constant 16 : index
        %get3A_600 = tpu.vector_load %arg10[%get3A_598, %get3A_599] {strides = array<i32>} : memref<128x128xf32, #tpu.memory_space<vmem>>, vector<1x16xf32>,
        %get3A_601 = vector.shape_cast %get3A_600 : vector<1x16xf32> to vector<16xf32>
        %mul3A_602 = arith.mulf %get3A_601, %gather3A_583 : vector<16xf32>
        %swap3A_603 = arith.index_cast %add3A_587 : i32 to index
        %swap3A_604 = arith.constant 16 : index
        %swap3A_605 = tpu.vector_load %arg10[%swap3A_603, %swap3A_604] {strides = array<i32>} : memref<128x128xf32, #tpu.memory_space<vmem>>, vector<1x16xf32>,
        %swap3A_606 = vector.shape_cast %swap3A_605 : vector<1x16xf32> to vector<16xf32>
        %swap3A_607 = vector.shape_cast %mul3A_602 : vector<16xf32> to vector<1x16xf32>
        tpu.vector_store %arg10[%swap3A_603, %swap3A_604], %swap3A_607 {strides = array<i32>} : memref<128x128xf32, #tpu.memory_space<vmem>>, vector<1x16xf32>,
        %get3A_608 = arith.index_cast %add3A_587 : i32 to index
        %get3A_609 = arith.constant 32 : index
        %get3A_610 = tpu.vector_load %arg10[%get3A_608, %get3A_609] {strides = array<i32>} : memref<128x128xf32, #tpu.memory_space<vmem>>, vector<1x16xf32>,
        %get3A_611 = vector.shape_cast %get3A_610 : vector<1x16xf32> to vector<16xf32>
        %mul3A_612 = arith.mulf %get3A_611, %gather3A_583 : vector<16xf32>
        %swap3A_613 = arith.index_cast %add3A_587 : i32 to index
        %swap3A_614 = arith.constant 32 : index
        %swap3A_615 = tpu.vector_load %arg10[%swap3A_613, %swap3A_614] {strides = array<i32>} : memref<128x128xf32, #tpu.memory_space<vmem>>, vector<1x16xf32>,
        %swap3A_616 = vector.shape_cast %swap3A_615 : vector<1x16xf32> to vector<16xf32>
        %swap3A_617 = vector.shape_cast %mul3A_612 : vector<16xf32> to vector<1x16xf32>
        tpu.vector_store %arg10[%swap3A_613, %swap3A_614], %swap3A_617 {strides = array<i32>} : memref<128x128xf32, #tpu.memory_space<vmem>>, vector<1x16xf32>,
        %get3A_618 = arith.index_cast %add3A_587 : i32 to index
        %get3A_619 = arith.constant 48 : index
        %get3A_620 = tpu.vector_load %arg10[%get3A_618, %get3A_619] {strides = array<i32>} : memref<128x128xf32, #tpu.memory_space<vmem>>, vector<1x16xf32>,
        %get3A_621 = vector.shape_cast %get3A_620 : vector<1x16xf32> to vector<16xf32>
        %mul3A_622 = arith.mulf %get3A_621, %gather3A_583 : vector<16xf32>
        %swap3A_623 = arith.index_cast %add3A_587 : i32 to index
        %swap3A_624 = arith.constant 48 : index
        %swap3A_625 = tpu.vector_load %arg10[%swap3A_623, %swap3A_624] {strides = array<i32>} : memref<128x128xf32, #tpu.memory_space<vmem>>, vector<1x16xf32>,
        %swap3A_626 = vector.shape_cast %swap3A_625 : vector<1x16xf32> to vector<16xf32>
        %swap3A_627 = vector.shape_cast %mul3A_622 : vector<16xf32> to vector<1x16xf32>
        tpu.vector_store %arg10[%swap3A_623, %swap3A_624], %swap3A_627 {strides = array<i32>} : memref<128x128xf32, #tpu.memory_space<vmem>>, vector<1x16xf32>,
        %get3A_628 = arith.index_cast %add3A_587 : i32 to index
        %get3A_629 = arith.constant 64 : index
        %get3A_630 = tpu.vector_load %arg10[%get3A_628, %get3A_629] {strides = array<i32>} : memref<128x128xf32, #tpu.memory_space<vmem>>, vector<1x16xf32>,
        %get3A_631 = vector.shape_cast %get3A_630 : vector<1x16xf32> to vector<16xf32>
        %mul3A_632 = arith.mulf %get3A_631, %gather3A_583 : vector<16xf32>
        %swap3A_633 = arith.index_cast %add3A_587 : i32 to index
        %swap3A_634 = arith.constant 64 : index
        %swap3A_635 = tpu.vector_load %arg10[%swap3A_633, %swap3A_634] {strides = array<i32>} : memref<128x128xf32, #tpu.memory_space<vmem>>, vector<1x16xf32>,
        %swap3A_636 = vector.shape_cast %swap3A_635 : vector<1x16xf32> to vector<16xf32>
        %swap3A_637 = vector.shape_cast %mul3A_632 : vector<16xf32> to vector<1x16xf32>
        tpu.vector_store %arg10[%swap3A_633, %swap3A_634], %swap3A_637 {strides = array<i32>} : memref<128x128xf32, #tpu.memory_space<vmem>>, vector<1x16xf32>,
        %get3A_638 = arith.index_cast %add3A_587 : i32 to index
        %get3A_639 = arith.constant 80 : index
        %get3A_640 = tpu.vector_load %arg10[%get3A_638, %get3A_639] {strides = array<i32>} : memref<128x128xf32, #tpu.memory_space<vmem>>, vector<1x16xf32>,
        %get3A_641 = vector.shape_cast %get3A_640 : vector<1x16xf32> to vector<16xf32>
        %mul3A_642 = arith.mulf %get3A_641, %gather3A_583 : vector<16xf32>
        %swap3A_643 = arith.index_cast %add3A_587 : i32 to index
        %swap3A_644 = arith.constant 80 : index
        %swap3A_645 = tpu.vector_load %arg10[%swap3A_643, %swap3A_644] {strides = array<i32>} : memref<128x128xf32, #tpu.memory_space<vmem>>, vector<1x16xf32>,
        %swap3A_646 = vector.shape_cast %swap3A_645 : vector<1x16xf32> to vector<16xf32>
        %swap3A_647 = vector.shape_cast %mul3A_642 : vector<16xf32> to vector<1x16xf32>
        tpu.vector_store %arg10[%swap3A_643, %swap3A_644], %swap3A_647 {strides = array<i32>} : memref<128x128xf32, #tpu.memory_space<vmem>>, vector<1x16xf32>,
        %get3A_648 = arith.index_cast %add3A_587 : i32 to index
        %get3A_649 = arith.constant 96 : index
        %get3A_650 = tpu.vector_load %arg10[%get3A_648, %get3A_649] {strides = array<i32>} : memref<128x128xf32, #tpu.memory_space<vmem>>, vector<1x16xf32>,
        %get3A_651 = vector.shape_cast %get3A_650 : vector<1x16xf32> to vector<16xf32>
        %mul3A_652 = arith.mulf %get3A_651, %gather3A_583 : vector<16xf32>
        %swap3A_653 = arith.index_cast %add3A_587 : i32 to index
        %swap3A_654 = arith.constant 96 : index
        %swap3A_655 = tpu.vector_load %arg10[%swap3A_653, %swap3A_654] {strides = array<i32>} : memref<128x128xf32, #tpu.memory_space<vmem>>, vector<1x16xf32>,
        %swap3A_656 = vector.shape_cast %swap3A_655 : vector<1x16xf32> to vector<16xf32>
        %swap3A_657 = vector.shape_cast %mul3A_652 : vector<16xf32> to vector<1x16xf32>
        tpu.vector_store %arg10[%swap3A_653, %swap3A_654], %swap3A_657 {strides = array<i32>} : memref<128x128xf32, #tpu.memory_space<vmem>>, vector<1x16xf32>,
        %get3A_658 = arith.index_cast %add3A_587 : i32 to index
        %get3A_659 = arith.constant 112 : index
        %get3A_660 = tpu.vector_load %arg10[%get3A_658, %get3A_659] {strides = array<i32>} : memref<128x128xf32, #tpu.memory_space<vmem>>, vector<1x16xf32>,
        %get3A_661 = vector.shape_cast %get3A_660 : vector<1x16xf32> to vector<16xf32>
        %mul3A_662 = arith.mulf %get3A_661, %gather3A_583 : vector<16xf32>
        %swap3A_663 = arith.index_cast %add3A_587 : i32 to index
        %swap3A_664 = arith.constant 112 : index
        %swap3A_665 = tpu.vector_load %arg10[%swap3A_663, %swap3A_664] {strides = array<i32>} : memref<128x128xf32, #tpu.memory_space<vmem>>, vector<1x16xf32>,
        %swap3A_666 = vector.shape_cast %swap3A_665 : vector<1x16xf32> to vector<16xf32>
        %swap3A_667 = vector.shape_cast %mul3A_662 : vector<16xf32> to vector<1x16xf32>
        tpu.vector_store %arg10[%swap3A_663, %swap3A_664], %swap3A_667 {strides = array<i32>} : memref<128x128xf32, #tpu.memory_space<vmem>>, vector<1x16xf32>,
        %broadcast_in_dim3A_668 = arith.constant 7 : i32
        %broadcast_in_dim3A_669 = vector.broadcast %broadcast_in_dim3A_668 : i32 to vector<16x1xi32>
        %gather3A_670 = vector.shape_cast %broadcast_in_dim3A_669 : vector<16x1xi32> to vector<16xi32>
        %gather3A_671 = tpu.dynamic_gather %get3A_54[%gather3A_670] in [0] : vector<16xf32>, vector<16xi32> -> vector<16xf32>
        %mul3A_672 = arith.constant 16 : i32
        %mul3A_673 = arith.muli %scan3A_49, %mul3A_672 : i32
        %add3A_674 = arith.constant 7 : i32
        %add3A_675 = arith.addi %mul3A_673, %add3A_674 : i32
        %get3A_676 = arith.index_cast %add3A_675 : i32 to index
        %get3A_677 = arith.constant 0 : index
        %get3A_678 = tpu.vector_load %arg10[%get3A_676, %get3A_677] {strides = array<i32>} : memref<128x128xf32, #tpu.memory_space<vmem>>, vector<1x16xf32>,
        %get3A_679 = vector.shape_cast %get3A_678 : vector<1x16xf32> to vector<16xf32>
        %mul3A_680 = arith.mulf %get3A_679, %gather3A_671 : vector<16xf32>
        %swap3A_681 = arith.index_cast %add3A_675 : i32 to index
        %swap3A_682 = arith.constant 0 : index
        %swap3A_683 = tpu.vector_load %arg10[%swap3A_681, %swap3A_682] {strides = array<i32>} : memref<128x128xf32, #tpu.memory_space<vmem>>, vector<1x16xf32>,
        %swap3A_684 = vector.shape_cast %swap3A_683 : vector<1x16xf32> to vector<16xf32>
        %swap3A_685 = vector.shape_cast %mul3A_680 : vector<16xf32> to vector<1x16xf32>
        tpu.vector_store %arg10[%swap3A_681, %swap3A_682], %swap3A_685 {strides = array<i32>} : memref<128x128xf32, #tpu.memory_space<vmem>>, vector<1x16xf32>,
        %get3A_686 = arith.index_cast %add3A_675 : i32 to index
        %get3A_687 = arith.constant 16 : index
        %get3A_688 = tpu.vector_load %arg10[%get3A_686, %get3A_687] {strides = array<i32>} : memref<128x128xf32, #tpu.memory_space<vmem>>, vector<1x16xf32>,
        %get3A_689 = vector.shape_cast %get3A_688 : vector<1x16xf32> to vector<16xf32>
        %mul3A_690 = arith.mulf %get3A_689, %gather3A_671 : vector<16xf32>
        %swap3A_691 = arith.index_cast %add3A_675 : i32 to index
        %swap3A_692 = arith.constant 16 : index
        %swap3A_693 = tpu.vector_load %arg10[%swap3A_691, %swap3A_692] {strides = array<i32>} : memref<128x128xf32, #tpu.memory_space<vmem>>, vector<1x16xf32>,
        %swap3A_694 = vector.shape_cast %swap3A_693 : vector<1x16xf32> to vector<16xf32>
        %swap3A_695 = vector.shape_cast %mul3A_690 : vector<16xf32> to vector<1x16xf32>
        tpu.vector_store %arg10[%swap3A_691, %swap3A_692], %swap3A_695 {strides = array<i32>} : memref<128x128xf32, #tpu.memory_space<vmem>>, vector<1x16xf32>,
        %get3A_696 = arith.index_cast %add3A_675 : i32 to index
        %get3A_697 = arith.constant 32 : index
        %get3A_698 = tpu.vector_load %arg10[%get3A_696, %get3A_697] {strides = array<i32>} : memref<128x128xf32, #tpu.memory_space<vmem>>, vector<1x16xf32>,
        %get3A_699 = vector.shape_cast %get3A_698 : vector<1x16xf32> to vector<16xf32>
        %mul3A_700 = arith.mulf %get3A_699, %gather3A_671 : vector<16xf32>
        %swap3A_701 = arith.index_cast %add3A_675 : i32 to index
        %swap3A_702 = arith.constant 32 : index
        %swap3A_703 = tpu.vector_load %arg10[%swap3A_701, %swap3A_702] {strides = array<i32>} : memref<128x128xf32, #tpu.memory_space<vmem>>, vector<1x16xf32>,
        %swap3A_704 = vector.shape_cast %swap3A_703 : vector<1x16xf32> to vector<16xf32>
        %swap3A_705 = vector.shape_cast %mul3A_700 : vector<16xf32> to vector<1x16xf32>
        tpu.vector_store %arg10[%swap3A_701, %swap3A_702], %swap3A_705 {strides = array<i32>} : memref<128x128xf32, #tpu.memory_space<vmem>>, vector<1x16xf32>,
        %get3A_706 = arith.index_cast %add3A_675 : i32 to index
        %get3A_707 = arith.constant 48 : index
        %get3A_708 = tpu.vector_load %arg10[%get3A_706, %get3A_707] {strides = array<i32>} : memref<128x128xf32, #tpu.memory_space<vmem>>, vector<1x16xf32>,
        %get3A_709 = vector.shape_cast %get3A_708 : vector<1x16xf32> to vector<16xf32>
        %mul3A_710 = arith.mulf %get3A_709, %gather3A_671 : vector<16xf32>
        %swap3A_711 = arith.index_cast %add3A_675 : i32 to index
        %swap3A_712 = arith.constant 48 : index
        %swap3A_713 = tpu.vector_load %arg10[%swap3A_711, %swap3A_712] {strides = array<i32>} : memref<128x128xf32, #tpu.memory_space<vmem>>, vector<1x16xf32>,
        %swap3A_714 = vector.shape_cast %swap3A_713 : vector<1x16xf32> to vector<16xf32>
        %swap3A_715 = vector.shape_cast %mul3A_710 : vector<16xf32> to vector<1x16xf32>
        tpu.vector_store %arg10[%swap3A_711, %swap3A_712], %swap3A_715 {strides = array<i32>} : memref<128x128xf32, #tpu.memory_space<vmem>>, vector<1x16xf32>,
        %get3A_716 = arith.index_cast %add3A_675 : i32 to index
        %get3A_717 = arith.constant 64 : index
        %get3A_718 = tpu.vector_load %arg10[%get3A_716, %get3A_717] {strides = array<i32>} : memref<128x128xf32, #tpu.memory_space<vmem>>, vector<1x16xf32>,
        %get3A_719 = vector.shape_cast %get3A_718 : vector<1x16xf32> to vector<16xf32>
        %mul3A_720 = arith.mulf %get3A_719, %gather3A_671 : vector<16xf32>
        %swap3A_721 = arith.index_cast %add3A_675 : i32 to index
        %swap3A_722 = arith.constant 64 : index
        %swap3A_723 = tpu.vector_load %arg10[%swap3A_721, %swap3A_722] {strides = array<i32>} : memref<128x128xf32, #tpu.memory_space<vmem>>, vector<1x16xf32>,
        %swap3A_724 = vector.shape_cast %swap3A_723 : vector<1x16xf32> to vector<16xf32>
        %swap3A_725 = vector.shape_cast %mul3A_720 : vector<16xf32> to vector<1x16xf32>
        tpu.vector_store %arg10[%swap3A_721, %swap3A_722], %swap3A_725 {strides = array<i32>} : memref<128x128xf32, #tpu.memory_space<vmem>>, vector<1x16xf32>,
        %get3A_726 = arith.index_cast %add3A_675 : i32 to index
        %get3A_727 = arith.constant 80 : index
        %get3A_728 = tpu.vector_load %arg10[%get3A_726, %get3A_727] {strides = array<i32>} : memref<128x128xf32, #tpu.memory_space<vmem>>, vector<1x16xf32>,
        %get3A_729 = vector.shape_cast %get3A_728 : vector<1x16xf32> to vector<16xf32>
        %mul3A_730 = arith.mulf %get3A_729, %gather3A_671 : vector<16xf32>
        %swap3A_731 = arith.index_cast %add3A_675 : i32 to index
        %swap3A_732 = arith.constant 80 : index
        %swap3A_733 = tpu.vector_load %arg10[%swap3A_731, %swap3A_732] {strides = array<i32>} : memref<128x128xf32, #tpu.memory_space<vmem>>, vector<1x16xf32>,
        %swap3A_734 = vector.shape_cast %swap3A_733 : vector<1x16xf32> to vector<16xf32>
        %swap3A_735 = vector.shape_cast %mul3A_730 : vector<16xf32> to vector<1x16xf32>
        tpu.vector_store %arg10[%swap3A_731, %swap3A_732], %swap3A_735 {strides = array<i32>} : memref<128x128xf32, #tpu.memory_space<vmem>>, vector<1x16xf32>,
        %get3A_736 = arith.index_cast %add3A_675 : i32 to index
        %get3A_737 = arith.constant 96 : index
        %get3A_738 = tpu.vector_load %arg10[%get3A_736, %get3A_737] {strides = array<i32>} : memref<128x128xf32, #tpu.memory_space<vmem>>, vector<1x16xf32>,
        %get3A_739 = vector.shape_cast %get3A_738 : vector<1x16xf32> to vector<16xf32>
        %mul3A_740 = arith.mulf %get3A_739, %gather3A_671 : vector<16xf32>
        %swap3A_741 = arith.index_cast %add3A_675 : i32 to index
        %swap3A_742 = arith.constant 96 : index
        %swap3A_743 = tpu.vector_load %arg10[%swap3A_741, %swap3A_742] {strides = array<i32>} : memref<128x128xf32, #tpu.memory_space<vmem>>, vector<1x16xf32>,
        %swap3A_744 = vector.shape_cast %swap3A_743 : vector<1x16xf32> to vector<16xf32>
        %swap3A_745 = vector.shape_cast %mul3A_740 : vector<16xf32> to vector<1x16xf32>
        tpu.vector_store %arg10[%swap3A_741, %swap3A_742], %swap3A_745 {strides = array<i32>} : memref<128x128xf32, #tpu.memory_space<vmem>>, vector<1x16xf32>,
        %get3A_746 = arith.index_cast %add3A_675 : i32 to index
        %get3A_747 = arith.constant 112 : index
        %get3A_748 = tpu.vector_load %arg10[%get3A_746, %get3A_747] {strides = array<i32>} : memref<128x128xf32, #tpu.memory_space<vmem>>, vector<1x16xf32>,
        %get3A_749 = vector.shape_cast %get3A_748 : vector<1x16xf32> to vector<16xf32>
        %mul3A_750 = arith.mulf %get3A_749, %gather3A_671 : vector<16xf32>
        %swap3A_751 = arith.index_cast %add3A_675 : i32 to index
        %swap3A_752 = arith.constant 112 : index
        %swap3A_753 = tpu.vector_load %arg10[%swap3A_751, %swap3A_752] {strides = array<i32>} : memref<128x128xf32, #tpu.memory_space<vmem>>, vector<1x16xf32>,
        %swap3A_754 = vector.shape_cast %swap3A_753 : vector<1x16xf32> to vector<16xf32>
        %swap3A_755 = vector.shape_cast %mul3A_750 : vector<16xf32> to vector<1x16xf32>
        tpu.vector_store %arg10[%swap3A_751, %swap3A_752], %swap3A_755 {strides = array<i32>} : memref<128x128xf32, #tpu.memory_space<vmem>>, vector<1x16xf32>,
        %broadcast_in_dim3A_756 = arith.constant 8 : i32
        %broadcast_in_dim3A_757 = vector.broadcast %broadcast_in_dim3A_756 : i32 to vector<16x1xi32>
        %gather3A_758 = vector.shape_cast %broadcast_in_dim3A_757 : vector<16x1xi32> to vector<16xi32>
        %gather3A_759 = tpu.dynamic_gather %get3A_54[%gather3A_758] in [0] : vector<16xf32>, vector<16xi32> -> vector<16xf32>
        %mul3A_760 = arith.constant 16 : i32
        %mul3A_761 = arith.muli %scan3A_49, %mul3A_760 : i32
        %add3A_762 = arith.constant 8 : i32
        %add3A_763 = arith.addi %mul3A_761, %add3A_762 : i32
        %get3A_764 = arith.index_cast %add3A_763 : i32 to index
        %get3A_765 = arith.constant 0 : index
        %get3A_766 = tpu.vector_load %arg10[%get3A_764, %get3A_765] {strides = array<i32>} : memref<128x128xf32, #tpu.memory_space<vmem>>, vector<1x16xf32>,
        %get3A_767 = vector.shape_cast %get3A_766 : vector<1x16xf32> to vector<16xf32>
        %mul3A_768 = arith.mulf %get3A_767, %gather3A_759 : vector<16xf32>
        %swap3A_769 = arith.index_cast %add3A_763 : i32 to index
        %swap3A_770 = arith.constant 0 : index
        %swap3A_771 = tpu.vector_load %arg10[%swap3A_769, %swap3A_770] {strides = array<i32>} : memref<128x128xf32, #tpu.memory_space<vmem>>, vector<1x16xf32>,
        %swap3A_772 = vector.shape_cast %swap3A_771 : vector<1x16xf32> to vector<16xf32>
        %swap3A_773 = vector.shape_cast %mul3A_768 : vector<16xf32> to vector<1x16xf32>
        tpu.vector_store %arg10[%swap3A_769, %swap3A_770], %swap3A_773 {strides = array<i32>} : memref<128x128xf32, #tpu.memory_space<vmem>>, vector<1x16xf32>,
        %get3A_774 = arith.index_cast %add3A_763 : i32 to index
        %get3A_775 = arith.constant 16 : index
        %get3A_776 = tpu.vector_load %arg10[%get3A_774, %get3A_775] {strides = array<i32>} : memref<128x128xf32, #tpu.memory_space<vmem>>, vector<1x16xf32>,
        %get3A_777 = vector.shape_cast %get3A_776 : vector<1x16xf32> to vector<16xf32>
        %mul3A_778 = arith.mulf %get3A_777, %gather3A_759 : vector<16xf32>
        %swap3A_779 = arith.index_cast %add3A_763 : i32 to index
        %swap3A_780 = arith.constant 16 : index
        %swap3A_781 = tpu.vector_load %arg10[%swap3A_779, %swap3A_780] {strides = array<i32>} : memref<128x128xf32, #tpu.memory_space<vmem>>, vector<1x16xf32>,
        %swap3A_782 = vector.shape_cast %swap3A_781 : vector<1x16xf32> to vector<16xf32>
        %swap3A_783 = vector.shape_cast %mul3A_778 : vector<16xf32> to vector<1x16xf32>
        tpu.vector_store %arg10[%swap3A_779, %swap3A_780], %swap3A_783 {strides = array<i32>} : memref<128x128xf32, #tpu.memory_space<vmem>>, vector<1x16xf32>,
        %get3A_784 = arith.index_cast %add3A_763 : i32 to index
        %get3A_785 = arith.constant 32 : index
        %get3A_786 = tpu.vector_load %arg10[%get3A_784, %get3A_785] {strides = array<i32>} : memref<128x128xf32, #tpu.memory_space<vmem>>, vector<1x16xf32>,
        %get3A_787 = vector.shape_cast %get3A_786 : vector<1x16xf32> to vector<16xf32>
        %mul3A_788 = arith.mulf %get3A_787, %gather3A_759 : vector<16xf32>
        %swap3A_789 = arith.index_cast %add3A_763 : i32 to index
        %swap3A_790 = arith.constant 32 : index
        %swap3A_791 = tpu.vector_load %arg10[%swap3A_789, %swap3A_790] {strides = array<i32>} : memref<128x128xf32, #tpu.memory_space<vmem>>, vector<1x16xf32>,
        %swap3A_792 = vector.shape_cast %swap3A_791 : vector<1x16xf32> to vector<16xf32>
        %swap3A_793 = vector.shape_cast %mul3A_788 : vector<16xf32> to vector<1x16xf32>
        tpu.vector_store %arg10[%swap3A_789, %swap3A_790], %swap3A_793 {strides = array<i32>} : memref<128x128xf32, #tpu.memory_space<vmem>>, vector<1x16xf32>,
        %get3A_794 = arith.index_cast %add3A_763 : i32 to index
        %get3A_795 = arith.constant 48 : index
        %get3A_796 = tpu.vector_load %arg10[%get3A_794, %get3A_795] {strides = array<i32>} : memref<128x128xf32, #tpu.memory_space<vmem>>, vector<1x16xf32>,
        %get3A_797 = vector.shape_cast %get3A_796 : vector<1x16xf32> to vector<16xf32>
        %mul3A_798 = arith.mulf %get3A_797, %gather3A_759 : vector<16xf32>
        %swap3A_799 = arith.index_cast %add3A_763 : i32 to index
        %swap3A_800 = arith.constant 48 : index
        %swap3A_801 = tpu.vector_load %arg10[%swap3A_799, %swap3A_800] {strides = array<i32>} : memref<128x128xf32, #tpu.memory_space<vmem>>, vector<1x16xf32>,
        %swap3A_802 = vector.shape_cast %swap3A_801 : vector<1x16xf32> to vector<16xf32>
        %swap3A_803 = vector.shape_cast %mul3A_798 : vector<16xf32> to vector<1x16xf32>
        tpu.vector_store %arg10[%swap3A_799, %swap3A_800], %swap3A_803 {strides = array<i32>} : memref<128x128xf32, #tpu.memory_space<vmem>>, vector<1x16xf32>,
        %get3A_804 = arith.index_cast %add3A_763 : i32 to index
        %get3A_805 = arith.constant 64 : index
        %get3A_806 = tpu.vector_load %arg10[%get3A_804, %get3A_805] {strides = array<i32>} : memref<128x128xf32, #tpu.memory_space<vmem>>, vector<1x16xf32>,
        %get3A_807 = vector.shape_cast %get3A_806 : vector<1x16xf32> to vector<16xf32>
        %mul3A_808 = arith.mulf %get3A_807, %gather3A_759 : vector<16xf32>
        %swap3A_809 = arith.index_cast %add3A_763 : i32 to index
        %swap3A_810 = arith.constant 64 : index
        %swap3A_811 = tpu.vector_load %arg10[%swap3A_809, %swap3A_810] {strides = array<i32>} : memref<128x128xf32, #tpu.memory_space<vmem>>, vector<1x16xf32>,
        %swap3A_812 = vector.shape_cast %swap3A_811 : vector<1x16xf32> to vector<16xf32>
        %swap3A_813 = vector.shape_cast %mul3A_808 : vector<16xf32> to vector<1x16xf32>
        tpu.vector_store %arg10[%swap3A_809, %swap3A_810], %swap3A_813 {strides = array<i32>} : memref<128x128xf32, #tpu.memory_space<vmem>>, vector<1x16xf32>,
        %get3A_814 = arith.index_cast %add3A_763 : i32 to index
        %get3A_815 = arith.constant 80 : index
        %get3A_816 = tpu.vector_load %arg10[%get3A_814, %get3A_815] {strides = array<i32>} : memref<128x128xf32, #tpu.memory_space<vmem>>, vector<1x16xf32>,
        %get3A_817 = vector.shape_cast %get3A_816 : vector<1x16xf32> to vector<16xf32>
        %mul3A_818 = arith.mulf %get3A_817, %gather3A_759 : vector<16xf32>
        %swap3A_819 = arith.index_cast %add3A_763 : i32 to index
        %swap3A_820 = arith.constant 80 : index
        %swap3A_821 = tpu.vector_load %arg10[%swap3A_819, %swap3A_820] {strides = array<i32>} : memref<128x128xf32, #tpu.memory_space<vmem>>, vector<1x16xf32>,
        %swap3A_822 = vector.shape_cast %swap3A_821 : vector<1x16xf32> to vector<16xf32>
        %swap3A_823 = vector.shape_cast %mul3A_818 : vector<16xf32> to vector<1x16xf32>
        tpu.vector_store %arg10[%swap3A_819, %swap3A_820], %swap3A_823 {strides = array<i32>} : memref<128x128xf32, #tpu.memory_space<vmem>>, vector<1x16xf32>,
        %get3A_824 = arith.index_cast %add3A_763 : i32 to index
        %get3A_825 = arith.constant 96 : index
        %get3A_826 = tpu.vector_load %arg10[%get3A_824, %get3A_825] {strides = array<i32>} : memref<128x128xf32, #tpu.memory_space<vmem>>, vector<1x16xf32>,
        %get3A_827 = vector.shape_cast %get3A_826 : vector<1x16xf32> to vector<16xf32>
        %mul3A_828 = arith.mulf %get3A_827, %gather3A_759 : vector<16xf32>
        %swap3A_829 = arith.index_cast %add3A_763 : i32 to index
        %swap3A_830 = arith.constant 96 : index
        %swap3A_831 = tpu.vector_load %arg10[%swap3A_829, %swap3A_830] {strides = array<i32>} : memref<128x128xf32, #tpu.memory_space<vmem>>, vector<1x16xf32>,
        %swap3A_832 = vector.shape_cast %swap3A_831 : vector<1x16xf32> to vector<16xf32>
        %swap3A_833 = vector.shape_cast %mul3A_828 : vector<16xf32> to vector<1x16xf32>
        tpu.vector_store %arg10[%swap3A_829, %swap3A_830], %swap3A_833 {strides = array<i32>} : memref<128x128xf32, #tpu.memory_space<vmem>>, vector<1x16xf32>,
        %get3A_834 = arith.index_cast %add3A_763 : i32 to index
        %get3A_835 = arith.constant 112 : index
        %get3A_836 = tpu.vector_load %arg10[%get3A_834, %get3A_835] {strides = array<i32>} : memref<128x128xf32, #tpu.memory_space<vmem>>, vector<1x16xf32>,
        %get3A_837 = vector.shape_cast %get3A_836 : vector<1x16xf32> to vector<16xf32>
        %mul3A_838 = arith.mulf %get3A_837, %gather3A_759 : vector<16xf32>
        %swap3A_839 = arith.index_cast %add3A_763 : i32 to index
        %swap3A_840 = arith.constant 112 : index
        %swap3A_841 = tpu.vector_load %arg10[%swap3A_839, %swap3A_840] {strides = array<i32>} : memref<128x128xf32, #tpu.memory_space<vmem>>, vector<1x16xf32>,
        %swap3A_842 = vector.shape_cast %swap3A_841 : vector<1x16xf32> to vector<16xf32>
        %swap3A_843 = vector.shape_cast %mul3A_838 : vector<16xf32> to vector<1x16xf32>
        tpu.vector_store %arg10[%swap3A_839, %swap3A_840], %swap3A_843 {strides = array<i32>} : memref<128x128xf32, #tpu.memory_space<vmem>>, vector<1x16xf32>,
        %broadcast_in_dim3A_844 = arith.constant 9 : i32
        %broadcast_in_dim3A_845 = vector.broadcast %broadcast_in_dim3A_844 : i32 to vector<16x1xi32>
        %gather3A_846 = vector.shape_cast %broadcast_in_dim3A_845 : vector<16x1xi32> to vector<16xi32>
        %gather3A_847 = tpu.dynamic_gather %get3A_54[%gather3A_846] in [0] : vector<16xf32>, vector<16xi32> -> vector<16xf32>
        %mul3A_848 = arith.constant 16 : i32
        %mul3A_849 = arith.muli %scan3A_49, %mul3A_848 : i32
        %add3A_850 = arith.constant 9 : i32
        %add3A_851 = arith.addi %mul3A_849, %add3A_850 : i32
        %get3A_852 = arith.index_cast %add3A_851 : i32 to index
        %get3A_853 = arith.constant 0 : index
        %get3A_854 = tpu.vector_load %arg10[%get3A_852, %get3A_853] {strides = array<i32>} : memref<128x128xf32, #tpu.memory_space<vmem>>, vector<1x16xf32>,
        %get3A_855 = vector.shape_cast %get3A_854 : vector<1x16xf32> to vector<16xf32>
        %mul3A_856 = arith.mulf %get3A_855, %gather3A_847 : vector<16xf32>
        %swap3A_857 = arith.index_cast %add3A_851 : i32 to index
        %swap3A_858 = arith.constant 0 : index
        %swap3A_859 = tpu.vector_load %arg10[%swap3A_857, %swap3A_858] {strides = array<i32>} : memref<128x128xf32, #tpu.memory_space<vmem>>, vector<1x16xf32>,
        %swap3A_860 = vector.shape_cast %swap3A_859 : vector<1x16xf32> to vector<16xf32>
        %swap3A_861 = vector.shape_cast %mul3A_856 : vector<16xf32> to vector<1x16xf32>
        tpu.vector_store %arg10[%swap3A_857, %swap3A_858], %swap3A_861 {strides = array<i32>} : memref<128x128xf32, #tpu.memory_space<vmem>>, vector<1x16xf32>,
        %get3A_862 = arith.index_cast %add3A_851 : i32 to index
        %get3A_863 = arith.constant 16 : index
        %get3A_864 = tpu.vector_load %arg10[%get3A_862, %get3A_863] {strides = array<i32>} : memref<128x128xf32, #tpu.memory_space<vmem>>, vector<1x16xf32>,
        %get3A_865 = vector.shape_cast %get3A_864 : vector<1x16xf32> to vector<16xf32>
        %mul3A_866 = arith.mulf %get3A_865, %gather3A_847 : vector<16xf32>
        %swap3A_867 = arith.index_cast %add3A_851 : i32 to index
        %swap3A_868 = arith.constant 16 : index
        %swap3A_869 = tpu.vector_load %arg10[%swap3A_867, %swap3A_868] {strides = array<i32>} : memref<128x128xf32, #tpu.memory_space<vmem>>, vector<1x16xf32>,
        %swap3A_870 = vector.shape_cast %swap3A_869 : vector<1x16xf32> to vector<16xf32>
        %swap3A_871 = vector.shape_cast %mul3A_866 : vector<16xf32> to vector<1x16xf32>
        tpu.vector_store %arg10[%swap3A_867, %swap3A_868], %swap3A_871 {strides = array<i32>} : memref<128x128xf32, #tpu.memory_space<vmem>>, vector<1x16xf32>,
        %get3A_872 = arith.index_cast %add3A_851 : i32 to index
        %get3A_873 = arith.constant 32 : index
        %get3A_874 = tpu.vector_load %arg10[%get3A_872, %get3A_873] {strides = array<i32>} : memref<128x128xf32, #tpu.memory_space<vmem>>, vector<1x16xf32>,
        %get3A_875 = vector.shape_cast %get3A_874 : vector<1x16xf32> to vector<16xf32>
        %mul3A_876 = arith.mulf %get3A_875, %gather3A_847 : vector<16xf32>
        %swap3A_877 = arith.index_cast %add3A_851 : i32 to index
        %swap3A_878 = arith.constant 32 : index
        %swap3A_879 = tpu.vector_load %arg10[%swap3A_877, %swap3A_878] {strides = array<i32>} : memref<128x128xf32, #tpu.memory_space<vmem>>, vector<1x16xf32>,
        %swap3A_880 = vector.shape_cast %swap3A_879 : vector<1x16xf32> to vector<16xf32>
        %swap3A_881 = vector.shape_cast %mul3A_876 : vector<16xf32> to vector<1x16xf32>
        tpu.vector_store %arg10[%swap3A_877, %swap3A_878], %swap3A_881 {strides = array<i32>} : memref<128x128xf32, #tpu.memory_space<vmem>>, vector<1x16xf32>,
        %get3A_882 = arith.index_cast %add3A_851 : i32 to index
        %get3A_883 = arith.constant 48 : index
        %get3A_884 = tpu.vector_load %arg10[%get3A_882, %get3A_883] {strides = array<i32>} : memref<128x128xf32, #tpu.memory_space<vmem>>, vector<1x16xf32>,
        %get3A_885 = vector.shape_cast %get3A_884 : vector<1x16xf32> to vector<16xf32>
        %mul3A_886 = arith.mulf %get3A_885, %gather3A_847 : vector<16xf32>
        %swap3A_887 = arith.index_cast %add3A_851 : i32 to index
        %swap3A_888 = arith.constant 48 : index
        %swap3A_889 = tpu.vector_load %arg10[%swap3A_887, %swap3A_888] {strides = array<i32>} : memref<128x128xf32, #tpu.memory_space<vmem>>, vector<1x16xf32>,
        %swap3A_890 = vector.shape_cast %swap3A_889 : vector<1x16xf32> to vector<16xf32>
        %swap3A_891 = vector.shape_cast %mul3A_886 : vector<16xf32> to vector<1x16xf32>
        tpu.vector_store %arg10[%swap3A_887, %swap3A_888], %swap3A_891 {strides = array<i32>} : memref<128x128xf32, #tpu.memory_space<vmem>>, vector<1x16xf32>,
        %get3A_892 = arith.index_cast %add3A_851 : i32 to index
        %get3A_893 = arith.constant 64 : index
        %get3A_894 = tpu.vector_load %arg10[%get3A_892, %get3A_893] {strides = array<i32>} : memref<128x128xf32, #tpu.memory_space<vmem>>, vector<1x16xf32>,
        %get3A_895 = vector.shape_cast %get3A_894 : vector<1x16xf32> to vector<16xf32>
        %mul3A_896 = arith.mulf %get3A_895, %gather3A_847 : vector<16xf32>
        %swap3A_897 = arith.index_cast %add3A_851 : i32 to index
        %swap3A_898 = arith.constant 64 : index
        %swap3A_899 = tpu.vector_load %arg10[%swap3A_897, %swap3A_898] {strides = array<i32>} : memref<128x128xf32, #tpu.memory_space<vmem>>, vector<1x16xf32>,
        %swap3A_900 = vector.shape_cast %swap3A_899 : vector<1x16xf32> to vector<16xf32>
        %swap3A_901 = vector.shape_cast %mul3A_896 : vector<16xf32> to vector<1x16xf32>
        tpu.vector_store %arg10[%swap3A_897, %swap3A_898], %swap3A_901 {strides = array<i32>} : memref<128x128xf32, #tpu.memory_space<vmem>>, vector<1x16xf32>,
        %get3A_902 = arith.index_cast %add3A_851 : i32 to index
        %get3A_903 = arith.constant 80 : index
        %get3A_904 = tpu.vector_load %arg10[%get3A_902, %get3A_903] {strides = array<i32>} : memref<128x128xf32, #tpu.memory_space<vmem>>, vector<1x16xf32>,
        %get3A_905 = vector.shape_cast %get3A_904 : vector<1x16xf32> to vector<16xf32>
        %mul3A_906 = arith.mulf %get3A_905, %gather3A_847 : vector<16xf32>
        %swap3A_907 = arith.index_cast %add3A_851 : i32 to index
        %swap3A_908 = arith.constant 80 : index
        %swap3A_909 = tpu.vector_load %arg10[%swap3A_907, %swap3A_908] {strides = array<i32>} : memref<128x128xf32, #tpu.memory_space<vmem>>, vector<1x16xf32>,
        %swap3A_910 = vector.shape_cast %swap3A_909 : vector<1x16xf32> to vector<16xf32>
        %swap3A_911 = vector.shape_cast %mul3A_906 : vector<16xf32> to vector<1x16xf32>
        tpu.vector_store %arg10[%swap3A_907, %swap3A_908], %swap3A_911 {strides = array<i32>} : memref<128x128xf32, #tpu.memory_space<vmem>>, vector<1x16xf32>,
        %get3A_912 = arith.index_cast %add3A_851 : i32 to index
        %get3A_913 = arith.constant 96 : index
        %get3A_914 = tpu.vector_load %arg10[%get3A_912, %get3A_913] {strides = array<i32>} : memref<128x128xf32, #tpu.memory_space<vmem>>, vector<1x16xf32>,
        %get3A_915 = vector.shape_cast %get3A_914 : vector<1x16xf32> to vector<16xf32>
        %mul3A_916 = arith.mulf %get3A_915, %gather3A_847 : vector<16xf32>
        %swap3A_917 = arith.index_cast %add3A_851 : i32 to index
        %swap3A_918 = arith.constant 96 : index
        %swap3A_919 = tpu.vector_load %arg10[%swap3A_917, %swap3A_918] {strides = array<i32>} : memref<128x128xf32, #tpu.memory_space<vmem>>, vector<1x16xf32>,
        %swap3A_920 = vector.shape_cast %swap3A_919 : vector<1x16xf32> to vector<16xf32>
        %swap3A_921 = vector.shape_cast %mul3A_916 : vector<16xf32> to vector<1x16xf32>
        tpu.vector_store %arg10[%swap3A_917, %swap3A_918], %swap3A_921 {strides = array<i32>} : memref<128x128xf32, #tpu.memory_space<vmem>>, vector<1x16xf32>,
        %get3A_922 = arith.index_cast %add3A_851 : i32 to index
        %get3A_923 = arith.constant 112 : index
        %get3A_924 = tpu.vector_load %arg10[%get3A_922, %get3A_923] {strides = array<i32>} : memref<128x128xf32, #tpu.memory_space<vmem>>, vector<1x16xf32>,
        %get3A_925 = vector.shape_cast %get3A_924 : vector<1x16xf32> to vector<16xf32>
        %mul3A_926 = arith.mulf %get3A_925, %gather3A_847 : vector<16xf32>
        %swap3A_927 = arith.index_cast %add3A_851 : i32 to index
        %swap3A_928 = arith.constant 112 : index
        %swap3A_929 = tpu.vector_load %arg10[%swap3A_927, %swap3A_928] {strides = array<i32>} : memref<128x128xf32, #tpu.memory_space<vmem>>, vector<1x16xf32>,
        %swap3A_930 = vector.shape_cast %swap3A_929 : vector<1x16xf32> to vector<16xf32>
        %swap3A_931 = vector.shape_cast %mul3A_926 : vector<16xf32> to vector<1x16xf32>
        tpu.vector_store %arg10[%swap3A_927, %swap3A_928], %swap3A_931 {strides = array<i32>} : memref<128x128xf32, #tpu.memory_space<vmem>>, vector<1x16xf32>,
        %broadcast_in_dim3A_932 = arith.constant 10 : i32
        %broadcast_in_dim3A_933 = vector.broadcast %broadcast_in_dim3A_932 : i32 to vector<16x1xi32>
        %gather3A_934 = vector.shape_cast %broadcast_in_dim3A_933 : vector<16x1xi32> to vector<16xi32>
        %gather3A_935 = tpu.dynamic_gather %get3A_54[%gather3A_934] in [0] : vector<16xf32>, vector<16xi32> -> vector<16xf32>
        %mul3A_936 = arith.constant 16 : i32
        %mul3A_937 = arith.muli %scan3A_49, %mul3A_936 : i32
        %add3A_938 = arith.constant 10 : i32
        %add3A_939 = arith.addi %mul3A_937, %add3A_938 : i32
        %get3A_940 = arith.index_cast %add3A_939 : i32 to index
        %get3A_941 = arith.constant 0 : index
        %get3A_942 = tpu.vector_load %arg10[%get3A_940, %get3A_941] {strides = array<i32>} : memref<128x128xf32, #tpu.memory_space<vmem>>, vector<1x16xf32>,
        %get3A_943 = vector.shape_cast %get3A_942 : vector<1x16xf32> to vector<16xf32>
        %mul3A_944 = arith.mulf %get3A_943, %gather3A_935 : vector<16xf32>
        %swap3A_945 = arith.index_cast %add3A_939 : i32 to index
        %swap3A_946 = arith.constant 0 : index
        %swap3A_947 = tpu.vector_load %arg10[%swap3A_945, %swap3A_946] {strides = array<i32>} : memref<128x128xf32, #tpu.memory_space<vmem>>, vector<1x16xf32>,
        %swap3A_948 = vector.shape_cast %swap3A_947 : vector<1x16xf32> to vector<16xf32>
        %swap3A_949 = vector.shape_cast %mul3A_944 : vector<16xf32> to vector<1x16xf32>
        tpu.vector_store %arg10[%swap3A_945, %swap3A_946], %swap3A_949 {strides = array<i32>} : memref<128x128xf32, #tpu.memory_space<vmem>>, vector<1x16xf32>,
        %get3A_950 = arith.index_cast %add3A_939 : i32 to index
        %get3A_951 = arith.constant 16 : index
        %get3A_952 = tpu.vector_load %arg10[%get3A_950, %get3A_951] {strides = array<i32>} : memref<128x128xf32, #tpu.memory_space<vmem>>, vector<1x16xf32>,
        %get3A_953 = vector.shape_cast %get3A_952 : vector<1x16xf32> to vector<16xf32>
        %mul3A_954 = arith.mulf %get3A_953, %gather3A_935 : vector<16xf32>
        %swap3A_955 = arith.index_cast %add3A_939 : i32 to index
        %swap3A_956 = arith.constant 16 : index
        %swap3A_957 = tpu.vector_load %arg10[%swap3A_955, %swap3A_956] {strides = array<i32>} : memref<128x128xf32, #tpu.memory_space<vmem>>, vector<1x16xf32>,
        %swap3A_958 = vector.shape_cast %swap3A_957 : vector<1x16xf32> to vector<16xf32>
        %swap3A_959 = vector.shape_cast %mul3A_954 : vector<16xf32> to vector<1x16xf32>
        tpu.vector_store %arg10[%swap3A_955, %swap3A_956], %swap3A_959 {strides = array<i32>} : memref<128x128xf32, #tpu.memory_space<vmem>>, vector<1x16xf32>,
        %get3A_960 = arith.index_cast %add3A_939 : i32 to index
        %get3A_961 = arith.constant 32 : index
        %get3A_962 = tpu.vector_load %arg10[%get3A_960, %get3A_961] {strides = array<i32>} : memref<128x128xf32, #tpu.memory_space<vmem>>, vector<1x16xf32>,
        %get3A_963 = vector.shape_cast %get3A_962 : vector<1x16xf32> to vector<16xf32>
        %mul3A_964 = arith.mulf %get3A_963, %gather3A_935 : vector<16xf32>
        %swap3A_965 = arith.index_cast %add3A_939 : i32 to index
        %swap3A_966 = arith.constant 32 : index
        %swap3A_967 = tpu.vector_load %arg10[%swap3A_965, %swap3A_966] {strides = array<i32>} : memref<128x128xf32, #tpu.memory_space<vmem>>, vector<1x16xf32>,
        %swap3A_968 = vector.shape_cast %swap3A_967 : vector<1x16xf32> to vector<16xf32>
        %swap3A_969 = vector.shape_cast %mul3A_964 : vector<16xf32> to vector<1x16xf32>
        tpu.vector_store %arg10[%swap3A_965, %swap3A_966], %swap3A_969 {strides = array<i32>} : memref<128x128xf32, #tpu.memory_space<vmem>>, vector<1x16xf32>,
        %get3A_970 = arith.index_cast %add3A_939 : i32 to index
        %get3A_971 = arith.constant 48 : index
        %get3A_972 = tpu.vector_load %arg10[%get3A_970, %get3A_971] {strides = array<i32>} : memref<128x128xf32, #tpu.memory_space<vmem>>, vector<1x16xf32>,
        %get3A_973 = vector.shape_cast %get3A_972 : vector<1x16xf32> to vector<16xf32>
        %mul3A_974 = arith.mulf %get3A_973, %gather3A_935 : vector<16xf32>
        %swap3A_975 = arith.index_cast %add3A_939 : i32 to index
        %swap3A_976 = arith.constant 48 : index
        %swap3A_977 = tpu.vector_load %arg10[%swap3A_975, %swap3A_976] {strides = array<i32>} : memref<128x128xf32, #tpu.memory_space<vmem>>, vector<1x16xf32>,
        %swap3A_978 = vector.shape_cast %swap3A_977 : vector<1x16xf32> to vector<16xf32>
        %swap3A_979 = vector.shape_cast %mul3A_974 : vector<16xf32> to vector<1x16xf32>
        tpu.vector_store %arg10[%swap3A_975, %swap3A_976], %swap3A_979 {strides = array<i32>} : memref<128x128xf32, #tpu.memory_space<vmem>>, vector<1x16xf32>,
        %get3A_980 = arith.index_cast %add3A_939 : i32 to index
        %get3A_981 = arith.constant 64 : index
        %get3A_982 = tpu.vector_load %arg10[%get3A_980, %get3A_981] {strides = array<i32>} : memref<128x128xf32, #tpu.memory_space<vmem>>, vector<1x16xf32>,
        %get3A_983 = vector.shape_cast %get3A_982 : vector<1x16xf32> to vector<16xf32>
        %mul3A_984 = arith.mulf %get3A_983, %gather3A_935 : vector<16xf32>
        %swap3A_985 = arith.index_cast %add3A_939 : i32 to index
        %swap3A_986 = arith.constant 64 : index
        %swap3A_987 = tpu.vector_load %arg10[%swap3A_985, %swap3A_986] {strides = array<i32>} : memref<128x128xf32, #tpu.memory_space<vmem>>, vector<1x16xf32>,
        %swap3A_988 = vector.shape_cast %swap3A_987 : vector<1x16xf32> to vector<16xf32>
        %swap3A_989 = vector.shape_cast %mul3A_984 : vector<16xf32> to vector<1x16xf32>
        tpu.vector_store %arg10[%swap3A_985, %swap3A_986], %swap3A_989 {strides = array<i32>} : memref<128x128xf32, #tpu.memory_space<vmem>>, vector<1x16xf32>,
        %get3A_990 = arith.index_cast %add3A_939 : i32 to index
        %get3A_991 = arith.constant 80 : index
        %get3A_992 = tpu.vector_load %arg10[%get3A_990, %get3A_991] {strides = array<i32>} : memref<128x128xf32, #tpu.memory_space<vmem>>, vector<1x16xf32>,
        %get3A_993 = vector.shape_cast %get3A_992 : vector<1x16xf32> to vector<16xf32>
        %mul3A_994 = arith.mulf %get3A_993, %gather3A_935 : vector<16xf32>
        %swap3A_995 = arith.index_cast %add3A_939 : i32 to index
        %swap3A_996 = arith.constant 80 : index
        %swap3A_997 = tpu.vector_load %arg10[%swap3A_995, %swap3A_996] {strides = array<i32>} : memref<128x128xf32, #tpu.memory_space<vmem>>, vector<1x16xf32>,
        %swap3A_998 = vector.shape_cast %swap3A_997 : vector<1x16xf32> to vector<16xf32>
        %swap3A_999 = vector.shape_cast %mul3A_994 : vector<16xf32> to vector<1x16xf32>
        tpu.vector_store %arg10[%swap3A_995, %swap3A_996], %swap3A_999 {strides = array<i32>} : memref<128x128xf32, #tpu.memory_space<vmem>>, vector<1x16xf32>,
        %get3A_1000 = arith.index_cast %add3A_939 : i32 to index
        %get3A_1001 = arith.constant 96 : index
        %get3A_1002 = tpu.vector_load %arg10[%get3A_1000, %get3A_1001] {strides = array<i32>} : memref<128x128xf32, #tpu.memory_space<vmem>>, vector<1x16xf32>,
        %get3A_1003 = vector.shape_cast %get3A_1002 : vector<1x16xf32> to vector<16xf32>
        %mul3A_1004 = arith.mulf %get3A_1003, %gather3A_935 : vector<16xf32>
        %swap3A_1005 = arith.index_cast %add3A_939 : i32 to index
        %swap3A_1006 = arith.constant 96 : index
        %swap3A_1007 = tpu.vector_load %arg10[%swap3A_1005, %swap3A_1006] {strides = array<i32>} : memref<128x128xf32, #tpu.memory_space<vmem>>, vector<1x16xf32>,
        %swap3A_1008 = vector.shape_cast %swap3A_1007 : vector<1x16xf32> to vector<16xf32>
        %swap3A_1009 = vector.shape_cast %mul3A_1004 : vector<16xf32> to vector<1x16xf32>
        tpu.vector_store %arg10[%swap3A_1005, %swap3A_1006], %swap3A_1009 {strides = array<i32>} : memref<128x128xf32, #tpu.memory_space<vmem>>, vector<1x16xf32>,
        %get3A_1010 = arith.index_cast %add3A_939 : i32 to index
        %get3A_1011 = arith.constant 112 : index
        %get3A_1012 = tpu.vector_load %arg10[%get3A_1010, %get3A_1011] {strides = array<i32>} : memref<128x128xf32, #tpu.memory_space<vmem>>, vector<1x16xf32>,
        %get3A_1013 = vector.shape_cast %get3A_1012 : vector<1x16xf32> to vector<16xf32>
        %mul3A_1014 = arith.mulf %get3A_1013, %gather3A_935 : vector<16xf32>
        %swap3A_1015 = arith.index_cast %add3A_939 : i32 to index
        %swap3A_1016 = arith.constant 112 : index
        %swap3A_1017 = tpu.vector_load %arg10[%swap3A_1015, %swap3A_1016] {strides = array<i32>} : memref<128x128xf32, #tpu.memory_space<vmem>>, vector<1x16xf32>,
        %swap3A_1018 = vector.shape_cast %swap3A_1017 : vector<1x16xf32> to vector<16xf32>
        %swap3A_1019 = vector.shape_cast %mul3A_1014 : vector<16xf32> to vector<1x16xf32>
        tpu.vector_store %arg10[%swap3A_1015, %swap3A_1016], %swap3A_1019 {strides = array<i32>} : memref<128x128xf32, #tpu.memory_space<vmem>>, vector<1x16xf32>,
        %broadcast_in_dim3A_1020 = arith.constant 11 : i32
        %broadcast_in_dim3A_1021 = vector.broadcast %broadcast_in_dim3A_1020 : i32 to vector<16x1xi32>
        %gather3A_1022 = vector.shape_cast %broadcast_in_dim3A_1021 : vector<16x1xi32> to vector<16xi32>
        %gather3A_1023 = tpu.dynamic_gather %get3A_54[%gather3A_1022] in [0] : vector<16xf32>, vector<16xi32> -> vector<16xf32>
        %mul3A_1024 = arith.constant 16 : i32
        %mul3A_1025 = arith.muli %scan3A_49, %mul3A_1024 : i32
        %add3A_1026 = arith.constant 11 : i32
        %add3A_1027 = arith.addi %mul3A_1025, %add3A_1026 : i32
        %get3A_1028 = arith.index_cast %add3A_1027 : i32 to index
        %get3A_1029 = arith.constant 0 : index
        %get3A_1030 = tpu.vector_load %arg10[%get3A_1028, %get3A_1029] {strides = array<i32>} : memref<128x128xf32, #tpu.memory_space<vmem>>, vector<1x16xf32>,
        %get3A_1031 = vector.shape_cast %get3A_1030 : vector<1x16xf32> to vector<16xf32>
        %mul3A_1032 = arith.mulf %get3A_1031, %gather3A_1023 : vector<16xf32>
        %swap3A_1033 = arith.index_cast %add3A_1027 : i32 to index
        %swap3A_1034 = arith.constant 0 : index
        %swap3A_1035 = tpu.vector_load %arg10[%swap3A_1033, %swap3A_1034] {strides = array<i32>} : memref<128x128xf32, #tpu.memory_space<vmem>>, vector<1x16xf32>,
        %swap3A_1036 = vector.shape_cast %swap3A_1035 : vector<1x16xf32> to vector<16xf32>
        %swap3A_1037 = vector.shape_cast %mul3A_1032 : vector<16xf32> to vector<1x16xf32>
        tpu.vector_store %arg10[%swap3A_1033, %swap3A_1034], %swap3A_1037 {strides = array<i32>} : memref<128x128xf32, #tpu.memory_space<vmem>>, vector<1x16xf32>,
        %get3A_1038 = arith.index_cast %add3A_1027 : i32 to index
        %get3A_1039 = arith.constant 16 : index
        %get3A_1040 = tpu.vector_load %arg10[%get3A_1038, %get3A_1039] {strides = array<i32>} : memref<128x128xf32, #tpu.memory_space<vmem>>, vector<1x16xf32>,
        %get3A_1041 = vector.shape_cast %get3A_1040 : vector<1x16xf32> to vector<16xf32>
        %mul3A_1042 = arith.mulf %get3A_1041, %gather3A_1023 : vector<16xf32>
        %swap3A_1043 = arith.index_cast %add3A_1027 : i32 to index
        %swap3A_1044 = arith.constant 16 : index
        %swap3A_1045 = tpu.vector_load %arg10[%swap3A_1043, %swap3A_1044] {strides = array<i32>} : memref<128x128xf32, #tpu.memory_space<vmem>>, vector<1x16xf32>,
        %swap3A_1046 = vector.shape_cast %swap3A_1045 : vector<1x16xf32> to vector<16xf32>
        %swap3A_1047 = vector.shape_cast %mul3A_1042 : vector<16xf32> to vector<1x16xf32>
        tpu.vector_store %arg10[%swap3A_1043, %swap3A_1044], %swap3A_1047 {strides = array<i32>} : memref<128x128xf32, #tpu.memory_space<vmem>>, vector<1x16xf32>,
        %get3A_1048 = arith.index_cast %add3A_1027 : i32 to index
        %get3A_1049 = arith.constant 32 : index
        %get3A_1050 = tpu.vector_load %arg10[%get3A_1048, %get3A_1049] {strides = array<i32>} : memref<128x128xf32, #tpu.memory_space<vmem>>, vector<1x16xf32>,
        %get3A_1051 = vector.shape_cast %get3A_1050 : vector<1x16xf32> to vector<16xf32>
        %mul3A_1052 = arith.mulf %get3A_1051, %gather3A_1023 : vector<16xf32>
        %swap3A_1053 = arith.index_cast %add3A_1027 : i32 to index
        %swap3A_1054 = arith.constant 32 : index
        %swap3A_1055 = tpu.vector_load %arg10[%swap3A_1053, %swap3A_1054] {strides = array<i32>} : memref<128x128xf32, #tpu.memory_space<vmem>>, vector<1x16xf32>,
        %swap3A_1056 = vector.shape_cast %swap3A_1055 : vector<1x16xf32> to vector<16xf32>
        %swap3A_1057 = vector.shape_cast %mul3A_1052 : vector<16xf32> to vector<1x16xf32>
        tpu.vector_store %arg10[%swap3A_1053, %swap3A_1054], %swap3A_1057 {strides = array<i32>} : memref<128x128xf32, #tpu.memory_space<vmem>>, vector<1x16xf32>,
        %get3A_1058 = arith.index_cast %add3A_1027 : i32 to index
        %get3A_1059 = arith.constant 48 : index
        %get3A_1060 = tpu.vector_load %arg10[%get3A_1058, %get3A_1059] {strides = array<i32>} : memref<128x128xf32, #tpu.memory_space<vmem>>, vector<1x16xf32>,
        %get3A_1061 = vector.shape_cast %get3A_1060 : vector<1x16xf32> to vector<16xf32>
        %mul3A_1062 = arith.mulf %get3A_1061, %gather3A_1023 : vector<16xf32>
        %swap3A_1063 = arith.index_cast %add3A_1027 : i32 to index
        %swap3A_1064 = arith.constant 48 : index
        %swap3A_1065 = tpu.vector_load %arg10[%swap3A_1063, %swap3A_1064] {strides = array<i32>} : memref<128x128xf32, #tpu.memory_space<vmem>>, vector<1x16xf32>,
        %swap3A_1066 = vector.shape_cast %swap3A_1065 : vector<1x16xf32> to vector<16xf32>
        %swap3A_1067 = vector.shape_cast %mul3A_1062 : vector<16xf32> to vector<1x16xf32>
        tpu.vector_store %arg10[%swap3A_1063, %swap3A_1064], %swap3A_1067 {strides = array<i32>} : memref<128x128xf32, #tpu.memory_space<vmem>>, vector<1x16xf32>,
        %get3A_1068 = arith.index_cast %add3A_1027 : i32 to index
        %get3A_1069 = arith.constant 64 : index
        %get3A_1070 = tpu.vector_load %arg10[%get3A_1068, %get3A_1069] {strides = array<i32>} : memref<128x128xf32, #tpu.memory_space<vmem>>, vector<1x16xf32>,
        %get3A_1071 = vector.shape_cast %get3A_1070 : vector<1x16xf32> to vector<16xf32>
        %mul3A_1072 = arith.mulf %get3A_1071, %gather3A_1023 : vector<16xf32>
        %swap3A_1073 = arith.index_cast %add3A_1027 : i32 to index
        %swap3A_1074 = arith.constant 64 : index
        %swap3A_1075 = tpu.vector_load %arg10[%swap3A_1073, %swap3A_1074] {strides = array<i32>} : memref<128x128xf32, #tpu.memory_space<vmem>>, vector<1x16xf32>,
        %swap3A_1076 = vector.shape_cast %swap3A_1075 : vector<1x16xf32> to vector<16xf32>
        %swap3A_1077 = vector.shape_cast %mul3A_1072 : vector<16xf32> to vector<1x16xf32>
        tpu.vector_store %arg10[%swap3A_1073, %swap3A_1074], %swap3A_1077 {strides = array<i32>} : memref<128x128xf32, #tpu.memory_space<vmem>>, vector<1x16xf32>,
        %get3A_1078 = arith.index_cast %add3A_1027 : i32 to index
        %get3A_1079 = arith.constant 80 : index
        %get3A_1080 = tpu.vector_load %arg10[%get3A_1078, %get3A_1079] {strides = array<i32>} : memref<128x128xf32, #tpu.memory_space<vmem>>, vector<1x16xf32>,
        %get3A_1081 = vector.shape_cast %get3A_1080 : vector<1x16xf32> to vector<16xf32>
        %mul3A_1082 = arith.mulf %get3A_1081, %gather3A_1023 : vector<16xf32>
        %swap3A_1083 = arith.index_cast %add3A_1027 : i32 to index
        %swap3A_1084 = arith.constant 80 : index
        %swap3A_1085 = tpu.vector_load %arg10[%swap3A_1083, %swap3A_1084] {strides = array<i32>} : memref<128x128xf32, #tpu.memory_space<vmem>>, vector<1x16xf32>,
        %swap3A_1086 = vector.shape_cast %swap3A_1085 : vector<1x16xf32> to vector<16xf32>
        %swap3A_1087 = vector.shape_cast %mul3A_1082 : vector<16xf32> to vector<1x16xf32>
        tpu.vector_store %arg10[%swap3A_1083, %swap3A_1084], %swap3A_1087 {strides = array<i32>} : memref<128x128xf32, #tpu.memory_space<vmem>>, vector<1x16xf32>,
        %get3A_1088 = arith.index_cast %add3A_1027 : i32 to index
        %get3A_1089 = arith.constant 96 : index
        %get3A_1090 = tpu.vector_load %arg10[%get3A_1088, %get3A_1089] {strides = array<i32>} : memref<128x128xf32, #tpu.memory_space<vmem>>, vector<1x16xf32>,
        %get3A_1091 = vector.shape_cast %get3A_1090 : vector<1x16xf32> to vector<16xf32>
        %mul3A_1092 = arith.mulf %get3A_1091, %gather3A_1023 : vector<16xf32>
        %swap3A_1093 = arith.index_cast %add3A_1027 : i32 to index
        %swap3A_1094 = arith.constant 96 : index
        %swap3A_1095 = tpu.vector_load %arg10[%swap3A_1093, %swap3A_1094] {strides = array<i32>} : memref<128x128xf32, #tpu.memory_space<vmem>>, vector<1x16xf32>,
        %swap3A_1096 = vector.shape_cast %swap3A_1095 : vector<1x16xf32> to vector<16xf32>
        %swap3A_1097 = vector.shape_cast %mul3A_1092 : vector<16xf32> to vector<1x16xf32>
        tpu.vector_store %arg10[%swap3A_1093, %swap3A_1094], %swap3A_1097 {strides = array<i32>} : memref<128x128xf32, #tpu.memory_space<vmem>>, vector<1x16xf32>,
        %get3A_1098 = arith.index_cast %add3A_1027 : i32 to index
        %get3A_1099 = arith.constant 112 : index
        %get3A_1100 = tpu.vector_load %arg10[%get3A_1098, %get3A_1099] {strides = array<i32>} : memref<128x128xf32, #tpu.memory_space<vmem>>, vector<1x16xf32>,
        %get3A_1101 = vector.shape_cast %get3A_1100 : vector<1x16xf32> to vector<16xf32>
        %mul3A_1102 = arith.mulf %get3A_1101, %gather3A_1023 : vector<16xf32>
        %swap3A_1103 = arith.index_cast %add3A_1027 : i32 to index
        %swap3A_1104 = arith.constant 112 : index
        %swap3A_1105 = tpu.vector_load %arg10[%swap3A_1103, %swap3A_1104] {strides = array<i32>} : memref<128x128xf32, #tpu.memory_space<vmem>>, vector<1x16xf32>,
        %swap3A_1106 = vector.shape_cast %swap3A_1105 : vector<1x16xf32> to vector<16xf32>
        %swap3A_1107 = vector.shape_cast %mul3A_1102 : vector<16xf32> to vector<1x16xf32>
        tpu.vector_store %arg10[%swap3A_1103, %swap3A_1104], %swap3A_1107 {strides = array<i32>} : memref<128x128xf32, #tpu.memory_space<vmem>>, vector<1x16xf32>,
        %broadcast_in_dim3A_1108 = arith.constant 12 : i32
        %broadcast_in_dim3A_1109 = vector.broadcast %broadcast_in_dim3A_1108 : i32 to vector<16x1xi32>
        %gather3A_1110 = vector.shape_cast %broadcast_in_dim3A_1109 : vector<16x1xi32> to vector<16xi32>
        %gather3A_1111 = tpu.dynamic_gather %get3A_54[%gather3A_1110] in [0] : vector<16xf32>, vector<16xi32> -> vector<16xf32>
        %mul3A_1112 = arith.constant 16 : i32
        %mul3A_1113 = arith.muli %scan3A_49, %mul3A_1112 : i32
        %add3A_1114 = arith.constant 12 : i32
        %add3A_1115 = arith.addi %mul3A_1113, %add3A_1114 : i32
        %get3A_1116 = arith.index_cast %add3A_1115 : i32 to index
        %get3A_1117 = arith.constant 0 : index
        %get3A_1118 = tpu.vector_load %arg10[%get3A_1116, %get3A_1117] {strides = array<i32>} : memref<128x128xf32, #tpu.memory_space<vmem>>, vector<1x16xf32>,
        %get3A_1119 = vector.shape_cast %get3A_1118 : vector<1x16xf32> to vector<16xf32>
        %mul3A_1120 = arith.mulf %get3A_1119, %gather3A_1111 : vector<16xf32>
        %swap3A_1121 = arith.index_cast %add3A_1115 : i32 to index
        %swap3A_1122 = arith.constant 0 : index
        %swap3A_1123 = tpu.vector_load %arg10[%swap3A_1121, %swap3A_1122] {strides = array<i32>} : memref<128x128xf32, #tpu.memory_space<vmem>>, vector<1x16xf32>,
        %swap3A_1124 = vector.shape_cast %swap3A_1123 : vector<1x16xf32> to vector<16xf32>
        %swap3A_1125 = vector.shape_cast %mul3A_1120 : vector<16xf32> to vector<1x16xf32>
        tpu.vector_store %arg10[%swap3A_1121, %swap3A_1122], %swap3A_1125 {strides = array<i32>} : memref<128x128xf32, #tpu.memory_space<vmem>>, vector<1x16xf32>,
        %get3A_1126 = arith.index_cast %add3A_1115 : i32 to index
        %get3A_1127 = arith.constant 16 : index
        %get3A_1128 = tpu.vector_load %arg10[%get3A_1126, %get3A_1127] {strides = array<i32>} : memref<128x128xf32, #tpu.memory_space<vmem>>, vector<1x16xf32>,
        %get3A_1129 = vector.shape_cast %get3A_1128 : vector<1x16xf32> to vector<16xf32>
        %mul3A_1130 = arith.mulf %get3A_1129, %gather3A_1111 : vector<16xf32>
        %swap3A_1131 = arith.index_cast %add3A_1115 : i32 to index
        %swap3A_1132 = arith.constant 16 : index
        %swap3A_1133 = tpu.vector_load %arg10[%swap3A_1131, %swap3A_1132] {strides = array<i32>} : memref<128x128xf32, #tpu.memory_space<vmem>>, vector<1x16xf32>,
        %swap3A_1134 = vector.shape_cast %swap3A_1133 : vector<1x16xf32> to vector<16xf32>
        %swap3A_1135 = vector.shape_cast %mul3A_1130 : vector<16xf32> to vector<1x16xf32>
        tpu.vector_store %arg10[%swap3A_1131, %swap3A_1132], %swap3A_1135 {strides = array<i32>} : memref<128x128xf32, #tpu.memory_space<vmem>>, vector<1x16xf32>,
        %get3A_1136 = arith.index_cast %add3A_1115 : i32 to index
        %get3A_1137 = arith.constant 32 : index
        %get3A_1138 = tpu.vector_load %arg10[%get3A_1136, %get3A_1137] {strides = array<i32>} : memref<128x128xf32, #tpu.memory_space<vmem>>, vector<1x16xf32>,
        %get3A_1139 = vector.shape_cast %get3A_1138 : vector<1x16xf32> to vector<16xf32>
        %mul3A_1140 = arith.mulf %get3A_1139, %gather3A_1111 : vector<16xf32>
        %swap3A_1141 = arith.index_cast %add3A_1115 : i32 to index
        %swap3A_1142 = arith.constant 32 : index
        %swap3A_1143 = tpu.vector_load %arg10[%swap3A_1141, %swap3A_1142] {strides = array<i32>} : memref<128x128xf32, #tpu.memory_space<vmem>>, vector<1x16xf32>,
        %swap3A_1144 = vector.shape_cast %swap3A_1143 : vector<1x16xf32> to vector<16xf32>
        %swap3A_1145 = vector.shape_cast %mul3A_1140 : vector<16xf32> to vector<1x16xf32>
        tpu.vector_store %arg10[%swap3A_1141, %swap3A_1142], %swap3A_1145 {strides = array<i32>} : memref<128x128xf32, #tpu.memory_space<vmem>>, vector<1x16xf32>,
        %get3A_1146 = arith.index_cast %add3A_1115 : i32 to index
        %get3A_1147 = arith.constant 48 : index
        %get3A_1148 = tpu.vector_load %arg10[%get3A_1146, %get3A_1147] {strides = array<i32>} : memref<128x128xf32, #tpu.memory_space<vmem>>, vector<1x16xf32>,
        %get3A_1149 = vector.shape_cast %get3A_1148 : vector<1x16xf32> to vector<16xf32>
        %mul3A_1150 = arith.mulf %get3A_1149, %gather3A_1111 : vector<16xf32>
        %swap3A_1151 = arith.index_cast %add3A_1115 : i32 to index
        %swap3A_1152 = arith.constant 48 : index
        %swap3A_1153 = tpu.vector_load %arg10[%swap3A_1151, %swap3A_1152] {strides = array<i32>} : memref<128x128xf32, #tpu.memory_space<vmem>>, vector<1x16xf32>,
        %swap3A_1154 = vector.shape_cast %swap3A_1153 : vector<1x16xf32> to vector<16xf32>
        %swap3A_1155 = vector.shape_cast %mul3A_1150 : vector<16xf32> to vector<1x16xf32>
        tpu.vector_store %arg10[%swap3A_1151, %swap3A_1152], %swap3A_1155 {strides = array<i32>} : memref<128x128xf32, #tpu.memory_space<vmem>>, vector<1x16xf32>,
        %get3A_1156 = arith.index_cast %add3A_1115 : i32 to index
        %get3A_1157 = arith.constant 64 : index
        %get3A_1158 = tpu.vector_load %arg10[%get3A_1156, %get3A_1157] {strides = array<i32>} : memref<128x128xf32, #tpu.memory_space<vmem>>, vector<1x16xf32>,
        %get3A_1159 = vector.shape_cast %get3A_1158 : vector<1x16xf32> to vector<16xf32>
        %mul3A_1160 = arith.mulf %get3A_1159, %gather3A_1111 : vector<16xf32>
        %swap3A_1161 = arith.index_cast %add3A_1115 : i32 to index
        %swap3A_1162 = arith.constant 64 : index
        %swap3A_1163 = tpu.vector_load %arg10[%swap3A_1161, %swap3A_1162] {strides = array<i32>} : memref<128x128xf32, #tpu.memory_space<vmem>>, vector<1x16xf32>,
        %swap3A_1164 = vector.shape_cast %swap3A_1163 : vector<1x16xf32> to vector<16xf32>
        %swap3A_1165 = vector.shape_cast %mul3A_1160 : vector<16xf32> to vector<1x16xf32>
        tpu.vector_store %arg10[%swap3A_1161, %swap3A_1162], %swap3A_1165 {strides = array<i32>} : memref<128x128xf32, #tpu.memory_space<vmem>>, vector<1x16xf32>,
        %get3A_1166 = arith.index_cast %add3A_1115 : i32 to index
        %get3A_1167 = arith.constant 80 : index
        %get3A_1168 = tpu.vector_load %arg10[%get3A_1166, %get3A_1167] {strides = array<i32>} : memref<128x128xf32, #tpu.memory_space<vmem>>, vector<1x16xf32>,
        %get3A_1169 = vector.shape_cast %get3A_1168 : vector<1x16xf32> to vector<16xf32>
        %mul3A_1170 = arith.mulf %get3A_1169, %gather3A_1111 : vector<16xf32>
        %swap3A_1171 = arith.index_cast %add3A_1115 : i32 to index
        %swap3A_1172 = arith.constant 80 : index
        %swap3A_1173 = tpu.vector_load %arg10[%swap3A_1171, %swap3A_1172] {strides = array<i32>} : memref<128x128xf32, #tpu.memory_space<vmem>>, vector<1x16xf32>,
        %swap3A_1174 = vector.shape_cast %swap3A_1173 : vector<1x16xf32> to vector<16xf32>
        %swap3A_1175 = vector.shape_cast %mul3A_1170 : vector<16xf32> to vector<1x16xf32>
        tpu.vector_store %arg10[%swap3A_1171, %swap3A_1172], %swap3A_1175 {strides = array<i32>} : memref<128x128xf32, #tpu.memory_space<vmem>>, vector<1x16xf32>,
        %get3A_1176 = arith.index_cast %add3A_1115 : i32 to index
        %get3A_1177 = arith.constant 96 : index
        %get3A_1178 = tpu.vector_load %arg10[%get3A_1176, %get3A_1177] {strides = array<i32>} : memref<128x128xf32, #tpu.memory_space<vmem>>, vector<1x16xf32>,
        %get3A_1179 = vector.shape_cast %get3A_1178 : vector<1x16xf32> to vector<16xf32>
        %mul3A_1180 = arith.mulf %get3A_1179, %gather3A_1111 : vector<16xf32>
        %swap3A_1181 = arith.index_cast %add3A_1115 : i32 to index
        %swap3A_1182 = arith.constant 96 : index
        %swap3A_1183 = tpu.vector_load %arg10[%swap3A_1181, %swap3A_1182] {strides = array<i32>} : memref<128x128xf32, #tpu.memory_space<vmem>>, vector<1x16xf32>,
        %swap3A_1184 = vector.shape_cast %swap3A_1183 : vector<1x16xf32> to vector<16xf32>
        %swap3A_1185 = vector.shape_cast %mul3A_1180 : vector<16xf32> to vector<1x16xf32>
        tpu.vector_store %arg10[%swap3A_1181, %swap3A_1182], %swap3A_1185 {strides = array<i32>} : memref<128x128xf32, #tpu.memory_space<vmem>>, vector<1x16xf32>,
        %get3A_1186 = arith.index_cast %add3A_1115 : i32 to index
        %get3A_1187 = arith.constant 112 : index
        %get3A_1188 = tpu.vector_load %arg10[%get3A_1186, %get3A_1187] {strides = array<i32>} : memref<128x128xf32, #tpu.memory_space<vmem>>, vector<1x16xf32>,
        %get3A_1189 = vector.shape_cast %get3A_1188 : vector<1x16xf32> to vector<16xf32>
        %mul3A_1190 = arith.mulf %get3A_1189, %gather3A_1111 : vector<16xf32>
        %swap3A_1191 = arith.index_cast %add3A_1115 : i32 to index
        %swap3A_1192 = arith.constant 112 : index
        %swap3A_1193 = tpu.vector_load %arg10[%swap3A_1191, %swap3A_1192] {strides = array<i32>} : memref<128x128xf32, #tpu.memory_space<vmem>>, vector<1x16xf32>,
        %swap3A_1194 = vector.shape_cast %swap3A_1193 : vector<1x16xf32> to vector<16xf32>
        %swap3A_1195 = vector.shape_cast %mul3A_1190 : vector<16xf32> to vector<1x16xf32>
        tpu.vector_store %arg10[%swap3A_1191, %swap3A_1192], %swap3A_1195 {strides = array<i32>} : memref<128x128xf32, #tpu.memory_space<vmem>>, vector<1x16xf32>,
        %broadcast_in_dim3A_1196 = arith.constant 13 : i32
        %broadcast_in_dim3A_1197 = vector.broadcast %broadcast_in_dim3A_1196 : i32 to vector<16x1xi32>
        %gather3A_1198 = vector.shape_cast %broadcast_in_dim3A_1197 : vector<16x1xi32> to vector<16xi32>
        %gather3A_1199 = tpu.dynamic_gather %get3A_54[%gather3A_1198] in [0] : vector<16xf32>, vector<16xi32> -> vector<16xf32>
        %mul3A_1200 = arith.constant 16 : i32
        %mul3A_1201 = arith.muli %scan3A_49, %mul3A_1200 : i32
        %add3A_1202 = arith.constant 13 : i32
        %add3A_1203 = arith.addi %mul3A_1201, %add3A_1202 : i32
        %get3A_1204 = arith.index_cast %add3A_1203 : i32 to index
        %get3A_1205 = arith.constant 0 : index
        %get3A_1206 = tpu.vector_load %arg10[%get3A_1204, %get3A_1205] {strides = array<i32>} : memref<128x128xf32, #tpu.memory_space<vmem>>, vector<1x16xf32>,
        %get3A_1207 = vector.shape_cast %get3A_1206 : vector<1x16xf32> to vector<16xf32>
        %mul3A_1208 = arith.mulf %get3A_1207, %gather3A_1199 : vector<16xf32>
        %swap3A_1209 = arith.index_cast %add3A_1203 : i32 to index
        %swap3A_1210 = arith.constant 0 : index
        %swap3A_1211 = tpu.vector_load %arg10[%swap3A_1209, %swap3A_1210] {strides = array<i32>} : memref<128x128xf32, #tpu.memory_space<vmem>>, vector<1x16xf32>,
        %swap3A_1212 = vector.shape_cast %swap3A_1211 : vector<1x16xf32> to vector<16xf32>
        %swap3A_1213 = vector.shape_cast %mul3A_1208 : vector<16xf32> to vector<1x16xf32>
        tpu.vector_store %arg10[%swap3A_1209, %swap3A_1210], %swap3A_1213 {strides = array<i32>} : memref<128x128xf32, #tpu.memory_space<vmem>>, vector<1x16xf32>,
        %get3A_1214 = arith.index_cast %add3A_1203 : i32 to index
        %get3A_1215 = arith.constant 16 : index
        %get3A_1216 = tpu.vector_load %arg10[%get3A_1214, %get3A_1215] {strides = array<i32>} : memref<128x128xf32, #tpu.memory_space<vmem>>, vector<1x16xf32>,
        %get3A_1217 = vector.shape_cast %get3A_1216 : vector<1x16xf32> to vector<16xf32>
        %mul3A_1218 = arith.mulf %get3A_1217, %gather3A_1199 : vector<16xf32>
        %swap3A_1219 = arith.index_cast %add3A_1203 : i32 to index
        %swap3A_1220 = arith.constant 16 : index
        %swap3A_1221 = tpu.vector_load %arg10[%swap3A_1219, %swap3A_1220] {strides = array<i32>} : memref<128x128xf32, #tpu.memory_space<vmem>>, vector<1x16xf32>,
        %swap3A_1222 = vector.shape_cast %swap3A_1221 : vector<1x16xf32> to vector<16xf32>
        %swap3A_1223 = vector.shape_cast %mul3A_1218 : vector<16xf32> to vector<1x16xf32>
        tpu.vector_store %arg10[%swap3A_1219, %swap3A_1220], %swap3A_1223 {strides = array<i32>} : memref<128x128xf32, #tpu.memory_space<vmem>>, vector<1x16xf32>,
        %get3A_1224 = arith.index_cast %add3A_1203 : i32 to index
        %get3A_1225 = arith.constant 32 : index
        %get3A_1226 = tpu.vector_load %arg10[%get3A_1224, %get3A_1225] {strides = array<i32>} : memref<128x128xf32, #tpu.memory_space<vmem>>, vector<1x16xf32>,
        %get3A_1227 = vector.shape_cast %get3A_1226 : vector<1x16xf32> to vector<16xf32>
        %mul3A_1228 = arith.mulf %get3A_1227, %gather3A_1199 : vector<16xf32>
        %swap3A_1229 = arith.index_cast %add3A_1203 : i32 to index
        %swap3A_1230 = arith.constant 32 : index
        %swap3A_1231 = tpu.vector_load %arg10[%swap3A_1229, %swap3A_1230] {strides = array<i32>} : memref<128x128xf32, #tpu.memory_space<vmem>>, vector<1x16xf32>,
        %swap3A_1232 = vector.shape_cast %swap3A_1231 : vector<1x16xf32> to vector<16xf32>
        %swap3A_1233 = vector.shape_cast %mul3A_1228 : vector<16xf32> to vector<1x16xf32>
        tpu.vector_store %arg10[%swap3A_1229, %swap3A_1230], %swap3A_1233 {strides = array<i32>} : memref<128x128xf32, #tpu.memory_space<vmem>>, vector<1x16xf32>,
        %get3A_1234 = arith.index_cast %add3A_1203 : i32 to index
        %get3A_1235 = arith.constant 48 : index
        %get3A_1236 = tpu.vector_load %arg10[%get3A_1234, %get3A_1235] {strides = array<i32>} : memref<128x128xf32, #tpu.memory_space<vmem>>, vector<1x16xf32>,
        %get3A_1237 = vector.shape_cast %get3A_1236 : vector<1x16xf32> to vector<16xf32>
        %mul3A_1238 = arith.mulf %get3A_1237, %gather3A_1199 : vector<16xf32>
        %swap3A_1239 = arith.index_cast %add3A_1203 : i32 to index
        %swap3A_1240 = arith.constant 48 : index
        %swap3A_1241 = tpu.vector_load %arg10[%swap3A_1239, %swap3A_1240] {strides = array<i32>} : memref<128x128xf32, #tpu.memory_space<vmem>>, vector<1x16xf32>,
        %swap3A_1242 = vector.shape_cast %swap3A_1241 : vector<1x16xf32> to vector<16xf32>
        %swap3A_1243 = vector.shape_cast %mul3A_1238 : vector<16xf32> to vector<1x16xf32>
        tpu.vector_store %arg10[%swap3A_1239, %swap3A_1240], %swap3A_1243 {strides = array<i32>} : memref<128x128xf32, #tpu.memory_space<vmem>>, vector<1x16xf32>,
        %get3A_1244 = arith.index_cast %add3A_1203 : i32 to index
        %get3A_1245 = arith.constant 64 : index
        %get3A_1246 = tpu.vector_load %arg10[%get3A_1244, %get3A_1245] {strides = array<i32>} : memref<128x128xf32, #tpu.memory_space<vmem>>, vector<1x16xf32>,
        %get3A_1247 = vector.shape_cast %get3A_1246 : vector<1x16xf32> to vector<16xf32>
        %mul3A_1248 = arith.mulf %get3A_1247, %gather3A_1199 : vector<16xf32>
        %swap3A_1249 = arith.index_cast %add3A_1203 : i32 to index
        %swap3A_1250 = arith.constant 64 : index
        %swap3A_1251 = tpu.vector_load %arg10[%swap3A_1249, %swap3A_1250] {strides = array<i32>} : memref<128x128xf32, #tpu.memory_space<vmem>>, vector<1x16xf32>,
        %swap3A_1252 = vector.shape_cast %swap3A_1251 : vector<1x16xf32> to vector<16xf32>
        %swap3A_1253 = vector.shape_cast %mul3A_1248 : vector<16xf32> to vector<1x16xf32>
        tpu.vector_store %arg10[%swap3A_1249, %swap3A_1250], %swap3A_1253 {strides = array<i32>} : memref<128x128xf32, #tpu.memory_space<vmem>>, vector<1x16xf32>,
        %get3A_1254 = arith.index_cast %add3A_1203 : i32 to index
        %get3A_1255 = arith.constant 80 : index
        %get3A_1256 = tpu.vector_load %arg10[%get3A_1254, %get3A_1255] {strides = array<i32>} : memref<128x128xf32, #tpu.memory_space<vmem>>, vector<1x16xf32>,
        %get3A_1257 = vector.shape_cast %get3A_1256 : vector<1x16xf32> to vector<16xf32>
        %mul3A_1258 = arith.mulf %get3A_1257, %gather3A_1199 : vector<16xf32>
        %swap3A_1259 = arith.index_cast %add3A_1203 : i32 to index
        %swap3A_1260 = arith.constant 80 : index
        %swap3A_1261 = tpu.vector_load %arg10[%swap3A_1259, %swap3A_1260] {strides = array<i32>} : memref<128x128xf32, #tpu.memory_space<vmem>>, vector<1x16xf32>,
        %swap3A_1262 = vector.shape_cast %swap3A_1261 : vector<1x16xf32> to vector<16xf32>
        %swap3A_1263 = vector.shape_cast %mul3A_1258 : vector<16xf32> to vector<1x16xf32>
        tpu.vector_store %arg10[%swap3A_1259, %swap3A_1260], %swap3A_1263 {strides = array<i32>} : memref<128x128xf32, #tpu.memory_space<vmem>>, vector<1x16xf32>,
        %get3A_1264 = arith.index_cast %add3A_1203 : i32 to index
        %get3A_1265 = arith.constant 96 : index
        %get3A_1266 = tpu.vector_load %arg10[%get3A_1264, %get3A_1265] {strides = array<i32>} : memref<128x128xf32, #tpu.memory_space<vmem>>, vector<1x16xf32>,
        %get3A_1267 = vector.shape_cast %get3A_1266 : vector<1x16xf32> to vector<16xf32>
        %mul3A_1268 = arith.mulf %get3A_1267, %gather3A_1199 : vector<16xf32>
        %swap3A_1269 = arith.index_cast %add3A_1203 : i32 to index
        %swap3A_1270 = arith.constant 96 : index
        %swap3A_1271 = tpu.vector_load %arg10[%swap3A_1269, %swap3A_1270] {strides = array<i32>} : memref<128x128xf32, #tpu.memory_space<vmem>>, vector<1x16xf32>,
        %swap3A_1272 = vector.shape_cast %swap3A_1271 : vector<1x16xf32> to vector<16xf32>
        %swap3A_1273 = vector.shape_cast %mul3A_1268 : vector<16xf32> to vector<1x16xf32>
        tpu.vector_store %arg10[%swap3A_1269, %swap3A_1270], %swap3A_1273 {strides = array<i32>} : memref<128x128xf32, #tpu.memory_space<vmem>>, vector<1x16xf32>,
        %get3A_1274 = arith.index_cast %add3A_1203 : i32 to index
        %get3A_1275 = arith.constant 112 : index
        %get3A_1276 = tpu.vector_load %arg10[%get3A_1274, %get3A_1275] {strides = array<i32>} : memref<128x128xf32, #tpu.memory_space<vmem>>, vector<1x16xf32>,
        %get3A_1277 = vector.shape_cast %get3A_1276 : vector<1x16xf32> to vector<16xf32>
        %mul3A_1278 = arith.mulf %get3A_1277, %gather3A_1199 : vector<16xf32>
        %swap3A_1279 = arith.index_cast %add3A_1203 : i32 to index
        %swap3A_1280 = arith.constant 112 : index
        %swap3A_1281 = tpu.vector_load %arg10[%swap3A_1279, %swap3A_1280] {strides = array<i32>} : memref<128x128xf32, #tpu.memory_space<vmem>>, vector<1x16xf32>,
        %swap3A_1282 = vector.shape_cast %swap3A_1281 : vector<1x16xf32> to vector<16xf32>
        %swap3A_1283 = vector.shape_cast %mul3A_1278 : vector<16xf32> to vector<1x16xf32>
        tpu.vector_store %arg10[%swap3A_1279, %swap3A_1280], %swap3A_1283 {strides = array<i32>} : memref<128x128xf32, #tpu.memory_space<vmem>>, vector<1x16xf32>,
        %broadcast_in_dim3A_1284 = arith.constant 14 : i32
        %broadcast_in_dim3A_1285 = vector.broadcast %broadcast_in_dim3A_1284 : i32 to vector<16x1xi32>
        %gather3A_1286 = vector.shape_cast %broadcast_in_dim3A_1285 : vector<16x1xi32> to vector<16xi32>
        %gather3A_1287 = tpu.dynamic_gather %get3A_54[%gather3A_1286] in [0] : vector<16xf32>, vector<16xi32> -> vector<16xf32>
        %mul3A_1288 = arith.constant 16 : i32
        %mul3A_1289 = arith.muli %scan3A_49, %mul3A_1288 : i32
        %add3A_1290 = arith.constant 14 : i32
        %add3A_1291 = arith.addi %mul3A_1289, %add3A_1290 : i32
        %get3A_1292 = arith.index_cast %add3A_1291 : i32 to index
        %get3A_1293 = arith.constant 0 : index
        %get3A_1294 = tpu.vector_load %arg10[%get3A_1292, %get3A_1293] {strides = array<i32>} : memref<128x128xf32, #tpu.memory_space<vmem>>, vector<1x16xf32>,
        %get3A_1295 = vector.shape_cast %get3A_1294 : vector<1x16xf32> to vector<16xf32>
        %mul3A_1296 = arith.mulf %get3A_1295, %gather3A_1287 : vector<16xf32>
        %swap3A_1297 = arith.index_cast %add3A_1291 : i32 to index
        %swap3A_1298 = arith.constant 0 : index
        %swap3A_1299 = tpu.vector_load %arg10[%swap3A_1297, %swap3A_1298] {strides = array<i32>} : memref<128x128xf32, #tpu.memory_space<vmem>>, vector<1x16xf32>,
        %swap3A_1300 = vector.shape_cast %swap3A_1299 : vector<1x16xf32> to vector<16xf32>
        %swap3A_1301 = vector.shape_cast %mul3A_1296 : vector<16xf32> to vector<1x16xf32>
        tpu.vector_store %arg10[%swap3A_1297, %swap3A_1298], %swap3A_1301 {strides = array<i32>} : memref<128x128xf32, #tpu.memory_space<vmem>>, vector<1x16xf32>,
        %get3A_1302 = arith.index_cast %add3A_1291 : i32 to index
        %get3A_1303 = arith.constant 16 : index
        %get3A_1304 = tpu.vector_load %arg10[%get3A_1302, %get3A_1303] {strides = array<i32>} : memref<128x128xf32, #tpu.memory_space<vmem>>, vector<1x16xf32>,
        %get3A_1305 = vector.shape_cast %get3A_1304 : vector<1x16xf32> to vector<16xf32>
        %mul3A_1306 = arith.mulf %get3A_1305, %gather3A_1287 : vector<16xf32>
        %swap3A_1307 = arith.index_cast %add3A_1291 : i32 to index
        %swap3A_1308 = arith.constant 16 : index
        %swap3A_1309 = tpu.vector_load %arg10[%swap3A_1307, %swap3A_1308] {strides = array<i32>} : memref<128x128xf32, #tpu.memory_space<vmem>>, vector<1x16xf32>,
        %swap3A_1310 = vector.shape_cast %swap3A_1309 : vector<1x16xf32> to vector<16xf32>
        %swap3A_1311 = vector.shape_cast %mul3A_1306 : vector<16xf32> to vector<1x16xf32>
        tpu.vector_store %arg10[%swap3A_1307, %swap3A_1308], %swap3A_1311 {strides = array<i32>} : memref<128x128xf32, #tpu.memory_space<vmem>>, vector<1x16xf32>,
        %get3A_1312 = arith.index_cast %add3A_1291 : i32 to index
        %get3A_1313 = arith.constant 32 : index
        %get3A_1314 = tpu.vector_load %arg10[%get3A_1312, %get3A_1313] {strides = array<i32>} : memref<128x128xf32, #tpu.memory_space<vmem>>, vector<1x16xf32>,
        %get3A_1315 = vector.shape_cast %get3A_1314 : vector<1x16xf32> to vector<16xf32>
        %mul3A_1316 = arith.mulf %get3A_1315, %gather3A_1287 : vector<16xf32>
        %swap3A_1317 = arith.index_cast %add3A_1291 : i32 to index
        %swap3A_1318 = arith.constant 32 : index
        %swap3A_1319 = tpu.vector_load %arg10[%swap3A_1317, %swap3A_1318] {strides = array<i32>} : memref<128x128xf32, #tpu.memory_space<vmem>>, vector<1x16xf32>,
        %swap3A_1320 = vector.shape_cast %swap3A_1319 : vector<1x16xf32> to vector<16xf32>
        %swap3A_1321 = vector.shape_cast %mul3A_1316 : vector<16xf32> to vector<1x16xf32>
        tpu.vector_store %arg10[%swap3A_1317, %swap3A_1318], %swap3A_1321 {strides = array<i32>} : memref<128x128xf32, #tpu.memory_space<vmem>>, vector<1x16xf32>,
        %get3A_1322 = arith.index_cast %add3A_1291 : i32 to index
        %get3A_1323 = arith.constant 48 : index
        %get3A_1324 = tpu.vector_load %arg10[%get3A_1322, %get3A_1323] {strides = array<i32>} : memref<128x128xf32, #tpu.memory_space<vmem>>, vector<1x16xf32>,
        %get3A_1325 = vector.shape_cast %get3A_1324 : vector<1x16xf32> to vector<16xf32>
        %mul3A_1326 = arith.mulf %get3A_1325, %gather3A_1287 : vector<16xf32>
        %swap3A_1327 = arith.index_cast %add3A_1291 : i32 to index
        %swap3A_1328 = arith.constant 48 : index
        %swap3A_1329 = tpu.vector_load %arg10[%swap3A_1327, %swap3A_1328] {strides = array<i32>} : memref<128x128xf32, #tpu.memory_space<vmem>>, vector<1x16xf32>,
        %swap3A_1330 = vector.shape_cast %swap3A_1329 : vector<1x16xf32> to vector<16xf32>
        %swap3A_1331 = vector.shape_cast %mul3A_1326 : vector<16xf32> to vector<1x16xf32>
        tpu.vector_store %arg10[%swap3A_1327, %swap3A_1328], %swap3A_1331 {strides = array<i32>} : memref<128x128xf32, #tpu.memory_space<vmem>>, vector<1x16xf32>,
        %get3A_1332 = arith.index_cast %add3A_1291 : i32 to index
        %get3A_1333 = arith.constant 64 : index
        %get3A_1334 = tpu.vector_load %arg10[%get3A_1332, %get3A_1333] {strides = array<i32>} : memref<128x128xf32, #tpu.memory_space<vmem>>, vector<1x16xf32>,
        %get3A_1335 = vector.shape_cast %get3A_1334 : vector<1x16xf32> to vector<16xf32>
        %mul3A_1336 = arith.mulf %get3A_1335, %gather3A_1287 : vector<16xf32>
        %swap3A_1337 = arith.index_cast %add3A_1291 : i32 to index
        %swap3A_1338 = arith.constant 64 : index
        %swap3A_1339 = tpu.vector_load %arg10[%swap3A_1337, %swap3A_1338] {strides = array<i32>} : memref<128x128xf32, #tpu.memory_space<vmem>>, vector<1x16xf32>,
        %swap3A_1340 = vector.shape_cast %swap3A_1339 : vector<1x16xf32> to vector<16xf32>
        %swap3A_1341 = vector.shape_cast %mul3A_1336 : vector<16xf32> to vector<1x16xf32>
        tpu.vector_store %arg10[%swap3A_1337, %swap3A_1338], %swap3A_1341 {strides = array<i32>} : memref<128x128xf32, #tpu.memory_space<vmem>>, vector<1x16xf32>,
        %get3A_1342 = arith.index_cast %add3A_1291 : i32 to index
        %get3A_1343 = arith.constant 80 : index
        %get3A_1344 = tpu.vector_load %arg10[%get3A_1342, %get3A_1343] {strides = array<i32>} : memref<128x128xf32, #tpu.memory_space<vmem>>, vector<1x16xf32>,
        %get3A_1345 = vector.shape_cast %get3A_1344 : vector<1x16xf32> to vector<16xf32>
        %mul3A_1346 = arith.mulf %get3A_1345, %gather3A_1287 : vector<16xf32>
        %swap3A_1347 = arith.index_cast %add3A_1291 : i32 to index
        %swap3A_1348 = arith.constant 80 : index
        %swap3A_1349 = tpu.vector_load %arg10[%swap3A_1347, %swap3A_1348] {strides = array<i32>} : memref<128x128xf32, #tpu.memory_space<vmem>>, vector<1x16xf32>,
        %swap3A_1350 = vector.shape_cast %swap3A_1349 : vector<1x16xf32> to vector<16xf32>
        %swap3A_1351 = vector.shape_cast %mul3A_1346 : vector<16xf32> to vector<1x16xf32>
        tpu.vector_store %arg10[%swap3A_1347, %swap3A_1348], %swap3A_1351 {strides = array<i32>} : memref<128x128xf32, #tpu.memory_space<vmem>>, vector<1x16xf32>,
        %get3A_1352 = arith.index_cast %add3A_1291 : i32 to index
        %get3A_1353 = arith.constant 96 : index
        %get3A_1354 = tpu.vector_load %arg10[%get3A_1352, %get3A_1353] {strides = array<i32>} : memref<128x128xf32, #tpu.memory_space<vmem>>, vector<1x16xf32>,
        %get3A_1355 = vector.shape_cast %get3A_1354 : vector<1x16xf32> to vector<16xf32>
        %mul3A_1356 = arith.mulf %get3A_1355, %gather3A_1287 : vector<16xf32>
        %swap3A_1357 = arith.index_cast %add3A_1291 : i32 to index
        %swap3A_1358 = arith.constant 96 : index
        %swap3A_1359 = tpu.vector_load %arg10[%swap3A_1357, %swap3A_1358] {strides = array<i32>} : memref<128x128xf32, #tpu.memory_space<vmem>>, vector<1x16xf32>,
        %swap3A_1360 = vector.shape_cast %swap3A_1359 : vector<1x16xf32> to vector<16xf32>
        %swap3A_1361 = vector.shape_cast %mul3A_1356 : vector<16xf32> to vector<1x16xf32>
        tpu.vector_store %arg10[%swap3A_1357, %swap3A_1358], %swap3A_1361 {strides = array<i32>} : memref<128x128xf32, #tpu.memory_space<vmem>>, vector<1x16xf32>,
        %get3A_1362 = arith.index_cast %add3A_1291 : i32 to index
        %get3A_1363 = arith.constant 112 : index
        %get3A_1364 = tpu.vector_load %arg10[%get3A_1362, %get3A_1363] {strides = array<i32>} : memref<128x128xf32, #tpu.memory_space<vmem>>, vector<1x16xf32>,
        %get3A_1365 = vector.shape_cast %get3A_1364 : vector<1x16xf32> to vector<16xf32>
        %mul3A_1366 = arith.mulf %get3A_1365, %gather3A_1287 : vector<16xf32>
        %swap3A_1367 = arith.index_cast %add3A_1291 : i32 to index
        %swap3A_1368 = arith.constant 112 : index
        %swap3A_1369 = tpu.vector_load %arg10[%swap3A_1367, %swap3A_1368] {strides = array<i32>} : memref<128x128xf32, #tpu.memory_space<vmem>>, vector<1x16xf32>,
        %swap3A_1370 = vector.shape_cast %swap3A_1369 : vector<1x16xf32> to vector<16xf32>
        %swap3A_1371 = vector.shape_cast %mul3A_1366 : vector<16xf32> to vector<1x16xf32>
        tpu.vector_store %arg10[%swap3A_1367, %swap3A_1368], %swap3A_1371 {strides = array<i32>} : memref<128x128xf32, #tpu.memory_space<vmem>>, vector<1x16xf32>,
        %broadcast_in_dim3A_1372 = arith.constant 15 : i32
        %broadcast_in_dim3A_1373 = vector.broadcast %broadcast_in_dim3A_1372 : i32 to vector<16x1xi32>
        %gather3A_1374 = vector.shape_cast %broadcast_in_dim3A_1373 : vector<16x1xi32> to vector<16xi32>
        %gather3A_1375 = tpu.dynamic_gather %get3A_54[%gather3A_1374] in [0] : vector<16xf32>, vector<16xi32> -> vector<16xf32>
        %mul3A_1376 = arith.constant 16 : i32
        %mul3A_1377 = arith.muli %scan3A_49, %mul3A_1376 : i32
        %add3A_1378 = arith.constant 15 : i32
        %add3A_1379 = arith.addi %mul3A_1377, %add3A_1378 : i32
        %get3A_1380 = arith.index_cast %add3A_1379 : i32 to index
        %get3A_1381 = arith.constant 0 : index
        %get3A_1382 = tpu.vector_load %arg10[%get3A_1380, %get3A_1381] {strides = array<i32>} : memref<128x128xf32, #tpu.memory_space<vmem>>, vector<1x16xf32>,
        %get3A_1383 = vector.shape_cast %get3A_1382 : vector<1x16xf32> to vector<16xf32>
        %mul3A_1384 = arith.mulf %get3A_1383, %gather3A_1375 : vector<16xf32>
        %swap3A_1385 = arith.index_cast %add3A_1379 : i32 to index
        %swap3A_1386 = arith.constant 0 : index
        %swap3A_1387 = tpu.vector_load %arg10[%swap3A_1385, %swap3A_1386] {strides = array<i32>} : memref<128x128xf32, #tpu.memory_space<vmem>>, vector<1x16xf32>,
        %swap3A_1388 = vector.shape_cast %swap3A_1387 : vector<1x16xf32> to vector<16xf32>
        %swap3A_1389 = vector.shape_cast %mul3A_1384 : vector<16xf32> to vector<1x16xf32>
        tpu.vector_store %arg10[%swap3A_1385, %swap3A_1386], %swap3A_1389 {strides = array<i32>} : memref<128x128xf32, #tpu.memory_space<vmem>>, vector<1x16xf32>,
        %get3A_1390 = arith.index_cast %add3A_1379 : i32 to index
        %get3A_1391 = arith.constant 16 : index
        %get3A_1392 = tpu.vector_load %arg10[%get3A_1390, %get3A_1391] {strides = array<i32>} : memref<128x128xf32, #tpu.memory_space<vmem>>, vector<1x16xf32>,
        %get3A_1393 = vector.shape_cast %get3A_1392 : vector<1x16xf32> to vector<16xf32>
        %mul3A_1394 = arith.mulf %get3A_1393, %gather3A_1375 : vector<16xf32>
        %swap3A_1395 = arith.index_cast %add3A_1379 : i32 to index
        %swap3A_1396 = arith.constant 16 : index
        %swap3A_1397 = tpu.vector_load %arg10[%swap3A_1395, %swap3A_1396] {strides = array<i32>} : memref<128x128xf32, #tpu.memory_space<vmem>>, vector<1x16xf32>,
        %swap3A_1398 = vector.shape_cast %swap3A_1397 : vector<1x16xf32> to vector<16xf32>
        %swap3A_1399 = vector.shape_cast %mul3A_1394 : vector<16xf32> to vector<1x16xf32>
        tpu.vector_store %arg10[%swap3A_1395, %swap3A_1396], %swap3A_1399 {strides = array<i32>} : memref<128x128xf32, #tpu.memory_space<vmem>>, vector<1x16xf32>,
        %get3A_1400 = arith.index_cast %add3A_1379 : i32 to index
        %get3A_1401 = arith.constant 32 : index
        %get3A_1402 = tpu.vector_load %arg10[%get3A_1400, %get3A_1401] {strides = array<i32>} : memref<128x128xf32, #tpu.memory_space<vmem>>, vector<1x16xf32>,
        %get3A_1403 = vector.shape_cast %get3A_1402 : vector<1x16xf32> to vector<16xf32>
        %mul3A_1404 = arith.mulf %get3A_1403, %gather3A_1375 : vector<16xf32>
        %swap3A_1405 = arith.index_cast %add3A_1379 : i32 to index
        %swap3A_1406 = arith.constant 32 : index
        %swap3A_1407 = tpu.vector_load %arg10[%swap3A_1405, %swap3A_1406] {strides = array<i32>} : memref<128x128xf32, #tpu.memory_space<vmem>>, vector<1x16xf32>,
        %swap3A_1408 = vector.shape_cast %swap3A_1407 : vector<1x16xf32> to vector<16xf32>
        %swap3A_1409 = vector.shape_cast %mul3A_1404 : vector<16xf32> to vector<1x16xf32>
        tpu.vector_store %arg10[%swap3A_1405, %swap3A_1406], %swap3A_1409 {strides = array<i32>} : memref<128x128xf32, #tpu.memory_space<vmem>>, vector<1x16xf32>,
        %get3A_1410 = arith.index_cast %add3A_1379 : i32 to index
        %get3A_1411 = arith.constant 48 : index
        %get3A_1412 = tpu.vector_load %arg10[%get3A_1410, %get3A_1411] {strides = array<i32>} : memref<128x128xf32, #tpu.memory_space<vmem>>, vector<1x16xf32>,
        %get3A_1413 = vector.shape_cast %get3A_1412 : vector<1x16xf32> to vector<16xf32>
        %mul3A_1414 = arith.mulf %get3A_1413, %gather3A_1375 : vector<16xf32>
        %swap3A_1415 = arith.index_cast %add3A_1379 : i32 to index
        %swap3A_1416 = arith.constant 48 : index
        %swap3A_1417 = tpu.vector_load %arg10[%swap3A_1415, %swap3A_1416] {strides = array<i32>} : memref<128x128xf32, #tpu.memory_space<vmem>>, vector<1x16xf32>,
        %swap3A_1418 = vector.shape_cast %swap3A_1417 : vector<1x16xf32> to vector<16xf32>
        %swap3A_1419 = vector.shape_cast %mul3A_1414 : vector<16xf32> to vector<1x16xf32>
        tpu.vector_store %arg10[%swap3A_1415, %swap3A_1416], %swap3A_1419 {strides = array<i32>} : memref<128x128xf32, #tpu.memory_space<vmem>>, vector<1x16xf32>,
        %get3A_1420 = arith.index_cast %add3A_1379 : i32 to index
        %get3A_1421 = arith.constant 64 : index
        %get3A_1422 = tpu.vector_load %arg10[%get3A_1420, %get3A_1421] {strides = array<i32>} : memref<128x128xf32, #tpu.memory_space<vmem>>, vector<1x16xf32>,
        %get3A_1423 = vector.shape_cast %get3A_1422 : vector<1x16xf32> to vector<16xf32>
        %mul3A_1424 = arith.mulf %get3A_1423, %gather3A_1375 : vector<16xf32>
        %swap3A_1425 = arith.index_cast %add3A_1379 : i32 to index
        %swap3A_1426 = arith.constant 64 : index
        %swap3A_1427 = tpu.vector_load %arg10[%swap3A_1425, %swap3A_1426] {strides = array<i32>} : memref<128x128xf32, #tpu.memory_space<vmem>>, vector<1x16xf32>,
        %swap3A_1428 = vector.shape_cast %swap3A_1427 : vector<1x16xf32> to vector<16xf32>
        %swap3A_1429 = vector.shape_cast %mul3A_1424 : vector<16xf32> to vector<1x16xf32>
        tpu.vector_store %arg10[%swap3A_1425, %swap3A_1426], %swap3A_1429 {strides = array<i32>} : memref<128x128xf32, #tpu.memory_space<vmem>>, vector<1x16xf32>,
        %get3A_1430 = arith.index_cast %add3A_1379 : i32 to index
        %get3A_1431 = arith.constant 80 : index
        %get3A_1432 = tpu.vector_load %arg10[%get3A_1430, %get3A_1431] {strides = array<i32>} : memref<128x128xf32, #tpu.memory_space<vmem>>, vector<1x16xf32>,
        %get3A_1433 = vector.shape_cast %get3A_1432 : vector<1x16xf32> to vector<16xf32>
        %mul3A_1434 = arith.mulf %get3A_1433, %gather3A_1375 : vector<16xf32>
        %swap3A_1435 = arith.index_cast %add3A_1379 : i32 to index
        %swap3A_1436 = arith.constant 80 : index
        %swap3A_1437 = tpu.vector_load %arg10[%swap3A_1435, %swap3A_1436] {strides = array<i32>} : memref<128x128xf32, #tpu.memory_space<vmem>>, vector<1x16xf32>,
        %swap3A_1438 = vector.shape_cast %swap3A_1437 : vector<1x16xf32> to vector<16xf32>
        %swap3A_1439 = vector.shape_cast %mul3A_1434 : vector<16xf32> to vector<1x16xf32>
        tpu.vector_store %arg10[%swap3A_1435, %swap3A_1436], %swap3A_1439 {strides = array<i32>} : memref<128x128xf32, #tpu.memory_space<vmem>>, vector<1x16xf32>,
        %get3A_1440 = arith.index_cast %add3A_1379 : i32 to index
        %get3A_1441 = arith.constant 96 : index
        %get3A_1442 = tpu.vector_load %arg10[%get3A_1440, %get3A_1441] {strides = array<i32>} : memref<128x128xf32, #tpu.memory_space<vmem>>, vector<1x16xf32>,
        %get3A_1443 = vector.shape_cast %get3A_1442 : vector<1x16xf32> to vector<16xf32>
        %mul3A_1444 = arith.mulf %get3A_1443, %gather3A_1375 : vector<16xf32>
        %swap3A_1445 = arith.index_cast %add3A_1379 : i32 to index
        %swap3A_1446 = arith.constant 96 : index
        %swap3A_1447 = tpu.vector_load %arg10[%swap3A_1445, %swap3A_1446] {strides = array<i32>} : memref<128x128xf32, #tpu.memory_space<vmem>>, vector<1x16xf32>,
        %swap3A_1448 = vector.shape_cast %swap3A_1447 : vector<1x16xf32> to vector<16xf32>
        %swap3A_1449 = vector.shape_cast %mul3A_1444 : vector<16xf32> to vector<1x16xf32>
        tpu.vector_store %arg10[%swap3A_1445, %swap3A_1446], %swap3A_1449 {strides = array<i32>} : memref<128x128xf32, #tpu.memory_space<vmem>>, vector<1x16xf32>,
        %get3A_1450 = arith.index_cast %add3A_1379 : i32 to index
        %get3A_1451 = arith.constant 112 : index
        %get3A_1452 = tpu.vector_load %arg10[%get3A_1450, %get3A_1451] {strides = array<i32>} : memref<128x128xf32, #tpu.memory_space<vmem>>, vector<1x16xf32>,
        %get3A_1453 = vector.shape_cast %get3A_1452 : vector<1x16xf32> to vector<16xf32>
        %mul3A_1454 = arith.mulf %get3A_1453, %gather3A_1375 : vector<16xf32>
        %swap3A_1455 = arith.index_cast %add3A_1379 : i32 to index
        %swap3A_1456 = arith.constant 112 : index
        %swap3A_1457 = tpu.vector_load %arg10[%swap3A_1455, %swap3A_1456] {strides = array<i32>} : memref<128x128xf32, #tpu.memory_space<vmem>>, vector<1x16xf32>,
        %swap3A_1458 = vector.shape_cast %swap3A_1457 : vector<1x16xf32> to vector<16xf32>
        %swap3A_1459 = vector.shape_cast %mul3A_1454 : vector<16xf32> to vector<1x16xf32>
        tpu.vector_store %arg10[%swap3A_1455, %swap3A_1456], %swap3A_1459 {strides = array<i32>} : memref<128x128xf32, #tpu.memory_space<vmem>>, vector<1x16xf32>,
      }
      %scan3A_48 = arith.constant 8 : i32
      "tpu.region"() ({
        %run_scoped3A = tpu.sem_alloc : memref<!tpu.dma_semaphore, #tpu.memory_space<semaphore_mem>>
        %dma_start3A_49 = arith.constant 0 : i32
        %dma_start3A_50 = tpu.memref_slice %arg8[%scan3A_33, %dma_start3A_49] : memref<79x128xi32, #tpu.memory_space<vmem>> -> memref<1x128xi32, #tpu.memory_space<vmem>>
        %dma_start3A_51 = tpu.memref_squeeze %dma_start3A_50 : memref<1x128xi32, #tpu.memory_space<vmem>> -> memref<128xi32, #tpu.memory_space<vmem>>
        %dma_start3A_52 = arith.constant 0 : i32
        %dma_start3A_53 = arith.constant 0 : i32
        %dma_start3A_54 = tpu.memref_slice %arg11[%dma_start3A_52, %dma_start3A_53] : memref<10112x128xf32, #tpu.memory_space<vmem_shared>> -> memref<10112x128xf32, #tpu.memory_space<vmem_shared>>
        tpu.enqueue_indirect_dma source(%arg10 : memref<128x128xf32, #tpu.memory_space<vmem>>) target(%dma_start3A_54 : memref<10112x128xf32, #tpu.memory_space<vmem_shared>>) offsets(%dma_start3A_51 : memref<128xi32, #tpu.memory_space<vmem>>) semaphore(%run_scoped3A : memref<!tpu.dma_semaphore, #tpu.memory_space<semaphore_mem>>) {add = true}
        %dma_wait3A_55 = arith.constant 0 : i32
        %dma_wait3A_56 = tpu.memref_slice %arg8[%scan3A_33, %dma_wait3A_55] : memref<79x128xi32, #tpu.memory_space<vmem>> -> memref<1x128xi32, #tpu.memory_space<vmem>>
        %dma_wait3A_57 = tpu.memref_squeeze %dma_wait3A_56 : memref<1x128xi32, #tpu.memory_space<vmem>> -> memref<128xi32, #tpu.memory_space<vmem>>
        %dma_wait3A_58 = arith.constant 0 : i32
        %dma_wait3A_59 = arith.constant 0 : i32
        %dma_wait3A_60 = tpu.memref_slice %arg11[%dma_wait3A_58, %dma_wait3A_59] : memref<10112x128xf32, #tpu.memory_space<vmem_shared>> -> memref<10112x128xf32, #tpu.memory_space<vmem_shared>>
        tpu.wait_indirect_dma semaphore(%run_scoped3A : memref<!tpu.dma_semaphore, #tpu.memory_space<semaphore_mem>>) src(%arg10 : memref<128x128xf32, #tpu.memory_space<vmem>>) dst(%dma_wait3A_60 : memref<10112x128xf32, #tpu.memory_space<vmem_shared>>)
        tpu.yield
      }) : () -> ()
    }
    %scan3A_29 = arith.constant 79 : i32
    %barrier3A_30 = arith.constant 0 : index
    tpu.barrier barrier_id(%barrier3A_30)
    %mul3A_31 = arith.constant 632 : i32
    %mul3A_32 = arith.muli %arg1, %mul3A_31 : i32
    "tpu.region"() ({
      %run_scoped3A = tpu.sem_alloc : memref<!tpu.dma_semaphore, #tpu.memory_space<semaphore_mem>>
      %dma_start3A = arith.constant 0 : i32
      %dma_start3A_33 = tpu.memref_slice %arg6[%arg0, %mul3A_32, %dma_start3A] : memref<2x10112x128xf32, #tpu.memory_space<hbm>> -> memref<1x632x128xf32, #tpu.memory_space<hbm>>
      %dma_start3A_34 = tpu.memref_squeeze %dma_start3A_33 : memref<1x632x128xf32, #tpu.memory_space<hbm>> -> memref<632x128xf32, #tpu.memory_space<hbm>>
      %dma_start3A_35 = arith.constant 0 : i32
      %dma_start3A_36 = tpu.memref_slice %arg11[%mul3A_32, %dma_start3A_35] : memref<10112x128xf32, #tpu.memory_space<vmem_shared>> -> memref<632x128xf32, #tpu.memory_space<vmem_shared>>
      tpu.enqueue_dma source(%dma_start3A_36 : memref<632x128xf32, #tpu.memory_space<vmem_shared>>) target(%dma_start3A_34 : memref<632x128xf32, #tpu.memory_space<hbm>>) target_semaphore(%run_scoped3A : memref<!tpu.dma_semaphore, #tpu.memory_space<semaphore_mem>>)
      %dma_wait3A = arith.constant 0 : i32
      %dma_wait3A_37 = tpu.memref_slice %arg6[%arg0, %mul3A_32, %dma_wait3A] : memref<2x10112x128xf32, #tpu.memory_space<hbm>> -> memref<1x632x128xf32, #tpu.memory_space<hbm>>
      %dma_wait3A_38 = tpu.memref_squeeze %dma_wait3A_37 : memref<1x632x128xf32, #tpu.memory_space<hbm>> -> memref<632x128xf32, #tpu.memory_space<hbm>>
      %dma_wait3A_39 = arith.constant 0 : i32
      %dma_wait3A_40 = tpu.memref_slice %arg11[%mul3A_32, %dma_wait3A_39] : memref<10112x128xf32, #tpu.memory_space<vmem_shared>> -> memref<632x128xf32, #tpu.memory_space<vmem_shared>>
      tpu.wait_dma2 semaphore(%run_scoped3A : memref<!tpu.dma_semaphore, #tpu.memory_space<semaphore_mem>>) src(%dma_wait3A_40 : memref<632x128xf32, #tpu.memory_space<vmem_shared>>) dst(%dma_wait3A_38 : memref<632x128xf32, #tpu.memory_space<hbm>>)
      tpu.yield
    }) : () -> ()
    return
  }
}

module attributes {stable_mosaic.version = 14 : i64} {
  func.func @_merge_body(%arg0: i32, %arg1: memref<2x400x128xf32, #tpu.memory_space<vmem>>, %arg2: memref<400x128xf32, #tpu.memory_space<vmem>>, %arg3: memref<400x128xf32, #tpu.memory_space<vmem>>, %arg4: memref<400x128xf32, #tpu.memory_space<vmem>>) attributes {dimension_semantics = [#tpu.dimension_semantics<arbitrary>], iteration_bounds = array<i64: 25>, scalar_prefetch = 0 : i64, scratch_operands = 0 : i64, tpu.core_type = #tpu.core_type<tc>, window_params = [{transform_indices = @transform_0, window_bounds = array<i64: 2, 400, 128>}, {transform_indices = @transform_1, window_bounds = array<i64: 400, 128>}, {transform_indices = @transform_2, window_bounds = array<i64: 400, 128>}, {transform_indices = @transform_3, window_bounds = array<i64: 400, 128>}]} {
    %get3A = arith.constant 0 : index
    %get3A_0 = arith.constant 0 : index
    %get3A_1 = arith.constant 0 : index
    %get3A_2 = vector.load %arg1[%get3A, %get3A_0, %get3A_1] : memref<2x400x128xf32, #tpu.memory_space<vmem>>, vector<1x400x128xf32>
    %get3A_3 = vector.shape_cast %get3A_2 : vector<1x400x128xf32> to vector<400x128xf32>
    %get3A_4 = arith.constant 1 : index
    %get3A_5 = arith.constant 0 : index
    %get3A_6 = arith.constant 0 : index
    %get3A_7 = vector.load %arg1[%get3A_4, %get3A_5, %get3A_6] : memref<2x400x128xf32, #tpu.memory_space<vmem>>, vector<1x400x128xf32>
    %get3A_8 = vector.shape_cast %get3A_7 : vector<1x400x128xf32> to vector<400x128xf32>
    %add3A = arith.addf %get3A_3, %get3A_8 : vector<400x128xf32>
    %swap3A = arith.constant 0 : index
    %swap3A_9 = arith.constant 0 : index
    %swap3A_10 = vector.load %arg3[%swap3A, %swap3A_9] : memref<400x128xf32, #tpu.memory_space<vmem>>, vector<400x128xf32>
    tpu.vector_store %arg3[%swap3A, %swap3A_9], %add3A {strides = array<i32>} : memref<400x128xf32, #tpu.memory_space<vmem>>, vector<400x128xf32>,
    %get3A_11 = arith.constant 0 : index
    %get3A_12 = arith.constant 0 : index
    %get3A_13 = vector.load %arg2[%get3A_11, %get3A_12] : memref<400x128xf32, #tpu.memory_space<vmem>>, vector<400x128xf32>
    %add3A_14 = arith.addf %get3A_13, %add3A : vector<400x128xf32>
    %swap3A_15 = arith.constant 0 : index
    %swap3A_16 = arith.constant 0 : index
    %swap3A_17 = vector.load %arg4[%swap3A_15, %swap3A_16] : memref<400x128xf32, #tpu.memory_space<vmem>>, vector<400x128xf32>
    tpu.vector_store %arg4[%swap3A_15, %swap3A_16], %add3A_14 {strides = array<i32>} : memref<400x128xf32, #tpu.memory_space<vmem>>, vector<400x128xf32>,
    return
  }
  func.func @transform_0(%arg0: i32) -> (i32, i32, i32) {
    %c0_i32 = arith.constant 0 : i32
    %c0_i32_0 = arith.constant 0 : i32
    %c0_i32_1 = arith.constant 0 : i32
    return %c0_i32, %arg0, %c0_i32_0 : i32, i32, i32
  }
  func.func @transform_1(%arg0: i32) -> (i32, i32) {
    %c0_i32 = arith.constant 0 : i32
    %c0_i32_0 = arith.constant 0 : i32
    return %arg0, %c0_i32 : i32, i32
  }
  func.func @transform_2(%arg0: i32) -> (i32, i32) {
    %c0_i32 = arith.constant 0 : i32
    %c0_i32_0 = arith.constant 0 : i32
    return %arg0, %c0_i32 : i32, i32
  }
  func.func @transform_3(%arg0: i32) -> (i32, i32) {
    %c0_i32 = arith.constant 0 : i32
    %c0_i32_0 = arith.constant 0 : i32
    return %arg0, %c0_i32 : i32, i32
  }
}

module attributes {stable_mosaic.version = 14 : i64} {
  func.func @_merge_body(%arg0: i32, %arg1: memref<2x400x128xf32, #tpu.memory_space<vmem>>, %arg2: memref<400x128xf32, #tpu.memory_space<vmem>>, %arg3: memref<400x128xf32, #tpu.memory_space<vmem>>, %arg4: memref<400x128xf32, #tpu.memory_space<vmem>>) attributes {dimension_semantics = [#tpu.dimension_semantics<arbitrary>], iteration_bounds = array<i64: 25>, scalar_prefetch = 0 : i64, scratch_operands = 0 : i64, tpu.core_type = #tpu.core_type<tc>, window_params = [{transform_indices = @transform_0, window_bounds = array<i64: 2, 400, 128>}, {transform_indices = @transform_1, window_bounds = array<i64: 400, 128>}, {transform_indices = @transform_2, window_bounds = array<i64: 400, 128>}, {transform_indices = @transform_3, window_bounds = array<i64: 400, 128>}]} {
    %get3A = arith.constant 0 : index
    %get3A_0 = arith.constant 0 : index
    %get3A_1 = arith.constant 0 : index
    %get3A_2 = vector.load %arg1[%get3A, %get3A_0, %get3A_1] : memref<2x400x128xf32, #tpu.memory_space<vmem>>, vector<1x400x128xf32>
    %get3A_3 = vector.shape_cast %get3A_2 : vector<1x400x128xf32> to vector<400x128xf32>
    %get3A_4 = arith.constant 1 : index
    %get3A_5 = arith.constant 0 : index
    %get3A_6 = arith.constant 0 : index
    %get3A_7 = vector.load %arg1[%get3A_4, %get3A_5, %get3A_6] : memref<2x400x128xf32, #tpu.memory_space<vmem>>, vector<1x400x128xf32>
    %get3A_8 = vector.shape_cast %get3A_7 : vector<1x400x128xf32> to vector<400x128xf32>
    %add3A = arith.addf %get3A_3, %get3A_8 : vector<400x128xf32>
    %swap3A = arith.constant 0 : index
    %swap3A_9 = arith.constant 0 : index
    %swap3A_10 = vector.load %arg3[%swap3A, %swap3A_9] : memref<400x128xf32, #tpu.memory_space<vmem>>, vector<400x128xf32>
    tpu.vector_store %arg3[%swap3A, %swap3A_9], %add3A {strides = array<i32>} : memref<400x128xf32, #tpu.memory_space<vmem>>, vector<400x128xf32>,
    %get3A_11 = arith.constant 0 : index
    %get3A_12 = arith.constant 0 : index
    %get3A_13 = vector.load %arg2[%get3A_11, %get3A_12] : memref<400x128xf32, #tpu.memory_space<vmem>>, vector<400x128xf32>
    %add3A_14 = arith.addf %get3A_13, %add3A : vector<400x128xf32>
    %swap3A_15 = arith.constant 0 : index
    %swap3A_16 = arith.constant 0 : index
    %swap3A_17 = vector.load %arg4[%swap3A_15, %swap3A_16] : memref<400x128xf32, #tpu.memory_space<vmem>>, vector<400x128xf32>
    tpu.vector_store %arg4[%swap3A_15, %swap3A_16], %add3A_14 {strides = array<i32>} : memref<400x128xf32, #tpu.memory_space<vmem>>, vector<400x128xf32>,
    return
  }
  func.func @transform_0(%arg0: i32) -> (i32, i32, i32) {
    %c0_i32 = arith.constant 0 : i32
    %c0_i32_0 = arith.constant 0 : i32
    %c0_i32_1 = arith.constant 0 : i32
    return %c0_i32, %arg0, %c0_i32_0 : i32, i32, i32
  }
  func.func @transform_1(%arg0: i32) -> (i32, i32) {
    %c0_i32 = arith.constant 0 : i32
    %c0_i32_0 = arith.constant 0 : i32
    return %arg0, %c0_i32 : i32, i32
  }
  func.func @transform_2(%arg0: i32) -> (i32, i32) {
    %c0_i32 = arith.constant 0 : i32
    %c0_i32_0 = arith.constant 0 : i32
    return %arg0, %c0_i32 : i32, i32
  }
  func.func @transform_3(%arg0: i32) -> (i32, i32) {
    %c0_i32 = arith.constant 0 : i32
    %c0_i32_0 = arith.constant 0 : i32
    return %arg0, %c0_i32 : i32, i32
  }
}

</mosaic_0001>

<sc_bundles>
// kernel: kernel.6.cloned.1.call-start
scs
__scs_entry_jumppad:
0x0: {  	(pc) =	sbr.rel $0x88, $3  }
0x1: {  	(tag) =	ssettag $0x0;
	lr =	simm.s32 $0x1  }
0x2: {  	[smem:$0x3F9D] =	sst lr;
	_ =	strace $0xD0000000  }
0x3: {  	_ = 	snop  }
0x4: {  	_ = 	snop  }
0x5: {  	_ = 	snop  }
0x6: {  	_ = 	snop  }
0x7: {  	_ = 	snop  }
__scs_overlays_trampoline_lowered:
0x8: {  	[smem:$0x3FAC] =	sst s0  }
0x9: {  	[smem:$0x3FAD] =	sst s1  }
0xa: {  	[smem:$0x3FAE] =	sst s2  }
0xb: {  	[smem:$0x3FAF] =	sst s3  }
0xc: {  	[smem:$0x3FB0] =	sst s4  }
0xd: {  	[smem:$0x3FB1] =	sst s5  }
0xe: {  	[smem:$0x3FB2] =	sst s6  }
0xf: {  	[smem:$0x3FB3] =	sst s7  }
0x10: {  	[smem:$0x3FB4] =	sst s8  }
0x11: {  	[smem:$0x3FB5] =	sst s9;
	s0 =	simm.s32 @!p0 $0x0  }
0x12: {  	s1 =	sld [smem:$0x3F9B];
	s0 =	simm.s32 @p0 $0x1  }
0x13: {  	[smem:$0x3FB6] =	sst s0;
	s0 =	simm.s32 @!p1 $0x0  }
0x14: {  	s2 =	sld [smem:$0x3F9A];
	s0 =	simm.s32 @p1 $0x1  }
0x15: {  	[smem:$0x3FB7] =	sst s0;
	s0 =	simm.s32 @!p2 $0x0  }
0x16: {  	s3 =	sld [smem:$0x3FDB];
	s0 =	simm.s32 @p2 $0x1  }
0x17: {  	s4 =	simm.s32 $0x1BF5;
	[smem:$0x3FB9] =	sst s0  }
0x18: {  	s0 =	sld [smem:$0x3F9C];
	_ =	swait.ge [sflag:s4], $0x0  }
0x19: {  	s7 =	sld [smem:$0x3F9D]  }
0x1a: {  	s8 =	sadd.s32 $0xFFFFE003, lr  }
0x1b: {  	s9 =	sadd.s32 $0xFFFFFEF7, lr;
	s5 =	simm.s32 $0xFFFFFFFF;
	p2 =	slt.u32 s8, $0xFFFFF086  }
0x1c: {  	p1 =	slt.u32 s9, $0xF7A;
	s5 =	simm.s32 @!p2 $0x0  }
0x1d: {  	s5 =	simm.s32 @p1 $0x1;
	p0 =	seq.s32 s7, s2  }
0x1e: {  	s7 =	smul.u32 @!p0 $0xF7A, s2;
	p2 =	seq.s32 @!p0 s5, $0x0  }
0x1f: {  	s9 =	smul.u32 $0xF7A, s1;
	s8 =	simm.s32 @!p0 $0x1BF5;
	p2 =	por !p2, p0  }
0x20: {  	[sflag:s8] =	ssyncset.s32 @!p0 $0xFFFFF086;
	s6 =	sadd.s32 @!p0 s3, s7;
	s7 =	simm.s32 @!p0 $0x108  }
0x21: {  	s3 =	sadd.s32 s3, s9;
	s6 =	sadd.s32 @!p0 $0x88, s6;
	s7 =	simm.s32 @p2 $0x1082  }
0x22: {  	[simem:s7], [sflag:s8] =	dma.local @!p0 [hbm:s6], $0xF7A  }
0x23: {  	s9 =	sor.u32 $0xD0000000, s2;
	s6 =	simm.s32 $0x108;
	_ =	swait.ge @!p0 [sflag:s8], $0x0  }
0x24: {  	s3 =	sadd.s32 $0x88, s3;
	s6 =	simm.s32 @!p1 $0x1082;
	[sflag:s4] =	ssyncset.s32 $0xFFFFF086  }
0x25: {  	[simem:s6], [sflag:s4] =	dma.local [hbm:s3], $0xF7A  }
0x26: {  	[smem:$0x3F9D] =	sst s1;
	(tag) =	ssettag s2;
	_ =	strace s9  }
0x27: {  	s1 =	sld [smem:$0x3FAD]  }
0x28: {  	s2 =	sld [smem:$0x3FAE]  }
0x29: {  	s4 =	sld [smem:$0x3FB0]  }
0x2a: {  	p0 =	seq.s32 s5, $0x0;
	s5 =	sld [smem:$0x3FB1]  }
0x2b: {  	s6 =	sld [smem:$0x3FB2]  }
0x2c: {  	s7 =	sld [smem:$0x3FB3]  }
0x2d: {  	s3 =	simm.s32 $0x108;
	s8 =	sld [smem:$0x3FB4]  }
0x2e: {  	s3 =	simm.s32 @!p0 $0x1082;
	s9 =	sld [smem:$0x3FB5]  }
0x2f: {  	lr =	sadd.s32 s0, s3;
	s0 =	sld [smem:$0x3FAC]  }
0x30: {  	s3 =	sld [smem:$0x3FAF]  }
0x31: {  	[smem:$0x3FB8] =	sst s10  }
0x32: {  	s10 =	sld [smem:$0x3FB6];
	_ =	sdelay $0x3  }
0x33: {  	p0 =	seq.s32 s10, $0x1;
	s10 =	sld [smem:$0x3FB8];
	_ =	sdelay $0x3  }
0x34: {  	[smem:$0x3FB8] =	sst s10  }
0x35: {  	s10 =	sld [smem:$0x3FB7];
	_ =	sdelay $0x3  }
0x36: {  	p1 =	seq.s32 s10, $0x1;
	s10 =	sld [smem:$0x3FB8];
	_ =	sdelay $0x3  }
0x37: {  	[smem:$0x3FB8] =	sst s10  }
0x38: {  	s10 =	sld [smem:$0x3FB9]  }
0x39: {  	_ = 	snop;
	(pc) =	sbr.ind lr, $3  }
0x3a: {  	_ = 	snop  }
0x3b: {  	_ = 	snop  }
0x3c: {  	p2 =	seq.s32 s10, $0x1;
	s10 =	sld [smem:$0x3FB8]  }
0x3d: {  	_ =	shalt  }
0x3e: {  	_ =	shalt  }
0x3f: {  	_ =	shalt  }
0x40: {  	_ =	shalt  }
0x41: {  	_ =	shalt  }
0x42: {  	_ =	shalt  }
0x43: {  	_ =	shalt  }
0x44: {  	_ =	shalt  }
0x45: {  	_ =	shalt  }
0x46: {  	_ =	shalt  }
0x47: {  	_ =	shalt  }
0x48: {  	_ =	shalt  }
0x49: {  	_ =	shalt  }
0x4a: {  	_ =	shalt  }
0x4b: {  	_ =	shalt  }
0x4c: {  	_ =	shalt  }
0x4d: {  	_ =	shalt  }
0x4e: {  	_ =	shalt  }
0x4f: {  	_ =	shalt  }
0x50: {  	_ =	shalt  }
0x51: {  	_ =	shalt  }
0x52: {  	_ =	shalt  }
0x53: {  	_ =	shalt  }
0x54: {  	_ =	shalt  }
0x55: {  	_ =	shalt  }
0x56: {  	_ =	shalt  }
0x57: {  	_ =	shalt  }
0x58: {  	_ =	shalt  }
0x59: {  	_ =	shalt  }
0x5a: {  	_ =	shalt  }
0x5b: {  	_ =	shalt  }
0x5c: {  	_ =	shalt  }
0x5d: {  	_ =	shalt  }
0x5e: {  	_ =	shalt  }
0x5f: {  	_ =	shalt  }
0x60: {  	_ =	shalt  }
0x61: {  	_ =	shalt  }
0x62: {  	_ =	shalt  }
0x63: {  	_ =	shalt  }
0x64: {  	_ =	shalt  }
0x65: {  	_ =	shalt  }
0x66: {  	_ =	shalt  }
0x67: {  	_ =	shalt  }
0x68: {  	_ =	shalt  }
0x69: {  	_ =	shalt  }
0x6a: {  	_ =	shalt  }
0x6b: {  	_ =	shalt  }
0x6c: {  	_ =	shalt  }
0x6d: {  	_ =	shalt  }
0x6e: {  	_ =	shalt  }
0x6f: {  	_ =	shalt  }
0x70: {  	_ =	shalt  }
0x71: {  	_ =	shalt  }
0x72: {  	_ =	shalt  }
0x73: {  	_ =	shalt  }
0x74: {  	_ =	shalt  }
0x75: {  	_ =	shalt  }
0x76: {  	_ =	shalt  }
0x77: {  	_ =	shalt  }
0x78: {  	_ =	shalt  }
0x79: {  	_ =	shalt  }
0x7a: {  	_ =	shalt  }
0x7b: {  	_ =	shalt  }
0x7c: {  	_ =	shalt  }
0x7d: {  	_ =	shalt  }
0x7e: {  	_ =	shalt  }
0x7f: {  	_ =	shalt  }
0x80: {  	_ =	shalt  }
0x81: {  	_ =	shalt  }
0x82: {  	_ =	shalt  }
0x83: {  	_ =	shalt  }
0x84: {  	_ =	shalt  }
0x85: {  	_ =	shalt  }
0x86: {  	_ =	shalt  }
0x87: {  	_ =	shalt  }
.Lfunc_end0:
.L_simem_size_0:
called_computation_lowered:
.L_overlay_start_0:
0x88: {  	s2 =	sld [smem:$0x3FD9]  }
0x89: {  	s3 =	sld [smem:$0x3FFE];
	_ =	sdelay $0x1  }
0x8a: {  	s1 =	srdreg.scid  }
0x8b: {  	s0 =	sand.u32 $0x1, s1  }
0x8c: {  	s17 =	sshll.u32 s0, $0xA;
	s2 =	sadd.s32 s3, s2  }
0x8d: {  	s2 =	sadd.s32 s2, s17  }
0x8e: {  	[smem:$0x3FC4] =	sst s2  }
0x8f: {  	_ = 	snop  }
0x90: {  	s2 =	sld [smem:$0x3FD0];
	(tm) =	ssettm $0x1  }
0x91: {  	s18 =	sld [smem:$0x3FFB];
	_ =	sdelay $0x3  }
0x92: {  	_ =	strace s18  }
0x93: {  	s3 =	sld [smem:$0x3FFC];
	_ =	sdelay $0x3  }
0x94: {  	_ =	strace s3  }
0x95: {  	s3 =	sld [smem:$0x3FFD];
	_ =	sdelay $0x3  }
0x96: {  	_ =	strace s3  }
0x97: {  	_ =	strace $0x8FFFFFFF  }
0x98: {  	s19 =	sld [smem:$0x3FDB];
	_ =	sdelay $0x1  }
0x99: {  	s4 =	simm.s32 $_scs_section_size  }
0x9a: {  	s5 =	simm.s32 $_size__tile_overlayer_lowered;
	s6 =	simm.s32 $_tile_overlayer_lowered  }
0x9b: {  	s22 =	simm.s32 $0x1BFF;
	s21 =	sshll.u32 s6, $0x1;
	s3 =	sadd.s32 s4, s19  }
0x9c: {  	s7 =	simm.s32 $0x0;
	s20 =	sshll.u32 s5, $0x1;
	s5 =	sadd.s32 s21, s3  }
0x9d: {  	[timem:s7], [sflag:s22] =	dma.local [hbm:s5], s20  }
0x9e: {  	_ =	swait.ge [sflag:s22], s20  }
0x9f: {  	s4 =	ssub.s32 $0x0, s20;
	[sflag:s22] =	ssyncset.done $0x0  }
0xa0: {  	[sflag:s22] =	ssyncadd.s32 s4;
	_ =	sdelay $0x1  }
0xa1: {  	s23 =	simm.s32 $0x1B8B  }
0xa2: {  	_ =	swait.ge [sflag:s23], $0x1  }
0xa3: {  	[sflag:s23] =	ssyncset.done $0x0  }
0xa4: {  	s25 =	simm.s32 $0x1B8E;
	s24 =	sld [smem:$0x3FFE];
	[sflag:s23] =	ssyncadd.s32 $0xFFFFFFFF  }
0xa5: {  	s26 =	simm.s32 $execute0_lowered;
	[smem:$0x3FD2] =	sst s25  }
0xa6: {  	s5 =	sshll.u32 s26, $0x1;
	_ =	strace $0x80000046;
	[dreg:$0x1] =	wrdreg $0xFFFFFFFF  }
0xa7: {  	s28 =	simm.s32 $_size_execute0_lowered;
	s3 =	sadd.s32 s3, s5;
	[dreg:$0x0] =	wrdreg $0x0  }
0xa8: {  	s5 =	sshll.u32 s28, $0x1;
	[dreg:$0x2] =	wrdreg s3  }
0xa9: {  	[dreg:$0x3] =	wrdreg s5  }
0xaa: {  	[dreg:$0x4] =	wrdreg $0xC0  }
0xab: {  	_ =	task [dreg:s7], $0x5FFFF  }
0xac: {  	[dreg:$0x1] =	wrdreg $0xFFFFFFFF  }
0xad: {  	[dreg:$0x0] =	wrdreg $0x60  }
0xae: {  	[dreg:$0x2] =	wrdreg s2  }
0xaf: {  	[dreg:$0x3] =	wrdreg s24  }
0xb0: {  	[dreg:$0x4] =	wrdreg $0xB8000  }
0xb1: {  	[dreg:$0x5] =	wrdreg $0x9  }
0xb2: {  	_ =	task.clear_ibuf [dreg:s7], $0x6FFFF;
	_ =	strace $0x90000046  }
0xb3: {  	s29 =	simm.s32 $0x9;
	_ =	strace $0x80000048  }
0xb4: {  	_ =	swait.ge [sflag:s29], $0x1  }
0xb5: {  	[sflag:s29] =	ssyncadd.s32 $0xFFFFFFFF  }
0xb6: {  	_ =	strace $0x90000048  }
0xb7: {  	_ =	sfence  }
0xb8: {  	s30 =	sld [smem:$0x0];
	_ =	sdelay $0x2  }
0xb9: {  	s31 =	sshll.u32 s1, $0xD;
	s1 =	sshrl.u32 s1, $0x2  }
0xba: {  	s3 =	sand.u32 $0x4000, s31;
	s1 =	sadd.s32 s1, s30  }
0xbb: {  	s0 =	sor.u32 s3, s0;
	s1 =	sshll.u32 s1, $0x11  }
0xbc: {  	s0 =	sor.u32 s1, s0  }
0xbd: {  	s0 =	sadd.s32 $0x8F2B, s0  }
0xbe: {  	[sflag:s0] =	ssyncadd.remote.s32 $0x1  }
0xbf: {  	_ =	sfence.sel $0xFFFF  }
0xc0: {  	[dreg:$0x0] =	wrdreg $0xFFFFFFFF;
	(pc) =	sbr.abs _section_cstart, $3  }
0xc1: {  	[dreg:$0x1] =	wrdreg $0xFFFFFFFF  }
0xc2: {  	_ =	task.clear_ibuf [dreg:s7], $0x2FFFF;
	_ =	strace $0x9FFFFFFF  }
0xc3: {  	(tm) =	ssettm $0x7FFFFFFF  }
tec
execute0_lowered:
.L_overlay_start_1:
0x0: {  	(tag) =	ssettag $0x1  }
0x1: {  	s2 =	rddreg [dreg:$0x0]  }
0x2: {  	s0 =	srdreg.scid;
	s6 =	rddreg [dreg:$0x1]  }
0x3: {  	s3 =	rddreg [dreg:$0x2];
	s4 =	simm.s32 $0x0;
	s15 =	simm.s32 $0x7800  }
0x4: {  	s16 =	simm.s32 $0x2;
	s17 =	simm.s32 $0x2800;
	s5 =	sand.u32 $0x1, s0  }
0x5: {  	s18 =	simm.s32 $0x5000;
	s0 =	stileid.u32;
	s8 =	smul.u32 $0x13C000, s5  }
0x6: {  	s19 =	simm.s32 $0x80;
	s20 =	simm.s32 $0x1;
	s9 =	smul.u32 $0x13C00, s0  }
0x7: {  	[smem:$0x7FF] =	sst s4;
	s1 =	sshll.u32 s5, $0x4;
	s10 =	smul.u32 $0x4F000, s0  }
0x8: {  	s29 =	ssub.s32 $0x2, s5;
	s21 =	sshll.u32 s0, $0x6;
	s1 =	sor.u32 s0, s1  }
0x9: {  	s31 =	sshrl.u32 s29, $0x1;
	s21 =	sor.u32 $0x1C02, s21;
	s7 =	smul.u32 $0x500, s1  }
0xa: {  	v0 =	vimm.f32 $0.0e+00;
	v1 =	vimm.s32 $0x0;
	s1 =	rddreg [dreg:$0x3];
	_ =	strace $0x80000047;
	s30 =	sshrl.u32 s10, $0x2  }
0xb: {  	v2 =	vimm.s32 $0x1;
	v3 =	vimm.s32 $0x2;
	v4 =	vimm.s32 $0x3;
	s28 =	sadd.s32 s9, s8;
	s14 =	ssub.s32 s29, s31;
	s5 =	sadd.s32 s30, s3  }
0xc: {  	v5 =	vimm.s32 $0x4;
	v6 =	vimm.s32 $0x5;
	v7 =	vimm.s32 $0x6;
	s14 =	smax.u32 s14, $0x1;
	s12 =	sadd.s32 s7, s6;
	s7 =	sshrl.u32 s28, $0x3  }
0xd: {  	v8 =	vimm.s32 $0x7;
	v9 =	vimm.s32 $0x8;
	v10 =	vimm.s32 $0x9;
	s8 =	sadd.s32 $0xC000, s5;
	s9 =	sadd.s32 $0x10000, s5;
	s13 =	sadd.s32 s7, s6  }
0xe: {  	v11 =	vimm.s32 $0xA;
	v12 =	vimm.s32 $0xB;
	v13 =	vimm.s32 $0xC;
	s6 =	sadd.s32 $0x4000, s5;
	s7 =	sadd.s32 $0x8000, s5;
	s10 =	sadd.s32 $0x15400, s12  }
0xf: {  	v14 =	vimm.s32 $0xD;
	v15 =	vimm.s32 $0xE;
	v16 =	vimm.s32 $0xF;
	s11 =	sadd.s32 $0xB400, s12;
	s12 =	sadd.s32 $0x1400, s12;
	s13 =	sadd.s32 $0x1F400, s13  }
.LBB2_1:
0x10: {  	s22 =	simm.s32 $0x0;
	s23 =	simm.s32 $0x200  }
.LBB2_2:
0x11: {  	p0 =	sne.s32 s23, $0xFE00;
	[tilespmem:s22+$0x7870] =	vst v0  }
0x12: {  	[tilespmem:s22+$0x7800] =	vst v0  }
0x13: {  	[tilespmem:s22+$0x7810] =	vst v0  }
.Ltmp0:
0x14: {  	[tilespmem:s22+$0x7820] =	vst v0;
	(pc) =	sbr.rel @p0 .LBB2_2-.Ltmp0, $4  }
0x15: {  	[tilespmem:s22+$0x7830] =	vst v0  }
0x16: {  	[tilespmem:s22+$0x7840] =	vst v0  }
0x17: {  	[tilespmem:s22+$0x7850] =	vst v0  }
0x18: {  	[tilespmem:s22+$0x7860] =	vst v0;
	s22 =	sshra.s32 s23, $0x2;
	s23 =	sadd.s32 $0x200, s23  }
0x19: {  	[tilespmem:s22+$0x7870] =	vst v0  }
0x1a: {  	[tilespmem:s22+$0x7800] =	vst v0  }
0x1b: {  	[tilespmem:s22+$0x7810] =	vst v0  }
0x1c: {  	[tilespmem:s22+$0x7820] =	vst v0  }
0x1d: {  	[tilespmem:s22+$0x7830] =	vst v0  }
0x1e: {  	[tilespmem:s22+$0x7840] =	vst v0  }
0x1f: {  	[tilespmem:s22+$0x7850] =	vst v0  }
0x20: {  	[tilespmem:s22+$0x7860] =	vst v0  }
0x21: {  	[spmem:s5] =	stream.linear.scatter [tilespmem:s15], [sflag:$0x2], $0x4000, $0x38;
	[tilespmem:$0x1F400] =	vst v63  }
0x22: {  	_ =	swait.ge [sflag:s16], $0x4000  }
0x23: {  	[sflag:s16] =	ssyncset.done $0x0  }
0x24: {  	[sflag:s16] =	ssyncadd.s32 $0xFFFFC000  }
0x25: {  	[spmem:s6] =	stream.linear.scatter [tilespmem:s15], [sflag:$0x2], $0x4000, $0x38;
	[tilespmem:$0x1F400] =	vst v63  }
0x26: {  	_ =	swait.ge [sflag:s16], $0x4000  }
0x27: {  	[sflag:s16] =	ssyncset.done $0x0  }
0x28: {  	[sflag:s16] =	ssyncadd.s32 $0xFFFFC000  }
0x29: {  	[spmem:s7] =	stream.linear.scatter [tilespmem:s15], [sflag:$0x2], $0x4000, $0x38;
	[tilespmem:$0x1F400] =	vst v63  }
0x2a: {  	_ =	swait.ge [sflag:s16], $0x4000  }
0x2b: {  	[sflag:s16] =	ssyncset.done $0x0  }
0x2c: {  	[sflag:s16] =	ssyncadd.s32 $0xFFFFC000  }
0x2d: {  	[spmem:s8] =	stream.linear.scatter [tilespmem:s15], [sflag:$0x2], $0x4000, $0x38;
	[tilespmem:$0x1F400] =	vst v63  }
0x2e: {  	_ =	swait.ge [sflag:s16], $0x4000  }
0x2f: {  	[sflag:s16] =	ssyncset.done $0x0  }
0x30: {  	[sflag:s16] =	ssyncadd.s32 $0xFFFFC000  }
0x31: {  	[spmem:s9] =	stream.linear.scatter [tilespmem:s15], [sflag:$0x2], $0x3C00, $0x38;
	[tilespmem:$0x1F400] =	vst v63  }
0x32: {  	_ =	swait.ge [sflag:s16], $0x3C00  }
0x33: {  	[sflag:s16] =	ssyncset.done $0x0  }
0x34: {  	s22 =	simm.s32 $0x0;
	[sflag:s16] =	ssyncadd.s32 $0xFFFFC400  }
0x35: {  	[tilespmem:s22], [sflag:$0x2] =	stream.linear.gather [hbm4b:s10+s22], $0x2780, $0x38;
	[tilespmem:$0x1F400] =	vst v63  }
0x36: {  	_ =	swait.ge [sflag:s16], $0x2780  }
0x37: {  	[sflag:s16] =	ssyncset.done $0x0  }
0x38: {  	[sflag:s16] =	ssyncadd.s32 $0xFFFFD880  }
0x39: {  	[tilespmem:s17], [sflag:$0x2] =	stream.linear.gather [hbm4b:s11+s22], $0x2780, $0x38;
	[tilespmem:$0x1F400] =	vst v63  }
0x3a: {  	_ =	swait.ge [sflag:s16], $0x2780  }
0x3b: {  	[sflag:s16] =	ssyncset.done $0x0  }
0x3c: {  	[sflag:s16] =	ssyncadd.s32 $0xFFFFD880  }
0x3d: {  	[tilespmem:s18], [sflag:$0x2] =	stream.linear.gather [hbm4b:s12+s22], $0x2780, $0x38;
	[tilespmem:$0x1F400] =	vst v63  }
0x3e: {  	_ =	swait.ge [sflag:s16], $0x2780  }
0x3f: {  	[sflag:s16] =	ssyncset.done $0x0  }
0x40: {  	[sflag:s16] =	ssyncadd.s32 $0xFFFFD880  }
0x41: {  	[bflag:$0x0] =	sbarrier.arrive $0xFFFF  }
.LBB2_4:
0x42: {  	s23 =	sshll.u32 s22, $0x7  }
0x43: {  	[tilespmem:s15], [sflag:$0x1] =	stream.indirect.gather [hbm4b:s2+s19], $0x80, s23, s19, $0xb8;
	[tilespmem:$0x1F400] =	vst v63  }
0x44: {  	s24 =	sadd.s32 $0x5000, s23  }
0x45: {  	_ =	swait.ge [sflag:s20], $0x4000;
	v17 =	vmov s24  }
0x46: {  	[sflag:s20] =	ssyncset.done $0x0  }
0x47: {  	s24 =	simm.s32 $0x0;
	[sflag:s20] =	ssyncadd.s32 $0xFFFFC000  }
.LBB2_5:
0x48: {  	s25 =	sshll.u32 s24, $0x4  }
0x49: {  	s25 =	sand.u32 $0x3FFFFFF0, s25  }
0x4a: {  	s31 =	sshll.u32 s24, $0xB;
	v18 =	vld.idx.msk [tilespmem:v17+s25+$0x0 ss:$0x1], $0xffff  }
0x4b: {  	s25 =	sand.u32 $0x3FFFF800, s31  }
0x4c: {  	v19 =	vld [tilespmem:s25+$0x7800]  }
0x4d: {  	v20 =	vld [tilespmem:s25+$0x7810]  }
0x4e: {  	v21 =	vld [tilespmem:s25+$0x7820]  }
0x4f: {  	v23 =	vld [tilespmem:s25+$0x7830];
	v22 =	vperm.xlane v18, v1  }
0x50: {  	v24 =	vld [tilespmem:s25+$0x7840]  }
0x51: {  	v25 =	vld [tilespmem:s25+$0x7850];
	v19 =	vmul.f32 v19, v22  }
0x52: {  	v26 =	vld [tilespmem:s25+$0x7860];
	v20 =	vmul.f32 v20, v22  }
0x53: {  	v43 =	vld [tilespmem:s25+$0x7870];
	[tilespmem:s25+$0x7800] =	vst v19;
	v19 =	vmul.f32 v21, v22  }
0x54: {  	v45 =	vld [tilespmem:s25+$0x7880];
	v44 =	vmul.f32 v23, v22;
	[tilespmem:s25+$0x7810] =	vst v20  }
0x55: {  	v46 =	vld [tilespmem:s25+$0x7890];
	[tilespmem:s25+$0x7820] =	vst v19;
	v19 =	vmul.f32 v24, v22  }
0x56: {  	v48 =	vld [tilespmem:s25+$0x78A0];
	v47 =	vmul.f32 v25, v22;
	[tilespmem:s25+$0x7830] =	vst v44  }
0x57: {  	v27 =	vld [tilespmem:s25+$0x78B0];
	v49 =	vperm.xlane v18, v2;
	[tilespmem:s25+$0x7840] =	vst v19;
	v19 =	vmul.f32 v26, v22  }
0x58: {  	v51 =	vld [tilespmem:s25+$0x78C0];
	v50 =	vmul.f32 v43, v22;
	[tilespmem:s25+$0x7850] =	vst v47  }
0x59: {  	v52 =	vld [tilespmem:s25+$0x78D0];
	[tilespmem:s25+$0x7860] =	vst v19;
	v19 =	vmul.f32 v45, v49  }
0x5a: {  	v54 =	vld [tilespmem:s25+$0x78E0];
	v53 =	vmul.f32 v46, v49;
	[tilespmem:s25+$0x7870] =	vst v50  }
0x5b: {  	v55 =	vld [tilespmem:s25+$0x78F0];
	[tilespmem:s25+$0x7880] =	vst v19;
	v19 =	vmul.f32 v48, v49  }
0x5c: {  	v57 =	vld [tilespmem:s25+$0x7900];
	v56 =	vmul.f32 v27, v49;
	[tilespmem:s25+$0x7890] =	vst v53  }
0x5d: {  	v58 =	vld [tilespmem:s25+$0x7910];
	[tilespmem:s25+$0x78A0] =	vst v19;
	v19 =	vmul.f32 v51, v49  }
0x5e: {  	v60 =	vld [tilespmem:s25+$0x7920];
	v59 =	vmul.f32 v52, v49;
	[tilespmem:s25+$0x78B0] =	vst v56  }
0x5f: {  	v62 =	vld [tilespmem:s25+$0x7930];
	v61 =	vperm.xlane v18, v3;
	[tilespmem:s25+$0x78C0] =	vst v19;
	v19 =	vmul.f32 v54, v49  }
0x60: {  	v28 =	vld [tilespmem:s25+$0x7940];
	v63 =	vmul.f32 v55, v49;
	[tilespmem:s25+$0x78D0] =	vst v59  }
0x61: {  	v29 =	vld [tilespmem:s25+$0x7950];
	[tilespmem:s25+$0x78E0] =	vst v19;
	v19 =	vmul.f32 v57, v61  }
0x62: {  	v31 =	vld [tilespmem:s25+$0x7960];
	v30 =	vmul.f32 v58, v61;
	[tilespmem:s25+$0x78F0] =	vst v63  }
0x63: {  	v32 =	vld [tilespmem:s25+$0x7970];
	[tilespmem:s25+$0x7900] =	vst v19;
	v19 =	vmul.f32 v60, v61  }
0x64: {  	v34 =	vld [tilespmem:s25+$0x7980];
	v33 =	vmul.f32 v62, v61;
	[tilespmem:s25+$0x7910] =	vst v30  }
0x65: {  	v35 =	vld [tilespmem:s25+$0x7990];
	[tilespmem:s25+$0x7920] =	vst v19;
	v19 =	vmul.f32 v28, v61  }
0x66: {  	v37 =	vld [tilespmem:s25+$0x79A0];
	v36 =	vmul.f32 v29, v61;
	[tilespmem:s25+$0x7930] =	vst v33  }
0x67: {  	v39 =	vld [tilespmem:s25+$0x79B0];
	v38 =	vperm.xlane v18, v4;
	[tilespmem:s25+$0x7940] =	vst v19;
	v19 =	vmul.f32 v31, v61  }
0x68: {  	v41 =	vld [tilespmem:s25+$0x79C0];
	v40 =	vmul.f32 v32, v61;
	[tilespmem:s25+$0x7950] =	vst v36  }
0x69: {  	v45 =	vld [tilespmem:s25+$0x79F0];
	[tilespmem:s25+$0x7960] =	vst v19;
	v19 =	vmul.f32 v34, v38  }
0x6a: {  	v43 =	vmul.f32 v35, v38;
	[tilespmem:s25+$0x7970] =	vst v40;
	v44 =	vld [tilespmem:s25+$0x79E0]  }
0x6b: {  	v42 =	vld [tilespmem:s25+$0x79D0];
	[tilespmem:s25+$0x7980] =	vst v19;
	v19 =	vmul.f32 v37, v38  }
0x6c: {  	v46 =	vmul.f32 v39, v38;
	[tilespmem:s25+$0x7990] =	vst v43;
	v47 =	vld [tilespmem:s25+$0x7A00]  }
0x6d: {  	v52 =	vld [tilespmem:s25+$0x7A30];
	[tilespmem:s25+$0x79A0] =	vst v19;
	v19 =	vmul.f32 v41, v38  }
0x6e: {  	[tilespmem:s25+$0x79B0] =	vst v46;
	v50 =	vld [tilespmem:s25+$0x7A20];
	v53 =	vmul.f32 v45, v38  }
0x6f: {  	v55 =	vld [tilespmem:s25+$0x7A50];
	v51 =	vperm.xlane v18, v5;
	[tilespmem:s25+$0x79C0] =	vst v19;
	v19 =	vmul.f32 v44, v38  }
0x70: {  	v49 =	vmul.f32 v42, v38;
	v54 =	vld [tilespmem:s25+$0x7A40];
	[tilespmem:s25+$0x79F0] =	vst v53  }
0x71: {  	v58 =	vld [tilespmem:s25+$0x7A70];
	[tilespmem:s25+$0x79E0] =	vst v19;
	v19 =	vmul.f32 v47, v51  }
0x72: {  	v59 =	vmul.f32 v52, v51;
	[tilespmem:s25+$0x79D0] =	vst v49;
	v57 =	vld [tilespmem:s25+$0x7A60]  }
0x73: {  	v48 =	vld [tilespmem:s25+$0x7A10];
	[tilespmem:s25+$0x7A00] =	vst v19;
	v19 =	vmul.f32 v50, v51  }
0x74: {  	v62 =	vmul.f32 v55, v51;
	[tilespmem:s25+$0x7A30] =	vst v59;
	v60 =	vld [tilespmem:s25+$0x7A80]  }
0x75: {  	v40 =	vld [tilespmem:s25+$0x7B10];
	[tilespmem:s25+$0x7A20] =	vst v19;
	v19 =	vmul.f32 v54, v51  }
0x76: {  	v63 =	vld [tilespmem:s25+$0x7AA0];
	v32 =	vmul.f32 v58, v51;
	[tilespmem:s25+$0x7A50] =	vst v62  }
0x77: {  	v30 =	vperm.xlane v18, v6;
	v61 =	vld [tilespmem:s25+$0x7A90];
	[tilespmem:s25+$0x7A40] =	vst v19;
	v19 =	vmul.f32 v57, v51  }
0x78: {  	v33 =	vld [tilespmem:s25+$0x7AC0];
	v43 =	vperm.xlane v18, v7;
	v56 =	vmul.f32 v48, v51;
	[tilespmem:s25+$0x7A70] =	vst v32  }
0x79: {  	v53 =	vld [tilespmem:s25+$0x7B90];
	[tilespmem:s25+$0x7A60] =	vst v19;
	v19 =	vmul.f32 v60, v30  }
0x7a: {  	v36 =	vld [tilespmem:s25+$0x7AE0];
	v48 =	vmul.f32 v40, v43;
	[tilespmem:s25+$0x7A10] =	vst v56  }
0x7b: {  	v31 =	vld [tilespmem:s25+$0x7AB0];
	[tilespmem:s25+$0x7A80] =	vst v19;
	v19 =	vmul.f32 v63, v30  }
0x7c: {  	v39 =	vld [tilespmem:s25+$0x7B00];
	[tilespmem:s25+$0x7B10] =	vst v48;
	v56 =	vperm.xlane v18, v8;
	v35 =	vmul.f32 v61, v30  }
0x7d: {  	v34 =	vld [tilespmem:s25+$0x7AD0];
	[tilespmem:s25+$0x7AA0] =	vst v19;
	v19 =	vmul.f32 v33, v30  }
0x7e: {  	v42 =	vld [tilespmem:s25+$0x7B20];
	v61 =	vmul.f32 v53, v56;
	[tilespmem:s25+$0x7A90] =	vst v35  }
0x7f: {  	v37 =	vld [tilespmem:s25+$0x7AF0];
	[tilespmem:s25+$0x7AC0] =	vst v19;
	v19 =	vmul.f32 v36, v30  }
0x80: {  	v46 =	vld [tilespmem:s25+$0x7B40];
	[tilespmem:s25+$0x7B90] =	vst v61;
	v38 =	vmul.f32 v31, v30  }
0x81: {  	v47 =	vld [tilespmem:s25+$0x7B50];
	[tilespmem:s25+$0x7AE0] =	vst v19;
	v19 =	vmul.f32 v39, v43  }
0x82: {  	v49 =	vld [tilespmem:s25+$0x7B60];
	v41 =	vmul.f32 v34, v30;
	[tilespmem:s25+$0x7AB0] =	vst v38  }
0x83: {  	v38 =	vld [tilespmem:s25+$0x7C50];
	[tilespmem:s25+$0x7B00] =	vst v19;
	v19 =	vmul.f32 v42, v43  }
0x84: {  	v52 =	vld [tilespmem:s25+$0x7B80];
	[tilespmem:s25+$0x7AD0] =	vst v41;
	v45 =	vmul.f32 v37, v30  }
0x85: {  	v44 =	vld [tilespmem:s25+$0x7B30];
	[tilespmem:s25+$0x7B20] =	vst v19;
	v19 =	vmul.f32 v46, v43  }
0x86: {  	v55 =	vld [tilespmem:s25+$0x7BA0];
	v34 =	vperm.xlane v18, v9;
	[tilespmem:s25+$0x7AF0] =	vst v45;
	v54 =	vmul.f32 v47, v43  }
0x87: {  	v50 =	vld [tilespmem:s25+$0x7B70];
	[tilespmem:s25+$0x7B40] =	vst v19;
	v19 =	vmul.f32 v49, v43  }
0x88: {  	v59 =	vld [tilespmem:s25+$0x7BC0];
	v45 =	vmul.f32 v38, v34;
	[tilespmem:s25+$0x7B50] =	vst v54  }
0x89: {  	v57 =	vld [tilespmem:s25+$0x7BB0];
	[tilespmem:s25+$0x7B60] =	vst v19;
	v19 =	vmul.f32 v52, v56  }
0x8a: {  	v62 =	vld [tilespmem:s25+$0x7BE0];
	v51 =	vmul.f32 v44, v43;
	[tilespmem:s25+$0x7C50] =	vst v45  }
0x8b: {  	v60 =	vld [tilespmem:s25+$0x7BD0];
	[tilespmem:s25+$0x7B80] =	vst v19;
	v19 =	vmul.f32 v55, v56  }
0x8c: {  	v58 =	vmul.f32 v50, v43;
	[tilespmem:s25+$0x7B30] =	vst v51;
	v30 =	vld [tilespmem:s25+$0x7C00]  }
0x8d: {  	v51 =	vld [tilespmem:s25+$0x7CD0];
	[tilespmem:s25+$0x7BA0] =	vst v19;
	v19 =	vmul.f32 v59, v56  }
0x8e: {  	[tilespmem:s25+$0x7B70] =	vst v58;
	v29 =	vmul.f32 v57, v56;
	v33 =	vld [tilespmem:s25+$0x7C20]  }
0x8f: {  	v63 =	vld [tilespmem:s25+$0x7BF0];
	[tilespmem:s25+$0x7BC0] =	vst v19;
	v19 =	vmul.f32 v62, v56  }
0x90: {  	v37 =	vld [tilespmem:s25+$0x7C40];
	v47 =	vperm.xlane v18, v10;
	[tilespmem:s25+$0x7BB0] =	vst v29;
	v32 =	vmul.f32 v60, v56  }
0x91: {  	v61 =	vld [tilespmem:s25+$0x7D30];
	[tilespmem:s25+$0x7BE0] =	vst v19;
	v19 =	vmul.f32 v30, v34  }
0x92: {  	v40 =	vld [tilespmem:s25+$0x7C60];
	v58 =	vmul.f32 v51, v47;
	[tilespmem:s25+$0x7BD0] =	vst v32  }
0x93: {  	v31 =	vld [tilespmem:s25+$0x7C10];
	[tilespmem:s25+$0x7C00] =	vst v19;
	v19 =	vmul.f32 v33, v34  }
0x94: {  	v60 =	vperm.xlane v18, v11;
	v36 =	vmul.f32 v63, v56;
	[tilespmem:s25+$0x7CD0] =	vst v58;
	v43 =	vld [tilespmem:s25+$0x7C80]  }
0x95: {  	v57 =	vld [tilespmem:s25+$0x7D10];
	[tilespmem:s25+$0x7C20] =	vst v19;
	v19 =	vmul.f32 v37, v34  }
0x96: {  	v32 =	vmul.f32 v61, v60;
	[tilespmem:s25+$0x7BF0] =	vst v36;
	v46 =	vld [tilespmem:s25+$0x7CA0]  }
0x97: {  	v35 =	vld [tilespmem:s25+$0x7C30];
	[tilespmem:s25+$0x7C40] =	vst v19;
	v19 =	vmul.f32 v40, v34  }
0x98: {  	v50 =	vld [tilespmem:s25+$0x7CC0];
	v39 =	vmul.f32 v31, v34;
	[tilespmem:s25+$0x7D30] =	vst v32  }
0x99: {  	v28 =	vld [tilespmem:s25+$0x7D50];
	[tilespmem:s25+$0x7C60] =	vst v19;
	v19 =	vmul.f32 v43, v47  }
0x9a: {  	v53 =	vld [tilespmem:s25+$0x7CE0];
	v29 =	vmul.f32 v57, v60;
	[tilespmem:s25+$0x7C10] =	vst v39  }
0x9b: {  	v31 =	vld [tilespmem:s25+$0x7D70];
	[tilespmem:s25+$0x7C80] =	vst v19;
	v19 =	vmul.f32 v46, v47  }
0x9c: {  	v42 =	vmul.f32 v35, v34;
	[tilespmem:s25+$0x7D10] =	vst v29;
	v56 =	vld [tilespmem:s25+$0x7D00]  }
0x9d: {  	v41 =	vld [tilespmem:s25+$0x7C70];
	[tilespmem:s25+$0x7CA0] =	vst v19;
	v19 =	vmul.f32 v50, v47  }
0x9e: {  	v35 =	vmul.f32 v28, v60;
	[tilespmem:s25+$0x7C30] =	vst v42;
	v59 =	vld [tilespmem:s25+$0x7D20]  }
0x9f: {  	v44 =	vld [tilespmem:s25+$0x7C90];
	[tilespmem:s25+$0x7CC0] =	vst v19;
	v19 =	vmul.f32 v53, v47  }
0xa0: {  	v63 =	vld [tilespmem:s25+$0x7D40];
	[tilespmem:s25+$0x7D50] =	vst v35;
	v39 =	vmul.f32 v31, v60  }
0xa1: {  	v48 =	vld [tilespmem:s25+$0x7CB0];
	[tilespmem:s25+$0x7CE0] =	vst v19;
	v19 =	vmul.f32 v56, v60  }
0xa2: {  	v49 =	vmul.f32 v41, v34;
	[tilespmem:s25+$0x7D70] =	vst v39;
	v30 =	vld [tilespmem:s25+$0x7D60]  }
0xa3: {  	v54 =	vld [tilespmem:s25+$0x7CF0];
	[tilespmem:s25+$0x7D00] =	vst v19;
	v19 =	vmul.f32 v59, v60  }
0xa4: {  	[tilespmem:s25+$0x7C70] =	vst v49;
	v52 =	vmul.f32 v44, v47;
	v33 =	vld [tilespmem:s25+$0x7D80]  }
0xa5: {  	v38 =	vld [tilespmem:s25+$0x7DB0];
	[tilespmem:s25+$0x7D20] =	vst v19;
	v19 =	vmul.f32 v63, v60  }
0xa6: {  	v36 =	vld [tilespmem:s25+$0x7DA0];
	[tilespmem:s25+$0x7C90] =	vst v52;
	v55 =	vmul.f32 v48, v47  }
0xa7: {  	v41 =	vld [tilespmem:s25+$0x7DD0];
	v37 =	vperm.xlane v18, v12;
	[tilespmem:s25+$0x7D40] =	vst v19;
	v19 =	vmul.f32 v30, v60  }
0xa8: {  	[tilespmem:s25+$0x7CB0] =	vst v55;
	v62 =	vmul.f32 v54, v47;
	v40 =	vld [tilespmem:s25+$0x7DC0]  }
0xa9: {  	v44 =	vld [tilespmem:s25+$0x7DF0];
	[tilespmem:s25+$0x7D60] =	vst v19;
	v19 =	vmul.f32 v33, v37  }
0xaa: {  	[tilespmem:s25+$0x7CF0] =	vst v62;
	v45 =	vmul.f32 v38, v37;
	v43 =	vld [tilespmem:s25+$0x7DE0]  }
0xab: {  	v34 =	vld [tilespmem:s25+$0x7D90];
	[tilespmem:s25+$0x7D80] =	vst v19;
	v19 =	vmul.f32 v36, v37  }
0xac: {  	v48 =	vmul.f32 v41, v37;
	[tilespmem:s25+$0x7DB0] =	vst v45;
	v46 =	vld [tilespmem:s25+$0x7E00]  }
0xad: {  	v51 =	vld [tilespmem:s25+$0x7E30];
	[tilespmem:s25+$0x7DA0] =	vst v19;
	v19 =	vmul.f32 v40, v37  }
0xae: {  	v49 =	vld [tilespmem:s25+$0x7E20];
	v52 =	vmul.f32 v44, v37;
	[tilespmem:s25+$0x7DD0] =	vst v48  }
0xaf: {  	v54 =	vld [tilespmem:s25+$0x7E50];
	v50 =	vperm.xlane v18, v13;
	[tilespmem:s25+$0x7DC0] =	vst v19;
	v19 =	vmul.f32 v43, v37  }
0xb0: {  	[tilespmem:s25+$0x7DF0] =	vst v52;
	v42 =	vmul.f32 v34, v37;
	v53 =	vld [tilespmem:s25+$0x7E40]  }
0xb1: {  	v57 =	vld [tilespmem:s25+$0x7E70];
	[tilespmem:s25+$0x7DE0] =	vst v19;
	v19 =	vmul.f32 v46, v50  }
0xb2: {  	[tilespmem:s25+$0x7D90] =	vst v42;
	v58 =	vmul.f32 v51, v50;
	v56 =	vld [tilespmem:s25+$0x7E60]  }
0xb3: {  	v47 =	vld [tilespmem:s25+$0x7E10];
	[tilespmem:s25+$0x7E00] =	vst v19;
	v19 =	vmul.f32 v49, v50  }
0xb4: {  	v61 =	vmul.f32 v54, v50;
	[tilespmem:s25+$0x7E30] =	vst v58;
	v59 =	vld [tilespmem:s25+$0x7E80]  }
0xb5: {  	v39 =	vld [tilespmem:s25+$0x7F10];
	[tilespmem:s25+$0x7E20] =	vst v19;
	v19 =	vmul.f32 v53, v50  }
0xb6: {  	v62 =	vld [tilespmem:s25+$0x7EA0];
	v31 =	vmul.f32 v57, v50;
	[tilespmem:s25+$0x7E50] =	vst v61  }
0xb7: {  	v63 =	vperm.xlane v18, v14;
	v60 =	vld [tilespmem:s25+$0x7E90];
	[tilespmem:s25+$0x7E40] =	vst v19;
	v19 =	vmul.f32 v56, v50  }
0xb8: {  	v32 =	vld [tilespmem:s25+$0x7EC0];
	v42 =	vperm.xlane v18, v15;
	[tilespmem:s25+$0x7E70] =	vst v31;
	v55 =	vmul.f32 v47, v50  }
0xb9: {  	v33 =	vld [tilespmem:s25+$0x7ED0];
	[tilespmem:s25+$0x7E60] =	vst v19;
	v19 =	vmul.f32 v59, v63  }
0xba: {  	v35 =	vld [tilespmem:s25+$0x7EE0];
	v47 =	vmul.f32 v39, v42;
	[tilespmem:s25+$0x7E10] =	vst v55  }
0xbb: {  	v30 =	vld [tilespmem:s25+$0x7EB0];
	[tilespmem:s25+$0x7E80] =	vst v19;
	v19 =	vmul.f32 v62, v63  }
0xbc: {  	v38 =	vld [tilespmem:s25+$0x7F00];
	[tilespmem:s25+$0x7F10] =	vst v47;
	v34 =	vmul.f32 v60, v63  }
0xbd: {  	v36 =	vld [tilespmem:s25+$0x7EF0];
	[tilespmem:s25+$0x7EA0] =	vst v19;
	v19 =	vmul.f32 v32, v63  }
0xbe: {  	v41 =	vld [tilespmem:s25+$0x7F20];
	[tilespmem:s25+$0x7E90] =	vst v34;
	v40 =	vmul.f32 v33, v63  }
0xbf: {  	v46 =	vld [tilespmem:s25+$0x7F50];
	[tilespmem:s25+$0x7EC0] =	vst v19;
	v19 =	vmul.f32 v35, v63  }
0xc0: {  	v45 =	vld [tilespmem:s25+$0x7F40];
	v37 =	vmul.f32 v30, v63;
	[tilespmem:s25+$0x7ED0] =	vst v40  }
0xc1: {  	v43 =	vld [tilespmem:s25+$0x7F30];
	[tilespmem:s25+$0x7EE0] =	vst v19;
	v19 =	vmul.f32 v38, v42  }
0xc2: {  	v48 =	vld [tilespmem:s25+$0x7F60];
	v44 =	vmul.f32 v36, v63;
	[tilespmem:s25+$0x7EB0] =	vst v37  }
0xc3: {  	v49 =	vld [tilespmem:s25+$0x7F70];
	[tilespmem:s25+$0x7F00] =	vst v19;
	v19 =	vmul.f32 v41, v42  }
0xc4: {  	v51 =	vld [tilespmem:s25+$0x7F80];
	[tilespmem:s25+$0x7EF0] =	vst v44;
	v53 =	vmul.f32 v46, v42  }
0xc5: {  	v52 =	vld [tilespmem:s25+$0x7F90];
	[tilespmem:s25+$0x7F20] =	vst v19;
	v19 =	vmul.f32 v45, v42  }
0xc6: {  	v54 =	vld [tilespmem:s25+$0x7FA0];
	v50 =	vmul.f32 v43, v42;
	[tilespmem:s25+$0x7F50] =	vst v53  }
0xc7: {  	v18 =	vperm.xlane v18, v16;
	v55 =	vld [tilespmem:s25+$0x7FB0];
	[tilespmem:s25+$0x7F40] =	vst v19;
	v19 =	vmul.f32 v48, v42  }
0xc8: {  	v57 =	vld [tilespmem:s25+$0x7FC0];
	v56 =	vmul.f32 v49, v42;
	[tilespmem:s25+$0x7F30] =	vst v50  }
0xc9: {  	v58 =	vld [tilespmem:s25+$0x7FD0];
	[tilespmem:s25+$0x7F60] =	vst v19;
	v19 =	vmul.f32 v51, v18  }
0xca: {  	v60 =	vld [tilespmem:s25+$0x7FE0];
	v59 =	vmul.f32 v52, v18;
	[tilespmem:s25+$0x7F70] =	vst v56  }
0xcb: {  	v61 =	vld [tilespmem:s25+$0x7FF0];
	[tilespmem:s25+$0x7F80] =	vst v19;
	v19 =	vmul.f32 v54, v18  }
0xcc: {  	[tilespmem:s25+$0x7F90] =	vst v59;
	v62 =	vmul.f32 v55, v18  }
0xcd: {  	p0 =	sne.s32 s24, $0x7;
	[tilespmem:s25+$0x7FA0] =	vst v19;
	v19 =	vmul.f32 v57, v18  }
.Ltmp1:
0xce: {  	[tilespmem:s25+$0x7FB0] =	vst v62;
	v63 =	vmul.f32 v58, v18;
	(pc) =	sbr.rel @p0 .LBB2_5-.Ltmp1, $4  }
0xcf: {  	[tilespmem:s25+$0x7FC0] =	vst v19;
	v19 =	vmul.f32 v60, v18  }
0xd0: {  	[tilespmem:s25+$0x7FD0] =	vst v63;
	v18 =	vmul.f32 v61, v18  }
0xd1: {  	[tilespmem:s25+$0x7FE0] =	vst v19  }
0xd2: {  	s24 =	sadd.s32 $0x1, s24;
	[tilespmem:s25+$0x7FF0] =	vst v18  }
0xd3: {  	s22 =	sadd.s32 $0x1, s22  }
0xd4: {  	p0 =	sne.s32 s22, $0x4F  }
.Ltmp2:
0xd5: {  	s23 =	sadd.s32 $0x2800, s23;
	(pc) =	sbr.rel @p0 .LBB2_4-.Ltmp2, $4  }
0xd6: {  	[spmem:s3] =	stream.indirect.scatter.add.f32 [tilespmem:s15], [sflag:$0x2], $0x80, s23, s19, $0xb8;
	[tilespmem:$0x1F400] =	vst v63  }
0xd7: {  	_ =	swait.ge [sflag:s16], $0x4000  }
0xd8: {  	[sflag:s16] =	ssyncset.done $0x0  }
0xd9: {  	[sflag:s16] =	ssyncadd.s32 $0xFFFFC000  }
0xda: {  	s4 =	sadd.s32 $0x1, s4  }
0xdb: {  	p0 =	sne.s32 s4, s14  }
.Ltmp3:
0xdc: {  	[bflag:$0x0] =	sbarrier.arrive $0xFFFF;
	s22 =	sshrl.u32 s5, $0x3;
	(pc) =	sbr.rel @p0 .LBB2_1-.Ltmp3, $4  }
0xdd: {  	[hbm:s13], [sflag:s21] =	dma.local [spmem:s22], $0x2780  }
0xde: {  	_ =	swait.ge [sflag:s16], $0x2780  }
0xdf: {  	[sflag:s16] =	ssyncset.done $0x0  }
0xe0: {  	[sflag:s16] =	ssyncadd.s32 $0xFFFFD880  }
0xe1: {  	_ =	sfence.sel $0x180000  }
0xe2: {  	[bflag:$0x0] =	sbarrier.arrive $0xFFFF  }
0xe3: {  	p0 =	sne.s32 s0, $0x0;
	_ =	strace $0x90000047  }
0xe4: {  	s0 =	sadd.s32 @!p0 $0x100000, s1;
	[bflag:$0x2] =	sbarrier.arrive $0xFFFF  }
0xe5: {  	[sflag:s0] =	ssyncadd.tile.s32 @!p0 $0x1;
	_ =	shalt  }
.Lfunc_end2:
_tile_overlayer_lowered:
.L_overlay_start_2:
0xe6: {  	(tag) =	ssettag $0x2  }
0xe7: {  	s0 =	rddreg [dreg:$0x0];
	s2 =	stileid.u32  }
0xe8: {  	s1 =	rddreg [dreg:$0x1];
	p0 =	sne.s32 s2, $0x0  }
0xe9: {  	s3 =	rddreg [dreg:$0x2];
	[bflag:$0x3] =	sbarrier.arrive $0xFFFF;
	s2 =	simm.s32 @!p0 $0x1C02  }
0xea: {  	[timem:s3], [sflag:s2] =	dma.local @!p0 [hbm:s0], s1  }
0xeb: {  	s0 =	simm.s32 @!p0 $0x2  }
0xec: {  	_ =	swait.ge @!p0 [sflag:s0], s1  }
0xed: {  	s1 =	ssub.s32 @!p0 $0x0, s1;
	[sflag:s0] =	ssyncset.done @!p0 $0x0  }
0xee: {  	[sflag:s0] =	ssyncadd.s32 @!p0 s1  }
0xef: {  	[bflag:$0x3] =	sbarrier.arrive $0xFFFF  }
0xf0: {  	_ =	shalt  }

// kernel: kernel.9.cloned.1.call-start
scs
__scs_entry_jumppad:
0x0: {  	(pc) =	sbr.rel $0x88, $3  }
0x1: {  	(tag) =	ssettag $0x0;
	lr =	simm.s32 $0x1  }
0x2: {  	[smem:$0x3F9D] =	sst lr;
	_ =	strace $0xD0000000  }
0x3: {  	_ = 	snop  }
0x4: {  	_ = 	snop  }
0x5: {  	_ = 	snop  }
0x6: {  	_ = 	snop  }
0x7: {  	_ = 	snop  }
__scs_overlays_trampoline_lowered:
0x8: {  	[smem:$0x3FAC] =	sst s0  }
0x9: {  	[smem:$0x3FAD] =	sst s1  }
0xa: {  	[smem:$0x3FAE] =	sst s2  }
0xb: {  	[smem:$0x3FAF] =	sst s3  }
0xc: {  	[smem:$0x3FB0] =	sst s4  }
0xd: {  	[smem:$0x3FB1] =	sst s5  }
0xe: {  	[smem:$0x3FB2] =	sst s6  }
0xf: {  	[smem:$0x3FB3] =	sst s7  }
0x10: {  	[smem:$0x3FB4] =	sst s8  }
0x11: {  	[smem:$0x3FB5] =	sst s9;
	s0 =	simm.s32 @!p0 $0x0  }
0x12: {  	s1 =	sld [smem:$0x3F9B];
	s0 =	simm.s32 @p0 $0x1  }
0x13: {  	[smem:$0x3FB6] =	sst s0;
	s0 =	simm.s32 @!p1 $0x0  }
0x14: {  	s2 =	sld [smem:$0x3F9A];
	s0 =	simm.s32 @p1 $0x1  }
0x15: {  	[smem:$0x3FB7] =	sst s0;
	s0 =	simm.s32 @!p2 $0x0  }
0x16: {  	s3 =	sld [smem:$0x3FDB];
	s0 =	simm.s32 @p2 $0x1  }
0x17: {  	s4 =	simm.s32 $0x1BF5;
	[smem:$0x3FB9] =	sst s0  }
0x18: {  	s0 =	sld [smem:$0x3F9C];
	_ =	swait.ge [sflag:s4], $0x0  }
0x19: {  	s7 =	sld [smem:$0x3F9D]  }
0x1a: {  	s8 =	sadd.s32 $0xFFFFE003, lr  }
0x1b: {  	s9 =	sadd.s32 $0xFFFFFEF7, lr;
	s5 =	simm.s32 $0xFFFFFFFF;
	p2 =	slt.u32 s8, $0xFFFFF086  }
0x1c: {  	p1 =	slt.u32 s9, $0xF7A;
	s5 =	simm.s32 @!p2 $0x0  }
0x1d: {  	s5 =	simm.s32 @p1 $0x1;
	p0 =	seq.s32 s7, s2  }
0x1e: {  	s7 =	smul.u32 @!p0 $0xF7A, s2;
	p2 =	seq.s32 @!p0 s5, $0x0  }
0x1f: {  	s9 =	smul.u32 $0xF7A, s1;
	s8 =	simm.s32 @!p0 $0x1BF5;
	p2 =	por !p2, p0  }
0x20: {  	[sflag:s8] =	ssyncset.s32 @!p0 $0xFFFFF086;
	s6 =	sadd.s32 @!p0 s3, s7;
	s7 =	simm.s32 @!p0 $0x108  }
0x21: {  	s3 =	sadd.s32 s3, s9;
	s6 =	sadd.s32 @!p0 $0x88, s6;
	s7 =	simm.s32 @p2 $0x1082  }
0x22: {  	[simem:s7], [sflag:s8] =	dma.local @!p0 [hbm:s6], $0xF7A  }
0x23: {  	s9 =	sor.u32 $0xD0000000, s2;
	s6 =	simm.s32 $0x108;
	_ =	swait.ge @!p0 [sflag:s8], $0x0  }
0x24: {  	s3 =	sadd.s32 $0x88, s3;
	s6 =	simm.s32 @!p1 $0x1082;
	[sflag:s4] =	ssyncset.s32 $0xFFFFF086  }
0x25: {  	[simem:s6], [sflag:s4] =	dma.local [hbm:s3], $0xF7A  }
0x26: {  	[smem:$0x3F9D] =	sst s1;
	(tag) =	ssettag s2;
	_ =	strace s9  }
0x27: {  	s1 =	sld [smem:$0x3FAD]  }
0x28: {  	s2 =	sld [smem:$0x3FAE]  }
0x29: {  	s4 =	sld [smem:$0x3FB0]  }
0x2a: {  	p0 =	seq.s32 s5, $0x0;
	s5 =	sld [smem:$0x3FB1]  }
0x2b: {  	s6 =	sld [smem:$0x3FB2]  }
0x2c: {  	s7 =	sld [smem:$0x3FB3]  }
0x2d: {  	s3 =	simm.s32 $0x108;
	s8 =	sld [smem:$0x3FB4]  }
0x2e: {  	s3 =	simm.s32 @!p0 $0x1082;
	s9 =	sld [smem:$0x3FB5]  }
0x2f: {  	lr =	sadd.s32 s0, s3;
	s0 =	sld [smem:$0x3FAC]  }
0x30: {  	s3 =	sld [smem:$0x3FAF]  }
0x31: {  	[smem:$0x3FB8] =	sst s10  }
0x32: {  	s10 =	sld [smem:$0x3FB6];
	_ =	sdelay $0x3  }
0x33: {  	p0 =	seq.s32 s10, $0x1;
	s10 =	sld [smem:$0x3FB8];
	_ =	sdelay $0x3  }
0x34: {  	[smem:$0x3FB8] =	sst s10  }
0x35: {  	s10 =	sld [smem:$0x3FB7];
	_ =	sdelay $0x3  }
0x36: {  	p1 =	seq.s32 s10, $0x1;
	s10 =	sld [smem:$0x3FB8];
	_ =	sdelay $0x3  }
0x37: {  	[smem:$0x3FB8] =	sst s10  }
0x38: {  	s10 =	sld [smem:$0x3FB9]  }
0x39: {  	_ = 	snop;
	(pc) =	sbr.ind lr, $3  }
0x3a: {  	_ = 	snop  }
0x3b: {  	_ = 	snop  }
0x3c: {  	p2 =	seq.s32 s10, $0x1;
	s10 =	sld [smem:$0x3FB8]  }
0x3d: {  	_ =	shalt  }
0x3e: {  	_ =	shalt  }
0x3f: {  	_ =	shalt  }
0x40: {  	_ =	shalt  }
0x41: {  	_ =	shalt  }
0x42: {  	_ =	shalt  }
0x43: {  	_ =	shalt  }
0x44: {  	_ =	shalt  }
0x45: {  	_ =	shalt  }
0x46: {  	_ =	shalt  }
0x47: {  	_ =	shalt  }
0x48: {  	_ =	shalt  }
0x49: {  	_ =	shalt  }
0x4a: {  	_ =	shalt  }
0x4b: {  	_ =	shalt  }
0x4c: {  	_ =	shalt  }
0x4d: {  	_ =	shalt  }
0x4e: {  	_ =	shalt  }
0x4f: {  	_ =	shalt  }
0x50: {  	_ =	shalt  }
0x51: {  	_ =	shalt  }
0x52: {  	_ =	shalt  }
0x53: {  	_ =	shalt  }
0x54: {  	_ =	shalt  }
0x55: {  	_ =	shalt  }
0x56: {  	_ =	shalt  }
0x57: {  	_ =	shalt  }
0x58: {  	_ =	shalt  }
0x59: {  	_ =	shalt  }
0x5a: {  	_ =	shalt  }
0x5b: {  	_ =	shalt  }
0x5c: {  	_ =	shalt  }
0x5d: {  	_ =	shalt  }
0x5e: {  	_ =	shalt  }
0x5f: {  	_ =	shalt  }
0x60: {  	_ =	shalt  }
0x61: {  	_ =	shalt  }
0x62: {  	_ =	shalt  }
0x63: {  	_ =	shalt  }
0x64: {  	_ =	shalt  }
0x65: {  	_ =	shalt  }
0x66: {  	_ =	shalt  }
0x67: {  	_ =	shalt  }
0x68: {  	_ =	shalt  }
0x69: {  	_ =	shalt  }
0x6a: {  	_ =	shalt  }
0x6b: {  	_ =	shalt  }
0x6c: {  	_ =	shalt  }
0x6d: {  	_ =	shalt  }
0x6e: {  	_ =	shalt  }
0x6f: {  	_ =	shalt  }
0x70: {  	_ =	shalt  }
0x71: {  	_ =	shalt  }
0x72: {  	_ =	shalt  }
0x73: {  	_ =	shalt  }
0x74: {  	_ =	shalt  }
0x75: {  	_ =	shalt  }
0x76: {  	_ =	shalt  }
0x77: {  	_ =	shalt  }
0x78: {  	_ =	shalt  }
0x79: {  	_ =	shalt  }
0x7a: {  	_ =	shalt  }
0x7b: {  	_ =	shalt  }
0x7c: {  	_ =	shalt  }
0x7d: {  	_ =	shalt  }
0x7e: {  	_ =	shalt  }
0x7f: {  	_ =	shalt  }
0x80: {  	_ =	shalt  }
0x81: {  	_ =	shalt  }
0x82: {  	_ =	shalt  }
0x83: {  	_ =	shalt  }
0x84: {  	_ =	shalt  }
0x85: {  	_ =	shalt  }
0x86: {  	_ =	shalt  }
0x87: {  	_ =	shalt  }
.Lfunc_end0:
.L_simem_size_0:
called_computation.1_lowered:
.L_overlay_start_0:
0x88: {  	s2 =	sld [smem:$0x3FD9]  }
0x89: {  	s3 =	sld [smem:$0x3FFE];
	_ =	sdelay $0x1  }
0x8a: {  	s1 =	srdreg.scid  }
0x8b: {  	s0 =	sand.u32 $0x1, s1  }
0x8c: {  	s17 =	sshll.u32 s0, $0xA;
	s2 =	sadd.s32 s3, s2  }
0x8d: {  	s2 =	sadd.s32 s2, s17  }
0x8e: {  	[smem:$0x3FC4] =	sst s2  }
0x8f: {  	_ = 	snop  }
0x90: {  	s2 =	sld [smem:$0x3FD0];
	(tm) =	ssettm $0x1  }
0x91: {  	s18 =	sld [smem:$0x3FFB];
	_ =	sdelay $0x3  }
0x92: {  	_ =	strace s18  }
0x93: {  	s3 =	sld [smem:$0x3FFC];
	_ =	sdelay $0x3  }
0x94: {  	_ =	strace s3  }
0x95: {  	s3 =	sld [smem:$0x3FFD];
	_ =	sdelay $0x3  }
0x96: {  	_ =	strace s3  }
0x97: {  	_ =	strace $0x8FFFFFFF  }
0x98: {  	s19 =	sld [smem:$0x3FDB];
	_ =	sdelay $0x1  }
0x99: {  	s4 =	simm.s32 $_scs_section_size  }
0x9a: {  	s5 =	simm.s32 $_size__tile_overlayer_lowered;
	s6 =	simm.s32 $_tile_overlayer_lowered  }
0x9b: {  	s22 =	simm.s32 $0x1BFF;
	s21 =	sshll.u32 s6, $0x1;
	s3 =	sadd.s32 s4, s19  }
0x9c: {  	s7 =	simm.s32 $0x0;
	s20 =	sshll.u32 s5, $0x1;
	s5 =	sadd.s32 s21, s3  }
0x9d: {  	[timem:s7], [sflag:s22] =	dma.local [hbm:s5], s20  }
0x9e: {  	_ =	swait.ge [sflag:s22], s20  }
0x9f: {  	s4 =	ssub.s32 $0x0, s20;
	[sflag:s22] =	ssyncset.done $0x0  }
0xa0: {  	[sflag:s22] =	ssyncadd.s32 s4;
	_ =	sdelay $0x1  }
0xa1: {  	s23 =	simm.s32 $0x1B8B  }
0xa2: {  	_ =	swait.ge [sflag:s23], $0x1  }
0xa3: {  	[sflag:s23] =	ssyncset.done $0x0  }
0xa4: {  	s25 =	simm.s32 $0x1B8E;
	s24 =	sld [smem:$0x3FFE];
	[sflag:s23] =	ssyncadd.s32 $0xFFFFFFFF  }
0xa5: {  	s26 =	simm.s32 $execute0_lowered;
	[smem:$0x3FD2] =	sst s25  }
0xa6: {  	s5 =	sshll.u32 s26, $0x1;
	_ =	strace $0x80000049;
	[dreg:$0x1] =	wrdreg $0xFFFFFFFF  }
0xa7: {  	s28 =	simm.s32 $_size_execute0_lowered;
	s3 =	sadd.s32 s3, s5;
	[dreg:$0x0] =	wrdreg $0x0  }
0xa8: {  	s5 =	sshll.u32 s28, $0x1;
	[dreg:$0x2] =	wrdreg s3  }
0xa9: {  	[dreg:$0x3] =	wrdreg s5  }
0xaa: {  	[dreg:$0x4] =	wrdreg $0xC0  }
0xab: {  	_ =	task [dreg:s7], $0x5FFFF  }
0xac: {  	[dreg:$0x1] =	wrdreg $0xFFFFFFFF  }
0xad: {  	[dreg:$0x0] =	wrdreg $0x60  }
0xae: {  	[dreg:$0x2] =	wrdreg s2  }
0xaf: {  	[dreg:$0x3] =	wrdreg s24  }
0xb0: {  	[dreg:$0x4] =	wrdreg $0xB8000  }
0xb1: {  	[dreg:$0x5] =	wrdreg $0x9  }
0xb2: {  	_ =	task.clear_ibuf [dreg:s7], $0x6FFFF;
	_ =	strace $0x90000049  }
0xb3: {  	s29 =	simm.s32 $0x9;
	_ =	strace $0x8000004B  }
0xb4: {  	_ =	swait.ge [sflag:s29], $0x1  }
0xb5: {  	[sflag:s29] =	ssyncadd.s32 $0xFFFFFFFF  }
0xb6: {  	_ =	strace $0x9000004B  }
0xb7: {  	_ =	sfence  }
0xb8: {  	s30 =	sld [smem:$0x0];
	_ =	sdelay $0x2  }
0xb9: {  	s31 =	sshll.u32 s1, $0xD;
	s1 =	sshrl.u32 s1, $0x2  }
0xba: {  	s3 =	sand.u32 $0x4000, s31;
	s1 =	sadd.s32 s1, s30  }
0xbb: {  	s0 =	sor.u32 s3, s0;
	s1 =	sshll.u32 s1, $0x11  }
0xbc: {  	s0 =	sor.u32 s1, s0  }
0xbd: {  	s0 =	sadd.s32 $0x8F2B, s0  }
0xbe: {  	[sflag:s0] =	ssyncadd.remote.s32 $0x1  }
0xbf: {  	_ =	sfence.sel $0xFFFF  }
0xc0: {  	[dreg:$0x0] =	wrdreg $0xFFFFFFFF;
	(pc) =	sbr.abs _section_cstart, $3  }
0xc1: {  	[dreg:$0x1] =	wrdreg $0xFFFFFFFF  }
0xc2: {  	_ =	task.clear_ibuf [dreg:s7], $0x2FFFF;
	_ =	strace $0x9FFFFFFF  }
0xc3: {  	(tm) =	ssettm $0x7FFFFFFF  }
tec
execute0_lowered:
.L_overlay_start_1:
0x0: {  	(tag) =	ssettag $0x1  }
0x1: {  	s2 =	rddreg [dreg:$0x0]  }
0x2: {  	s0 =	srdreg.scid;
	s6 =	rddreg [dreg:$0x1]  }
0x3: {  	s3 =	rddreg [dreg:$0x2];
	s4 =	simm.s32 $0x0;
	s15 =	simm.s32 $0x7800  }
0x4: {  	s16 =	simm.s32 $0x2;
	s17 =	simm.s32 $0x2800;
	s5 =	sand.u32 $0x1, s0  }
0x5: {  	s18 =	simm.s32 $0x5000;
	s0 =	stileid.u32;
	s8 =	smul.u32 $0x13C000, s5  }
0x6: {  	s19 =	simm.s32 $0x80;
	s20 =	simm.s32 $0x1;
	s9 =	smul.u32 $0x13C00, s0  }
0x7: {  	[smem:$0x7FF] =	sst s4;
	s1 =	sshll.u32 s5, $0x4;
	s10 =	smul.u32 $0x4F000, s0  }
0x8: {  	s29 =	ssub.s32 $0x2, s5;
	s21 =	sshll.u32 s0, $0x6;
	s1 =	sor.u32 s0, s1  }
0x9: {  	s31 =	sshrl.u32 s29, $0x1;
	s21 =	sor.u32 $0x1C02, s21;
	s7 =	smul.u32 $0x500, s1  }
0xa: {  	v0 =	vimm.f32 $0.0e+00;
	v1 =	vimm.s32 $0x0;
	s1 =	rddreg [dreg:$0x3];
	_ =	strace $0x8000004A;
	s30 =	sshrl.u32 s10, $0x2  }
0xb: {  	v2 =	vimm.s32 $0x1;
	v3 =	vimm.s32 $0x2;
	v4 =	vimm.s32 $0x3;
	s28 =	sadd.s32 s9, s8;
	s14 =	ssub.s32 s29, s31;
	s5 =	sadd.s32 s30, s3  }
0xc: {  	v5 =	vimm.s32 $0x4;
	v6 =	vimm.s32 $0x5;
	v7 =	vimm.s32 $0x6;
	s14 =	smax.u32 s14, $0x1;
	s12 =	sadd.s32 s7, s6;
	s7 =	sshrl.u32 s28, $0x3  }
0xd: {  	v8 =	vimm.s32 $0x7;
	v9 =	vimm.s32 $0x8;
	v10 =	vimm.s32 $0x9;
	s8 =	sadd.s32 $0xC000, s5;
	s9 =	sadd.s32 $0x10000, s5;
	s13 =	sadd.s32 s7, s6  }
0xe: {  	v11 =	vimm.s32 $0xA;
	v12 =	vimm.s32 $0xB;
	v13 =	vimm.s32 $0xC;
	s6 =	sadd.s32 $0x4000, s5;
	s7 =	sadd.s32 $0x8000, s5;
	s10 =	sadd.s32 $0x15400, s12  }
0xf: {  	v14 =	vimm.s32 $0xD;
	v15 =	vimm.s32 $0xE;
	v16 =	vimm.s32 $0xF;
	s11 =	sadd.s32 $0xB400, s12;
	s12 =	sadd.s32 $0x1400, s12;
	s13 =	sadd.s32 $0x1F400, s13  }
.LBB2_1:
0x10: {  	s22 =	simm.s32 $0x0;
	s23 =	simm.s32 $0x200  }
.LBB2_2:
0x11: {  	p0 =	sne.s32 s23, $0xFE00;
	[tilespmem:s22+$0x7870] =	vst v0  }
0x12: {  	[tilespmem:s22+$0x7800] =	vst v0  }
0x13: {  	[tilespmem:s22+$0x7810] =	vst v0  }
.Ltmp0:
0x14: {  	[tilespmem:s22+$0x7820] =	vst v0;
	(pc) =	sbr.rel @p0 .LBB2_2-.Ltmp0, $4  }
0x15: {  	[tilespmem:s22+$0x7830] =	vst v0  }
0x16: {  	[tilespmem:s22+$0x7840] =	vst v0  }
0x17: {  	[tilespmem:s22+$0x7850] =	vst v0  }
0x18: {  	[tilespmem:s22+$0x7860] =	vst v0;
	s22 =	sshra.s32 s23, $0x2;
	s23 =	sadd.s32 $0x200, s23  }
0x19: {  	[tilespmem:s22+$0x7870] =	vst v0  }
0x1a: {  	[tilespmem:s22+$0x7800] =	vst v0  }
0x1b: {  	[tilespmem:s22+$0x7810] =	vst v0  }
0x1c: {  	[tilespmem:s22+$0x7820] =	vst v0  }
0x1d: {  	[tilespmem:s22+$0x7830] =	vst v0  }
0x1e: {  	[tilespmem:s22+$0x7840] =	vst v0  }
0x1f: {  	[tilespmem:s22+$0x7850] =	vst v0  }
0x20: {  	[tilespmem:s22+$0x7860] =	vst v0  }
0x21: {  	[spmem:s5] =	stream.linear.scatter [tilespmem:s15], [sflag:$0x2], $0x4000, $0x38;
	[tilespmem:$0x1F400] =	vst v63  }
0x22: {  	_ =	swait.ge [sflag:s16], $0x4000  }
0x23: {  	[sflag:s16] =	ssyncset.done $0x0  }
0x24: {  	[sflag:s16] =	ssyncadd.s32 $0xFFFFC000  }
0x25: {  	[spmem:s6] =	stream.linear.scatter [tilespmem:s15], [sflag:$0x2], $0x4000, $0x38;
	[tilespmem:$0x1F400] =	vst v63  }
0x26: {  	_ =	swait.ge [sflag:s16], $0x4000  }
0x27: {  	[sflag:s16] =	ssyncset.done $0x0  }
0x28: {  	[sflag:s16] =	ssyncadd.s32 $0xFFFFC000  }
0x29: {  	[spmem:s7] =	stream.linear.scatter [tilespmem:s15], [sflag:$0x2], $0x4000, $0x38;
	[tilespmem:$0x1F400] =	vst v63  }
0x2a: {  	_ =	swait.ge [sflag:s16], $0x4000  }
0x2b: {  	[sflag:s16] =	ssyncset.done $0x0  }
0x2c: {  	[sflag:s16] =	ssyncadd.s32 $0xFFFFC000  }
0x2d: {  	[spmem:s8] =	stream.linear.scatter [tilespmem:s15], [sflag:$0x2], $0x4000, $0x38;
	[tilespmem:$0x1F400] =	vst v63  }
0x2e: {  	_ =	swait.ge [sflag:s16], $0x4000  }
0x2f: {  	[sflag:s16] =	ssyncset.done $0x0  }
0x30: {  	[sflag:s16] =	ssyncadd.s32 $0xFFFFC000  }
0x31: {  	[spmem:s9] =	stream.linear.scatter [tilespmem:s15], [sflag:$0x2], $0x3C00, $0x38;
	[tilespmem:$0x1F400] =	vst v63  }
0x32: {  	_ =	swait.ge [sflag:s16], $0x3C00  }
0x33: {  	[sflag:s16] =	ssyncset.done $0x0  }
0x34: {  	s22 =	simm.s32 $0x0;
	[sflag:s16] =	ssyncadd.s32 $0xFFFFC400  }
0x35: {  	[tilespmem:s22], [sflag:$0x2] =	stream.linear.gather [hbm4b:s10+s22], $0x2780, $0x38;
	[tilespmem:$0x1F400] =	vst v63  }
0x36: {  	_ =	swait.ge [sflag:s16], $0x2780  }
0x37: {  	[sflag:s16] =	ssyncset.done $0x0  }
0x38: {  	[sflag:s16] =	ssyncadd.s32 $0xFFFFD880  }
0x39: {  	[tilespmem:s17], [sflag:$0x2] =	stream.linear.gather [hbm4b:s11+s22], $0x2780, $0x38;
	[tilespmem:$0x1F400] =	vst v63  }
0x3a: {  	_ =	swait.ge [sflag:s16], $0x2780  }
0x3b: {  	[sflag:s16] =	ssyncset.done $0x0  }
0x3c: {  	[sflag:s16] =	ssyncadd.s32 $0xFFFFD880  }
0x3d: {  	[tilespmem:s18], [sflag:$0x2] =	stream.linear.gather [hbm4b:s12+s22], $0x2780, $0x38;
	[tilespmem:$0x1F400] =	vst v63  }
0x3e: {  	_ =	swait.ge [sflag:s16], $0x2780  }
0x3f: {  	[sflag:s16] =	ssyncset.done $0x0  }
0x40: {  	[sflag:s16] =	ssyncadd.s32 $0xFFFFD880  }
0x41: {  	[bflag:$0x0] =	sbarrier.arrive $0xFFFF  }
.LBB2_4:
0x42: {  	s23 =	sshll.u32 s22, $0x7  }
0x43: {  	[tilespmem:s15], [sflag:$0x1] =	stream.indirect.gather [hbm4b:s2+s19], $0x80, s23, s19, $0xb8;
	[tilespmem:$0x1F400] =	vst v63  }
0x44: {  	s24 =	sadd.s32 $0x5000, s23  }
0x45: {  	_ =	swait.ge [sflag:s20], $0x4000;
	v17 =	vmov s24  }
0x46: {  	[sflag:s20] =	ssyncset.done $0x0  }
0x47: {  	s24 =	simm.s32 $0x0;
	[sflag:s20] =	ssyncadd.s32 $0xFFFFC000  }
.LBB2_5:
0x48: {  	s25 =	sshll.u32 s24, $0x4  }
0x49: {  	s25 =	sand.u32 $0x3FFFFFF0, s25  }
0x4a: {  	s31 =	sshll.u32 s24, $0xB;
	v18 =	vld.idx.msk [tilespmem:v17+s25+$0x0 ss:$0x1], $0xffff  }
0x4b: {  	s25 =	sand.u32 $0x3FFFF800, s31  }
0x4c: {  	v19 =	vld [tilespmem:s25+$0x7800]  }
0x4d: {  	v20 =	vld [tilespmem:s25+$0x7810]  }
0x4e: {  	v21 =	vld [tilespmem:s25+$0x7820]  }
0x4f: {  	v23 =	vld [tilespmem:s25+$0x7830];
	v22 =	vperm.xlane v18, v1  }
0x50: {  	v24 =	vld [tilespmem:s25+$0x7840]  }
0x51: {  	v25 =	vld [tilespmem:s25+$0x7850];
	v19 =	vmul.f32 v19, v22  }
0x52: {  	v26 =	vld [tilespmem:s25+$0x7860];
	v20 =	vmul.f32 v20, v22  }
0x53: {  	v43 =	vld [tilespmem:s25+$0x7870];
	[tilespmem:s25+$0x7800] =	vst v19;
	v19 =	vmul.f32 v21, v22  }
0x54: {  	v45 =	vld [tilespmem:s25+$0x7880];
	v44 =	vmul.f32 v23, v22;
	[tilespmem:s25+$0x7810] =	vst v20  }
0x55: {  	v46 =	vld [tilespmem:s25+$0x7890];
	[tilespmem:s25+$0x7820] =	vst v19;
	v19 =	vmul.f32 v24, v22  }
0x56: {  	v48 =	vld [tilespmem:s25+$0x78A0];
	v47 =	vmul.f32 v25, v22;
	[tilespmem:s25+$0x7830] =	vst v44  }
0x57: {  	v27 =	vld [tilespmem:s25+$0x78B0];
	v49 =	vperm.xlane v18, v2;
	[tilespmem:s25+$0x7840] =	vst v19;
	v19 =	vmul.f32 v26, v22  }
0x58: {  	v51 =	vld [tilespmem:s25+$0x78C0];
	v50 =	vmul.f32 v43, v22;
	[tilespmem:s25+$0x7850] =	vst v47  }
0x59: {  	v52 =	vld [tilespmem:s25+$0x78D0];
	[tilespmem:s25+$0x7860] =	vst v19;
	v19 =	vmul.f32 v45, v49  }
0x5a: {  	v54 =	vld [tilespmem:s25+$0x78E0];
	v53 =	vmul.f32 v46, v49;
	[tilespmem:s25+$0x7870] =	vst v50  }
0x5b: {  	v55 =	vld [tilespmem:s25+$0x78F0];
	[tilespmem:s25+$0x7880] =	vst v19;
	v19 =	vmul.f32 v48, v49  }
0x5c: {  	v57 =	vld [tilespmem:s25+$0x7900];
	v56 =	vmul.f32 v27, v49;
	[tilespmem:s25+$0x7890] =	vst v53  }
0x5d: {  	v58 =	vld [tilespmem:s25+$0x7910];
	[tilespmem:s25+$0x78A0] =	vst v19;
	v19 =	vmul.f32 v51, v49  }
0x5e: {  	v60 =	vld [tilespmem:s25+$0x7920];
	v59 =	vmul.f32 v52, v49;
	[tilespmem:s25+$0x78B0] =	vst v56  }
0x5f: {  	v62 =	vld [tilespmem:s25+$0x7930];
	v61 =	vperm.xlane v18, v3;
	[tilespmem:s25+$0x78C0] =	vst v19;
	v19 =	vmul.f32 v54, v49  }
0x60: {  	v28 =	vld [tilespmem:s25+$0x7940];
	v63 =	vmul.f32 v55, v49;
	[tilespmem:s25+$0x78D0] =	vst v59  }
0x61: {  	v29 =	vld [tilespmem:s25+$0x7950];
	[tilespmem:s25+$0x78E0] =	vst v19;
	v19 =	vmul.f32 v57, v61  }
0x62: {  	v31 =	vld [tilespmem:s25+$0x7960];
	v30 =	vmul.f32 v58, v61;
	[tilespmem:s25+$0x78F0] =	vst v63  }
0x63: {  	v32 =	vld [tilespmem:s25+$0x7970];
	[tilespmem:s25+$0x7900] =	vst v19;
	v19 =	vmul.f32 v60, v61  }
0x64: {  	v34 =	vld [tilespmem:s25+$0x7980];
	v33 =	vmul.f32 v62, v61;
	[tilespmem:s25+$0x7910] =	vst v30  }
0x65: {  	v35 =	vld [tilespmem:s25+$0x7990];
	[tilespmem:s25+$0x7920] =	vst v19;
	v19 =	vmul.f32 v28, v61  }
0x66: {  	v37 =	vld [tilespmem:s25+$0x79A0];
	v36 =	vmul.f32 v29, v61;
	[tilespmem:s25+$0x7930] =	vst v33  }
0x67: {  	v39 =	vld [tilespmem:s25+$0x79B0];
	v38 =	vperm.xlane v18, v4;
	[tilespmem:s25+$0x7940] =	vst v19;
	v19 =	vmul.f32 v31, v61  }
0x68: {  	v41 =	vld [tilespmem:s25+$0x79C0];
	v40 =	vmul.f32 v32, v61;
	[tilespmem:s25+$0x7950] =	vst v36  }
0x69: {  	v45 =	vld [tilespmem:s25+$0x79F0];
	[tilespmem:s25+$0x7960] =	vst v19;
	v19 =	vmul.f32 v34, v38  }
0x6a: {  	v43 =	vmul.f32 v35, v38;
	[tilespmem:s25+$0x7970] =	vst v40;
	v44 =	vld [tilespmem:s25+$0x79E0]  }
0x6b: {  	v42 =	vld [tilespmem:s25+$0x79D0];
	[tilespmem:s25+$0x7980] =	vst v19;
	v19 =	vmul.f32 v37, v38  }
0x6c: {  	v46 =	vmul.f32 v39, v38;
	[tilespmem:s25+$0x7990] =	vst v43;
	v47 =	vld [tilespmem:s25+$0x7A00]  }
0x6d: {  	v52 =	vld [tilespmem:s25+$0x7A30];
	[tilespmem:s25+$0x79A0] =	vst v19;
	v19 =	vmul.f32 v41, v38  }
0x6e: {  	[tilespmem:s25+$0x79B0] =	vst v46;
	v50 =	vld [tilespmem:s25+$0x7A20];
	v53 =	vmul.f32 v45, v38  }
0x6f: {  	v55 =	vld [tilespmem:s25+$0x7A50];
	v51 =	vperm.xlane v18, v5;
	[tilespmem:s25+$0x79C0] =	vst v19;
	v19 =	vmul.f32 v44, v38  }
0x70: {  	v49 =	vmul.f32 v42, v38;
	v54 =	vld [tilespmem:s25+$0x7A40];
	[tilespmem:s25+$0x79F0] =	vst v53  }
0x71: {  	v58 =	vld [tilespmem:s25+$0x7A70];
	[tilespmem:s25+$0x79E0] =	vst v19;
	v19 =	vmul.f32 v47, v51  }
0x72: {  	v59 =	vmul.f32 v52, v51;
	[tilespmem:s25+$0x79D0] =	vst v49;
	v57 =	vld [tilespmem:s25+$0x7A60]  }
0x73: {  	v48 =	vld [tilespmem:s25+$0x7A10];
	[tilespmem:s25+$0x7A00] =	vst v19;
	v19 =	vmul.f32 v50, v51  }
0x74: {  	v62 =	vmul.f32 v55, v51;
	[tilespmem:s25+$0x7A30] =	vst v59;
	v60 =	vld [tilespmem:s25+$0x7A80]  }
0x75: {  	v40 =	vld [tilespmem:s25+$0x7B10];
	[tilespmem:s25+$0x7A20] =	vst v19;
	v19 =	vmul.f32 v54, v51  }
0x76: {  	v63 =	vld [tilespmem:s25+$0x7AA0];
	v32 =	vmul.f32 v58, v51;
	[tilespmem:s25+$0x7A50] =	vst v62  }
0x77: {  	v30 =	vperm.xlane v18, v6;
	v61 =	vld [tilespmem:s25+$0x7A90];
	[tilespmem:s25+$0x7A40] =	vst v19;
	v19 =	vmul.f32 v57, v51  }
0x78: {  	v33 =	vld [tilespmem:s25+$0x7AC0];
	v43 =	vperm.xlane v18, v7;
	v56 =	vmul.f32 v48, v51;
	[tilespmem:s25+$0x7A70] =	vst v32  }
0x79: {  	v53 =	vld [tilespmem:s25+$0x7B90];
	[tilespmem:s25+$0x7A60] =	vst v19;
	v19 =	vmul.f32 v60, v30  }
0x7a: {  	v36 =	vld [tilespmem:s25+$0x7AE0];
	v48 =	vmul.f32 v40, v43;
	[tilespmem:s25+$0x7A10] =	vst v56  }
0x7b: {  	v31 =	vld [tilespmem:s25+$0x7AB0];
	[tilespmem:s25+$0x7A80] =	vst v19;
	v19 =	vmul.f32 v63, v30  }
0x7c: {  	v39 =	vld [tilespmem:s25+$0x7B00];
	[tilespmem:s25+$0x7B10] =	vst v48;
	v56 =	vperm.xlane v18, v8;
	v35 =	vmul.f32 v61, v30  }
0x7d: {  	v34 =	vld [tilespmem:s25+$0x7AD0];
	[tilespmem:s25+$0x7AA0] =	vst v19;
	v19 =	vmul.f32 v33, v30  }
0x7e: {  	v42 =	vld [tilespmem:s25+$0x7B20];
	v61 =	vmul.f32 v53, v56;
	[tilespmem:s25+$0x7A90] =	vst v35  }
0x7f: {  	v37 =	vld [tilespmem:s25+$0x7AF0];
	[tilespmem:s25+$0x7AC0] =	vst v19;
	v19 =	vmul.f32 v36, v30  }
0x80: {  	v46 =	vld [tilespmem:s25+$0x7B40];
	[tilespmem:s25+$0x7B90] =	vst v61;
	v38 =	vmul.f32 v31, v30  }
0x81: {  	v47 =	vld [tilespmem:s25+$0x7B50];
	[tilespmem:s25+$0x7AE0] =	vst v19;
	v19 =	vmul.f32 v39, v43  }
0x82: {  	v49 =	vld [tilespmem:s25+$0x7B60];
	v41 =	vmul.f32 v34, v30;
	[tilespmem:s25+$0x7AB0] =	vst v38  }
0x83: {  	v38 =	vld [tilespmem:s25+$0x7C50];
	[tilespmem:s25+$0x7B00] =	vst v19;
	v19 =	vmul.f32 v42, v43  }
0x84: {  	v52 =	vld [tilespmem:s25+$0x7B80];
	[tilespmem:s25+$0x7AD0] =	vst v41;
	v45 =	vmul.f32 v37, v30  }
0x85: {  	v44 =	vld [tilespmem:s25+$0x7B30];
	[tilespmem:s25+$0x7B20] =	vst v19;
	v19 =	vmul.f32 v46, v43  }
0x86: {  	v55 =	vld [tilespmem:s25+$0x7BA0];
	v34 =	vperm.xlane v18, v9;
	[tilespmem:s25+$0x7AF0] =	vst v45;
	v54 =	vmul.f32 v47, v43  }
0x87: {  	v50 =	vld [tilespmem:s25+$0x7B70];
	[tilespmem:s25+$0x7B40] =	vst v19;
	v19 =	vmul.f32 v49, v43  }
0x88: {  	v59 =	vld [tilespmem:s25+$0x7BC0];
	v45 =	vmul.f32 v38, v34;
	[tilespmem:s25+$0x7B50] =	vst v54  }
0x89: {  	v57 =	vld [tilespmem:s25+$0x7BB0];
	[tilespmem:s25+$0x7B60] =	vst v19;
	v19 =	vmul.f32 v52, v56  }
0x8a: {  	v62 =	vld [tilespmem:s25+$0x7BE0];
	v51 =	vmul.f32 v44, v43;
	[tilespmem:s25+$0x7C50] =	vst v45  }
0x8b: {  	v60 =	vld [tilespmem:s25+$0x7BD0];
	[tilespmem:s25+$0x7B80] =	vst v19;
	v19 =	vmul.f32 v55, v56  }
0x8c: {  	v58 =	vmul.f32 v50, v43;
	[tilespmem:s25+$0x7B30] =	vst v51;
	v30 =	vld [tilespmem:s25+$0x7C00]  }
0x8d: {  	v51 =	vld [tilespmem:s25+$0x7CD0];
	[tilespmem:s25+$0x7BA0] =	vst v19;
	v19 =	vmul.f32 v59, v56  }
0x8e: {  	[tilespmem:s25+$0x7B70] =	vst v58;
	v29 =	vmul.f32 v57, v56;
	v33 =	vld [tilespmem:s25+$0x7C20]  }
0x8f: {  	v63 =	vld [tilespmem:s25+$0x7BF0];
	[tilespmem:s25+$0x7BC0] =	vst v19;
	v19 =	vmul.f32 v62, v56  }
0x90: {  	v37 =	vld [tilespmem:s25+$0x7C40];
	v47 =	vperm.xlane v18, v10;
	[tilespmem:s25+$0x7BB0] =	vst v29;
	v32 =	vmul.f32 v60, v56  }
0x91: {  	v61 =	vld [tilespmem:s25+$0x7D30];
	[tilespmem:s25+$0x7BE0] =	vst v19;
	v19 =	vmul.f32 v30, v34  }
0x92: {  	v40 =	vld [tilespmem:s25+$0x7C60];
	v58 =	vmul.f32 v51, v47;
	[tilespmem:s25+$0x7BD0] =	vst v32  }
0x93: {  	v31 =	vld [tilespmem:s25+$0x7C10];
	[tilespmem:s25+$0x7C00] =	vst v19;
	v19 =	vmul.f32 v33, v34  }
0x94: {  	v60 =	vperm.xlane v18, v11;
	v36 =	vmul.f32 v63, v56;
	[tilespmem:s25+$0x7CD0] =	vst v58;
	v43 =	vld [tilespmem:s25+$0x7C80]  }
0x95: {  	v57 =	vld [tilespmem:s25+$0x7D10];
	[tilespmem:s25+$0x7C20] =	vst v19;
	v19 =	vmul.f32 v37, v34  }
0x96: {  	v32 =	vmul.f32 v61, v60;
	[tilespmem:s25+$0x7BF0] =	vst v36;
	v46 =	vld [tilespmem:s25+$0x7CA0]  }
0x97: {  	v35 =	vld [tilespmem:s25+$0x7C30];
	[tilespmem:s25+$0x7C40] =	vst v19;
	v19 =	vmul.f32 v40, v34  }
0x98: {  	v50 =	vld [tilespmem:s25+$0x7CC0];
	v39 =	vmul.f32 v31, v34;
	[tilespmem:s25+$0x7D30] =	vst v32  }
0x99: {  	v28 =	vld [tilespmem:s25+$0x7D50];
	[tilespmem:s25+$0x7C60] =	vst v19;
	v19 =	vmul.f32 v43, v47  }
0x9a: {  	v53 =	vld [tilespmem:s25+$0x7CE0];
	v29 =	vmul.f32 v57, v60;
	[tilespmem:s25+$0x7C10] =	vst v39  }
0x9b: {  	v31 =	vld [tilespmem:s25+$0x7D70];
	[tilespmem:s25+$0x7C80] =	vst v19;
	v19 =	vmul.f32 v46, v47  }
0x9c: {  	v42 =	vmul.f32 v35, v34;
	[tilespmem:s25+$0x7D10] =	vst v29;
	v56 =	vld [tilespmem:s25+$0x7D00]  }
0x9d: {  	v41 =	vld [tilespmem:s25+$0x7C70];
	[tilespmem:s25+$0x7CA0] =	vst v19;
	v19 =	vmul.f32 v50, v47  }
0x9e: {  	v35 =	vmul.f32 v28, v60;
	[tilespmem:s25+$0x7C30] =	vst v42;
	v59 =	vld [tilespmem:s25+$0x7D20]  }
0x9f: {  	v44 =	vld [tilespmem:s25+$0x7C90];
	[tilespmem:s25+$0x7CC0] =	vst v19;
	v19 =	vmul.f32 v53, v47  }
0xa0: {  	v63 =	vld [tilespmem:s25+$0x7D40];
	[tilespmem:s25+$0x7D50] =	vst v35;
	v39 =	vmul.f32 v31, v60  }
0xa1: {  	v48 =	vld [tilespmem:s25+$0x7CB0];
	[tilespmem:s25+$0x7CE0] =	vst v19;
	v19 =	vmul.f32 v56, v60  }
0xa2: {  	v49 =	vmul.f32 v41, v34;
	[tilespmem:s25+$0x7D70] =	vst v39;
	v30 =	vld [tilespmem:s25+$0x7D60]  }
0xa3: {  	v54 =	vld [tilespmem:s25+$0x7CF0];
	[tilespmem:s25+$0x7D00] =	vst v19;
	v19 =	vmul.f32 v59, v60  }
0xa4: {  	[tilespmem:s25+$0x7C70] =	vst v49;
	v52 =	vmul.f32 v44, v47;
	v33 =	vld [tilespmem:s25+$0x7D80]  }
0xa5: {  	v38 =	vld [tilespmem:s25+$0x7DB0];
	[tilespmem:s25+$0x7D20] =	vst v19;
	v19 =	vmul.f32 v63, v60  }
0xa6: {  	v36 =	vld [tilespmem:s25+$0x7DA0];
	[tilespmem:s25+$0x7C90] =	vst v52;
	v55 =	vmul.f32 v48, v47  }
0xa7: {  	v41 =	vld [tilespmem:s25+$0x7DD0];
	v37 =	vperm.xlane v18, v12;
	[tilespmem:s25+$0x7D40] =	vst v19;
	v19 =	vmul.f32 v30, v60  }
0xa8: {  	[tilespmem:s25+$0x7CB0] =	vst v55;
	v62 =	vmul.f32 v54, v47;
	v40 =	vld [tilespmem:s25+$0x7DC0]  }
0xa9: {  	v44 =	vld [tilespmem:s25+$0x7DF0];
	[tilespmem:s25+$0x7D60] =	vst v19;
	v19 =	vmul.f32 v33, v37  }
0xaa: {  	[tilespmem:s25+$0x7CF0] =	vst v62;
	v45 =	vmul.f32 v38, v37;
	v43 =	vld [tilespmem:s25+$0x7DE0]  }
0xab: {  	v34 =	vld [tilespmem:s25+$0x7D90];
	[tilespmem:s25+$0x7D80] =	vst v19;
	v19 =	vmul.f32 v36, v37  }
0xac: {  	v48 =	vmul.f32 v41, v37;
	[tilespmem:s25+$0x7DB0] =	vst v45;
	v46 =	vld [tilespmem:s25+$0x7E00]  }
0xad: {  	v51 =	vld [tilespmem:s25+$0x7E30];
	[tilespmem:s25+$0x7DA0] =	vst v19;
	v19 =	vmul.f32 v40, v37  }
0xae: {  	v49 =	vld [tilespmem:s25+$0x7E20];
	v52 =	vmul.f32 v44, v37;
	[tilespmem:s25+$0x7DD0] =	vst v48  }
0xaf: {  	v54 =	vld [tilespmem:s25+$0x7E50];
	v50 =	vperm.xlane v18, v13;
	[tilespmem:s25+$0x7DC0] =	vst v19;
	v19 =	vmul.f32 v43, v37  }
0xb0: {  	[tilespmem:s25+$0x7DF0] =	vst v52;
	v42 =	vmul.f32 v34, v37;
	v53 =	vld [tilespmem:s25+$0x7E40]  }
0xb1: {  	v57 =	vld [tilespmem:s25+$0x7E70];
	[tilespmem:s25+$0x7DE0] =	vst v19;
	v19 =	vmul.f32 v46, v50  }
0xb2: {  	[tilespmem:s25+$0x7D90] =	vst v42;
	v58 =	vmul.f32 v51, v50;
	v56 =	vld [tilespmem:s25+$0x7E60]  }
0xb3: {  	v47 =	vld [tilespmem:s25+$0x7E10];
	[tilespmem:s25+$0x7E00] =	vst v19;
	v19 =	vmul.f32 v49, v50  }
0xb4: {  	v61 =	vmul.f32 v54, v50;
	[tilespmem:s25+$0x7E30] =	vst v58;
	v59 =	vld [tilespmem:s25+$0x7E80]  }
0xb5: {  	v39 =	vld [tilespmem:s25+$0x7F10];
	[tilespmem:s25+$0x7E20] =	vst v19;
	v19 =	vmul.f32 v53, v50  }
0xb6: {  	v62 =	vld [tilespmem:s25+$0x7EA0];
	v31 =	vmul.f32 v57, v50;
	[tilespmem:s25+$0x7E50] =	vst v61  }
0xb7: {  	v63 =	vperm.xlane v18, v14;
	v60 =	vld [tilespmem:s25+$0x7E90];
	[tilespmem:s25+$0x7E40] =	vst v19;
	v19 =	vmul.f32 v56, v50  }
0xb8: {  	v32 =	vld [tilespmem:s25+$0x7EC0];
	v42 =	vperm.xlane v18, v15;
	[tilespmem:s25+$0x7E70] =	vst v31;
	v55 =	vmul.f32 v47, v50  }
0xb9: {  	v33 =	vld [tilespmem:s25+$0x7ED0];
	[tilespmem:s25+$0x7E60] =	vst v19;
	v19 =	vmul.f32 v59, v63  }
0xba: {  	v35 =	vld [tilespmem:s25+$0x7EE0];
	v47 =	vmul.f32 v39, v42;
	[tilespmem:s25+$0x7E10] =	vst v55  }
0xbb: {  	v30 =	vld [tilespmem:s25+$0x7EB0];
	[tilespmem:s25+$0x7E80] =	vst v19;
	v19 =	vmul.f32 v62, v63  }
0xbc: {  	v38 =	vld [tilespmem:s25+$0x7F00];
	[tilespmem:s25+$0x7F10] =	vst v47;
	v34 =	vmul.f32 v60, v63  }
0xbd: {  	v36 =	vld [tilespmem:s25+$0x7EF0];
	[tilespmem:s25+$0x7EA0] =	vst v19;
	v19 =	vmul.f32 v32, v63  }
0xbe: {  	v41 =	vld [tilespmem:s25+$0x7F20];
	[tilespmem:s25+$0x7E90] =	vst v34;
	v40 =	vmul.f32 v33, v63  }
0xbf: {  	v46 =	vld [tilespmem:s25+$0x7F50];
	[tilespmem:s25+$0x7EC0] =	vst v19;
	v19 =	vmul.f32 v35, v63  }
0xc0: {  	v45 =	vld [tilespmem:s25+$0x7F40];
	v37 =	vmul.f32 v30, v63;
	[tilespmem:s25+$0x7ED0] =	vst v40  }
0xc1: {  	v43 =	vld [tilespmem:s25+$0x7F30];
	[tilespmem:s25+$0x7EE0] =	vst v19;
	v19 =	vmul.f32 v38, v42  }
0xc2: {  	v48 =	vld [tilespmem:s25+$0x7F60];
	v44 =	vmul.f32 v36, v63;
	[tilespmem:s25+$0x7EB0] =	vst v37  }
0xc3: {  	v49 =	vld [tilespmem:s25+$0x7F70];
	[tilespmem:s25+$0x7F00] =	vst v19;
	v19 =	vmul.f32 v41, v42  }
0xc4: {  	v51 =	vld [tilespmem:s25+$0x7F80];
	[tilespmem:s25+$0x7EF0] =	vst v44;
	v53 =	vmul.f32 v46, v42  }
0xc5: {  	v52 =	vld [tilespmem:s25+$0x7F90];
	[tilespmem:s25+$0x7F20] =	vst v19;
	v19 =	vmul.f32 v45, v42  }
0xc6: {  	v54 =	vld [tilespmem:s25+$0x7FA0];
	v50 =	vmul.f32 v43, v42;
	[tilespmem:s25+$0x7F50] =	vst v53  }
0xc7: {  	v18 =	vperm.xlane v18, v16;
	v55 =	vld [tilespmem:s25+$0x7FB0];
	[tilespmem:s25+$0x7F40] =	vst v19;
	v19 =	vmul.f32 v48, v42  }
0xc8: {  	v57 =	vld [tilespmem:s25+$0x7FC0];
	v56 =	vmul.f32 v49, v42;
	[tilespmem:s25+$0x7F30] =	vst v50  }
0xc9: {  	v58 =	vld [tilespmem:s25+$0x7FD0];
	[tilespmem:s25+$0x7F60] =	vst v19;
	v19 =	vmul.f32 v51, v18  }
0xca: {  	v60 =	vld [tilespmem:s25+$0x7FE0];
	v59 =	vmul.f32 v52, v18;
	[tilespmem:s25+$0x7F70] =	vst v56  }
0xcb: {  	v61 =	vld [tilespmem:s25+$0x7FF0];
	[tilespmem:s25+$0x7F80] =	vst v19;
	v19 =	vmul.f32 v54, v18  }
0xcc: {  	[tilespmem:s25+$0x7F90] =	vst v59;
	v62 =	vmul.f32 v55, v18  }
0xcd: {  	p0 =	sne.s32 s24, $0x7;
	[tilespmem:s25+$0x7FA0] =	vst v19;
	v19 =	vmul.f32 v57, v18  }
.Ltmp1:
0xce: {  	[tilespmem:s25+$0x7FB0] =	vst v62;
	v63 =	vmul.f32 v58, v18;
	(pc) =	sbr.rel @p0 .LBB2_5-.Ltmp1, $4  }
0xcf: {  	[tilespmem:s25+$0x7FC0] =	vst v19;
	v19 =	vmul.f32 v60, v18  }
0xd0: {  	[tilespmem:s25+$0x7FD0] =	vst v63;
	v18 =	vmul.f32 v61, v18  }
0xd1: {  	[tilespmem:s25+$0x7FE0] =	vst v19  }
0xd2: {  	s24 =	sadd.s32 $0x1, s24;
	[tilespmem:s25+$0x7FF0] =	vst v18  }
0xd3: {  	s22 =	sadd.s32 $0x1, s22  }
0xd4: {  	p0 =	sne.s32 s22, $0x4F  }
.Ltmp2:
0xd5: {  	s23 =	sadd.s32 $0x2800, s23;
	(pc) =	sbr.rel @p0 .LBB2_4-.Ltmp2, $4  }
0xd6: {  	[spmem:s3] =	stream.indirect.scatter.add.f32 [tilespmem:s15], [sflag:$0x2], $0x80, s23, s19, $0xb8;
	[tilespmem:$0x1F400] =	vst v63  }
0xd7: {  	_ =	swait.ge [sflag:s16], $0x4000  }
0xd8: {  	[sflag:s16] =	ssyncset.done $0x0  }
0xd9: {  	[sflag:s16] =	ssyncadd.s32 $0xFFFFC000  }
0xda: {  	s4 =	sadd.s32 $0x1, s4  }
0xdb: {  	p0 =	sne.s32 s4, s14  }
.Ltmp3:
0xdc: {  	[bflag:$0x0] =	sbarrier.arrive $0xFFFF;
	s22 =	sshrl.u32 s5, $0x3;
	(pc) =	sbr.rel @p0 .LBB2_1-.Ltmp3, $4  }
0xdd: {  	[hbm:s13], [sflag:s21] =	dma.local [spmem:s22], $0x2780  }
0xde: {  	_ =	swait.ge [sflag:s16], $0x2780  }
0xdf: {  	[sflag:s16] =	ssyncset.done $0x0  }
0xe0: {  	[sflag:s16] =	ssyncadd.s32 $0xFFFFD880  }
0xe1: {  	_ =	sfence.sel $0x180000  }
0xe2: {  	[bflag:$0x0] =	sbarrier.arrive $0xFFFF  }
0xe3: {  	p0 =	sne.s32 s0, $0x0;
	_ =	strace $0x9000004A  }
0xe4: {  	s0 =	sadd.s32 @!p0 $0x100000, s1;
	[bflag:$0x2] =	sbarrier.arrive $0xFFFF  }
0xe5: {  	[sflag:s0] =	ssyncadd.tile.s32 @!p0 $0x1;
	_ =	shalt  }
.Lfunc_end2:
_tile_overlayer_lowered:
.L_overlay_start_2:
0xe6: {  	(tag) =	ssettag $0x2  }
0xe7: {  	s0 =	rddreg [dreg:$0x0];
	s2 =	stileid.u32  }
0xe8: {  	s1 =	rddreg [dreg:$0x1];
	p0 =	sne.s32 s2, $0x0  }
0xe9: {  	s3 =	rddreg [dreg:$0x2];
	[bflag:$0x3] =	sbarrier.arrive $0xFFFF;
	s2 =	simm.s32 @!p0 $0x1C02  }
0xea: {  	[timem:s3], [sflag:s2] =	dma.local @!p0 [hbm:s0], s1  }
0xeb: {  	s0 =	simm.s32 @!p0 $0x2  }
0xec: {  	_ =	swait.ge @!p0 [sflag:s0], s1  }
0xed: {  	s1 =	ssub.s32 @!p0 $0x0, s1;
	[sflag:s0] =	ssyncset.done @!p0 $0x0  }
0xee: {  	[sflag:s0] =	ssyncadd.s32 @!p0 s1  }
0xef: {  	[bflag:$0x3] =	sbarrier.arrive $0xFFFF  }
0xf0: {  	_ =	shalt  }

</sc_bundles>
